<compile_context>
chip_gen: v7x
topology: tpu7x:2x2x1
jax: 0.10.2.dev20260603
libtpu: 0.0.44.dev20260713+nightly
codegen_flags: <defaults>
</compile_context>

<pallas_src>
import numpy as np
import jax
import jax.numpy as jnp
from jax import lax
from jax.experimental import pallas as pl
from jax.experimental.pallas import tpu as pltpu
from jax.experimental.pallas import tpu_sc as plsc

_INV_SQRT3 = float(1.0 / np.sqrt(3.0))

_B, _C, _D = 160000, 64, 4
_NC, _NS = 2, 16
_NW = _NC * _NS
_CPW = _C // _NW
_NB = 3200
_RT = _NB // 128
_NPAIR = _B // (2 * _NB)


def _compute(xb, yb, ob, w0, w1, w2, w3):
    @plsc.parallel_loop(0, _RT, 1, unroll=5)
    def _(j):
        for q in range(8):
            s = pl.ds(j * 128 + q * 16, 16)
            x0 = xb[0, s]
            x1 = xb[1, s]
            x2 = xb[2, s]
            x3 = xb[3, s]
            y0 = yb[0, s]
            y1 = yb[1, s]
            y2 = yb[2, s]
            y3 = yb[3, s]
            res = ((w0 * (x0 * y0) + w1 * (x0 * (y1 + y2 + y3)))
                   + (w2 * ((x1 + x2 + x3) * y0)
                      + w3 * ((x1 * y1 + x2 * y2) + x3 * y3)))
            ob[j, pl.ds(q * 16, 16)] = res


def _sc_body(x_hbm, y_hbm, w_hbm, o_hbm,
             xba, yba, xbb, ybb, oba, obb, wb, sema, semb, semo):
    wid = lax.axis_index("s") * _NC + lax.axis_index("c")

    pltpu.sync_copy(w_hbm, wb)

    def in_slice(h, c, chunk):
        return h.at[c, :, pl.ds(chunk * _NB, _NB)]

    def out_slice(c, chunk):
        return o_hbm.at[c // 8, pl.ds(chunk * _RT, _RT), c % 8, :]

    for i in range(_CPW):
        c = wid * _CPW + i
        w0 = wb[pl.ds((c * 4 + 0) * 16, 16)]
        w1 = wb[pl.ds((c * 4 + 1) * 16, 16)]
        w2 = wb[pl.ds((c * 4 + 2) * 16, 16)]
        w3 = wb[pl.ds((c * 4 + 3) * 16, 16)]

        pltpu.async_copy(in_slice(x_hbm, c, 0), xba, sema)
        pltpu.async_copy(in_slice(y_hbm, c, 0), yba, sema)

        def pair_body(kk, carry, c=c, w0=w0, w1=w1, w2=w2, w3=w3):
            ka = 2 * kk
            pltpu.async_copy(in_slice(x_hbm, c, ka + 1), xbb, semb)
            pltpu.async_copy(in_slice(y_hbm, c, ka + 1), ybb, semb)

            pltpu.make_async_copy(in_slice(x_hbm, c, ka), xba, sema).wait()
            pltpu.make_async_copy(in_slice(y_hbm, c, ka), yba, sema).wait()

            @pl.when(kk > 0)
            def _():
                pltpu.make_async_copy(oba, out_slice(c, 0), semo).wait()

            _compute(xba, yba, oba, w0, w1, w2, w3)
            pltpu.async_copy(oba, out_slice(c, ka), semo)

            @pl.when(kk < _NPAIR - 1)
            def _():
                pltpu.async_copy(in_slice(x_hbm, c, ka + 2), xba, sema)
                pltpu.async_copy(in_slice(y_hbm, c, ka + 2), yba, sema)

            pltpu.make_async_copy(in_slice(x_hbm, c, ka + 1), xbb, semb).wait()
            pltpu.make_async_copy(in_slice(y_hbm, c, ka + 1), ybb, semb).wait()

            @pl.when(kk > 0)
            def _():
                pltpu.make_async_copy(obb, out_slice(c, 0), semo).wait()

            _compute(xbb, ybb, obb, w0, w1, w2, w3)
            pltpu.async_copy(obb, out_slice(c, ka + 1), semo)
            return carry

        lax.fori_loop(0, _NPAIR, pair_body, 0)
        pltpu.make_async_copy(oba, out_slice(c, 0), semo).wait()
        pltpu.make_async_copy(obb, out_slice(c, 0), semo).wait()


def kernel(x, y, weights):
    B, C, D = x.shape
    xv = x.transpose(1, 2, 0)
    yv = y.transpose(1, 2, 0)
    wt = jnp.stack(
        [weights[:, 0], weights[:, 1], weights[:, 2],
         weights[:, 3] * _INV_SQRT3], axis=1)
    wsplat = jnp.repeat(wt.reshape(C * 4, 1), 16, axis=1).reshape(C * 4 * 16)

    mesh = plsc.VectorSubcoreMesh(core_axis_name="c", subcore_axis_name="s")
    f = pl.kernel(
        _sc_body,
        out_type=jax.ShapeDtypeStruct((C // 8, B // 128, 8, 128), jnp.float32),
        mesh=mesh,
        compiler_params=pltpu.CompilerParams(needs_layout_passes=False),
        scratch_types=[
            pltpu.VMEM((_D, _NB), jnp.float32),
            pltpu.VMEM((_D, _NB), jnp.float32),
            pltpu.VMEM((_D, _NB), jnp.float32),
            pltpu.VMEM((_D, _NB), jnp.float32),
            pltpu.VMEM((_RT, 128), jnp.float32),
            pltpu.VMEM((_RT, 128), jnp.float32),
            pltpu.VMEM((C * 4 * 16,), jnp.float32),
            pltpu.SemaphoreType.DMA,
            pltpu.SemaphoreType.DMA,
            pltpu.SemaphoreType.DMA,
        ],
    )
    o4 = f(xv, yv, wsplat)
    return o4.transpose(1, 3, 0, 2).reshape(B, C)

# --- scband reference (transcript-rebuilt; emitter-appended) ---
"""Pipeline reference for scband-tensor-product-reference-51376398795040 (READ-ONLY COPY).

The authoritative reference and input builder live on the scoring server;
editing this copy changes nothing except your own understanding.
"""

import jax, jax.numpy as jnp
import numpy as np

# TensorProductReference with irreps_in1 = irreps_in2 = target_irreps = '1x0e+1x1o',
# weighted_tp=True. Instructions enumerated exactly as in __init__ (uvu, has_weight=False):
#   (l1,l2,l3) = (0,0,0) weight_idx 0, (0,1,1) idx 1, (1,0,1) idx 2, (1,1,0) idx 3
# CG values are e3nn wigner_3j scaled by the component-normalization path weight
# sqrt(2*l3+1) (one path per distinct output irrep slot):
#   (0,0,0): w=1        * 1       = 1
#   (0,1,1): w=1/sqrt3  * sqrt(3) = 1  (3 diagonal nnz)
#   (1,0,1): w=1/sqrt3  * sqrt(3) = 1  (3 diagonal nnz)
#   (1,1,0): w=1/sqrt3  * 1       = 1/sqrt3 (3 diagonal nnz)
# Flat layout per irreps '1x0e+1x1o': index 0 -> 0e, indices 1..3 -> 1o.

B, C, D = 160000, 64, 4
_INV_SQRT3 = float(1.0 / np.sqrt(3.0))

_PATHS = [
    (np.array([0]), np.array([0]), np.array([1.0], dtype=np.float32), 0),
    (np.array([0, 0, 0]), np.array([1, 2, 3]), np.ones(3, dtype=np.float32), 1),
    (np.array([1, 2, 3]), np.array([0, 0, 0]), np.ones(3, dtype=np.float32), 2),
    (np.array([1, 2, 3]), np.array([1, 2, 3]), np.full(3, _INV_SQRT3, dtype=np.float32), 3),
]


def setup_inputs(seed: int = 0) -> dict:
    key = jax.random.key(seed)
    k1, k2, k3 = jax.random.split(key, 3)
    x = jax.random.normal(k1, (B, C, D), dtype=jnp.float32)
    y = jax.random.normal(k2, (B, C, D), dtype=jnp.float32)
    # learned per-channel path weights: torch.randn(nchannels, n_l_channels)
    weights = jax.random.normal(k3, (C, 4), dtype=jnp.float32)
    return {"x": x, "y": y, "weights": weights}


def reference(x, y, weights):
    # forward_weighted_tp, vectorized over the leading (edge/batch) dim
    out = jnp.zeros((x.shape[0], x.shape[1]), dtype=x.dtype)
    for idx1, idx2, cg, widx in _PATHS:
        cg_j = jnp.asarray(cg)
        # gather -> elementwise product with sparse CG -> reduce over nnz
        cg_iter = x[:, :, idx1] * cg_j[None, None, :] * y[:, :, idx2]  # [B, C, nnz]
        t = jnp.sum(cg_iter, axis=-1)  # [B, C]
        out = out + weights[:, widx][None, :] * t
    return out

if __name__ == "__main__":
    import jax
    _d = setup_inputs()
    print(jax.jit(kernel)(*tuple(_d.values())))

</pallas_src>

<mosaic_0001>
#map = affine_map<(d0, d1) -> (0, 0, 0)>
#map1 = affine_map<(d0, d1) -> (0)>
#map2 = affine_map<(d0, d1) -> (0, 0, 0, 0)>
module attributes {stable_mosaic.version = 14 : i64} {
  func.func @_sc_body(%arg0: i32, %arg1: i32, %arg2: memref<64x4x160000xf32, #tpu.memory_space<hbm>>, %arg3: memref<64x4x160000xf32, #tpu.memory_space<hbm>>, %arg4: memref<4096xf32, #tpu.memory_space<hbm>>, %arg5: memref<8x1250x8x128xf32, #tpu.memory_space<hbm>>, %arg6: memref<4x3200xf32, #tpu.memory_space<vmem>>, %arg7: memref<4x3200xf32, #tpu.memory_space<vmem>>, %arg8: memref<4x3200xf32, #tpu.memory_space<vmem>>, %arg9: memref<4x3200xf32, #tpu.memory_space<vmem>>, %arg10: memref<25x128xf32, #tpu.memory_space<vmem>>, %arg11: memref<25x128xf32, #tpu.memory_space<vmem>>, %arg12: memref<4096xf32, #tpu.memory_space<vmem>>, %arg13: memref<!tpu.dma_semaphore, #tpu.memory_space<semaphore_mem>>, %arg14: memref<!tpu.dma_semaphore, #tpu.memory_space<semaphore_mem>>, %arg15: memref<!tpu.dma_semaphore, #tpu.memory_space<semaphore_mem>>) attributes {dimension_semantics = [#tpu.dimension_semantics<core_parallel>, #tpu.dimension_semantics<subcore_parallel>], iteration_bounds = array<i64: 2, 16>, scalar_prefetch = 0 : i64, scratch_operands = 10 : i64, tpu.core_type = #tpu.core_type<sc_vector_subcore>, window_params = [{transform_indices = #map}, {transform_indices = #map}, {transform_indices = #map1}, {transform_indices = #map2}]} {
    %mul3A = arith.constant 2 : i32
    %mul3A_0 = arith.muli %arg1, %mul3A : i32
    %add3A = arith.addi %mul3A_0, %arg0 : i32
    "tpu.region"() ({
      %run_scoped3A = tpu.sem_alloc : memref<!tpu.dma_semaphore, #tpu.memory_space<semaphore_mem>>
      tpu.enqueue_dma source(%arg4 : memref<4096xf32, #tpu.memory_space<hbm>>) target(%arg12 : memref<4096xf32, #tpu.memory_space<vmem>>) target_semaphore(%run_scoped3A : memref<!tpu.dma_semaphore, #tpu.memory_space<semaphore_mem>>)
      tpu.wait_dma2 semaphore(%run_scoped3A : memref<!tpu.dma_semaphore, #tpu.memory_space<semaphore_mem>>) src(%arg4 : memref<4096xf32, #tpu.memory_space<hbm>>) dst(%arg12 : memref<4096xf32, #tpu.memory_space<vmem>>)
      tpu.yield
    }) : () -> ()
    %mul3A_1 = arith.constant 2 : i32
    %mul3A_2 = arith.muli %add3A, %mul3A_1 : i32
    %add3A_3 = arith.constant 0 : i32
    %add3A_4 = arith.addi %mul3A_2, %add3A_3 : i32
    %mul3A_5 = arith.constant 4 : i32
    %mul3A_6 = arith.muli %add3A_4, %mul3A_5 : i32
    %add3A_7 = arith.constant 0 : i32
    %add3A_8 = arith.addi %mul3A_6, %add3A_7 : i32
    %mul3A_9 = arith.constant 16 : i32
    %mul3A_10 = arith.muli %add3A_8, %mul3A_9 : i32
    %get3A = arith.index_cast %mul3A_10 : i32 to index
    %get3A_11 = tpu.vector_load %arg12[%get3A] {strides = array<i32>} : memref<4096xf32, #tpu.memory_space<vmem>>, vector<16xf32>,
    %mul3A_12 = arith.constant 4 : i32
    %mul3A_13 = arith.muli %add3A_4, %mul3A_12 : i32
    %add3A_14 = arith.constant 1 : i32
    %add3A_15 = arith.addi %mul3A_13, %add3A_14 : i32
    %mul3A_16 = arith.constant 16 : i32
    %mul3A_17 = arith.muli %add3A_15, %mul3A_16 : i32
    %get3A_18 = arith.index_cast %mul3A_17 : i32 to index
    %get3A_19 = tpu.vector_load %arg12[%get3A_18] {strides = array<i32>} : memref<4096xf32, #tpu.memory_space<vmem>>, vector<16xf32>,
    %mul3A_20 = arith.constant 4 : i32
    %mul3A_21 = arith.muli %add3A_4, %mul3A_20 : i32
    %add3A_22 = arith.constant 2 : i32
    %add3A_23 = arith.addi %mul3A_21, %add3A_22 : i32
    %mul3A_24 = arith.constant 16 : i32
    %mul3A_25 = arith.muli %add3A_23, %mul3A_24 : i32
    %get3A_26 = arith.index_cast %mul3A_25 : i32 to index
    %get3A_27 = tpu.vector_load %arg12[%get3A_26] {strides = array<i32>} : memref<4096xf32, #tpu.memory_space<vmem>>, vector<16xf32>,
    %mul3A_28 = arith.constant 4 : i32
    %mul3A_29 = arith.muli %add3A_4, %mul3A_28 : i32
    %add3A_30 = arith.constant 3 : i32
    %add3A_31 = arith.addi %mul3A_29, %add3A_30 : i32
    %mul3A_32 = arith.constant 16 : i32
    %mul3A_33 = arith.muli %add3A_31, %mul3A_32 : i32
    %get3A_34 = arith.index_cast %mul3A_33 : i32 to index
    %get3A_35 = tpu.vector_load %arg12[%get3A_34] {strides = array<i32>} : memref<4096xf32, #tpu.memory_space<vmem>>, vector<16xf32>,
    %dma_start3A = arith.constant 0 : i32
    %dma_start3A_36 = arith.constant 0 : i32
    %dma_start3A_37 = tpu.memref_slice %arg2[%add3A_4, %dma_start3A, %dma_start3A_36] : memref<64x4x160000xf32, #tpu.memory_space<hbm>> -> memref<1x4x3200xf32, #tpu.memory_space<hbm>>
    %dma_start3A_38 = tpu.memref_squeeze %dma_start3A_37 : memref<1x4x3200xf32, #tpu.memory_space<hbm>> -> memref<4x3200xf32, #tpu.memory_space<hbm>>
    %dma_start3A_39 = arith.constant 0 : i32
    %dma_start3A_40 = arith.constant 0 : i32
    %dma_start3A_41 = tpu.memref_slice %arg2[%add3A_4, %dma_start3A_39, %dma_start3A_40] : memref<64x4x160000xf32, #tpu.memory_space<hbm>> -> memref<1x4x3200xf32, #tpu.memory_space<hbm>>
    %dma_start3A_42 = tpu.memref_squeeze %dma_start3A_41 : memref<1x4x3200xf32, #tpu.memory_space<hbm>> -> memref<4x3200xf32, #tpu.memory_space<hbm>>
    tpu.enqueue_dma source(%dma_start3A_42 : memref<4x3200xf32, #tpu.memory_space<hbm>>) target(%arg6 : memref<4x3200xf32, #tpu.memory_space<vmem>>) target_semaphore(%arg13 : memref<!tpu.dma_semaphore, #tpu.memory_space<semaphore_mem>>)
    %dma_start3A_43 = arith.constant 0 : i32
    %dma_start3A_44 = arith.constant 0 : i32
    %dma_start3A_45 = tpu.memref_slice %arg3[%add3A_4, %dma_start3A_43, %dma_start3A_44] : memref<64x4x160000xf32, #tpu.memory_space<hbm>> -> memref<1x4x3200xf32, #tpu.memory_space<hbm>>
    %dma_start3A_46 = tpu.memref_squeeze %dma_start3A_45 : memref<1x4x3200xf32, #tpu.memory_space<hbm>> -> memref<4x3200xf32, #tpu.memory_space<hbm>>
    %dma_start3A_47 = arith.constant 0 : i32
    %dma_start3A_48 = arith.constant 0 : i32
    %dma_start3A_49 = tpu.memref_slice %arg3[%add3A_4, %dma_start3A_47, %dma_start3A_48] : memref<64x4x160000xf32, #tpu.memory_space<hbm>> -> memref<1x4x3200xf32, #tpu.memory_space<hbm>>
    %dma_start3A_50 = tpu.memref_squeeze %dma_start3A_49 : memref<1x4x3200xf32, #tpu.memory_space<hbm>> -> memref<4x3200xf32, #tpu.memory_space<hbm>>
    tpu.enqueue_dma source(%dma_start3A_50 : memref<4x3200xf32, #tpu.memory_space<hbm>>) target(%arg7 : memref<4x3200xf32, #tpu.memory_space<vmem>>) target_semaphore(%arg13 : memref<!tpu.dma_semaphore, #tpu.memory_space<semaphore_mem>>)
    %scan3A = arith.constant 0 : i32
    %scan3A_51 = arith.constant 0 : i32
    %scan3A_52 = arith.constant 25 : i32
    %scan3A_53 = arith.addi %scan3A_51, %scan3A_52 : i32
    %scan3A_54 = arith.constant 1 : i32
    scf.for %scan3A_295 = %scan3A_51 to %scan3A_53 step %scan3A_54  : i32 {
      %mul3A_296 = arith.constant 2 : i32
      %mul3A_297 = arith.muli %mul3A_296, %scan3A_295 : i32
      %add3A_298 = arith.constant 1 : i32
      %add3A_299 = arith.addi %mul3A_297, %add3A_298 : i32
      %mul3A_300 = arith.constant 3200 : i32
      %mul3A_301 = arith.muli %add3A_299, %mul3A_300 : i32
      %dma_start3A_302 = arith.constant 0 : i32
      %dma_start3A_303 = tpu.memref_slice %arg2[%add3A_4, %dma_start3A_302, %mul3A_301] : memref<64x4x160000xf32, #tpu.memory_space<hbm>> -> memref<1x4x3200xf32, #tpu.memory_space<hbm>>
      %dma_start3A_304 = tpu.memref_squeeze %dma_start3A_303 : memref<1x4x3200xf32, #tpu.memory_space<hbm>> -> memref<4x3200xf32, #tpu.memory_space<hbm>>
      %dma_start3A_305 = arith.constant 0 : i32
      %dma_start3A_306 = tpu.memref_slice %arg2[%add3A_4, %dma_start3A_305, %mul3A_301] : memref<64x4x160000xf32, #tpu.memory_space<hbm>> -> memref<1x4x3200xf32, #tpu.memory_space<hbm>>
      %dma_start3A_307 = tpu.memref_squeeze %dma_start3A_306 : memref<1x4x3200xf32, #tpu.memory_space<hbm>> -> memref<4x3200xf32, #tpu.memory_space<hbm>>
      tpu.enqueue_dma source(%dma_start3A_307 : memref<4x3200xf32, #tpu.memory_space<hbm>>) target(%arg8 : memref<4x3200xf32, #tpu.memory_space<vmem>>) target_semaphore(%arg14 : memref<!tpu.dma_semaphore, #tpu.memory_space<semaphore_mem>>)
      %add3A_308 = arith.constant 1 : i32
      %add3A_309 = arith.addi %mul3A_297, %add3A_308 : i32
      %mul3A_310 = arith.constant 3200 : i32
      %mul3A_311 = arith.muli %add3A_309, %mul3A_310 : i32
      %dma_start3A_312 = arith.constant 0 : i32
      %dma_start3A_313 = tpu.memref_slice %arg3[%add3A_4, %dma_start3A_312, %mul3A_311] : memref<64x4x160000xf32, #tpu.memory_space<hbm>> -> memref<1x4x3200xf32, #tpu.memory_space<hbm>>
      %dma_start3A_314 = tpu.memref_squeeze %dma_start3A_313 : memref<1x4x3200xf32, #tpu.memory_space<hbm>> -> memref<4x3200xf32, #tpu.memory_space<hbm>>
      %dma_start3A_315 = arith.constant 0 : i32
      %dma_start3A_316 = tpu.memref_slice %arg3[%add3A_4, %dma_start3A_315, %mul3A_311] : memref<64x4x160000xf32, #tpu.memory_space<hbm>> -> memref<1x4x3200xf32, #tpu.memory_space<hbm>>
      %dma_start3A_317 = tpu.memref_squeeze %dma_start3A_316 : memref<1x4x3200xf32, #tpu.memory_space<hbm>> -> memref<4x3200xf32, #tpu.memory_space<hbm>>
      tpu.enqueue_dma source(%dma_start3A_317 : memref<4x3200xf32, #tpu.memory_space<hbm>>) target(%arg9 : memref<4x3200xf32, #tpu.memory_space<vmem>>) target_semaphore(%arg14 : memref<!tpu.dma_semaphore, #tpu.memory_space<semaphore_mem>>)
      %mul3A_318 = arith.constant 3200 : i32
      %mul3A_319 = arith.muli %mul3A_297, %mul3A_318 : i32
      %dma_wait3A_320 = arith.constant 0 : i32
      %dma_wait3A_321 = tpu.memref_slice %arg2[%add3A_4, %dma_wait3A_320, %mul3A_319] : memref<64x4x160000xf32, #tpu.memory_space<hbm>> -> memref<1x4x3200xf32, #tpu.memory_space<hbm>>
      %dma_wait3A_322 = tpu.memref_squeeze %dma_wait3A_321 : memref<1x4x3200xf32, #tpu.memory_space<hbm>> -> memref<4x3200xf32, #tpu.memory_space<hbm>>
      %dma_wait3A_323 = arith.constant 0 : i32
      %dma_wait3A_324 = tpu.memref_slice %arg2[%add3A_4, %dma_wait3A_323, %mul3A_319] : memref<64x4x160000xf32, #tpu.memory_space<hbm>> -> memref<1x4x3200xf32, #tpu.memory_space<hbm>>
      %dma_wait3A_325 = tpu.memref_squeeze %dma_wait3A_324 : memref<1x4x3200xf32, #tpu.memory_space<hbm>> -> memref<4x3200xf32, #tpu.memory_space<hbm>>
      tpu.wait_dma2 semaphore(%arg13 : memref<!tpu.dma_semaphore, #tpu.memory_space<semaphore_mem>>) src(%dma_wait3A_325 : memref<4x3200xf32, #tpu.memory_space<hbm>>) dst(%arg6 : memref<4x3200xf32, #tpu.memory_space<vmem>>)
      %mul3A_326 = arith.constant 3200 : i32
      %mul3A_327 = arith.muli %mul3A_297, %mul3A_326 : i32
      %dma_wait3A_328 = arith.constant 0 : i32
      %dma_wait3A_329 = tpu.memref_slice %arg3[%add3A_4, %dma_wait3A_328, %mul3A_327] : memref<64x4x160000xf32, #tpu.memory_space<hbm>> -> memref<1x4x3200xf32, #tpu.memory_space<hbm>>
      %dma_wait3A_330 = tpu.memref_squeeze %dma_wait3A_329 : memref<1x4x3200xf32, #tpu.memory_space<hbm>> -> memref<4x3200xf32, #tpu.memory_space<hbm>>
      %dma_wait3A_331 = arith.constant 0 : i32
      %dma_wait3A_332 = tpu.memref_slice %arg3[%add3A_4, %dma_wait3A_331, %mul3A_327] : memref<64x4x160000xf32, #tpu.memory_space<hbm>> -> memref<1x4x3200xf32, #tpu.memory_space<hbm>>
      %dma_wait3A_333 = tpu.memref_squeeze %dma_wait3A_332 : memref<1x4x3200xf32, #tpu.memory_space<hbm>> -> memref<4x3200xf32, #tpu.memory_space<hbm>>
      tpu.wait_dma2 semaphore(%arg13 : memref<!tpu.dma_semaphore, #tpu.memory_space<semaphore_mem>>) src(%dma_wait3A_333 : memref<4x3200xf32, #tpu.memory_space<hbm>>) dst(%arg7 : memref<4x3200xf32, #tpu.memory_space<vmem>>)
      %gt3A = arith.constant 0 : i32
      %gt3A_334 = arith.cmpi sgt, %scan3A_295, %gt3A : i32
      %convert_element_type3A = arith.extui %gt3A_334 : i1 to i32
      %cond3A = arith.constant 0 : i32
      %cond3A_335 = arith.cmpi ne, %convert_element_type3A, %cond3A : i32
      scf.if %cond3A_335 {
        %jit3A_469 = arith.constant 8 : i32
        %div3A_470 = arith.divsi %add3A_4, %jit3A_469 : i32
        %sign3A_471 = arith.constant 0 : i32
        %sign3A_472 = arith.cmpi sgt, %add3A_4, %sign3A_471 : i32
        %sign3A_473 = arith.extui %sign3A_472 : i1 to i32
        %sign3A_474 = arith.constant 0 : i32
        %sign3A_475 = arith.cmpi slt, %add3A_4, %sign3A_474 : i32
        %sign3A_476 = arith.extui %sign3A_475 : i1 to i32
        %sign3A_477 = arith.subi %sign3A_473, %sign3A_476 : i32
        %sign3A_478 = arith.constant 0 : i32
        %sign3A_479 = arith.cmpi sgt, %jit3A_469, %sign3A_478 : i32
        %sign3A_480 = arith.extui %sign3A_479 : i1 to i32
        %sign3A_481 = arith.constant 0 : i32
        %sign3A_482 = arith.cmpi slt, %jit3A_469, %sign3A_481 : i32
        %sign3A_483 = arith.extui %sign3A_482 : i1 to i32
        %sign3A_484 = arith.subi %sign3A_480, %sign3A_483 : i32
        %ne3A_485 = arith.cmpi ne, %sign3A_477, %sign3A_484 : i32
        %rem3A_486 = arith.remsi %add3A_4, %jit3A_469 : i32
        %ne3A_487 = arith.constant 0 : i32
        %ne3A_488 = arith.cmpi ne, %rem3A_486, %ne3A_487 : i32
        %and3A_489 = arith.andi %ne3A_485, %ne3A_488 : i1
        %sub3A_490 = arith.constant 1 : i32
        %sub3A_491 = arith.subi %div3A_470, %sub3A_490 : i32
        %select_n3A_492 = arith.select %and3A_489, %sub3A_491, %div3A_470 : i32
        %jit3A_493 = arith.constant 8 : i32
        %eq3A_494 = arith.constant 0 : i32
        %eq3A_495 = arith.cmpi eq, %jit3A_493, %eq3A_494 : i32
        %jit3A_496 = arith.constant 1 : i32
        %select_n3A_497 = arith.select %eq3A_495, %jit3A_496, %jit3A_493 : i32
        %rem3A_498 = arith.remsi %add3A_4, %select_n3A_497 : i32
        %ne3A_499 = arith.constant 0 : i32
        %ne3A_500 = arith.cmpi ne, %rem3A_498, %ne3A_499 : i32
        %lt3A_501 = arith.constant 0 : i32
        %lt3A_502 = arith.cmpi slt, %rem3A_498, %lt3A_501 : i32
        %lt3A_503 = arith.constant 0 : i32
        %lt3A_504 = arith.cmpi slt, %select_n3A_497, %lt3A_503 : i32
        %ne3A_505 = arith.xori %lt3A_502, %lt3A_504 : i1
        %and3A_506 = arith.andi %ne3A_505, %ne3A_500 : i1
        %add3A_507 = arith.addi %rem3A_498, %select_n3A_497 : i32
        %select_n3A_508 = arith.select %and3A_506, %add3A_507, %rem3A_498 : i32
        %dma_wait3A_509 = arith.constant 0 : i32
        %dma_wait3A_510 = arith.constant 0 : i32
        %dma_wait3A_511 = tpu.memref_slice %arg5[%select_n3A_492, %dma_wait3A_509, %select_n3A_508, %dma_wait3A_510] : memref<8x1250x8x128xf32, #tpu.memory_space<hbm>> -> memref<1x25x1x128xf32, #tpu.memory_space<hbm>>
        %dma_wait3A_512 = tpu.memref_squeeze %dma_wait3A_511 : memref<1x25x1x128xf32, #tpu.memory_space<hbm>> -> memref<25x128xf32, #tpu.memory_space<hbm>>
        %dma_wait3A_513 = arith.constant 0 : i32
        %dma_wait3A_514 = arith.constant 0 : i32
        %dma_wait3A_515 = tpu.memref_slice %arg5[%select_n3A_492, %dma_wait3A_513, %select_n3A_508, %dma_wait3A_514] : memref<8x1250x8x128xf32, #tpu.memory_space<hbm>> -> memref<1x25x1x128xf32, #tpu.memory_space<hbm>>
        %dma_wait3A_516 = tpu.memref_squeeze %dma_wait3A_515 : memref<1x25x1x128xf32, #tpu.memory_space<hbm>> -> memref<25x128xf32, #tpu.memory_space<hbm>>
        tpu.wait_dma2 semaphore(%arg15 : memref<!tpu.dma_semaphore, #tpu.memory_space<semaphore_mem>>) src(%arg10 : memref<25x128xf32, #tpu.memory_space<vmem>>) dst(%dma_wait3A_516 : memref<25x128xf32, #tpu.memory_space<hbm>>)
      } else {
      }
      %parallel_loop3A = arith.constant 0 : i32
      %parallel_loop3A_336 = arith.constant 25 : i32
      %parallel_loop3A_337 = arith.constant 1 : i32
      scf.for %parallel_loop3A_469 = %parallel_loop3A to %parallel_loop3A_336 step %parallel_loop3A_337  : i32 {
        %parallel_loop3A_470 = arith.constant 128 : i32
        %parallel_loop3A_471 = arith.muli %parallel_loop3A_469, %parallel_loop3A_470 : i32
        %parallel_loop3A_472 = arith.constant 0 : i32
        %parallel_loop3A_473 = arith.addi %parallel_loop3A_471, %parallel_loop3A_472 : i32
        %parallel_loop3A_474 = arith.constant 0 : i32
        %parallel_loop3A_475 = arith.index_cast %parallel_loop3A_474 : i32 to index
        %parallel_loop3A_476 = arith.index_cast %parallel_loop3A_473 : i32 to index
        %parallel_loop3A_477 = tpu.vector_load %arg6[%parallel_loop3A_475, %parallel_loop3A_476] {strides = array<i32>} : memref<4x3200xf32, #tpu.memory_space<vmem>>, vector<16xf32>,
        %parallel_loop3A_478 = arith.constant 1 : i32
        %parallel_loop3A_479 = arith.index_cast %parallel_loop3A_478 : i32 to index
        %parallel_loop3A_480 = arith.index_cast %parallel_loop3A_473 : i32 to index
        %parallel_loop3A_481 = tpu.vector_load %arg6[%parallel_loop3A_479, %parallel_loop3A_480] {strides = array<i32>} : memref<4x3200xf32, #tpu.memory_space<vmem>>, vector<16xf32>,
        %parallel_loop3A_482 = arith.constant 2 : i32
        %parallel_loop3A_483 = arith.index_cast %parallel_loop3A_482 : i32 to index
        %parallel_loop3A_484 = arith.index_cast %parallel_loop3A_473 : i32 to index
        %parallel_loop3A_485 = tpu.vector_load %arg6[%parallel_loop3A_483, %parallel_loop3A_484] {strides = array<i32>} : memref<4x3200xf32, #tpu.memory_space<vmem>>, vector<16xf32>,
        %parallel_loop3A_486 = arith.constant 3 : i32
        %parallel_loop3A_487 = arith.index_cast %parallel_loop3A_486 : i32 to index
        %parallel_loop3A_488 = arith.index_cast %parallel_loop3A_473 : i32 to index
        %parallel_loop3A_489 = tpu.vector_load %arg6[%parallel_loop3A_487, %parallel_loop3A_488] {strides = array<i32>} : memref<4x3200xf32, #tpu.memory_space<vmem>>, vector<16xf32>,
        %parallel_loop3A_490 = arith.constant 0 : i32
        %parallel_loop3A_491 = arith.index_cast %parallel_loop3A_490 : i32 to index
        %parallel_loop3A_492 = arith.index_cast %parallel_loop3A_473 : i32 to index
        %parallel_loop3A_493 = tpu.vector_load %arg7[%parallel_loop3A_491, %parallel_loop3A_492] {strides = array<i32>} : memref<4x3200xf32, #tpu.memory_space<vmem>>, vector<16xf32>,
        %parallel_loop3A_494 = arith.constant 1 : i32
        %parallel_loop3A_495 = arith.index_cast %parallel_loop3A_494 : i32 to index
        %parallel_loop3A_496 = arith.index_cast %parallel_loop3A_473 : i32 to index
        %parallel_loop3A_497 = tpu.vector_load %arg7[%parallel_loop3A_495, %parallel_loop3A_496] {strides = array<i32>} : memref<4x3200xf32, #tpu.memory_space<vmem>>, vector<16xf32>,
        %parallel_loop3A_498 = arith.constant 2 : i32
        %parallel_loop3A_499 = arith.index_cast %parallel_loop3A_498 : i32 to index
        %parallel_loop3A_500 = arith.index_cast %parallel_loop3A_473 : i32 to index
        %parallel_loop3A_501 = tpu.vector_load %arg7[%parallel_loop3A_499, %parallel_loop3A_500] {strides = array<i32>} : memref<4x3200xf32, #tpu.memory_space<vmem>>, vector<16xf32>,
        %parallel_loop3A_502 = arith.constant 3 : i32
        %parallel_loop3A_503 = arith.index_cast %parallel_loop3A_502 : i32 to index
        %parallel_loop3A_504 = arith.index_cast %parallel_loop3A_473 : i32 to index
        %parallel_loop3A_505 = tpu.vector_load %arg7[%parallel_loop3A_503, %parallel_loop3A_504] {strides = array<i32>} : memref<4x3200xf32, #tpu.memory_space<vmem>>, vector<16xf32>,
        %parallel_loop3A_506 = arith.mulf %parallel_loop3A_477, %parallel_loop3A_493 : vector<16xf32>
        %parallel_loop3A_507 = arith.mulf %get3A_11, %parallel_loop3A_506 : vector<16xf32>
        %parallel_loop3A_508 = arith.addf %parallel_loop3A_497, %parallel_loop3A_501 : vector<16xf32>
        %parallel_loop3A_509 = arith.addf %parallel_loop3A_508, %parallel_loop3A_505 : vector<16xf32>
        %parallel_loop3A_510 = arith.mulf %parallel_loop3A_477, %parallel_loop3A_509 : vector<16xf32>
        %parallel_loop3A_511 = arith.mulf %get3A_19, %parallel_loop3A_510 : vector<16xf32>
        %parallel_loop3A_512 = arith.addf %parallel_loop3A_507, %parallel_loop3A_511 : vector<16xf32>
        %parallel_loop3A_513 = arith.addf %parallel_loop3A_481, %parallel_loop3A_485 : vector<16xf32>
        %parallel_loop3A_514 = arith.addf %parallel_loop3A_513, %parallel_loop3A_489 : vector<16xf32>
        %parallel_loop3A_515 = arith.mulf %parallel_loop3A_514, %parallel_loop3A_493 : vector<16xf32>
        %parallel_loop3A_516 = arith.mulf %get3A_27, %parallel_loop3A_515 : vector<16xf32>
        %parallel_loop3A_517 = arith.mulf %parallel_loop3A_481, %parallel_loop3A_497 : vector<16xf32>
        %parallel_loop3A_518 = arith.mulf %parallel_loop3A_485, %parallel_loop3A_501 : vector<16xf32>
        %parallel_loop3A_519 = arith.addf %parallel_loop3A_517, %parallel_loop3A_518 : vector<16xf32>
        %parallel_loop3A_520 = arith.mulf %parallel_loop3A_489, %parallel_loop3A_505 : vector<16xf32>
        %parallel_loop3A_521 = arith.addf %parallel_loop3A_519, %parallel_loop3A_520 : vector<16xf32>
        %parallel_loop3A_522 = arith.mulf %get3A_35, %parallel_loop3A_521 : vector<16xf32>
        %parallel_loop3A_523 = arith.addf %parallel_loop3A_516, %parallel_loop3A_522 : vector<16xf32>
        %parallel_loop3A_524 = arith.addf %parallel_loop3A_512, %parallel_loop3A_523 : vector<16xf32>
        %parallel_loop3A_525 = arith.index_cast %parallel_loop3A_469 : i32 to index
        %parallel_loop3A_526 = arith.constant 0 : index
        %parallel_loop3A_527 = tpu.vector_load %arg10[%parallel_loop3A_525, %parallel_loop3A_526] {strides = array<i32>} : memref<25x128xf32, #tpu.memory_space<vmem>>, vector<16xf32>,
        tpu.vector_store %arg10[%parallel_loop3A_525, %parallel_loop3A_526], %parallel_loop3A_524 {strides = array<i32>} : memref<25x128xf32, #tpu.memory_space<vmem>>, vector<16xf32>,
        %parallel_loop3A_528 = arith.constant 128 : i32
        %parallel_loop3A_529 = arith.muli %parallel_loop3A_469, %parallel_loop3A_528 : i32
        %parallel_loop3A_530 = arith.constant 16 : i32
        %parallel_loop3A_531 = arith.addi %parallel_loop3A_529, %parallel_loop3A_530 : i32
        %parallel_loop3A_532 = arith.constant 0 : i32
        %parallel_loop3A_533 = arith.index_cast %parallel_loop3A_532 : i32 to index
        %parallel_loop3A_534 = arith.index_cast %parallel_loop3A_531 : i32 to index
        %parallel_loop3A_535 = tpu.vector_load %arg6[%parallel_loop3A_533, %parallel_loop3A_534] {strides = array<i32>} : memref<4x3200xf32, #tpu.memory_space<vmem>>, vector<16xf32>,
        %parallel_loop3A_536 = arith.constant 1 : i32
        %parallel_loop3A_537 = arith.index_cast %parallel_loop3A_536 : i32 to index
        %parallel_loop3A_538 = arith.index_cast %parallel_loop3A_531 : i32 to index
        %parallel_loop3A_539 = tpu.vector_load %arg6[%parallel_loop3A_537, %parallel_loop3A_538] {strides = array<i32>} : memref<4x3200xf32, #tpu.memory_space<vmem>>, vector<16xf32>,
        %parallel_loop3A_540 = arith.constant 2 : i32
        %parallel_loop3A_541 = arith.index_cast %parallel_loop3A_540 : i32 to index
        %parallel_loop3A_542 = arith.index_cast %parallel_loop3A_531 : i32 to index
        %parallel_loop3A_543 = tpu.vector_load %arg6[%parallel_loop3A_541, %parallel_loop3A_542] {strides = array<i32>} : memref<4x3200xf32, #tpu.memory_space<vmem>>, vector<16xf32>,
        %parallel_loop3A_544 = arith.constant 3 : i32
        %parallel_loop3A_545 = arith.index_cast %parallel_loop3A_544 : i32 to index
        %parallel_loop3A_546 = arith.index_cast %parallel_loop3A_531 : i32 to index
        %parallel_loop3A_547 = tpu.vector_load %arg6[%parallel_loop3A_545, %parallel_loop3A_546] {strides = array<i32>} : memref<4x3200xf32, #tpu.memory_space<vmem>>, vector<16xf32>,
        %parallel_loop3A_548 = arith.constant 0 : i32
        %parallel_loop3A_549 = arith.index_cast %parallel_loop3A_548 : i32 to index
        %parallel_loop3A_550 = arith.index_cast %parallel_loop3A_531 : i32 to index
        %parallel_loop3A_551 = tpu.vector_load %arg7[%parallel_loop3A_549, %parallel_loop3A_550] {strides = array<i32>} : memref<4x3200xf32, #tpu.memory_space<vmem>>, vector<16xf32>,
        %parallel_loop3A_552 = arith.constant 1 : i32
        %parallel_loop3A_553 = arith.index_cast %parallel_loop3A_552 : i32 to index
        %parallel_loop3A_554 = arith.index_cast %parallel_loop3A_531 : i32 to index
        %parallel_loop3A_555 = tpu.vector_load %arg7[%parallel_loop3A_553, %parallel_loop3A_554] {strides = array<i32>} : memref<4x3200xf32, #tpu.memory_space<vmem>>, vector<16xf32>,
        %parallel_loop3A_556 = arith.constant 2 : i32
        %parallel_loop3A_557 = arith.index_cast %parallel_loop3A_556 : i32 to index
        %parallel_loop3A_558 = arith.index_cast %parallel_loop3A_531 : i32 to index
        %parallel_loop3A_559 = tpu.vector_load %arg7[%parallel_loop3A_557, %parallel_loop3A_558] {strides = array<i32>} : memref<4x3200xf32, #tpu.memory_space<vmem>>, vector<16xf32>,
        %parallel_loop3A_560 = arith.constant 3 : i32
        %parallel_loop3A_561 = arith.index_cast %parallel_loop3A_560 : i32 to index
        %parallel_loop3A_562 = arith.index_cast %parallel_loop3A_531 : i32 to index
        %parallel_loop3A_563 = tpu.vector_load %arg7[%parallel_loop3A_561, %parallel_loop3A_562] {strides = array<i32>} : memref<4x3200xf32, #tpu.memory_space<vmem>>, vector<16xf32>,
        %parallel_loop3A_564 = arith.mulf %parallel_loop3A_535, %parallel_loop3A_551 : vector<16xf32>
        %parallel_loop3A_565 = arith.mulf %get3A_11, %parallel_loop3A_564 : vector<16xf32>
        %parallel_loop3A_566 = arith.addf %parallel_loop3A_555, %parallel_loop3A_559 : vector<16xf32>
        %parallel_loop3A_567 = arith.addf %parallel_loop3A_566, %parallel_loop3A_563 : vector<16xf32>
        %parallel_loop3A_568 = arith.mulf %parallel_loop3A_535, %parallel_loop3A_567 : vector<16xf32>
        %parallel_loop3A_569 = arith.mulf %get3A_19, %parallel_loop3A_568 : vector<16xf32>
        %parallel_loop3A_570 = arith.addf %parallel_loop3A_565, %parallel_loop3A_569 : vector<16xf32>
        %parallel_loop3A_571 = arith.addf %parallel_loop3A_539, %parallel_loop3A_543 : vector<16xf32>
        %parallel_loop3A_572 = arith.addf %parallel_loop3A_571, %parallel_loop3A_547 : vector<16xf32>
        %parallel_loop3A_573 = arith.mulf %parallel_loop3A_572, %parallel_loop3A_551 : vector<16xf32>
        %parallel_loop3A_574 = arith.mulf %get3A_27, %parallel_loop3A_573 : vector<16xf32>
        %parallel_loop3A_575 = arith.mulf %parallel_loop3A_539, %parallel_loop3A_555 : vector<16xf32>
        %parallel_loop3A_576 = arith.mulf %parallel_loop3A_543, %parallel_loop3A_559 : vector<16xf32>
        %parallel_loop3A_577 = arith.addf %parallel_loop3A_575, %parallel_loop3A_576 : vector<16xf32>
        %parallel_loop3A_578 = arith.mulf %parallel_loop3A_547, %parallel_loop3A_563 : vector<16xf32>
        %parallel_loop3A_579 = arith.addf %parallel_loop3A_577, %parallel_loop3A_578 : vector<16xf32>
        %parallel_loop3A_580 = arith.mulf %get3A_35, %parallel_loop3A_579 : vector<16xf32>
        %parallel_loop3A_581 = arith.addf %parallel_loop3A_574, %parallel_loop3A_580 : vector<16xf32>
        %parallel_loop3A_582 = arith.addf %parallel_loop3A_570, %parallel_loop3A_581 : vector<16xf32>
        %parallel_loop3A_583 = arith.index_cast %parallel_loop3A_469 : i32 to index
        %parallel_loop3A_584 = arith.constant 16 : index
        %parallel_loop3A_585 = tpu.vector_load %arg10[%parallel_loop3A_583, %parallel_loop3A_584] {strides = array<i32>} : memref<25x128xf32, #tpu.memory_space<vmem>>, vector<16xf32>,
        tpu.vector_store %arg10[%parallel_loop3A_583, %parallel_loop3A_584], %parallel_loop3A_582 {strides = array<i32>} : memref<25x128xf32, #tpu.memory_space<vmem>>, vector<16xf32>,
        %parallel_loop3A_586 = arith.constant 128 : i32
        %parallel_loop3A_587 = arith.muli %parallel_loop3A_469, %parallel_loop3A_586 : i32
        %parallel_loop3A_588 = arith.constant 32 : i32
        %parallel_loop3A_589 = arith.addi %parallel_loop3A_587, %parallel_loop3A_588 : i32
        %parallel_loop3A_590 = arith.constant 0 : i32
        %parallel_loop3A_591 = arith.index_cast %parallel_loop3A_590 : i32 to index
        %parallel_loop3A_592 = arith.index_cast %parallel_loop3A_589 : i32 to index
        %parallel_loop3A_593 = tpu.vector_load %arg6[%parallel_loop3A_591, %parallel_loop3A_592] {strides = array<i32>} : memref<4x3200xf32, #tpu.memory_space<vmem>>, vector<16xf32>,
        %parallel_loop3A_594 = arith.constant 1 : i32
        %parallel_loop3A_595 = arith.index_cast %parallel_loop3A_594 : i32 to index
        %parallel_loop3A_596 = arith.index_cast %parallel_loop3A_589 : i32 to index
        %parallel_loop3A_597 = tpu.vector_load %arg6[%parallel_loop3A_595, %parallel_loop3A_596] {strides = array<i32>} : memref<4x3200xf32, #tpu.memory_space<vmem>>, vector<16xf32>,
        %parallel_loop3A_598 = arith.constant 2 : i32
        %parallel_loop3A_599 = arith.index_cast %parallel_loop3A_598 : i32 to index
        %parallel_loop3A_600 = arith.index_cast %parallel_loop3A_589 : i32 to index
        %parallel_loop3A_601 = tpu.vector_load %arg6[%parallel_loop3A_599, %parallel_loop3A_600] {strides = array<i32>} : memref<4x3200xf32, #tpu.memory_space<vmem>>, vector<16xf32>,
        %parallel_loop3A_602 = arith.constant 3 : i32
        %parallel_loop3A_603 = arith.index_cast %parallel_loop3A_602 : i32 to index
        %parallel_loop3A_604 = arith.index_cast %parallel_loop3A_589 : i32 to index
        %parallel_loop3A_605 = tpu.vector_load %arg6[%parallel_loop3A_603, %parallel_loop3A_604] {strides = array<i32>} : memref<4x3200xf32, #tpu.memory_space<vmem>>, vector<16xf32>,
        %parallel_loop3A_606 = arith.constant 0 : i32
        %parallel_loop3A_607 = arith.index_cast %parallel_loop3A_606 : i32 to index
        %parallel_loop3A_608 = arith.index_cast %parallel_loop3A_589 : i32 to index
        %parallel_loop3A_609 = tpu.vector_load %arg7[%parallel_loop3A_607, %parallel_loop3A_608] {strides = array<i32>} : memref<4x3200xf32, #tpu.memory_space<vmem>>, vector<16xf32>,
        %parallel_loop3A_610 = arith.constant 1 : i32
        %parallel_loop3A_611 = arith.index_cast %parallel_loop3A_610 : i32 to index
        %parallel_loop3A_612 = arith.index_cast %parallel_loop3A_589 : i32 to index
        %parallel_loop3A_613 = tpu.vector_load %arg7[%parallel_loop3A_611, %parallel_loop3A_612] {strides = array<i32>} : memref<4x3200xf32, #tpu.memory_space<vmem>>, vector<16xf32>,
        %parallel_loop3A_614 = arith.constant 2 : i32
        %parallel_loop3A_615 = arith.index_cast %parallel_loop3A_614 : i32 to index
        %parallel_loop3A_616 = arith.index_cast %parallel_loop3A_589 : i32 to index
        %parallel_loop3A_617 = tpu.vector_load %arg7[%parallel_loop3A_615, %parallel_loop3A_616] {strides = array<i32>} : memref<4x3200xf32, #tpu.memory_space<vmem>>, vector<16xf32>,
        %parallel_loop3A_618 = arith.constant 3 : i32
        %parallel_loop3A_619 = arith.index_cast %parallel_loop3A_618 : i32 to index
        %parallel_loop3A_620 = arith.index_cast %parallel_loop3A_589 : i32 to index
        %parallel_loop3A_621 = tpu.vector_load %arg7[%parallel_loop3A_619, %parallel_loop3A_620] {strides = array<i32>} : memref<4x3200xf32, #tpu.memory_space<vmem>>, vector<16xf32>,
        %parallel_loop3A_622 = arith.mulf %parallel_loop3A_593, %parallel_loop3A_609 : vector<16xf32>
        %parallel_loop3A_623 = arith.mulf %get3A_11, %parallel_loop3A_622 : vector<16xf32>
        %parallel_loop3A_624 = arith.addf %parallel_loop3A_613, %parallel_loop3A_617 : vector<16xf32>
        %parallel_loop3A_625 = arith.addf %parallel_loop3A_624, %parallel_loop3A_621 : vector<16xf32>
        %parallel_loop3A_626 = arith.mulf %parallel_loop3A_593, %parallel_loop3A_625 : vector<16xf32>
        %parallel_loop3A_627 = arith.mulf %get3A_19, %parallel_loop3A_626 : vector<16xf32>
        %parallel_loop3A_628 = arith.addf %parallel_loop3A_623, %parallel_loop3A_627 : vector<16xf32>
        %parallel_loop3A_629 = arith.addf %parallel_loop3A_597, %parallel_loop3A_601 : vector<16xf32>
        %parallel_loop3A_630 = arith.addf %parallel_loop3A_629, %parallel_loop3A_605 : vector<16xf32>
        %parallel_loop3A_631 = arith.mulf %parallel_loop3A_630, %parallel_loop3A_609 : vector<16xf32>
        %parallel_loop3A_632 = arith.mulf %get3A_27, %parallel_loop3A_631 : vector<16xf32>
        %parallel_loop3A_633 = arith.mulf %parallel_loop3A_597, %parallel_loop3A_613 : vector<16xf32>
        %parallel_loop3A_634 = arith.mulf %parallel_loop3A_601, %parallel_loop3A_617 : vector<16xf32>
        %parallel_loop3A_635 = arith.addf %parallel_loop3A_633, %parallel_loop3A_634 : vector<16xf32>
        %parallel_loop3A_636 = arith.mulf %parallel_loop3A_605, %parallel_loop3A_621 : vector<16xf32>
        %parallel_loop3A_637 = arith.addf %parallel_loop3A_635, %parallel_loop3A_636 : vector<16xf32>
        %parallel_loop3A_638 = arith.mulf %get3A_35, %parallel_loop3A_637 : vector<16xf32>
        %parallel_loop3A_639 = arith.addf %parallel_loop3A_632, %parallel_loop3A_638 : vector<16xf32>
        %parallel_loop3A_640 = arith.addf %parallel_loop3A_628, %parallel_loop3A_639 : vector<16xf32>
        %parallel_loop3A_641 = arith.index_cast %parallel_loop3A_469 : i32 to index
        %parallel_loop3A_642 = arith.constant 32 : index
        %parallel_loop3A_643 = tpu.vector_load %arg10[%parallel_loop3A_641, %parallel_loop3A_642] {strides = array<i32>} : memref<25x128xf32, #tpu.memory_space<vmem>>, vector<16xf32>,
        tpu.vector_store %arg10[%parallel_loop3A_641, %parallel_loop3A_642], %parallel_loop3A_640 {strides = array<i32>} : memref<25x128xf32, #tpu.memory_space<vmem>>, vector<16xf32>,
        %parallel_loop3A_644 = arith.constant 128 : i32
        %parallel_loop3A_645 = arith.muli %parallel_loop3A_469, %parallel_loop3A_644 : i32
        %parallel_loop3A_646 = arith.constant 48 : i32
        %parallel_loop3A_647 = arith.addi %parallel_loop3A_645, %parallel_loop3A_646 : i32
        %parallel_loop3A_648 = arith.constant 0 : i32
        %parallel_loop3A_649 = arith.index_cast %parallel_loop3A_648 : i32 to index
        %parallel_loop3A_650 = arith.index_cast %parallel_loop3A_647 : i32 to index
        %parallel_loop3A_651 = tpu.vector_load %arg6[%parallel_loop3A_649, %parallel_loop3A_650] {strides = array<i32>} : memref<4x3200xf32, #tpu.memory_space<vmem>>, vector<16xf32>,
        %parallel_loop3A_652 = arith.constant 1 : i32
        %parallel_loop3A_653 = arith.index_cast %parallel_loop3A_652 : i32 to index
        %parallel_loop3A_654 = arith.index_cast %parallel_loop3A_647 : i32 to index
        %parallel_loop3A_655 = tpu.vector_load %arg6[%parallel_loop3A_653, %parallel_loop3A_654] {strides = array<i32>} : memref<4x3200xf32, #tpu.memory_space<vmem>>, vector<16xf32>,
        %parallel_loop3A_656 = arith.constant 2 : i32
        %parallel_loop3A_657 = arith.index_cast %parallel_loop3A_656 : i32 to index
        %parallel_loop3A_658 = arith.index_cast %parallel_loop3A_647 : i32 to index
        %parallel_loop3A_659 = tpu.vector_load %arg6[%parallel_loop3A_657, %parallel_loop3A_658] {strides = array<i32>} : memref<4x3200xf32, #tpu.memory_space<vmem>>, vector<16xf32>,
        %parallel_loop3A_660 = arith.constant 3 : i32
        %parallel_loop3A_661 = arith.index_cast %parallel_loop3A_660 : i32 to index
        %parallel_loop3A_662 = arith.index_cast %parallel_loop3A_647 : i32 to index
        %parallel_loop3A_663 = tpu.vector_load %arg6[%parallel_loop3A_661, %parallel_loop3A_662] {strides = array<i32>} : memref<4x3200xf32, #tpu.memory_space<vmem>>, vector<16xf32>,
        %parallel_loop3A_664 = arith.constant 0 : i32
        %parallel_loop3A_665 = arith.index_cast %parallel_loop3A_664 : i32 to index
        %parallel_loop3A_666 = arith.index_cast %parallel_loop3A_647 : i32 to index
        %parallel_loop3A_667 = tpu.vector_load %arg7[%parallel_loop3A_665, %parallel_loop3A_666] {strides = array<i32>} : memref<4x3200xf32, #tpu.memory_space<vmem>>, vector<16xf32>,
        %parallel_loop3A_668 = arith.constant 1 : i32
        %parallel_loop3A_669 = arith.index_cast %parallel_loop3A_668 : i32 to index
        %parallel_loop3A_670 = arith.index_cast %parallel_loop3A_647 : i32 to index
        %parallel_loop3A_671 = tpu.vector_load %arg7[%parallel_loop3A_669, %parallel_loop3A_670] {strides = array<i32>} : memref<4x3200xf32, #tpu.memory_space<vmem>>, vector<16xf32>,
        %parallel_loop3A_672 = arith.constant 2 : i32
        %parallel_loop3A_673 = arith.index_cast %parallel_loop3A_672 : i32 to index
        %parallel_loop3A_674 = arith.index_cast %parallel_loop3A_647 : i32 to index
        %parallel_loop3A_675 = tpu.vector_load %arg7[%parallel_loop3A_673, %parallel_loop3A_674] {strides = array<i32>} : memref<4x3200xf32, #tpu.memory_space<vmem>>, vector<16xf32>,
        %parallel_loop3A_676 = arith.constant 3 : i32
        %parallel_loop3A_677 = arith.index_cast %parallel_loop3A_676 : i32 to index
        %parallel_loop3A_678 = arith.index_cast %parallel_loop3A_647 : i32 to index
        %parallel_loop3A_679 = tpu.vector_load %arg7[%parallel_loop3A_677, %parallel_loop3A_678] {strides = array<i32>} : memref<4x3200xf32, #tpu.memory_space<vmem>>, vector<16xf32>,
        %parallel_loop3A_680 = arith.mulf %parallel_loop3A_651, %parallel_loop3A_667 : vector<16xf32>
        %parallel_loop3A_681 = arith.mulf %get3A_11, %parallel_loop3A_680 : vector<16xf32>
        %parallel_loop3A_682 = arith.addf %parallel_loop3A_671, %parallel_loop3A_675 : vector<16xf32>
        %parallel_loop3A_683 = arith.addf %parallel_loop3A_682, %parallel_loop3A_679 : vector<16xf32>
        %parallel_loop3A_684 = arith.mulf %parallel_loop3A_651, %parallel_loop3A_683 : vector<16xf32>
        %parallel_loop3A_685 = arith.mulf %get3A_19, %parallel_loop3A_684 : vector<16xf32>
        %parallel_loop3A_686 = arith.addf %parallel_loop3A_681, %parallel_loop3A_685 : vector<16xf32>
        %parallel_loop3A_687 = arith.addf %parallel_loop3A_655, %parallel_loop3A_659 : vector<16xf32>
        %parallel_loop3A_688 = arith.addf %parallel_loop3A_687, %parallel_loop3A_663 : vector<16xf32>
        %parallel_loop3A_689 = arith.mulf %parallel_loop3A_688, %parallel_loop3A_667 : vector<16xf32>
        %parallel_loop3A_690 = arith.mulf %get3A_27, %parallel_loop3A_689 : vector<16xf32>
        %parallel_loop3A_691 = arith.mulf %parallel_loop3A_655, %parallel_loop3A_671 : vector<16xf32>
        %parallel_loop3A_692 = arith.mulf %parallel_loop3A_659, %parallel_loop3A_675 : vector<16xf32>
        %parallel_loop3A_693 = arith.addf %parallel_loop3A_691, %parallel_loop3A_692 : vector<16xf32>
        %parallel_loop3A_694 = arith.mulf %parallel_loop3A_663, %parallel_loop3A_679 : vector<16xf32>
        %parallel_loop3A_695 = arith.addf %parallel_loop3A_693, %parallel_loop3A_694 : vector<16xf32>
        %parallel_loop3A_696 = arith.mulf %get3A_35, %parallel_loop3A_695 : vector<16xf32>
        %parallel_loop3A_697 = arith.addf %parallel_loop3A_690, %parallel_loop3A_696 : vector<16xf32>
        %parallel_loop3A_698 = arith.addf %parallel_loop3A_686, %parallel_loop3A_697 : vector<16xf32>
        %parallel_loop3A_699 = arith.index_cast %parallel_loop3A_469 : i32 to index
        %parallel_loop3A_700 = arith.constant 48 : index
        %parallel_loop3A_701 = tpu.vector_load %arg10[%parallel_loop3A_699, %parallel_loop3A_700] {strides = array<i32>} : memref<25x128xf32, #tpu.memory_space<vmem>>, vector<16xf32>,
        tpu.vector_store %arg10[%parallel_loop3A_699, %parallel_loop3A_700], %parallel_loop3A_698 {strides = array<i32>} : memref<25x128xf32, #tpu.memory_space<vmem>>, vector<16xf32>,
        %parallel_loop3A_702 = arith.constant 128 : i32
        %parallel_loop3A_703 = arith.muli %parallel_loop3A_469, %parallel_loop3A_702 : i32
        %parallel_loop3A_704 = arith.constant 64 : i32
        %parallel_loop3A_705 = arith.addi %parallel_loop3A_703, %parallel_loop3A_704 : i32
        %parallel_loop3A_706 = arith.constant 0 : i32
        %parallel_loop3A_707 = arith.index_cast %parallel_loop3A_706 : i32 to index
        %parallel_loop3A_708 = arith.index_cast %parallel_loop3A_705 : i32 to index
        %parallel_loop3A_709 = tpu.vector_load %arg6[%parallel_loop3A_707, %parallel_loop3A_708] {strides = array<i32>} : memref<4x3200xf32, #tpu.memory_space<vmem>>, vector<16xf32>,
        %parallel_loop3A_710 = arith.constant 1 : i32
        %parallel_loop3A_711 = arith.index_cast %parallel_loop3A_710 : i32 to index
        %parallel_loop3A_712 = arith.index_cast %parallel_loop3A_705 : i32 to index
        %parallel_loop3A_713 = tpu.vector_load %arg6[%parallel_loop3A_711, %parallel_loop3A_712] {strides = array<i32>} : memref<4x3200xf32, #tpu.memory_space<vmem>>, vector<16xf32>,
        %parallel_loop3A_714 = arith.constant 2 : i32
        %parallel_loop3A_715 = arith.index_cast %parallel_loop3A_714 : i32 to index
        %parallel_loop3A_716 = arith.index_cast %parallel_loop3A_705 : i32 to index
        %parallel_loop3A_717 = tpu.vector_load %arg6[%parallel_loop3A_715, %parallel_loop3A_716] {strides = array<i32>} : memref<4x3200xf32, #tpu.memory_space<vmem>>, vector<16xf32>,
        %parallel_loop3A_718 = arith.constant 3 : i32
        %parallel_loop3A_719 = arith.index_cast %parallel_loop3A_718 : i32 to index
        %parallel_loop3A_720 = arith.index_cast %parallel_loop3A_705 : i32 to index
        %parallel_loop3A_721 = tpu.vector_load %arg6[%parallel_loop3A_719, %parallel_loop3A_720] {strides = array<i32>} : memref<4x3200xf32, #tpu.memory_space<vmem>>, vector<16xf32>,
        %parallel_loop3A_722 = arith.constant 0 : i32
        %parallel_loop3A_723 = arith.index_cast %parallel_loop3A_722 : i32 to index
        %parallel_loop3A_724 = arith.index_cast %parallel_loop3A_705 : i32 to index
        %parallel_loop3A_725 = tpu.vector_load %arg7[%parallel_loop3A_723, %parallel_loop3A_724] {strides = array<i32>} : memref<4x3200xf32, #tpu.memory_space<vmem>>, vector<16xf32>,
        %parallel_loop3A_726 = arith.constant 1 : i32
        %parallel_loop3A_727 = arith.index_cast %parallel_loop3A_726 : i32 to index
        %parallel_loop3A_728 = arith.index_cast %parallel_loop3A_705 : i32 to index
        %parallel_loop3A_729 = tpu.vector_load %arg7[%parallel_loop3A_727, %parallel_loop3A_728] {strides = array<i32>} : memref<4x3200xf32, #tpu.memory_space<vmem>>, vector<16xf32>,
        %parallel_loop3A_730 = arith.constant 2 : i32
        %parallel_loop3A_731 = arith.index_cast %parallel_loop3A_730 : i32 to index
        %parallel_loop3A_732 = arith.index_cast %parallel_loop3A_705 : i32 to index
        %parallel_loop3A_733 = tpu.vector_load %arg7[%parallel_loop3A_731, %parallel_loop3A_732] {strides = array<i32>} : memref<4x3200xf32, #tpu.memory_space<vmem>>, vector<16xf32>,
        %parallel_loop3A_734 = arith.constant 3 : i32
        %parallel_loop3A_735 = arith.index_cast %parallel_loop3A_734 : i32 to index
        %parallel_loop3A_736 = arith.index_cast %parallel_loop3A_705 : i32 to index
        %parallel_loop3A_737 = tpu.vector_load %arg7[%parallel_loop3A_735, %parallel_loop3A_736] {strides = array<i32>} : memref<4x3200xf32, #tpu.memory_space<vmem>>, vector<16xf32>,
        %parallel_loop3A_738 = arith.mulf %parallel_loop3A_709, %parallel_loop3A_725 : vector<16xf32>
        %parallel_loop3A_739 = arith.mulf %get3A_11, %parallel_loop3A_738 : vector<16xf32>
        %parallel_loop3A_740 = arith.addf %parallel_loop3A_729, %parallel_loop3A_733 : vector<16xf32>
        %parallel_loop3A_741 = arith.addf %parallel_loop3A_740, %parallel_loop3A_737 : vector<16xf32>
        %parallel_loop3A_742 = arith.mulf %parallel_loop3A_709, %parallel_loop3A_741 : vector<16xf32>
        %parallel_loop3A_743 = arith.mulf %get3A_19, %parallel_loop3A_742 : vector<16xf32>
        %parallel_loop3A_744 = arith.addf %parallel_loop3A_739, %parallel_loop3A_743 : vector<16xf32>
        %parallel_loop3A_745 = arith.addf %parallel_loop3A_713, %parallel_loop3A_717 : vector<16xf32>
        %parallel_loop3A_746 = arith.addf %parallel_loop3A_745, %parallel_loop3A_721 : vector<16xf32>
        %parallel_loop3A_747 = arith.mulf %parallel_loop3A_746, %parallel_loop3A_725 : vector<16xf32>
        %parallel_loop3A_748 = arith.mulf %get3A_27, %parallel_loop3A_747 : vector<16xf32>
        %parallel_loop3A_749 = arith.mulf %parallel_loop3A_713, %parallel_loop3A_729 : vector<16xf32>
        %parallel_loop3A_750 = arith.mulf %parallel_loop3A_717, %parallel_loop3A_733 : vector<16xf32>
        %parallel_loop3A_751 = arith.addf %parallel_loop3A_749, %parallel_loop3A_750 : vector<16xf32>
        %parallel_loop3A_752 = arith.mulf %parallel_loop3A_721, %parallel_loop3A_737 : vector<16xf32>
        %parallel_loop3A_753 = arith.addf %parallel_loop3A_751, %parallel_loop3A_752 : vector<16xf32>
        %parallel_loop3A_754 = arith.mulf %get3A_35, %parallel_loop3A_753 : vector<16xf32>
        %parallel_loop3A_755 = arith.addf %parallel_loop3A_748, %parallel_loop3A_754 : vector<16xf32>
        %parallel_loop3A_756 = arith.addf %parallel_loop3A_744, %parallel_loop3A_755 : vector<16xf32>
        %parallel_loop3A_757 = arith.index_cast %parallel_loop3A_469 : i32 to index
        %parallel_loop3A_758 = arith.constant 64 : index
        %parallel_loop3A_759 = tpu.vector_load %arg10[%parallel_loop3A_757, %parallel_loop3A_758] {strides = array<i32>} : memref<25x128xf32, #tpu.memory_space<vmem>>, vector<16xf32>,
        tpu.vector_store %arg10[%parallel_loop3A_757, %parallel_loop3A_758], %parallel_loop3A_756 {strides = array<i32>} : memref<25x128xf32, #tpu.memory_space<vmem>>, vector<16xf32>,
        %parallel_loop3A_760 = arith.constant 128 : i32
        %parallel_loop3A_761 = arith.muli %parallel_loop3A_469, %parallel_loop3A_760 : i32
        %parallel_loop3A_762 = arith.constant 80 : i32
        %parallel_loop3A_763 = arith.addi %parallel_loop3A_761, %parallel_loop3A_762 : i32
        %parallel_loop3A_764 = arith.constant 0 : i32
        %parallel_loop3A_765 = arith.index_cast %parallel_loop3A_764 : i32 to index
        %parallel_loop3A_766 = arith.index_cast %parallel_loop3A_763 : i32 to index
        %parallel_loop3A_767 = tpu.vector_load %arg6[%parallel_loop3A_765, %parallel_loop3A_766] {strides = array<i32>} : memref<4x3200xf32, #tpu.memory_space<vmem>>, vector<16xf32>,
        %parallel_loop3A_768 = arith.constant 1 : i32
        %parallel_loop3A_769 = arith.index_cast %parallel_loop3A_768 : i32 to index
        %parallel_loop3A_770 = arith.index_cast %parallel_loop3A_763 : i32 to index
        %parallel_loop3A_771 = tpu.vector_load %arg6[%parallel_loop3A_769, %parallel_loop3A_770] {strides = array<i32>} : memref<4x3200xf32, #tpu.memory_space<vmem>>, vector<16xf32>,
        %parallel_loop3A_772 = arith.constant 2 : i32
        %parallel_loop3A_773 = arith.index_cast %parallel_loop3A_772 : i32 to index
        %parallel_loop3A_774 = arith.index_cast %parallel_loop3A_763 : i32 to index
        %parallel_loop3A_775 = tpu.vector_load %arg6[%parallel_loop3A_773, %parallel_loop3A_774] {strides = array<i32>} : memref<4x3200xf32, #tpu.memory_space<vmem>>, vector<16xf32>,
        %parallel_loop3A_776 = arith.constant 3 : i32
        %parallel_loop3A_777 = arith.index_cast %parallel_loop3A_776 : i32 to index
        %parallel_loop3A_778 = arith.index_cast %parallel_loop3A_763 : i32 to index
        %parallel_loop3A_779 = tpu.vector_load %arg6[%parallel_loop3A_777, %parallel_loop3A_778] {strides = array<i32>} : memref<4x3200xf32, #tpu.memory_space<vmem>>, vector<16xf32>,
        %parallel_loop3A_780 = arith.constant 0 : i32
        %parallel_loop3A_781 = arith.index_cast %parallel_loop3A_780 : i32 to index
        %parallel_loop3A_782 = arith.index_cast %parallel_loop3A_763 : i32 to index
        %parallel_loop3A_783 = tpu.vector_load %arg7[%parallel_loop3A_781, %parallel_loop3A_782] {strides = array<i32>} : memref<4x3200xf32, #tpu.memory_space<vmem>>, vector<16xf32>,
        %parallel_loop3A_784 = arith.constant 1 : i32
        %parallel_loop3A_785 = arith.index_cast %parallel_loop3A_784 : i32 to index
        %parallel_loop3A_786 = arith.index_cast %parallel_loop3A_763 : i32 to index
        %parallel_loop3A_787 = tpu.vector_load %arg7[%parallel_loop3A_785, %parallel_loop3A_786] {strides = array<i32>} : memref<4x3200xf32, #tpu.memory_space<vmem>>, vector<16xf32>,
        %parallel_loop3A_788 = arith.constant 2 : i32
        %parallel_loop3A_789 = arith.index_cast %parallel_loop3A_788 : i32 to index
        %parallel_loop3A_790 = arith.index_cast %parallel_loop3A_763 : i32 to index
        %parallel_loop3A_791 = tpu.vector_load %arg7[%parallel_loop3A_789, %parallel_loop3A_790] {strides = array<i32>} : memref<4x3200xf32, #tpu.memory_space<vmem>>, vector<16xf32>,
        %parallel_loop3A_792 = arith.constant 3 : i32
        %parallel_loop3A_793 = arith.index_cast %parallel_loop3A_792 : i32 to index
        %parallel_loop3A_794 = arith.index_cast %parallel_loop3A_763 : i32 to index
        %parallel_loop3A_795 = tpu.vector_load %arg7[%parallel_loop3A_793, %parallel_loop3A_794] {strides = array<i32>} : memref<4x3200xf32, #tpu.memory_space<vmem>>, vector<16xf32>,
        %parallel_loop3A_796 = arith.mulf %parallel_loop3A_767, %parallel_loop3A_783 : vector<16xf32>
        %parallel_loop3A_797 = arith.mulf %get3A_11, %parallel_loop3A_796 : vector<16xf32>
        %parallel_loop3A_798 = arith.addf %parallel_loop3A_787, %parallel_loop3A_791 : vector<16xf32>
        %parallel_loop3A_799 = arith.addf %parallel_loop3A_798, %parallel_loop3A_795 : vector<16xf32>
        %parallel_loop3A_800 = arith.mulf %parallel_loop3A_767, %parallel_loop3A_799 : vector<16xf32>
        %parallel_loop3A_801 = arith.mulf %get3A_19, %parallel_loop3A_800 : vector<16xf32>
        %parallel_loop3A_802 = arith.addf %parallel_loop3A_797, %parallel_loop3A_801 : vector<16xf32>
        %parallel_loop3A_803 = arith.addf %parallel_loop3A_771, %parallel_loop3A_775 : vector<16xf32>
        %parallel_loop3A_804 = arith.addf %parallel_loop3A_803, %parallel_loop3A_779 : vector<16xf32>
        %parallel_loop3A_805 = arith.mulf %parallel_loop3A_804, %parallel_loop3A_783 : vector<16xf32>
        %parallel_loop3A_806 = arith.mulf %get3A_27, %parallel_loop3A_805 : vector<16xf32>
        %parallel_loop3A_807 = arith.mulf %parallel_loop3A_771, %parallel_loop3A_787 : vector<16xf32>
        %parallel_loop3A_808 = arith.mulf %parallel_loop3A_775, %parallel_loop3A_791 : vector<16xf32>
        %parallel_loop3A_809 = arith.addf %parallel_loop3A_807, %parallel_loop3A_808 : vector<16xf32>
        %parallel_loop3A_810 = arith.mulf %parallel_loop3A_779, %parallel_loop3A_795 : vector<16xf32>
        %parallel_loop3A_811 = arith.addf %parallel_loop3A_809, %parallel_loop3A_810 : vector<16xf32>
        %parallel_loop3A_812 = arith.mulf %get3A_35, %parallel_loop3A_811 : vector<16xf32>
        %parallel_loop3A_813 = arith.addf %parallel_loop3A_806, %parallel_loop3A_812 : vector<16xf32>
        %parallel_loop3A_814 = arith.addf %parallel_loop3A_802, %parallel_loop3A_813 : vector<16xf32>
        %parallel_loop3A_815 = arith.index_cast %parallel_loop3A_469 : i32 to index
        %parallel_loop3A_816 = arith.constant 80 : index
        %parallel_loop3A_817 = tpu.vector_load %arg10[%parallel_loop3A_815, %parallel_loop3A_816] {strides = array<i32>} : memref<25x128xf32, #tpu.memory_space<vmem>>, vector<16xf32>,
        tpu.vector_store %arg10[%parallel_loop3A_815, %parallel_loop3A_816], %parallel_loop3A_814 {strides = array<i32>} : memref<25x128xf32, #tpu.memory_space<vmem>>, vector<16xf32>,
        %parallel_loop3A_818 = arith.constant 128 : i32
        %parallel_loop3A_819 = arith.muli %parallel_loop3A_469, %parallel_loop3A_818 : i32
        %parallel_loop3A_820 = arith.constant 96 : i32
        %parallel_loop3A_821 = arith.addi %parallel_loop3A_819, %parallel_loop3A_820 : i32
        %parallel_loop3A_822 = arith.constant 0 : i32
        %parallel_loop3A_823 = arith.index_cast %parallel_loop3A_822 : i32 to index
        %parallel_loop3A_824 = arith.index_cast %parallel_loop3A_821 : i32 to index
        %parallel_loop3A_825 = tpu.vector_load %arg6[%parallel_loop3A_823, %parallel_loop3A_824] {strides = array<i32>} : memref<4x3200xf32, #tpu.memory_space<vmem>>, vector<16xf32>,
        %parallel_loop3A_826 = arith.constant 1 : i32
        %parallel_loop3A_827 = arith.index_cast %parallel_loop3A_826 : i32 to index
        %parallel_loop3A_828 = arith.index_cast %parallel_loop3A_821 : i32 to index
        %parallel_loop3A_829 = tpu.vector_load %arg6[%parallel_loop3A_827, %parallel_loop3A_828] {strides = array<i32>} : memref<4x3200xf32, #tpu.memory_space<vmem>>, vector<16xf32>,
        %parallel_loop3A_830 = arith.constant 2 : i32
        %parallel_loop3A_831 = arith.index_cast %parallel_loop3A_830 : i32 to index
        %parallel_loop3A_832 = arith.index_cast %parallel_loop3A_821 : i32 to index
        %parallel_loop3A_833 = tpu.vector_load %arg6[%parallel_loop3A_831, %parallel_loop3A_832] {strides = array<i32>} : memref<4x3200xf32, #tpu.memory_space<vmem>>, vector<16xf32>,
        %parallel_loop3A_834 = arith.constant 3 : i32
        %parallel_loop3A_835 = arith.index_cast %parallel_loop3A_834 : i32 to index
        %parallel_loop3A_836 = arith.index_cast %parallel_loop3A_821 : i32 to index
        %parallel_loop3A_837 = tpu.vector_load %arg6[%parallel_loop3A_835, %parallel_loop3A_836] {strides = array<i32>} : memref<4x3200xf32, #tpu.memory_space<vmem>>, vector<16xf32>,
        %parallel_loop3A_838 = arith.constant 0 : i32
        %parallel_loop3A_839 = arith.index_cast %parallel_loop3A_838 : i32 to index
        %parallel_loop3A_840 = arith.index_cast %parallel_loop3A_821 : i32 to index
        %parallel_loop3A_841 = tpu.vector_load %arg7[%parallel_loop3A_839, %parallel_loop3A_840] {strides = array<i32>} : memref<4x3200xf32, #tpu.memory_space<vmem>>, vector<16xf32>,
        %parallel_loop3A_842 = arith.constant 1 : i32
        %parallel_loop3A_843 = arith.index_cast %parallel_loop3A_842 : i32 to index
        %parallel_loop3A_844 = arith.index_cast %parallel_loop3A_821 : i32 to index
        %parallel_loop3A_845 = tpu.vector_load %arg7[%parallel_loop3A_843, %parallel_loop3A_844] {strides = array<i32>} : memref<4x3200xf32, #tpu.memory_space<vmem>>, vector<16xf32>,
        %parallel_loop3A_846 = arith.constant 2 : i32
        %parallel_loop3A_847 = arith.index_cast %parallel_loop3A_846 : i32 to index
        %parallel_loop3A_848 = arith.index_cast %parallel_loop3A_821 : i32 to index
        %parallel_loop3A_849 = tpu.vector_load %arg7[%parallel_loop3A_847, %parallel_loop3A_848] {strides = array<i32>} : memref<4x3200xf32, #tpu.memory_space<vmem>>, vector<16xf32>,
        %parallel_loop3A_850 = arith.constant 3 : i32
        %parallel_loop3A_851 = arith.index_cast %parallel_loop3A_850 : i32 to index
        %parallel_loop3A_852 = arith.index_cast %parallel_loop3A_821 : i32 to index
        %parallel_loop3A_853 = tpu.vector_load %arg7[%parallel_loop3A_851, %parallel_loop3A_852] {strides = array<i32>} : memref<4x3200xf32, #tpu.memory_space<vmem>>, vector<16xf32>,
        %parallel_loop3A_854 = arith.mulf %parallel_loop3A_825, %parallel_loop3A_841 : vector<16xf32>
        %parallel_loop3A_855 = arith.mulf %get3A_11, %parallel_loop3A_854 : vector<16xf32>
        %parallel_loop3A_856 = arith.addf %parallel_loop3A_845, %parallel_loop3A_849 : vector<16xf32>
        %parallel_loop3A_857 = arith.addf %parallel_loop3A_856, %parallel_loop3A_853 : vector<16xf32>
        %parallel_loop3A_858 = arith.mulf %parallel_loop3A_825, %parallel_loop3A_857 : vector<16xf32>
        %parallel_loop3A_859 = arith.mulf %get3A_19, %parallel_loop3A_858 : vector<16xf32>
        %parallel_loop3A_860 = arith.addf %parallel_loop3A_855, %parallel_loop3A_859 : vector<16xf32>
        %parallel_loop3A_861 = arith.addf %parallel_loop3A_829, %parallel_loop3A_833 : vector<16xf32>
        %parallel_loop3A_862 = arith.addf %parallel_loop3A_861, %parallel_loop3A_837 : vector<16xf32>
        %parallel_loop3A_863 = arith.mulf %parallel_loop3A_862, %parallel_loop3A_841 : vector<16xf32>
        %parallel_loop3A_864 = arith.mulf %get3A_27, %parallel_loop3A_863 : vector<16xf32>
        %parallel_loop3A_865 = arith.mulf %parallel_loop3A_829, %parallel_loop3A_845 : vector<16xf32>
        %parallel_loop3A_866 = arith.mulf %parallel_loop3A_833, %parallel_loop3A_849 : vector<16xf32>
        %parallel_loop3A_867 = arith.addf %parallel_loop3A_865, %parallel_loop3A_866 : vector<16xf32>
        %parallel_loop3A_868 = arith.mulf %parallel_loop3A_837, %parallel_loop3A_853 : vector<16xf32>
        %parallel_loop3A_869 = arith.addf %parallel_loop3A_867, %parallel_loop3A_868 : vector<16xf32>
        %parallel_loop3A_870 = arith.mulf %get3A_35, %parallel_loop3A_869 : vector<16xf32>
        %parallel_loop3A_871 = arith.addf %parallel_loop3A_864, %parallel_loop3A_870 : vector<16xf32>
        %parallel_loop3A_872 = arith.addf %parallel_loop3A_860, %parallel_loop3A_871 : vector<16xf32>
        %parallel_loop3A_873 = arith.index_cast %parallel_loop3A_469 : i32 to index
        %parallel_loop3A_874 = arith.constant 96 : index
        %parallel_loop3A_875 = tpu.vector_load %arg10[%parallel_loop3A_873, %parallel_loop3A_874] {strides = array<i32>} : memref<25x128xf32, #tpu.memory_space<vmem>>, vector<16xf32>,
        tpu.vector_store %arg10[%parallel_loop3A_873, %parallel_loop3A_874], %parallel_loop3A_872 {strides = array<i32>} : memref<25x128xf32, #tpu.memory_space<vmem>>, vector<16xf32>,
        %parallel_loop3A_876 = arith.constant 128 : i32
        %parallel_loop3A_877 = arith.muli %parallel_loop3A_469, %parallel_loop3A_876 : i32
        %parallel_loop3A_878 = arith.constant 112 : i32
        %parallel_loop3A_879 = arith.addi %parallel_loop3A_877, %parallel_loop3A_878 : i32
        %parallel_loop3A_880 = arith.constant 0 : i32
        %parallel_loop3A_881 = arith.index_cast %parallel_loop3A_880 : i32 to index
        %parallel_loop3A_882 = arith.index_cast %parallel_loop3A_879 : i32 to index
        %parallel_loop3A_883 = tpu.vector_load %arg6[%parallel_loop3A_881, %parallel_loop3A_882] {strides = array<i32>} : memref<4x3200xf32, #tpu.memory_space<vmem>>, vector<16xf32>,
        %parallel_loop3A_884 = arith.constant 1 : i32
        %parallel_loop3A_885 = arith.index_cast %parallel_loop3A_884 : i32 to index
        %parallel_loop3A_886 = arith.index_cast %parallel_loop3A_879 : i32 to index
        %parallel_loop3A_887 = tpu.vector_load %arg6[%parallel_loop3A_885, %parallel_loop3A_886] {strides = array<i32>} : memref<4x3200xf32, #tpu.memory_space<vmem>>, vector<16xf32>,
        %parallel_loop3A_888 = arith.constant 2 : i32
        %parallel_loop3A_889 = arith.index_cast %parallel_loop3A_888 : i32 to index
        %parallel_loop3A_890 = arith.index_cast %parallel_loop3A_879 : i32 to index
        %parallel_loop3A_891 = tpu.vector_load %arg6[%parallel_loop3A_889, %parallel_loop3A_890] {strides = array<i32>} : memref<4x3200xf32, #tpu.memory_space<vmem>>, vector<16xf32>,
        %parallel_loop3A_892 = arith.constant 3 : i32
        %parallel_loop3A_893 = arith.index_cast %parallel_loop3A_892 : i32 to index
        %parallel_loop3A_894 = arith.index_cast %parallel_loop3A_879 : i32 to index
        %parallel_loop3A_895 = tpu.vector_load %arg6[%parallel_loop3A_893, %parallel_loop3A_894] {strides = array<i32>} : memref<4x3200xf32, #tpu.memory_space<vmem>>, vector<16xf32>,
        %parallel_loop3A_896 = arith.constant 0 : i32
        %parallel_loop3A_897 = arith.index_cast %parallel_loop3A_896 : i32 to index
        %parallel_loop3A_898 = arith.index_cast %parallel_loop3A_879 : i32 to index
        %parallel_loop3A_899 = tpu.vector_load %arg7[%parallel_loop3A_897, %parallel_loop3A_898] {strides = array<i32>} : memref<4x3200xf32, #tpu.memory_space<vmem>>, vector<16xf32>,
        %parallel_loop3A_900 = arith.constant 1 : i32
        %parallel_loop3A_901 = arith.index_cast %parallel_loop3A_900 : i32 to index
        %parallel_loop3A_902 = arith.index_cast %parallel_loop3A_879 : i32 to index
        %parallel_loop3A_903 = tpu.vector_load %arg7[%parallel_loop3A_901, %parallel_loop3A_902] {strides = array<i32>} : memref<4x3200xf32, #tpu.memory_space<vmem>>, vector<16xf32>,
        %parallel_loop3A_904 = arith.constant 2 : i32
        %parallel_loop3A_905 = arith.index_cast %parallel_loop3A_904 : i32 to index
        %parallel_loop3A_906 = arith.index_cast %parallel_loop3A_879 : i32 to index
        %parallel_loop3A_907 = tpu.vector_load %arg7[%parallel_loop3A_905, %parallel_loop3A_906] {strides = array<i32>} : memref<4x3200xf32, #tpu.memory_space<vmem>>, vector<16xf32>,
        %parallel_loop3A_908 = arith.constant 3 : i32
        %parallel_loop3A_909 = arith.index_cast %parallel_loop3A_908 : i32 to index
        %parallel_loop3A_910 = arith.index_cast %parallel_loop3A_879 : i32 to index
        %parallel_loop3A_911 = tpu.vector_load %arg7[%parallel_loop3A_909, %parallel_loop3A_910] {strides = array<i32>} : memref<4x3200xf32, #tpu.memory_space<vmem>>, vector<16xf32>,
        %parallel_loop3A_912 = arith.mulf %parallel_loop3A_883, %parallel_loop3A_899 : vector<16xf32>
        %parallel_loop3A_913 = arith.mulf %get3A_11, %parallel_loop3A_912 : vector<16xf32>
        %parallel_loop3A_914 = arith.addf %parallel_loop3A_903, %parallel_loop3A_907 : vector<16xf32>
        %parallel_loop3A_915 = arith.addf %parallel_loop3A_914, %parallel_loop3A_911 : vector<16xf32>
        %parallel_loop3A_916 = arith.mulf %parallel_loop3A_883, %parallel_loop3A_915 : vector<16xf32>
        %parallel_loop3A_917 = arith.mulf %get3A_19, %parallel_loop3A_916 : vector<16xf32>
        %parallel_loop3A_918 = arith.addf %parallel_loop3A_913, %parallel_loop3A_917 : vector<16xf32>
        %parallel_loop3A_919 = arith.addf %parallel_loop3A_887, %parallel_loop3A_891 : vector<16xf32>
        %parallel_loop3A_920 = arith.addf %parallel_loop3A_919, %parallel_loop3A_895 : vector<16xf32>
        %parallel_loop3A_921 = arith.mulf %parallel_loop3A_920, %parallel_loop3A_899 : vector<16xf32>
        %parallel_loop3A_922 = arith.mulf %get3A_27, %parallel_loop3A_921 : vector<16xf32>
        %parallel_loop3A_923 = arith.mulf %parallel_loop3A_887, %parallel_loop3A_903 : vector<16xf32>
        %parallel_loop3A_924 = arith.mulf %parallel_loop3A_891, %parallel_loop3A_907 : vector<16xf32>
        %parallel_loop3A_925 = arith.addf %parallel_loop3A_923, %parallel_loop3A_924 : vector<16xf32>
        %parallel_loop3A_926 = arith.mulf %parallel_loop3A_895, %parallel_loop3A_911 : vector<16xf32>
        %parallel_loop3A_927 = arith.addf %parallel_loop3A_925, %parallel_loop3A_926 : vector<16xf32>
        %parallel_loop3A_928 = arith.mulf %get3A_35, %parallel_loop3A_927 : vector<16xf32>
        %parallel_loop3A_929 = arith.addf %parallel_loop3A_922, %parallel_loop3A_928 : vector<16xf32>
        %parallel_loop3A_930 = arith.addf %parallel_loop3A_918, %parallel_loop3A_929 : vector<16xf32>
        %parallel_loop3A_931 = arith.index_cast %parallel_loop3A_469 : i32 to index
        %parallel_loop3A_932 = arith.constant 112 : index
        %parallel_loop3A_933 = tpu.vector_load %arg10[%parallel_loop3A_931, %parallel_loop3A_932] {strides = array<i32>} : memref<25x128xf32, #tpu.memory_space<vmem>>, vector<16xf32>,
        tpu.vector_store %arg10[%parallel_loop3A_931, %parallel_loop3A_932], %parallel_loop3A_930 {strides = array<i32>} : memref<25x128xf32, #tpu.memory_space<vmem>>, vector<16xf32>,
      } {sc.loop_unroll_factor = 5 : i64, sc.parallel_access}
      %jit3A_338 = arith.constant 8 : i32
      %div3A_339 = arith.divsi %add3A_4, %jit3A_338 : i32
      %sign3A_340 = arith.constant 0 : i32
      %sign3A_341 = arith.cmpi sgt, %add3A_4, %sign3A_340 : i32
      %sign3A_342 = arith.extui %sign3A_341 : i1 to i32
      %sign3A_343 = arith.constant 0 : i32
      %sign3A_344 = arith.cmpi slt, %add3A_4, %sign3A_343 : i32
      %sign3A_345 = arith.extui %sign3A_344 : i1 to i32
      %sign3A_346 = arith.subi %sign3A_342, %sign3A_345 : i32
      %sign3A_347 = arith.constant 0 : i32
      %sign3A_348 = arith.cmpi sgt, %jit3A_338, %sign3A_347 : i32
      %sign3A_349 = arith.extui %sign3A_348 : i1 to i32
      %sign3A_350 = arith.constant 0 : i32
      %sign3A_351 = arith.cmpi slt, %jit3A_338, %sign3A_350 : i32
      %sign3A_352 = arith.extui %sign3A_351 : i1 to i32
      %sign3A_353 = arith.subi %sign3A_349, %sign3A_352 : i32
      %ne3A_354 = arith.cmpi ne, %sign3A_346, %sign3A_353 : i32
      %rem3A_355 = arith.remsi %add3A_4, %jit3A_338 : i32
      %ne3A_356 = arith.constant 0 : i32
      %ne3A_357 = arith.cmpi ne, %rem3A_355, %ne3A_356 : i32
      %and3A_358 = arith.andi %ne3A_354, %ne3A_357 : i1
      %sub3A_359 = arith.constant 1 : i32
      %sub3A_360 = arith.subi %div3A_339, %sub3A_359 : i32
      %select_n3A_361 = arith.select %and3A_358, %sub3A_360, %div3A_339 : i32
      %mul3A_362 = arith.constant 25 : i32
      %mul3A_363 = arith.muli %mul3A_297, %mul3A_362 : i32
      %jit3A_364 = arith.constant 8 : i32
      %eq3A_365 = arith.constant 0 : i32
      %eq3A_366 = arith.cmpi eq, %jit3A_364, %eq3A_365 : i32
      %jit3A_367 = arith.constant 1 : i32
      %select_n3A_368 = arith.select %eq3A_366, %jit3A_367, %jit3A_364 : i32
      %rem3A_369 = arith.remsi %add3A_4, %select_n3A_368 : i32
      %ne3A_370 = arith.constant 0 : i32
      %ne3A_371 = arith.cmpi ne, %rem3A_369, %ne3A_370 : i32
      %lt3A_372 = arith.constant 0 : i32
      %lt3A_373 = arith.cmpi slt, %rem3A_369, %lt3A_372 : i32
      %lt3A_374 = arith.constant 0 : i32
      %lt3A_375 = arith.cmpi slt, %select_n3A_368, %lt3A_374 : i32
      %ne3A_376 = arith.xori %lt3A_373, %lt3A_375 : i1
      %and3A_377 = arith.andi %ne3A_376, %ne3A_371 : i1
      %add3A_378 = arith.addi %rem3A_369, %select_n3A_368 : i32
      %select_n3A_379 = arith.select %and3A_377, %add3A_378, %rem3A_369 : i32
      %dma_start3A_380 = arith.constant 0 : i32
      %dma_start3A_381 = tpu.memref_slice %arg5[%select_n3A_361, %mul3A_363, %select_n3A_379, %dma_start3A_380] : memref<8x1250x8x128xf32, #tpu.memory_space<hbm>> -> memref<1x25x1x128xf32, #tpu.memory_space<hbm>>
      %dma_start3A_382 = tpu.memref_squeeze %dma_start3A_381 : memref<1x25x1x128xf32, #tpu.memory_space<hbm>> -> memref<25x128xf32, #tpu.memory_space<hbm>>
      %dma_start3A_383 = arith.constant 0 : i32
      %dma_start3A_384 = tpu.memref_slice %arg5[%select_n3A_361, %mul3A_363, %select_n3A_379, %dma_start3A_383] : memref<8x1250x8x128xf32, #tpu.memory_space<hbm>> -> memref<1x25x1x128xf32, #tpu.memory_space<hbm>>
      %dma_start3A_385 = tpu.memref_squeeze %dma_start3A_384 : memref<1x25x1x128xf32, #tpu.memory_space<hbm>> -> memref<25x128xf32, #tpu.memory_space<hbm>>
      tpu.enqueue_dma source(%arg10 : memref<25x128xf32, #tpu.memory_space<vmem>>) target(%dma_start3A_385 : memref<25x128xf32, #tpu.memory_space<hbm>>) target_semaphore(%arg15 : memref<!tpu.dma_semaphore, #tpu.memory_space<semaphore_mem>>)
      %lt3A_386 = arith.constant 24 : i32
      %lt3A_387 = arith.cmpi slt, %scan3A_295, %lt3A_386 : i32
      %convert_element_type3A_388 = arith.extui %lt3A_387 : i1 to i32
      %cond3A_389 = arith.constant 0 : i32
      %cond3A_390 = arith.cmpi ne, %convert_element_type3A_388, %cond3A_389 : i32
      scf.if %cond3A_390 {
        %add3A_469 = arith.constant 2 : i32
        %add3A_470 = arith.addi %mul3A_297, %add3A_469 : i32
        %mul3A_471 = arith.constant 3200 : i32
        %mul3A_472 = arith.muli %add3A_470, %mul3A_471 : i32
        %dma_start3A_473 = arith.constant 0 : i32
        %dma_start3A_474 = tpu.memref_slice %arg2[%add3A_4, %dma_start3A_473, %mul3A_472] : memref<64x4x160000xf32, #tpu.memory_space<hbm>> -> memref<1x4x3200xf32, #tpu.memory_space<hbm>>
        %dma_start3A_475 = tpu.memref_squeeze %dma_start3A_474 : memref<1x4x3200xf32, #tpu.memory_space<hbm>> -> memref<4x3200xf32, #tpu.memory_space<hbm>>
        %dma_start3A_476 = arith.constant 0 : i32
        %dma_start3A_477 = tpu.memref_slice %arg2[%add3A_4, %dma_start3A_476, %mul3A_472] : memref<64x4x160000xf32, #tpu.memory_space<hbm>> -> memref<1x4x3200xf32, #tpu.memory_space<hbm>>
        %dma_start3A_478 = tpu.memref_squeeze %dma_start3A_477 : memref<1x4x3200xf32, #tpu.memory_space<hbm>> -> memref<4x3200xf32, #tpu.memory_space<hbm>>
        tpu.enqueue_dma source(%dma_start3A_478 : memref<4x3200xf32, #tpu.memory_space<hbm>>) target(%arg6 : memref<4x3200xf32, #tpu.memory_space<vmem>>) target_semaphore(%arg13 : memref<!tpu.dma_semaphore, #tpu.memory_space<semaphore_mem>>)
        %add3A_479 = arith.constant 2 : i32
        %add3A_480 = arith.addi %mul3A_297, %add3A_479 : i32
        %mul3A_481 = arith.constant 3200 : i32
        %mul3A_482 = arith.muli %add3A_480, %mul3A_481 : i32
        %dma_start3A_483 = arith.constant 0 : i32
        %dma_start3A_484 = tpu.memref_slice %arg3[%add3A_4, %dma_start3A_483, %mul3A_482] : memref<64x4x160000xf32, #tpu.memory_space<hbm>> -> memref<1x4x3200xf32, #tpu.memory_space<hbm>>
        %dma_start3A_485 = tpu.memref_squeeze %dma_start3A_484 : memref<1x4x3200xf32, #tpu.memory_space<hbm>> -> memref<4x3200xf32, #tpu.memory_space<hbm>>
        %dma_start3A_486 = arith.constant 0 : i32
        %dma_start3A_487 = tpu.memref_slice %arg3[%add3A_4, %dma_start3A_486, %mul3A_482] : memref<64x4x160000xf32, #tpu.memory_space<hbm>> -> memref<1x4x3200xf32, #tpu.memory_space<hbm>>
        %dma_start3A_488 = tpu.memref_squeeze %dma_start3A_487 : memref<1x4x3200xf32, #tpu.memory_space<hbm>> -> memref<4x3200xf32, #tpu.memory_space<hbm>>
        tpu.enqueue_dma source(%dma_start3A_488 : memref<4x3200xf32, #tpu.memory_space<hbm>>) target(%arg7 : memref<4x3200xf32, #tpu.memory_space<vmem>>) target_semaphore(%arg13 : memref<!tpu.dma_semaphore, #tpu.memory_space<semaphore_mem>>)
      } else {
      }
      %add3A_391 = arith.constant 1 : i32
      %add3A_392 = arith.addi %mul3A_297, %add3A_391 : i32
      %mul3A_393 = arith.constant 3200 : i32
      %mul3A_394 = arith.muli %add3A_392, %mul3A_393 : i32
      %dma_wait3A_395 = arith.constant 0 : i32
      %dma_wait3A_396 = tpu.memref_slice %arg2[%add3A_4, %dma_wait3A_395, %mul3A_394] : memref<64x4x160000xf32, #tpu.memory_space<hbm>> -> memref<1x4x3200xf32, #tpu.memory_space<hbm>>
      %dma_wait3A_397 = tpu.memref_squeeze %dma_wait3A_396 : memref<1x4x3200xf32, #tpu.memory_space<hbm>> -> memref<4x3200xf32, #tpu.memory_space<hbm>>
      %dma_wait3A_398 = arith.constant 0 : i32
      %dma_wait3A_399 = tpu.memref_slice %arg2[%add3A_4, %dma_wait3A_398, %mul3A_394] : memref<64x4x160000xf32, #tpu.memory_space<hbm>> -> memref<1x4x3200xf32, #tpu.memory_space<hbm>>
      %dma_wait3A_400 = tpu.memref_squeeze %dma_wait3A_399 : memref<1x4x3200xf32, #tpu.memory_space<hbm>> -> memref<4x3200xf32, #tpu.memory_space<hbm>>
      tpu.wait_dma2 semaphore(%arg14 : memref<!tpu.dma_semaphore, #tpu.memory_space<semaphore_mem>>) src(%dma_wait3A_400 : memref<4x3200xf32, #tpu.memory_space<hbm>>) dst(%arg8 : memref<4x3200xf32, #tpu.memory_space<vmem>>)
      %add3A_401 = arith.constant 1 : i32
      %add3A_402 = arith.addi %mul3A_297, %add3A_401 : i32
      %mul3A_403 = arith.constant 3200 : i32
      %mul3A_404 = arith.muli %add3A_402, %mul3A_403 : i32
      %dma_wait3A_405 = arith.constant 0 : i32
      %dma_wait3A_406 = tpu.memref_slice %arg3[%add3A_4, %dma_wait3A_405, %mul3A_404] : memref<64x4x160000xf32, #tpu.memory_space<hbm>> -> memref<1x4x3200xf32, #tpu.memory_space<hbm>>
      %dma_wait3A_407 = tpu.memref_squeeze %dma_wait3A_406 : memref<1x4x3200xf32, #tpu.memory_space<hbm>> -> memref<4x3200xf32, #tpu.memory_space<hbm>>
      %dma_wait3A_408 = arith.constant 0 : i32
      %dma_wait3A_409 = tpu.memref_slice %arg3[%add3A_4, %dma_wait3A_408, %mul3A_404] : memref<64x4x160000xf32, #tpu.memory_space<hbm>> -> memref<1x4x3200xf32, #tpu.memory_space<hbm>>
      %dma_wait3A_410 = tpu.memref_squeeze %dma_wait3A_409 : memref<1x4x3200xf32, #tpu.memory_space<hbm>> -> memref<4x3200xf32, #tpu.memory_space<hbm>>
      tpu.wait_dma2 semaphore(%arg14 : memref<!tpu.dma_semaphore, #tpu.memory_space<semaphore_mem>>) src(%dma_wait3A_410 : memref<4x3200xf32, #tpu.memory_space<hbm>>) dst(%arg9 : memref<4x3200xf32, #tpu.memory_space<vmem>>)
      %gt3A_411 = arith.constant 0 : i32
      %gt3A_412 = arith.cmpi sgt, %scan3A_295, %gt3A_411 : i32
      %convert_element_type3A_413 = arith.extui %gt3A_412 : i1 to i32
      %cond3A_414 = arith.constant 0 : i32
      %cond3A_415 = arith.cmpi ne, %convert_element_type3A_413, %cond3A_414 : i32
      scf.if %cond3A_415 {
        %jit3A_469 = arith.constant 8 : i32
        %div3A_470 = arith.divsi %add3A_4, %jit3A_469 : i32
        %sign3A_471 = arith.constant 0 : i32
        %sign3A_472 = arith.cmpi sgt, %add3A_4, %sign3A_471 : i32
        %sign3A_473 = arith.extui %sign3A_472 : i1 to i32
        %sign3A_474 = arith.constant 0 : i32
        %sign3A_475 = arith.cmpi slt, %add3A_4, %sign3A_474 : i32
        %sign3A_476 = arith.extui %sign3A_475 : i1 to i32
        %sign3A_477 = arith.subi %sign3A_473, %sign3A_476 : i32
        %sign3A_478 = arith.constant 0 : i32
        %sign3A_479 = arith.cmpi sgt, %jit3A_469, %sign3A_478 : i32
        %sign3A_480 = arith.extui %sign3A_479 : i1 to i32
        %sign3A_481 = arith.constant 0 : i32
        %sign3A_482 = arith.cmpi slt, %jit3A_469, %sign3A_481 : i32
        %sign3A_483 = arith.extui %sign3A_482 : i1 to i32
        %sign3A_484 = arith.subi %sign3A_480, %sign3A_483 : i32
        %ne3A_485 = arith.cmpi ne, %sign3A_477, %sign3A_484 : i32
        %rem3A_486 = arith.remsi %add3A_4, %jit3A_469 : i32
        %ne3A_487 = arith.constant 0 : i32
        %ne3A_488 = arith.cmpi ne, %rem3A_486, %ne3A_487 : i32
        %and3A_489 = arith.andi %ne3A_485, %ne3A_488 : i1
        %sub3A_490 = arith.constant 1 : i32
        %sub3A_491 = arith.subi %div3A_470, %sub3A_490 : i32
        %select_n3A_492 = arith.select %and3A_489, %sub3A_491, %div3A_470 : i32
        %jit3A_493 = arith.constant 8 : i32
        %eq3A_494 = arith.constant 0 : i32
        %eq3A_495 = arith.cmpi eq, %jit3A_493, %eq3A_494 : i32
        %jit3A_496 = arith.constant 1 : i32
        %select_n3A_497 = arith.select %eq3A_495, %jit3A_496, %jit3A_493 : i32
        %rem3A_498 = arith.remsi %add3A_4, %select_n3A_497 : i32
        %ne3A_499 = arith.constant 0 : i32
        %ne3A_500 = arith.cmpi ne, %rem3A_498, %ne3A_499 : i32
        %lt3A_501 = arith.constant 0 : i32
        %lt3A_502 = arith.cmpi slt, %rem3A_498, %lt3A_501 : i32
        %lt3A_503 = arith.constant 0 : i32
        %lt3A_504 = arith.cmpi slt, %select_n3A_497, %lt3A_503 : i32
        %ne3A_505 = arith.xori %lt3A_502, %lt3A_504 : i1
        %and3A_506 = arith.andi %ne3A_505, %ne3A_500 : i1
        %add3A_507 = arith.addi %rem3A_498, %select_n3A_497 : i32
        %select_n3A_508 = arith.select %and3A_506, %add3A_507, %rem3A_498 : i32
        %dma_wait3A_509 = arith.constant 0 : i32
        %dma_wait3A_510 = arith.constant 0 : i32
        %dma_wait3A_511 = tpu.memref_slice %arg5[%select_n3A_492, %dma_wait3A_509, %select_n3A_508, %dma_wait3A_510] : memref<8x1250x8x128xf32, #tpu.memory_space<hbm>> -> memref<1x25x1x128xf32, #tpu.memory_space<hbm>>
        %dma_wait3A_512 = tpu.memref_squeeze %dma_wait3A_511 : memref<1x25x1x128xf32, #tpu.memory_space<hbm>> -> memref<25x128xf32, #tpu.memory_space<hbm>>
        %dma_wait3A_513 = arith.constant 0 : i32
        %dma_wait3A_514 = arith.constant 0 : i32
        %dma_wait3A_515 = tpu.memref_slice %arg5[%select_n3A_492, %dma_wait3A_513, %select_n3A_508, %dma_wait3A_514] : memref<8x1250x8x128xf32, #tpu.memory_space<hbm>> -> memref<1x25x1x128xf32, #tpu.memory_space<hbm>>
        %dma_wait3A_516 = tpu.memref_squeeze %dma_wait3A_515 : memref<1x25x1x128xf32, #tpu.memory_space<hbm>> -> memref<25x128xf32, #tpu.memory_space<hbm>>
        tpu.wait_dma2 semaphore(%arg15 : memref<!tpu.dma_semaphore, #tpu.memory_space<semaphore_mem>>) src(%arg11 : memref<25x128xf32, #tpu.memory_space<vmem>>) dst(%dma_wait3A_516 : memref<25x128xf32, #tpu.memory_space<hbm>>)
      } else {
      }
      %parallel_loop3A_416 = arith.constant 0 : i32
      %parallel_loop3A_417 = arith.constant 25 : i32
      %parallel_loop3A_418 = arith.constant 1 : i32
      scf.for %parallel_loop3A_469 = %parallel_loop3A_416 to %parallel_loop3A_417 step %parallel_loop3A_418  : i32 {
        %parallel_loop3A_470 = arith.constant 128 : i32
        %parallel_loop3A_471 = arith.muli %parallel_loop3A_469, %parallel_loop3A_470 : i32
        %parallel_loop3A_472 = arith.constant 0 : i32
        %parallel_loop3A_473 = arith.addi %parallel_loop3A_471, %parallel_loop3A_472 : i32
        %parallel_loop3A_474 = arith.constant 0 : i32
        %parallel_loop3A_475 = arith.index_cast %parallel_loop3A_474 : i32 to index
        %parallel_loop3A_476 = arith.index_cast %parallel_loop3A_473 : i32 to index
        %parallel_loop3A_477 = tpu.vector_load %arg8[%parallel_loop3A_475, %parallel_loop3A_476] {strides = array<i32>} : memref<4x3200xf32, #tpu.memory_space<vmem>>, vector<16xf32>,
        %parallel_loop3A_478 = arith.constant 1 : i32
        %parallel_loop3A_479 = arith.index_cast %parallel_loop3A_478 : i32 to index
        %parallel_loop3A_480 = arith.index_cast %parallel_loop3A_473 : i32 to index
        %parallel_loop3A_481 = tpu.vector_load %arg8[%parallel_loop3A_479, %parallel_loop3A_480] {strides = array<i32>} : memref<4x3200xf32, #tpu.memory_space<vmem>>, vector<16xf32>,
        %parallel_loop3A_482 = arith.constant 2 : i32
        %parallel_loop3A_483 = arith.index_cast %parallel_loop3A_482 : i32 to index
        %parallel_loop3A_484 = arith.index_cast %parallel_loop3A_473 : i32 to index
        %parallel_loop3A_485 = tpu.vector_load %arg8[%parallel_loop3A_483, %parallel_loop3A_484] {strides = array<i32>} : memref<4x3200xf32, #tpu.memory_space<vmem>>, vector<16xf32>,
        %parallel_loop3A_486 = arith.constant 3 : i32
        %parallel_loop3A_487 = arith.index_cast %parallel_loop3A_486 : i32 to index
        %parallel_loop3A_488 = arith.index_cast %parallel_loop3A_473 : i32 to index
        %parallel_loop3A_489 = tpu.vector_load %arg8[%parallel_loop3A_487, %parallel_loop3A_488] {strides = array<i32>} : memref<4x3200xf32, #tpu.memory_space<vmem>>, vector<16xf32>,
        %parallel_loop3A_490 = arith.constant 0 : i32
        %parallel_loop3A_491 = arith.index_cast %parallel_loop3A_490 : i32 to index
        %parallel_loop3A_492 = arith.index_cast %parallel_loop3A_473 : i32 to index
        %parallel_loop3A_493 = tpu.vector_load %arg9[%parallel_loop3A_491, %parallel_loop3A_492] {strides = array<i32>} : memref<4x3200xf32, #tpu.memory_space<vmem>>, vector<16xf32>,
        %parallel_loop3A_494 = arith.constant 1 : i32
        %parallel_loop3A_495 = arith.index_cast %parallel_loop3A_494 : i32 to index
        %parallel_loop3A_496 = arith.index_cast %parallel_loop3A_473 : i32 to index
        %parallel_loop3A_497 = tpu.vector_load %arg9[%parallel_loop3A_495, %parallel_loop3A_496] {strides = array<i32>} : memref<4x3200xf32, #tpu.memory_space<vmem>>, vector<16xf32>,
        %parallel_loop3A_498 = arith.constant 2 : i32
        %parallel_loop3A_499 = arith.index_cast %parallel_loop3A_498 : i32 to index
        %parallel_loop3A_500 = arith.index_cast %parallel_loop3A_473 : i32 to index
        %parallel_loop3A_501 = tpu.vector_load %arg9[%parallel_loop3A_499, %parallel_loop3A_500] {strides = array<i32>} : memref<4x3200xf32, #tpu.memory_space<vmem>>, vector<16xf32>,
        %parallel_loop3A_502 = arith.constant 3 : i32
        %parallel_loop3A_503 = arith.index_cast %parallel_loop3A_502 : i32 to index
        %parallel_loop3A_504 = arith.index_cast %parallel_loop3A_473 : i32 to index
        %parallel_loop3A_505 = tpu.vector_load %arg9[%parallel_loop3A_503, %parallel_loop3A_504] {strides = array<i32>} : memref<4x3200xf32, #tpu.memory_space<vmem>>, vector<16xf32>,
        %parallel_loop3A_506 = arith.mulf %parallel_loop3A_477, %parallel_loop3A_493 : vector<16xf32>
        %parallel_loop3A_507 = arith.mulf %get3A_11, %parallel_loop3A_506 : vector<16xf32>
        %parallel_loop3A_508 = arith.addf %parallel_loop3A_497, %parallel_loop3A_501 : vector<16xf32>
        %parallel_loop3A_509 = arith.addf %parallel_loop3A_508, %parallel_loop3A_505 : vector<16xf32>
        %parallel_loop3A_510 = arith.mulf %parallel_loop3A_477, %parallel_loop3A_509 : vector<16xf32>
        %parallel_loop3A_511 = arith.mulf %get3A_19, %parallel_loop3A_510 : vector<16xf32>
        %parallel_loop3A_512 = arith.addf %parallel_loop3A_507, %parallel_loop3A_511 : vector<16xf32>
        %parallel_loop3A_513 = arith.addf %parallel_loop3A_481, %parallel_loop3A_485 : vector<16xf32>
        %parallel_loop3A_514 = arith.addf %parallel_loop3A_513, %parallel_loop3A_489 : vector<16xf32>
        %parallel_loop3A_515 = arith.mulf %parallel_loop3A_514, %parallel_loop3A_493 : vector<16xf32>
        %parallel_loop3A_516 = arith.mulf %get3A_27, %parallel_loop3A_515 : vector<16xf32>
        %parallel_loop3A_517 = arith.mulf %parallel_loop3A_481, %parallel_loop3A_497 : vector<16xf32>
        %parallel_loop3A_518 = arith.mulf %parallel_loop3A_485, %parallel_loop3A_501 : vector<16xf32>
        %parallel_loop3A_519 = arith.addf %parallel_loop3A_517, %parallel_loop3A_518 : vector<16xf32>
        %parallel_loop3A_520 = arith.mulf %parallel_loop3A_489, %parallel_loop3A_505 : vector<16xf32>
        %parallel_loop3A_521 = arith.addf %parallel_loop3A_519, %parallel_loop3A_520 : vector<16xf32>
        %parallel_loop3A_522 = arith.mulf %get3A_35, %parallel_loop3A_521 : vector<16xf32>
        %parallel_loop3A_523 = arith.addf %parallel_loop3A_516, %parallel_loop3A_522 : vector<16xf32>
        %parallel_loop3A_524 = arith.addf %parallel_loop3A_512, %parallel_loop3A_523 : vector<16xf32>
        %parallel_loop3A_525 = arith.index_cast %parallel_loop3A_469 : i32 to index
        %parallel_loop3A_526 = arith.constant 0 : index
        %parallel_loop3A_527 = tpu.vector_load %arg11[%parallel_loop3A_525, %parallel_loop3A_526] {strides = array<i32>} : memref<25x128xf32, #tpu.memory_space<vmem>>, vector<16xf32>,
        tpu.vector_store %arg11[%parallel_loop3A_525, %parallel_loop3A_526], %parallel_loop3A_524 {strides = array<i32>} : memref<25x128xf32, #tpu.memory_space<vmem>>, vector<16xf32>,
        %parallel_loop3A_528 = arith.constant 128 : i32
        %parallel_loop3A_529 = arith.muli %parallel_loop3A_469, %parallel_loop3A_528 : i32
        %parallel_loop3A_530 = arith.constant 16 : i32
        %parallel_loop3A_531 = arith.addi %parallel_loop3A_529, %parallel_loop3A_530 : i32
        %parallel_loop3A_532 = arith.constant 0 : i32
        %parallel_loop3A_533 = arith.index_cast %parallel_loop3A_532 : i32 to index
        %parallel_loop3A_534 = arith.index_cast %parallel_loop3A_531 : i32 to index
        %parallel_loop3A_535 = tpu.vector_load %arg8[%parallel_loop3A_533, %parallel_loop3A_534] {strides = array<i32>} : memref<4x3200xf32, #tpu.memory_space<vmem>>, vector<16xf32>,
        %parallel_loop3A_536 = arith.constant 1 : i32
        %parallel_loop3A_537 = arith.index_cast %parallel_loop3A_536 : i32 to index
        %parallel_loop3A_538 = arith.index_cast %parallel_loop3A_531 : i32 to index
        %parallel_loop3A_539 = tpu.vector_load %arg8[%parallel_loop3A_537, %parallel_loop3A_538] {strides = array<i32>} : memref<4x3200xf32, #tpu.memory_space<vmem>>, vector<16xf32>,
        %parallel_loop3A_540 = arith.constant 2 : i32
        %parallel_loop3A_541 = arith.index_cast %parallel_loop3A_540 : i32 to index
        %parallel_loop3A_542 = arith.index_cast %parallel_loop3A_531 : i32 to index
        %parallel_loop3A_543 = tpu.vector_load %arg8[%parallel_loop3A_541, %parallel_loop3A_542] {strides = array<i32>} : memref<4x3200xf32, #tpu.memory_space<vmem>>, vector<16xf32>,
        %parallel_loop3A_544 = arith.constant 3 : i32
        %parallel_loop3A_545 = arith.index_cast %parallel_loop3A_544 : i32 to index
        %parallel_loop3A_546 = arith.index_cast %parallel_loop3A_531 : i32 to index
        %parallel_loop3A_547 = tpu.vector_load %arg8[%parallel_loop3A_545, %parallel_loop3A_546] {strides = array<i32>} : memref<4x3200xf32, #tpu.memory_space<vmem>>, vector<16xf32>,
        %parallel_loop3A_548 = arith.constant 0 : i32
        %parallel_loop3A_549 = arith.index_cast %parallel_loop3A_548 : i32 to index
        %parallel_loop3A_550 = arith.index_cast %parallel_loop3A_531 : i32 to index
        %parallel_loop3A_551 = tpu.vector_load %arg9[%parallel_loop3A_549, %parallel_loop3A_550] {strides = array<i32>} : memref<4x3200xf32, #tpu.memory_space<vmem>>, vector<16xf32>,
        %parallel_loop3A_552 = arith.constant 1 : i32
        %parallel_loop3A_553 = arith.index_cast %parallel_loop3A_552 : i32 to index
        %parallel_loop3A_554 = arith.index_cast %parallel_loop3A_531 : i32 to index
        %parallel_loop3A_555 = tpu.vector_load %arg9[%parallel_loop3A_553, %parallel_loop3A_554] {strides = array<i32>} : memref<4x3200xf32, #tpu.memory_space<vmem>>, vector<16xf32>,
        %parallel_loop3A_556 = arith.constant 2 : i32
        %parallel_loop3A_557 = arith.index_cast %parallel_loop3A_556 : i32 to index
        %parallel_loop3A_558 = arith.index_cast %parallel_loop3A_531 : i32 to index
        %parallel_loop3A_559 = tpu.vector_load %arg9[%parallel_loop3A_557, %parallel_loop3A_558] {strides = array<i32>} : memref<4x3200xf32, #tpu.memory_space<vmem>>, vector<16xf32>,
        %parallel_loop3A_560 = arith.constant 3 : i32
        %parallel_loop3A_561 = arith.index_cast %parallel_loop3A_560 : i32 to index
        %parallel_loop3A_562 = arith.index_cast %parallel_loop3A_531 : i32 to index
        %parallel_loop3A_563 = tpu.vector_load %arg9[%parallel_loop3A_561, %parallel_loop3A_562] {strides = array<i32>} : memref<4x3200xf32, #tpu.memory_space<vmem>>, vector<16xf32>,
        %parallel_loop3A_564 = arith.mulf %parallel_loop3A_535, %parallel_loop3A_551 : vector<16xf32>
        %parallel_loop3A_565 = arith.mulf %get3A_11, %parallel_loop3A_564 : vector<16xf32>
        %parallel_loop3A_566 = arith.addf %parallel_loop3A_555, %parallel_loop3A_559 : vector<16xf32>
        %parallel_loop3A_567 = arith.addf %parallel_loop3A_566, %parallel_loop3A_563 : vector<16xf32>
        %parallel_loop3A_568 = arith.mulf %parallel_loop3A_535, %parallel_loop3A_567 : vector<16xf32>
        %parallel_loop3A_569 = arith.mulf %get3A_19, %parallel_loop3A_568 : vector<16xf32>
        %parallel_loop3A_570 = arith.addf %parallel_loop3A_565, %parallel_loop3A_569 : vector<16xf32>
        %parallel_loop3A_571 = arith.addf %parallel_loop3A_539, %parallel_loop3A_543 : vector<16xf32>
        %parallel_loop3A_572 = arith.addf %parallel_loop3A_571, %parallel_loop3A_547 : vector<16xf32>
        %parallel_loop3A_573 = arith.mulf %parallel_loop3A_572, %parallel_loop3A_551 : vector<16xf32>
        %parallel_loop3A_574 = arith.mulf %get3A_27, %parallel_loop3A_573 : vector<16xf32>
        %parallel_loop3A_575 = arith.mulf %parallel_loop3A_539, %parallel_loop3A_555 : vector<16xf32>
        %parallel_loop3A_576 = arith.mulf %parallel_loop3A_543, %parallel_loop3A_559 : vector<16xf32>
        %parallel_loop3A_577 = arith.addf %parallel_loop3A_575, %parallel_loop3A_576 : vector<16xf32>
        %parallel_loop3A_578 = arith.mulf %parallel_loop3A_547, %parallel_loop3A_563 : vector<16xf32>
        %parallel_loop3A_579 = arith.addf %parallel_loop3A_577, %parallel_loop3A_578 : vector<16xf32>
        %parallel_loop3A_580 = arith.mulf %get3A_35, %parallel_loop3A_579 : vector<16xf32>
        %parallel_loop3A_581 = arith.addf %parallel_loop3A_574, %parallel_loop3A_580 : vector<16xf32>
        %parallel_loop3A_582 = arith.addf %parallel_loop3A_570, %parallel_loop3A_581 : vector<16xf32>
        %parallel_loop3A_583 = arith.index_cast %parallel_loop3A_469 : i32 to index
        %parallel_loop3A_584 = arith.constant 16 : index
        %parallel_loop3A_585 = tpu.vector_load %arg11[%parallel_loop3A_583, %parallel_loop3A_584] {strides = array<i32>} : memref<25x128xf32, #tpu.memory_space<vmem>>, vector<16xf32>,
        tpu.vector_store %arg11[%parallel_loop3A_583, %parallel_loop3A_584], %parallel_loop3A_582 {strides = array<i32>} : memref<25x128xf32, #tpu.memory_space<vmem>>, vector<16xf32>,
        %parallel_loop3A_586 = arith.constant 128 : i32
        %parallel_loop3A_587 = arith.muli %parallel_loop3A_469, %parallel_loop3A_586 : i32
        %parallel_loop3A_588 = arith.constant 32 : i32
        %parallel_loop3A_589 = arith.addi %parallel_loop3A_587, %parallel_loop3A_588 : i32
        %parallel_loop3A_590 = arith.constant 0 : i32
        %parallel_loop3A_591 = arith.index_cast %parallel_loop3A_590 : i32 to index
        %parallel_loop3A_592 = arith.index_cast %parallel_loop3A_589 : i32 to index
        %parallel_loop3A_593 = tpu.vector_load %arg8[%parallel_loop3A_591, %parallel_loop3A_592] {strides = array<i32>} : memref<4x3200xf32, #tpu.memory_space<vmem>>, vector<16xf32>,
        %parallel_loop3A_594 = arith.constant 1 : i32
        %parallel_loop3A_595 = arith.index_cast %parallel_loop3A_594 : i32 to index
        %parallel_loop3A_596 = arith.index_cast %parallel_loop3A_589 : i32 to index
        %parallel_loop3A_597 = tpu.vector_load %arg8[%parallel_loop3A_595, %parallel_loop3A_596] {strides = array<i32>} : memref<4x3200xf32, #tpu.memory_space<vmem>>, vector<16xf32>,
        %parallel_loop3A_598 = arith.constant 2 : i32
        %parallel_loop3A_599 = arith.index_cast %parallel_loop3A_598 : i32 to index
        %parallel_loop3A_600 = arith.index_cast %parallel_loop3A_589 : i32 to index
        %parallel_loop3A_601 = tpu.vector_load %arg8[%parallel_loop3A_599, %parallel_loop3A_600] {strides = array<i32>} : memref<4x3200xf32, #tpu.memory_space<vmem>>, vector<16xf32>,
        %parallel_loop3A_602 = arith.constant 3 : i32
        %parallel_loop3A_603 = arith.index_cast %parallel_loop3A_602 : i32 to index
        %parallel_loop3A_604 = arith.index_cast %parallel_loop3A_589 : i32 to index
        %parallel_loop3A_605 = tpu.vector_load %arg8[%parallel_loop3A_603, %parallel_loop3A_604] {strides = array<i32>} : memref<4x3200xf32, #tpu.memory_space<vmem>>, vector<16xf32>,
        %parallel_loop3A_606 = arith.constant 0 : i32
        %parallel_loop3A_607 = arith.index_cast %parallel_loop3A_606 : i32 to index
        %parallel_loop3A_608 = arith.index_cast %parallel_loop3A_589 : i32 to index
        %parallel_loop3A_609 = tpu.vector_load %arg9[%parallel_loop3A_607, %parallel_loop3A_608] {strides = array<i32>} : memref<4x3200xf32, #tpu.memory_space<vmem>>, vector<16xf32>,
        %parallel_loop3A_610 = arith.constant 1 : i32
        %parallel_loop3A_611 = arith.index_cast %parallel_loop3A_610 : i32 to index
        %parallel_loop3A_612 = arith.index_cast %parallel_loop3A_589 : i32 to index
        %parallel_loop3A_613 = tpu.vector_load %arg9[%parallel_loop3A_611, %parallel_loop3A_612] {strides = array<i32>} : memref<4x3200xf32, #tpu.memory_space<vmem>>, vector<16xf32>,
        %parallel_loop3A_614 = arith.constant 2 : i32
        %parallel_loop3A_615 = arith.index_cast %parallel_loop3A_614 : i32 to index
        %parallel_loop3A_616 = arith.index_cast %parallel_loop3A_589 : i32 to index
        %parallel_loop3A_617 = tpu.vector_load %arg9[%parallel_loop3A_615, %parallel_loop3A_616] {strides = array<i32>} : memref<4x3200xf32, #tpu.memory_space<vmem>>, vector<16xf32>,
        %parallel_loop3A_618 = arith.constant 3 : i32
        %parallel_loop3A_619 = arith.index_cast %parallel_loop3A_618 : i32 to index
        %parallel_loop3A_620 = arith.index_cast %parallel_loop3A_589 : i32 to index
        %parallel_loop3A_621 = tpu.vector_load %arg9[%parallel_loop3A_619, %parallel_loop3A_620] {strides = array<i32>} : memref<4x3200xf32, #tpu.memory_space<vmem>>, vector<16xf32>,
        %parallel_loop3A_622 = arith.mulf %parallel_loop3A_593, %parallel_loop3A_609 : vector<16xf32>
        %parallel_loop3A_623 = arith.mulf %get3A_11, %parallel_loop3A_622 : vector<16xf32>
        %parallel_loop3A_624 = arith.addf %parallel_loop3A_613, %parallel_loop3A_617 : vector<16xf32>
        %parallel_loop3A_625 = arith.addf %parallel_loop3A_624, %parallel_loop3A_621 : vector<16xf32>
        %parallel_loop3A_626 = arith.mulf %parallel_loop3A_593, %parallel_loop3A_625 : vector<16xf32>
        %parallel_loop3A_627 = arith.mulf %get3A_19, %parallel_loop3A_626 : vector<16xf32>
        %parallel_loop3A_628 = arith.addf %parallel_loop3A_623, %parallel_loop3A_627 : vector<16xf32>
        %parallel_loop3A_629 = arith.addf %parallel_loop3A_597, %parallel_loop3A_601 : vector<16xf32>
        %parallel_loop3A_630 = arith.addf %parallel_loop3A_629, %parallel_loop3A_605 : vector<16xf32>
        %parallel_loop3A_631 = arith.mulf %parallel_loop3A_630, %parallel_loop3A_609 : vector<16xf32>
        %parallel_loop3A_632 = arith.mulf %get3A_27, %parallel_loop3A_631 : vector<16xf32>
        %parallel_loop3A_633 = arith.mulf %parallel_loop3A_597, %parallel_loop3A_613 : vector<16xf32>
        %parallel_loop3A_634 = arith.mulf %parallel_loop3A_601, %parallel_loop3A_617 : vector<16xf32>
        %parallel_loop3A_635 = arith.addf %parallel_loop3A_633, %parallel_loop3A_634 : vector<16xf32>
        %parallel_loop3A_636 = arith.mulf %parallel_loop3A_605, %parallel_loop3A_621 : vector<16xf32>
        %parallel_loop3A_637 = arith.addf %parallel_loop3A_635, %parallel_loop3A_636 : vector<16xf32>
        %parallel_loop3A_638 = arith.mulf %get3A_35, %parallel_loop3A_637 : vector<16xf32>
        %parallel_loop3A_639 = arith.addf %parallel_loop3A_632, %parallel_loop3A_638 : vector<16xf32>
        %parallel_loop3A_640 = arith.addf %parallel_loop3A_628, %parallel_loop3A_639 : vector<16xf32>
        %parallel_loop3A_641 = arith.index_cast %parallel_loop3A_469 : i32 to index
        %parallel_loop3A_642 = arith.constant 32 : index
        %parallel_loop3A_643 = tpu.vector_load %arg11[%parallel_loop3A_641, %parallel_loop3A_642] {strides = array<i32>} : memref<25x128xf32, #tpu.memory_space<vmem>>, vector<16xf32>,
        tpu.vector_store %arg11[%parallel_loop3A_641, %parallel_loop3A_642], %parallel_loop3A_640 {strides = array<i32>} : memref<25x128xf32, #tpu.memory_space<vmem>>, vector<16xf32>,
        %parallel_loop3A_644 = arith.constant 128 : i32
        %parallel_loop3A_645 = arith.muli %parallel_loop3A_469, %parallel_loop3A_644 : i32
        %parallel_loop3A_646 = arith.constant 48 : i32
        %parallel_loop3A_647 = arith.addi %parallel_loop3A_645, %parallel_loop3A_646 : i32
        %parallel_loop3A_648 = arith.constant 0 : i32
        %parallel_loop3A_649 = arith.index_cast %parallel_loop3A_648 : i32 to index
        %parallel_loop3A_650 = arith.index_cast %parallel_loop3A_647 : i32 to index
        %parallel_loop3A_651 = tpu.vector_load %arg8[%parallel_loop3A_649, %parallel_loop3A_650] {strides = array<i32>} : memref<4x3200xf32, #tpu.memory_space<vmem>>, vector<16xf32>,
        %parallel_loop3A_652 = arith.constant 1 : i32
        %parallel_loop3A_653 = arith.index_cast %parallel_loop3A_652 : i32 to index
        %parallel_loop3A_654 = arith.index_cast %parallel_loop3A_647 : i32 to index
        %parallel_loop3A_655 = tpu.vector_load %arg8[%parallel_loop3A_653, %parallel_loop3A_654] {strides = array<i32>} : memref<4x3200xf32, #tpu.memory_space<vmem>>, vector<16xf32>,
        %parallel_loop3A_656 = arith.constant 2 : i32
        %parallel_loop3A_657 = arith.index_cast %parallel_loop3A_656 : i32 to index
        %parallel_loop3A_658 = arith.index_cast %parallel_loop3A_647 : i32 to index
        %parallel_loop3A_659 = tpu.vector_load %arg8[%parallel_loop3A_657, %parallel_loop3A_658] {strides = array<i32>} : memref<4x3200xf32, #tpu.memory_space<vmem>>, vector<16xf32>,
        %parallel_loop3A_660 = arith.constant 3 : i32
        %parallel_loop3A_661 = arith.index_cast %parallel_loop3A_660 : i32 to index
        %parallel_loop3A_662 = arith.index_cast %parallel_loop3A_647 : i32 to index
        %parallel_loop3A_663 = tpu.vector_load %arg8[%parallel_loop3A_661, %parallel_loop3A_662] {strides = array<i32>} : memref<4x3200xf32, #tpu.memory_space<vmem>>, vector<16xf32>,
        %parallel_loop3A_664 = arith.constant 0 : i32
        %parallel_loop3A_665 = arith.index_cast %parallel_loop3A_664 : i32 to index
        %parallel_loop3A_666 = arith.index_cast %parallel_loop3A_647 : i32 to index
        %parallel_loop3A_667 = tpu.vector_load %arg9[%parallel_loop3A_665, %parallel_loop3A_666] {strides = array<i32>} : memref<4x3200xf32, #tpu.memory_space<vmem>>, vector<16xf32>,
        %parallel_loop3A_668 = arith.constant 1 : i32
        %parallel_loop3A_669 = arith.index_cast %parallel_loop3A_668 : i32 to index
        %parallel_loop3A_670 = arith.index_cast %parallel_loop3A_647 : i32 to index
        %parallel_loop3A_671 = tpu.vector_load %arg9[%parallel_loop3A_669, %parallel_loop3A_670] {strides = array<i32>} : memref<4x3200xf32, #tpu.memory_space<vmem>>, vector<16xf32>,
        %parallel_loop3A_672 = arith.constant 2 : i32
        %parallel_loop3A_673 = arith.index_cast %parallel_loop3A_672 : i32 to index
        %parallel_loop3A_674 = arith.index_cast %parallel_loop3A_647 : i32 to index
        %parallel_loop3A_675 = tpu.vector_load %arg9[%parallel_loop3A_673, %parallel_loop3A_674] {strides = array<i32>} : memref<4x3200xf32, #tpu.memory_space<vmem>>, vector<16xf32>,
        %parallel_loop3A_676 = arith.constant 3 : i32
        %parallel_loop3A_677 = arith.index_cast %parallel_loop3A_676 : i32 to index
        %parallel_loop3A_678 = arith.index_cast %parallel_loop3A_647 : i32 to index
        %parallel_loop3A_679 = tpu.vector_load %arg9[%parallel_loop3A_677, %parallel_loop3A_678] {strides = array<i32>} : memref<4x3200xf32, #tpu.memory_space<vmem>>, vector<16xf32>,
        %parallel_loop3A_680 = arith.mulf %parallel_loop3A_651, %parallel_loop3A_667 : vector<16xf32>
        %parallel_loop3A_681 = arith.mulf %get3A_11, %parallel_loop3A_680 : vector<16xf32>
        %parallel_loop3A_682 = arith.addf %parallel_loop3A_671, %parallel_loop3A_675 : vector<16xf32>
        %parallel_loop3A_683 = arith.addf %parallel_loop3A_682, %parallel_loop3A_679 : vector<16xf32>
        %parallel_loop3A_684 = arith.mulf %parallel_loop3A_651, %parallel_loop3A_683 : vector<16xf32>
        %parallel_loop3A_685 = arith.mulf %get3A_19, %parallel_loop3A_684 : vector<16xf32>
        %parallel_loop3A_686 = arith.addf %parallel_loop3A_681, %parallel_loop3A_685 : vector<16xf32>
        %parallel_loop3A_687 = arith.addf %parallel_loop3A_655, %parallel_loop3A_659 : vector<16xf32>
        %parallel_loop3A_688 = arith.addf %parallel_loop3A_687, %parallel_loop3A_663 : vector<16xf32>
        %parallel_loop3A_689 = arith.mulf %parallel_loop3A_688, %parallel_loop3A_667 : vector<16xf32>
        %parallel_loop3A_690 = arith.mulf %get3A_27, %parallel_loop3A_689 : vector<16xf32>
        %parallel_loop3A_691 = arith.mulf %parallel_loop3A_655, %parallel_loop3A_671 : vector<16xf32>
        %parallel_loop3A_692 = arith.mulf %parallel_loop3A_659, %parallel_loop3A_675 : vector<16xf32>
        %parallel_loop3A_693 = arith.addf %parallel_loop3A_691, %parallel_loop3A_692 : vector<16xf32>
        %parallel_loop3A_694 = arith.mulf %parallel_loop3A_663, %parallel_loop3A_679 : vector<16xf32>
        %parallel_loop3A_695 = arith.addf %parallel_loop3A_693, %parallel_loop3A_694 : vector<16xf32>
        %parallel_loop3A_696 = arith.mulf %get3A_35, %parallel_loop3A_695 : vector<16xf32>
        %parallel_loop3A_697 = arith.addf %parallel_loop3A_690, %parallel_loop3A_696 : vector<16xf32>
        %parallel_loop3A_698 = arith.addf %parallel_loop3A_686, %parallel_loop3A_697 : vector<16xf32>
        %parallel_loop3A_699 = arith.index_cast %parallel_loop3A_469 : i32 to index
        %parallel_loop3A_700 = arith.constant 48 : index
        %parallel_loop3A_701 = tpu.vector_load %arg11[%parallel_loop3A_699, %parallel_loop3A_700] {strides = array<i32>} : memref<25x128xf32, #tpu.memory_space<vmem>>, vector<16xf32>,
        tpu.vector_store %arg11[%parallel_loop3A_699, %parallel_loop3A_700], %parallel_loop3A_698 {strides = array<i32>} : memref<25x128xf32, #tpu.memory_space<vmem>>, vector<16xf32>,
        %parallel_loop3A_702 = arith.constant 128 : i32
        %parallel_loop3A_703 = arith.muli %parallel_loop3A_469, %parallel_loop3A_702 : i32
        %parallel_loop3A_704 = arith.constant 64 : i32
        %parallel_loop3A_705 = arith.addi %parallel_loop3A_703, %parallel_loop3A_704 : i32
        %parallel_loop3A_706 = arith.constant 0 : i32
        %parallel_loop3A_707 = arith.index_cast %parallel_loop3A_706 : i32 to index
        %parallel_loop3A_708 = arith.index_cast %parallel_loop3A_705 : i32 to index
        %parallel_loop3A_709 = tpu.vector_load %arg8[%parallel_loop3A_707, %parallel_loop3A_708] {strides = array<i32>} : memref<4x3200xf32, #tpu.memory_space<vmem>>, vector<16xf32>,
        %parallel_loop3A_710 = arith.constant 1 : i32
        %parallel_loop3A_711 = arith.index_cast %parallel_loop3A_710 : i32 to index
        %parallel_loop3A_712 = arith.index_cast %parallel_loop3A_705 : i32 to index
        %parallel_loop3A_713 = tpu.vector_load %arg8[%parallel_loop3A_711, %parallel_loop3A_712] {strides = array<i32>} : memref<4x3200xf32, #tpu.memory_space<vmem>>, vector<16xf32>,
        %parallel_loop3A_714 = arith.constant 2 : i32
        %parallel_loop3A_715 = arith.index_cast %parallel_loop3A_714 : i32 to index
        %parallel_loop3A_716 = arith.index_cast %parallel_loop3A_705 : i32 to index
        %parallel_loop3A_717 = tpu.vector_load %arg8[%parallel_loop3A_715, %parallel_loop3A_716] {strides = array<i32>} : memref<4x3200xf32, #tpu.memory_space<vmem>>, vector<16xf32>,
        %parallel_loop3A_718 = arith.constant 3 : i32
        %parallel_loop3A_719 = arith.index_cast %parallel_loop3A_718 : i32 to index
        %parallel_loop3A_720 = arith.index_cast %parallel_loop3A_705 : i32 to index
        %parallel_loop3A_721 = tpu.vector_load %arg8[%parallel_loop3A_719, %parallel_loop3A_720] {strides = array<i32>} : memref<4x3200xf32, #tpu.memory_space<vmem>>, vector<16xf32>,
        %parallel_loop3A_722 = arith.constant 0 : i32
        %parallel_loop3A_723 = arith.index_cast %parallel_loop3A_722 : i32 to index
        %parallel_loop3A_724 = arith.index_cast %parallel_loop3A_705 : i32 to index
        %parallel_loop3A_725 = tpu.vector_load %arg9[%parallel_loop3A_723, %parallel_loop3A_724] {strides = array<i32>} : memref<4x3200xf32, #tpu.memory_space<vmem>>, vector<16xf32>,
        %parallel_loop3A_726 = arith.constant 1 : i32
        %parallel_loop3A_727 = arith.index_cast %parallel_loop3A_726 : i32 to index
        %parallel_loop3A_728 = arith.index_cast %parallel_loop3A_705 : i32 to index
        %parallel_loop3A_729 = tpu.vector_load %arg9[%parallel_loop3A_727, %parallel_loop3A_728] {strides = array<i32>} : memref<4x3200xf32, #tpu.memory_space<vmem>>, vector<16xf32>,
        %parallel_loop3A_730 = arith.constant 2 : i32
        %parallel_loop3A_731 = arith.index_cast %parallel_loop3A_730 : i32 to index
        %parallel_loop3A_732 = arith.index_cast %parallel_loop3A_705 : i32 to index
        %parallel_loop3A_733 = tpu.vector_load %arg9[%parallel_loop3A_731, %parallel_loop3A_732] {strides = array<i32>} : memref<4x3200xf32, #tpu.memory_space<vmem>>, vector<16xf32>,
        %parallel_loop3A_734 = arith.constant 3 : i32
        %parallel_loop3A_735 = arith.index_cast %parallel_loop3A_734 : i32 to index
        %parallel_loop3A_736 = arith.index_cast %parallel_loop3A_705 : i32 to index
        %parallel_loop3A_737 = tpu.vector_load %arg9[%parallel_loop3A_735, %parallel_loop3A_736] {strides = array<i32>} : memref<4x3200xf32, #tpu.memory_space<vmem>>, vector<16xf32>,
        %parallel_loop3A_738 = arith.mulf %parallel_loop3A_709, %parallel_loop3A_725 : vector<16xf32>
        %parallel_loop3A_739 = arith.mulf %get3A_11, %parallel_loop3A_738 : vector<16xf32>
        %parallel_loop3A_740 = arith.addf %parallel_loop3A_729, %parallel_loop3A_733 : vector<16xf32>
        %parallel_loop3A_741 = arith.addf %parallel_loop3A_740, %parallel_loop3A_737 : vector<16xf32>
        %parallel_loop3A_742 = arith.mulf %parallel_loop3A_709, %parallel_loop3A_741 : vector<16xf32>
        %parallel_loop3A_743 = arith.mulf %get3A_19, %parallel_loop3A_742 : vector<16xf32>
        %parallel_loop3A_744 = arith.addf %parallel_loop3A_739, %parallel_loop3A_743 : vector<16xf32>
        %parallel_loop3A_745 = arith.addf %parallel_loop3A_713, %parallel_loop3A_717 : vector<16xf32>
        %parallel_loop3A_746 = arith.addf %parallel_loop3A_745, %parallel_loop3A_721 : vector<16xf32>
        %parallel_loop3A_747 = arith.mulf %parallel_loop3A_746, %parallel_loop3A_725 : vector<16xf32>
        %parallel_loop3A_748 = arith.mulf %get3A_27, %parallel_loop3A_747 : vector<16xf32>
        %parallel_loop3A_749 = arith.mulf %parallel_loop3A_713, %parallel_loop3A_729 : vector<16xf32>
        %parallel_loop3A_750 = arith.mulf %parallel_loop3A_717, %parallel_loop3A_733 : vector<16xf32>
        %parallel_loop3A_751 = arith.addf %parallel_loop3A_749, %parallel_loop3A_750 : vector<16xf32>
        %parallel_loop3A_752 = arith.mulf %parallel_loop3A_721, %parallel_loop3A_737 : vector<16xf32>
        %parallel_loop3A_753 = arith.addf %parallel_loop3A_751, %parallel_loop3A_752 : vector<16xf32>
        %parallel_loop3A_754 = arith.mulf %get3A_35, %parallel_loop3A_753 : vector<16xf32>
        %parallel_loop3A_755 = arith.addf %parallel_loop3A_748, %parallel_loop3A_754 : vector<16xf32>
        %parallel_loop3A_756 = arith.addf %parallel_loop3A_744, %parallel_loop3A_755 : vector<16xf32>
        %parallel_loop3A_757 = arith.index_cast %parallel_loop3A_469 : i32 to index
        %parallel_loop3A_758 = arith.constant 64 : index
        %parallel_loop3A_759 = tpu.vector_load %arg11[%parallel_loop3A_757, %parallel_loop3A_758] {strides = array<i32>} : memref<25x128xf32, #tpu.memory_space<vmem>>, vector<16xf32>,
        tpu.vector_store %arg11[%parallel_loop3A_757, %parallel_loop3A_758], %parallel_loop3A_756 {strides = array<i32>} : memref<25x128xf32, #tpu.memory_space<vmem>>, vector<16xf32>,
        %parallel_loop3A_760 = arith.constant 128 : i32
        %parallel_loop3A_761 = arith.muli %parallel_loop3A_469, %parallel_loop3A_760 : i32
        %parallel_loop3A_762 = arith.constant 80 : i32
        %parallel_loop3A_763 = arith.addi %parallel_loop3A_761, %parallel_loop3A_762 : i32
        %parallel_loop3A_764 = arith.constant 0 : i32
        %parallel_loop3A_765 = arith.index_cast %parallel_loop3A_764 : i32 to index
        %parallel_loop3A_766 = arith.index_cast %parallel_loop3A_763 : i32 to index
        %parallel_loop3A_767 = tpu.vector_load %arg8[%parallel_loop3A_765, %parallel_loop3A_766] {strides = array<i32>} : memref<4x3200xf32, #tpu.memory_space<vmem>>, vector<16xf32>,
        %parallel_loop3A_768 = arith.constant 1 : i32
        %parallel_loop3A_769 = arith.index_cast %parallel_loop3A_768 : i32 to index
        %parallel_loop3A_770 = arith.index_cast %parallel_loop3A_763 : i32 to index
        %parallel_loop3A_771 = tpu.vector_load %arg8[%parallel_loop3A_769, %parallel_loop3A_770] {strides = array<i32>} : memref<4x3200xf32, #tpu.memory_space<vmem>>, vector<16xf32>,
        %parallel_loop3A_772 = arith.constant 2 : i32
        %parallel_loop3A_773 = arith.index_cast %parallel_loop3A_772 : i32 to index
        %parallel_loop3A_774 = arith.index_cast %parallel_loop3A_763 : i32 to index
        %parallel_loop3A_775 = tpu.vector_load %arg8[%parallel_loop3A_773, %parallel_loop3A_774] {strides = array<i32>} : memref<4x3200xf32, #tpu.memory_space<vmem>>, vector<16xf32>,
        %parallel_loop3A_776 = arith.constant 3 : i32
        %parallel_loop3A_777 = arith.index_cast %parallel_loop3A_776 : i32 to index
        %parallel_loop3A_778 = arith.index_cast %parallel_loop3A_763 : i32 to index
        %parallel_loop3A_779 = tpu.vector_load %arg8[%parallel_loop3A_777, %parallel_loop3A_778] {strides = array<i32>} : memref<4x3200xf32, #tpu.memory_space<vmem>>, vector<16xf32>,
        %parallel_loop3A_780 = arith.constant 0 : i32
        %parallel_loop3A_781 = arith.index_cast %parallel_loop3A_780 : i32 to index
        %parallel_loop3A_782 = arith.index_cast %parallel_loop3A_763 : i32 to index
        %parallel_loop3A_783 = tpu.vector_load %arg9[%parallel_loop3A_781, %parallel_loop3A_782] {strides = array<i32>} : memref<4x3200xf32, #tpu.memory_space<vmem>>, vector<16xf32>,
        %parallel_loop3A_784 = arith.constant 1 : i32
        %parallel_loop3A_785 = arith.index_cast %parallel_loop3A_784 : i32 to index
        %parallel_loop3A_786 = arith.index_cast %parallel_loop3A_763 : i32 to index
        %parallel_loop3A_787 = tpu.vector_load %arg9[%parallel_loop3A_785, %parallel_loop3A_786] {strides = array<i32>} : memref<4x3200xf32, #tpu.memory_space<vmem>>, vector<16xf32>,
        %parallel_loop3A_788 = arith.constant 2 : i32
        %parallel_loop3A_789 = arith.index_cast %parallel_loop3A_788 : i32 to index
        %parallel_loop3A_790 = arith.index_cast %parallel_loop3A_763 : i32 to index
        %parallel_loop3A_791 = tpu.vector_load %arg9[%parallel_loop3A_789, %parallel_loop3A_790] {strides = array<i32>} : memref<4x3200xf32, #tpu.memory_space<vmem>>, vector<16xf32>,
        %parallel_loop3A_792 = arith.constant 3 : i32
        %parallel_loop3A_793 = arith.index_cast %parallel_loop3A_792 : i32 to index
        %parallel_loop3A_794 = arith.index_cast %parallel_loop3A_763 : i32 to index
        %parallel_loop3A_795 = tpu.vector_load %arg9[%parallel_loop3A_793, %parallel_loop3A_794] {strides = array<i32>} : memref<4x3200xf32, #tpu.memory_space<vmem>>, vector<16xf32>,
        %parallel_loop3A_796 = arith.mulf %parallel_loop3A_767, %parallel_loop3A_783 : vector<16xf32>
        %parallel_loop3A_797 = arith.mulf %get3A_11, %parallel_loop3A_796 : vector<16xf32>
        %parallel_loop3A_798 = arith.addf %parallel_loop3A_787, %parallel_loop3A_791 : vector<16xf32>
        %parallel_loop3A_799 = arith.addf %parallel_loop3A_798, %parallel_loop3A_795 : vector<16xf32>
        %parallel_loop3A_800 = arith.mulf %parallel_loop3A_767, %parallel_loop3A_799 : vector<16xf32>
        %parallel_loop3A_801 = arith.mulf %get3A_19, %parallel_loop3A_800 : vector<16xf32>
        %parallel_loop3A_802 = arith.addf %parallel_loop3A_797, %parallel_loop3A_801 : vector<16xf32>
        %parallel_loop3A_803 = arith.addf %parallel_loop3A_771, %parallel_loop3A_775 : vector<16xf32>
        %parallel_loop3A_804 = arith.addf %parallel_loop3A_803, %parallel_loop3A_779 : vector<16xf32>
        %parallel_loop3A_805 = arith.mulf %parallel_loop3A_804, %parallel_loop3A_783 : vector<16xf32>
        %parallel_loop3A_806 = arith.mulf %get3A_27, %parallel_loop3A_805 : vector<16xf32>
        %parallel_loop3A_807 = arith.mulf %parallel_loop3A_771, %parallel_loop3A_787 : vector<16xf32>
        %parallel_loop3A_808 = arith.mulf %parallel_loop3A_775, %parallel_loop3A_791 : vector<16xf32>
        %parallel_loop3A_809 = arith.addf %parallel_loop3A_807, %parallel_loop3A_808 : vector<16xf32>
        %parallel_loop3A_810 = arith.mulf %parallel_loop3A_779, %parallel_loop3A_795 : vector<16xf32>
        %parallel_loop3A_811 = arith.addf %parallel_loop3A_809, %parallel_loop3A_810 : vector<16xf32>
        %parallel_loop3A_812 = arith.mulf %get3A_35, %parallel_loop3A_811 : vector<16xf32>
        %parallel_loop3A_813 = arith.addf %parallel_loop3A_806, %parallel_loop3A_812 : vector<16xf32>
        %parallel_loop3A_814 = arith.addf %parallel_loop3A_802, %parallel_loop3A_813 : vector<16xf32>
        %parallel_loop3A_815 = arith.index_cast %parallel_loop3A_469 : i32 to index
        %parallel_loop3A_816 = arith.constant 80 : index
        %parallel_loop3A_817 = tpu.vector_load %arg11[%parallel_loop3A_815, %parallel_loop3A_816] {strides = array<i32>} : memref<25x128xf32, #tpu.memory_space<vmem>>, vector<16xf32>,
        tpu.vector_store %arg11[%parallel_loop3A_815, %parallel_loop3A_816], %parallel_loop3A_814 {strides = array<i32>} : memref<25x128xf32, #tpu.memory_space<vmem>>, vector<16xf32>,
        %parallel_loop3A_818 = arith.constant 128 : i32
        %parallel_loop3A_819 = arith.muli %parallel_loop3A_469, %parallel_loop3A_818 : i32
        %parallel_loop3A_820 = arith.constant 96 : i32
        %parallel_loop3A_821 = arith.addi %parallel_loop3A_819, %parallel_loop3A_820 : i32
        %parallel_loop3A_822 = arith.constant 0 : i32
        %parallel_loop3A_823 = arith.index_cast %parallel_loop3A_822 : i32 to index
        %parallel_loop3A_824 = arith.index_cast %parallel_loop3A_821 : i32 to index
        %parallel_loop3A_825 = tpu.vector_load %arg8[%parallel_loop3A_823, %parallel_loop3A_824] {strides = array<i32>} : memref<4x3200xf32, #tpu.memory_space<vmem>>, vector<16xf32>,
        %parallel_loop3A_826 = arith.constant 1 : i32
        %parallel_loop3A_827 = arith.index_cast %parallel_loop3A_826 : i32 to index
        %parallel_loop3A_828 = arith.index_cast %parallel_loop3A_821 : i32 to index
        %parallel_loop3A_829 = tpu.vector_load %arg8[%parallel_loop3A_827, %parallel_loop3A_828] {strides = array<i32>} : memref<4x3200xf32, #tpu.memory_space<vmem>>, vector<16xf32>,
        %parallel_loop3A_830 = arith.constant 2 : i32
        %parallel_loop3A_831 = arith.index_cast %parallel_loop3A_830 : i32 to index
        %parallel_loop3A_832 = arith.index_cast %parallel_loop3A_821 : i32 to index
        %parallel_loop3A_833 = tpu.vector_load %arg8[%parallel_loop3A_831, %parallel_loop3A_832] {strides = array<i32>} : memref<4x3200xf32, #tpu.memory_space<vmem>>, vector<16xf32>,
        %parallel_loop3A_834 = arith.constant 3 : i32
        %parallel_loop3A_835 = arith.index_cast %parallel_loop3A_834 : i32 to index
        %parallel_loop3A_836 = arith.index_cast %parallel_loop3A_821 : i32 to index
        %parallel_loop3A_837 = tpu.vector_load %arg8[%parallel_loop3A_835, %parallel_loop3A_836] {strides = array<i32>} : memref<4x3200xf32, #tpu.memory_space<vmem>>, vector<16xf32>,
        %parallel_loop3A_838 = arith.constant 0 : i32
        %parallel_loop3A_839 = arith.index_cast %parallel_loop3A_838 : i32 to index
        %parallel_loop3A_840 = arith.index_cast %parallel_loop3A_821 : i32 to index
        %parallel_loop3A_841 = tpu.vector_load %arg9[%parallel_loop3A_839, %parallel_loop3A_840] {strides = array<i32>} : memref<4x3200xf32, #tpu.memory_space<vmem>>, vector<16xf32>,
        %parallel_loop3A_842 = arith.constant 1 : i32
        %parallel_loop3A_843 = arith.index_cast %parallel_loop3A_842 : i32 to index
        %parallel_loop3A_844 = arith.index_cast %parallel_loop3A_821 : i32 to index
        %parallel_loop3A_845 = tpu.vector_load %arg9[%parallel_loop3A_843, %parallel_loop3A_844] {strides = array<i32>} : memref<4x3200xf32, #tpu.memory_space<vmem>>, vector<16xf32>,
        %parallel_loop3A_846 = arith.constant 2 : i32
        %parallel_loop3A_847 = arith.index_cast %parallel_loop3A_846 : i32 to index
        %parallel_loop3A_848 = arith.index_cast %parallel_loop3A_821 : i32 to index
        %parallel_loop3A_849 = tpu.vector_load %arg9[%parallel_loop3A_847, %parallel_loop3A_848] {strides = array<i32>} : memref<4x3200xf32, #tpu.memory_space<vmem>>, vector<16xf32>,
        %parallel_loop3A_850 = arith.constant 3 : i32
        %parallel_loop3A_851 = arith.index_cast %parallel_loop3A_850 : i32 to index
        %parallel_loop3A_852 = arith.index_cast %parallel_loop3A_821 : i32 to index
        %parallel_loop3A_853 = tpu.vector_load %arg9[%parallel_loop3A_851, %parallel_loop3A_852] {strides = array<i32>} : memref<4x3200xf32, #tpu.memory_space<vmem>>, vector<16xf32>,
        %parallel_loop3A_854 = arith.mulf %parallel_loop3A_825, %parallel_loop3A_841 : vector<16xf32>
        %parallel_loop3A_855 = arith.mulf %get3A_11, %parallel_loop3A_854 : vector<16xf32>
        %parallel_loop3A_856 = arith.addf %parallel_loop3A_845, %parallel_loop3A_849 : vector<16xf32>
        %parallel_loop3A_857 = arith.addf %parallel_loop3A_856, %parallel_loop3A_853 : vector<16xf32>
        %parallel_loop3A_858 = arith.mulf %parallel_loop3A_825, %parallel_loop3A_857 : vector<16xf32>
        %parallel_loop3A_859 = arith.mulf %get3A_19, %parallel_loop3A_858 : vector<16xf32>
        %parallel_loop3A_860 = arith.addf %parallel_loop3A_855, %parallel_loop3A_859 : vector<16xf32>
        %parallel_loop3A_861 = arith.addf %parallel_loop3A_829, %parallel_loop3A_833 : vector<16xf32>
        %parallel_loop3A_862 = arith.addf %parallel_loop3A_861, %parallel_loop3A_837 : vector<16xf32>
        %parallel_loop3A_863 = arith.mulf %parallel_loop3A_862, %parallel_loop3A_841 : vector<16xf32>
        %parallel_loop3A_864 = arith.mulf %get3A_27, %parallel_loop3A_863 : vector<16xf32>
        %parallel_loop3A_865 = arith.mulf %parallel_loop3A_829, %parallel_loop3A_845 : vector<16xf32>
        %parallel_loop3A_866 = arith.mulf %parallel_loop3A_833, %parallel_loop3A_849 : vector<16xf32>
        %parallel_loop3A_867 = arith.addf %parallel_loop3A_865, %parallel_loop3A_866 : vector<16xf32>
        %parallel_loop3A_868 = arith.mulf %parallel_loop3A_837, %parallel_loop3A_853 : vector<16xf32>
        %parallel_loop3A_869 = arith.addf %parallel_loop3A_867, %parallel_loop3A_868 : vector<16xf32>
        %parallel_loop3A_870 = arith.mulf %get3A_35, %parallel_loop3A_869 : vector<16xf32>
        %parallel_loop3A_871 = arith.addf %parallel_loop3A_864, %parallel_loop3A_870 : vector<16xf32>
        %parallel_loop3A_872 = arith.addf %parallel_loop3A_860, %parallel_loop3A_871 : vector<16xf32>
        %parallel_loop3A_873 = arith.index_cast %parallel_loop3A_469 : i32 to index
        %parallel_loop3A_874 = arith.constant 96 : index
        %parallel_loop3A_875 = tpu.vector_load %arg11[%parallel_loop3A_873, %parallel_loop3A_874] {strides = array<i32>} : memref<25x128xf32, #tpu.memory_space<vmem>>, vector<16xf32>,
        tpu.vector_store %arg11[%parallel_loop3A_873, %parallel_loop3A_874], %parallel_loop3A_872 {strides = array<i32>} : memref<25x128xf32, #tpu.memory_space<vmem>>, vector<16xf32>,
        %parallel_loop3A_876 = arith.constant 128 : i32
        %parallel_loop3A_877 = arith.muli %parallel_loop3A_469, %parallel_loop3A_876 : i32
        %parallel_loop3A_878 = arith.constant 112 : i32
        %parallel_loop3A_879 = arith.addi %parallel_loop3A_877, %parallel_loop3A_878 : i32
        %parallel_loop3A_880 = arith.constant 0 : i32
        %parallel_loop3A_881 = arith.index_cast %parallel_loop3A_880 : i32 to index
        %parallel_loop3A_882 = arith.index_cast %parallel_loop3A_879 : i32 to index
        %parallel_loop3A_883 = tpu.vector_load %arg8[%parallel_loop3A_881, %parallel_loop3A_882] {strides = array<i32>} : memref<4x3200xf32, #tpu.memory_space<vmem>>, vector<16xf32>,
        %parallel_loop3A_884 = arith.constant 1 : i32
        %parallel_loop3A_885 = arith.index_cast %parallel_loop3A_884 : i32 to index
        %parallel_loop3A_886 = arith.index_cast %parallel_loop3A_879 : i32 to index
        %parallel_loop3A_887 = tpu.vector_load %arg8[%parallel_loop3A_885, %parallel_loop3A_886] {strides = array<i32>} : memref<4x3200xf32, #tpu.memory_space<vmem>>, vector<16xf32>,
        %parallel_loop3A_888 = arith.constant 2 : i32
        %parallel_loop3A_889 = arith.index_cast %parallel_loop3A_888 : i32 to index
        %parallel_loop3A_890 = arith.index_cast %parallel_loop3A_879 : i32 to index
        %parallel_loop3A_891 = tpu.vector_load %arg8[%parallel_loop3A_889, %parallel_loop3A_890] {strides = array<i32>} : memref<4x3200xf32, #tpu.memory_space<vmem>>, vector<16xf32>,
        %parallel_loop3A_892 = arith.constant 3 : i32
        %parallel_loop3A_893 = arith.index_cast %parallel_loop3A_892 : i32 to index
        %parallel_loop3A_894 = arith.index_cast %parallel_loop3A_879 : i32 to index
        %parallel_loop3A_895 = tpu.vector_load %arg8[%parallel_loop3A_893, %parallel_loop3A_894] {strides = array<i32>} : memref<4x3200xf32, #tpu.memory_space<vmem>>, vector<16xf32>,
        %parallel_loop3A_896 = arith.constant 0 : i32
        %parallel_loop3A_897 = arith.index_cast %parallel_loop3A_896 : i32 to index
        %parallel_loop3A_898 = arith.index_cast %parallel_loop3A_879 : i32 to index
        %parallel_loop3A_899 = tpu.vector_load %arg9[%parallel_loop3A_897, %parallel_loop3A_898] {strides = array<i32>} : memref<4x3200xf32, #tpu.memory_space<vmem>>, vector<16xf32>,
        %parallel_loop3A_900 = arith.constant 1 : i32
        %parallel_loop3A_901 = arith.index_cast %parallel_loop3A_900 : i32 to index
        %parallel_loop3A_902 = arith.index_cast %parallel_loop3A_879 : i32 to index
        %parallel_loop3A_903 = tpu.vector_load %arg9[%parallel_loop3A_901, %parallel_loop3A_902] {strides = array<i32>} : memref<4x3200xf32, #tpu.memory_space<vmem>>, vector<16xf32>,
        %parallel_loop3A_904 = arith.constant 2 : i32
        %parallel_loop3A_905 = arith.index_cast %parallel_loop3A_904 : i32 to index
        %parallel_loop3A_906 = arith.index_cast %parallel_loop3A_879 : i32 to index
        %parallel_loop3A_907 = tpu.vector_load %arg9[%parallel_loop3A_905, %parallel_loop3A_906] {strides = array<i32>} : memref<4x3200xf32, #tpu.memory_space<vmem>>, vector<16xf32>,
        %parallel_loop3A_908 = arith.constant 3 : i32
        %parallel_loop3A_909 = arith.index_cast %parallel_loop3A_908 : i32 to index
        %parallel_loop3A_910 = arith.index_cast %parallel_loop3A_879 : i32 to index
        %parallel_loop3A_911 = tpu.vector_load %arg9[%parallel_loop3A_909, %parallel_loop3A_910] {strides = array<i32>} : memref<4x3200xf32, #tpu.memory_space<vmem>>, vector<16xf32>,
        %parallel_loop3A_912 = arith.mulf %parallel_loop3A_883, %parallel_loop3A_899 : vector<16xf32>
        %parallel_loop3A_913 = arith.mulf %get3A_11, %parallel_loop3A_912 : vector<16xf32>
        %parallel_loop3A_914 = arith.addf %parallel_loop3A_903, %parallel_loop3A_907 : vector<16xf32>
        %parallel_loop3A_915 = arith.addf %parallel_loop3A_914, %parallel_loop3A_911 : vector<16xf32>
        %parallel_loop3A_916 = arith.mulf %parallel_loop3A_883, %parallel_loop3A_915 : vector<16xf32>
        %parallel_loop3A_917 = arith.mulf %get3A_19, %parallel_loop3A_916 : vector<16xf32>
        %parallel_loop3A_918 = arith.addf %parallel_loop3A_913, %parallel_loop3A_917 : vector<16xf32>
        %parallel_loop3A_919 = arith.addf %parallel_loop3A_887, %parallel_loop3A_891 : vector<16xf32>
        %parallel_loop3A_920 = arith.addf %parallel_loop3A_919, %parallel_loop3A_895 : vector<16xf32>
        %parallel_loop3A_921 = arith.mulf %parallel_loop3A_920, %parallel_loop3A_899 : vector<16xf32>
        %parallel_loop3A_922 = arith.mulf %get3A_27, %parallel_loop3A_921 : vector<16xf32>
        %parallel_loop3A_923 = arith.mulf %parallel_loop3A_887, %parallel_loop3A_903 : vector<16xf32>
        %parallel_loop3A_924 = arith.mulf %parallel_loop3A_891, %parallel_loop3A_907 : vector<16xf32>
        %parallel_loop3A_925 = arith.addf %parallel_loop3A_923, %parallel_loop3A_924 : vector<16xf32>
        %parallel_loop3A_926 = arith.mulf %parallel_loop3A_895, %parallel_loop3A_911 : vector<16xf32>
        %parallel_loop3A_927 = arith.addf %parallel_loop3A_925, %parallel_loop3A_926 : vector<16xf32>
        %parallel_loop3A_928 = arith.mulf %get3A_35, %parallel_loop3A_927 : vector<16xf32>
        %parallel_loop3A_929 = arith.addf %parallel_loop3A_922, %parallel_loop3A_928 : vector<16xf32>
        %parallel_loop3A_930 = arith.addf %parallel_loop3A_918, %parallel_loop3A_929 : vector<16xf32>
        %parallel_loop3A_931 = arith.index_cast %parallel_loop3A_469 : i32 to index
        %parallel_loop3A_932 = arith.constant 112 : index
        %parallel_loop3A_933 = tpu.vector_load %arg11[%parallel_loop3A_931, %parallel_loop3A_932] {strides = array<i32>} : memref<25x128xf32, #tpu.memory_space<vmem>>, vector<16xf32>,
        tpu.vector_store %arg11[%parallel_loop3A_931, %parallel_loop3A_932], %parallel_loop3A_930 {strides = array<i32>} : memref<25x128xf32, #tpu.memory_space<vmem>>, vector<16xf32>,
      } {sc.loop_unroll_factor = 5 : i64, sc.parallel_access}
      %add3A_419 = arith.constant 1 : i32
      %add3A_420 = arith.addi %mul3A_297, %add3A_419 : i32
      %jit3A_421 = arith.constant 8 : i32
      %div3A_422 = arith.divsi %add3A_4, %jit3A_421 : i32
      %sign3A_423 = arith.constant 0 : i32
      %sign3A_424 = arith.cmpi sgt, %add3A_4, %sign3A_423 : i32
      %sign3A_425 = arith.extui %sign3A_424 : i1 to i32
      %sign3A_426 = arith.constant 0 : i32
      %sign3A_427 = arith.cmpi slt, %add3A_4, %sign3A_426 : i32
      %sign3A_428 = arith.extui %sign3A_427 : i1 to i32
      %sign3A_429 = arith.subi %sign3A_425, %sign3A_428 : i32
      %sign3A_430 = arith.constant 0 : i32
      %sign3A_431 = arith.cmpi sgt, %jit3A_421, %sign3A_430 : i32
      %sign3A_432 = arith.extui %sign3A_431 : i1 to i32
      %sign3A_433 = arith.constant 0 : i32
      %sign3A_434 = arith.cmpi slt, %jit3A_421, %sign3A_433 : i32
      %sign3A_435 = arith.extui %sign3A_434 : i1 to i32
      %sign3A_436 = arith.subi %sign3A_432, %sign3A_435 : i32
      %ne3A_437 = arith.cmpi ne, %sign3A_429, %sign3A_436 : i32
      %rem3A_438 = arith.remsi %add3A_4, %jit3A_421 : i32
      %ne3A_439 = arith.constant 0 : i32
      %ne3A_440 = arith.cmpi ne, %rem3A_438, %ne3A_439 : i32
      %and3A_441 = arith.andi %ne3A_437, %ne3A_440 : i1
      %sub3A_442 = arith.constant 1 : i32
      %sub3A_443 = arith.subi %div3A_422, %sub3A_442 : i32
      %select_n3A_444 = arith.select %and3A_441, %sub3A_443, %div3A_422 : i32
      %mul3A_445 = arith.constant 25 : i32
      %mul3A_446 = arith.muli %add3A_420, %mul3A_445 : i32
      %jit3A_447 = arith.constant 8 : i32
      %eq3A_448 = arith.constant 0 : i32
      %eq3A_449 = arith.cmpi eq, %jit3A_447, %eq3A_448 : i32
      %jit3A_450 = arith.constant 1 : i32
      %select_n3A_451 = arith.select %eq3A_449, %jit3A_450, %jit3A_447 : i32
      %rem3A_452 = arith.remsi %add3A_4, %select_n3A_451 : i32
      %ne3A_453 = arith.constant 0 : i32
      %ne3A_454 = arith.cmpi ne, %rem3A_452, %ne3A_453 : i32
      %lt3A_455 = arith.constant 0 : i32
      %lt3A_456 = arith.cmpi slt, %rem3A_452, %lt3A_455 : i32
      %lt3A_457 = arith.constant 0 : i32
      %lt3A_458 = arith.cmpi slt, %select_n3A_451, %lt3A_457 : i32
      %ne3A_459 = arith.xori %lt3A_456, %lt3A_458 : i1
      %and3A_460 = arith.andi %ne3A_459, %ne3A_454 : i1
      %add3A_461 = arith.addi %rem3A_452, %select_n3A_451 : i32
      %select_n3A_462 = arith.select %and3A_460, %add3A_461, %rem3A_452 : i32
      %dma_start3A_463 = arith.constant 0 : i32
      %dma_start3A_464 = tpu.memref_slice %arg5[%select_n3A_444, %mul3A_446, %select_n3A_462, %dma_start3A_463] : memref<8x1250x8x128xf32, #tpu.memory_space<hbm>> -> memref<1x25x1x128xf32, #tpu.memory_space<hbm>>
      %dma_start3A_465 = tpu.memref_squeeze %dma_start3A_464 : memref<1x25x1x128xf32, #tpu.memory_space<hbm>> -> memref<25x128xf32, #tpu.memory_space<hbm>>
      %dma_start3A_466 = arith.constant 0 : i32
      %dma_start3A_467 = tpu.memref_slice %arg5[%select_n3A_444, %mul3A_446, %select_n3A_462, %dma_start3A_466] : memref<8x1250x8x128xf32, #tpu.memory_space<hbm>> -> memref<1x25x1x128xf32, #tpu.memory_space<hbm>>
      %dma_start3A_468 = tpu.memref_squeeze %dma_start3A_467 : memref<1x25x1x128xf32, #tpu.memory_space<hbm>> -> memref<25x128xf32, #tpu.memory_space<hbm>>
      tpu.enqueue_dma source(%arg11 : memref<25x128xf32, #tpu.memory_space<vmem>>) target(%dma_start3A_468 : memref<25x128xf32, #tpu.memory_space<hbm>>) target_semaphore(%arg15 : memref<!tpu.dma_semaphore, #tpu.memory_space<semaphore_mem>>)
    }
    %scan3A_55 = arith.constant 25 : i32
    %jit3A = arith.constant 8 : i32
    %div3A = arith.divsi %add3A_4, %jit3A : i32
    %sign3A = arith.constant 0 : i32
    %sign3A_56 = arith.cmpi sgt, %add3A_4, %sign3A : i32
    %sign3A_57 = arith.extui %sign3A_56 : i1 to i32
    %sign3A_58 = arith.constant 0 : i32
    %sign3A_59 = arith.cmpi slt, %add3A_4, %sign3A_58 : i32
    %sign3A_60 = arith.extui %sign3A_59 : i1 to i32
    %sign3A_61 = arith.subi %sign3A_57, %sign3A_60 : i32
    %sign3A_62 = arith.constant 0 : i32
    %sign3A_63 = arith.cmpi sgt, %jit3A, %sign3A_62 : i32
    %sign3A_64 = arith.extui %sign3A_63 : i1 to i32
    %sign3A_65 = arith.constant 0 : i32
    %sign3A_66 = arith.cmpi slt, %jit3A, %sign3A_65 : i32
    %sign3A_67 = arith.extui %sign3A_66 : i1 to i32
    %sign3A_68 = arith.subi %sign3A_64, %sign3A_67 : i32
    %ne3A = arith.cmpi ne, %sign3A_61, %sign3A_68 : i32
    %rem3A = arith.remsi %add3A_4, %jit3A : i32
    %ne3A_69 = arith.constant 0 : i32
    %ne3A_70 = arith.cmpi ne, %rem3A, %ne3A_69 : i32
    %and3A = arith.andi %ne3A, %ne3A_70 : i1
    %sub3A = arith.constant 1 : i32
    %sub3A_71 = arith.subi %div3A, %sub3A : i32
    %select_n3A = arith.select %and3A, %sub3A_71, %div3A : i32
    %jit3A_72 = arith.constant 8 : i32
    %eq3A = arith.constant 0 : i32
    %eq3A_73 = arith.cmpi eq, %jit3A_72, %eq3A : i32
    %jit3A_74 = arith.constant 1 : i32
    %select_n3A_75 = arith.select %eq3A_73, %jit3A_74, %jit3A_72 : i32
    %rem3A_76 = arith.remsi %add3A_4, %select_n3A_75 : i32
    %ne3A_77 = arith.constant 0 : i32
    %ne3A_78 = arith.cmpi ne, %rem3A_76, %ne3A_77 : i32
    %lt3A = arith.constant 0 : i32
    %lt3A_79 = arith.cmpi slt, %rem3A_76, %lt3A : i32
    %lt3A_80 = arith.constant 0 : i32
    %lt3A_81 = arith.cmpi slt, %select_n3A_75, %lt3A_80 : i32
    %ne3A_82 = arith.xori %lt3A_79, %lt3A_81 : i1
    %and3A_83 = arith.andi %ne3A_82, %ne3A_78 : i1
    %add3A_84 = arith.addi %rem3A_76, %select_n3A_75 : i32
    %select_n3A_85 = arith.select %and3A_83, %add3A_84, %rem3A_76 : i32
    %dma_wait3A = arith.constant 0 : i32
    %dma_wait3A_86 = arith.constant 0 : i32
    %dma_wait3A_87 = tpu.memref_slice %arg5[%select_n3A, %dma_wait3A, %select_n3A_85, %dma_wait3A_86] : memref<8x1250x8x128xf32, #tpu.memory_space<hbm>> -> memref<1x25x1x128xf32, #tpu.memory_space<hbm>>
    %dma_wait3A_88 = tpu.memref_squeeze %dma_wait3A_87 : memref<1x25x1x128xf32, #tpu.memory_space<hbm>> -> memref<25x128xf32, #tpu.memory_space<hbm>>
    %dma_wait3A_89 = arith.constant 0 : i32
    %dma_wait3A_90 = arith.constant 0 : i32
    %dma_wait3A_91 = tpu.memref_slice %arg5[%select_n3A, %dma_wait3A_89, %select_n3A_85, %dma_wait3A_90] : memref<8x1250x8x128xf32, #tpu.memory_space<hbm>> -> memref<1x25x1x128xf32, #tpu.memory_space<hbm>>
    %dma_wait3A_92 = tpu.memref_squeeze %dma_wait3A_91 : memref<1x25x1x128xf32, #tpu.memory_space<hbm>> -> memref<25x128xf32, #tpu.memory_space<hbm>>
    tpu.wait_dma2 semaphore(%arg15 : memref<!tpu.dma_semaphore, #tpu.memory_space<semaphore_mem>>) src(%arg10 : memref<25x128xf32, #tpu.memory_space<vmem>>) dst(%dma_wait3A_92 : memref<25x128xf32, #tpu.memory_space<hbm>>)
    %jit3A_93 = arith.constant 8 : i32
    %div3A_94 = arith.divsi %add3A_4, %jit3A_93 : i32
    %sign3A_95 = arith.constant 0 : i32
    %sign3A_96 = arith.cmpi sgt, %add3A_4, %sign3A_95 : i32
    %sign3A_97 = arith.extui %sign3A_96 : i1 to i32
    %sign3A_98 = arith.constant 0 : i32
    %sign3A_99 = arith.cmpi slt, %add3A_4, %sign3A_98 : i32
    %sign3A_100 = arith.extui %sign3A_99 : i1 to i32
    %sign3A_101 = arith.subi %sign3A_97, %sign3A_100 : i32
    %sign3A_102 = arith.constant 0 : i32
    %sign3A_103 = arith.cmpi sgt, %jit3A_93, %sign3A_102 : i32
    %sign3A_104 = arith.extui %sign3A_103 : i1 to i32
    %sign3A_105 = arith.constant 0 : i32
    %sign3A_106 = arith.cmpi slt, %jit3A_93, %sign3A_105 : i32
    %sign3A_107 = arith.extui %sign3A_106 : i1 to i32
    %sign3A_108 = arith.subi %sign3A_104, %sign3A_107 : i32
    %ne3A_109 = arith.cmpi ne, %sign3A_101, %sign3A_108 : i32
    %rem3A_110 = arith.remsi %add3A_4, %jit3A_93 : i32
    %ne3A_111 = arith.constant 0 : i32
    %ne3A_112 = arith.cmpi ne, %rem3A_110, %ne3A_111 : i32
    %and3A_113 = arith.andi %ne3A_109, %ne3A_112 : i1
    %sub3A_114 = arith.constant 1 : i32
    %sub3A_115 = arith.subi %div3A_94, %sub3A_114 : i32
    %select_n3A_116 = arith.select %and3A_113, %sub3A_115, %div3A_94 : i32
    %jit3A_117 = arith.constant 8 : i32
    %eq3A_118 = arith.constant 0 : i32
    %eq3A_119 = arith.cmpi eq, %jit3A_117, %eq3A_118 : i32
    %jit3A_120 = arith.constant 1 : i32
    %select_n3A_121 = arith.select %eq3A_119, %jit3A_120, %jit3A_117 : i32
    %rem3A_122 = arith.remsi %add3A_4, %select_n3A_121 : i32
    %ne3A_123 = arith.constant 0 : i32
    %ne3A_124 = arith.cmpi ne, %rem3A_122, %ne3A_123 : i32
    %lt3A_125 = arith.constant 0 : i32
    %lt3A_126 = arith.cmpi slt, %rem3A_122, %lt3A_125 : i32
    %lt3A_127 = arith.constant 0 : i32
    %lt3A_128 = arith.cmpi slt, %select_n3A_121, %lt3A_127 : i32
    %ne3A_129 = arith.xori %lt3A_126, %lt3A_128 : i1
    %and3A_130 = arith.andi %ne3A_129, %ne3A_124 : i1
    %add3A_131 = arith.addi %rem3A_122, %select_n3A_121 : i32
    %select_n3A_132 = arith.select %and3A_130, %add3A_131, %rem3A_122 : i32
    %dma_wait3A_133 = arith.constant 0 : i32
    %dma_wait3A_134 = arith.constant 0 : i32
    %dma_wait3A_135 = tpu.memref_slice %arg5[%select_n3A_116, %dma_wait3A_133, %select_n3A_132, %dma_wait3A_134] : memref<8x1250x8x128xf32, #tpu.memory_space<hbm>> -> memref<1x25x1x128xf32, #tpu.memory_space<hbm>>
    %dma_wait3A_136 = tpu.memref_squeeze %dma_wait3A_135 : memref<1x25x1x128xf32, #tpu.memory_space<hbm>> -> memref<25x128xf32, #tpu.memory_space<hbm>>
    %dma_wait3A_137 = arith.constant 0 : i32
    %dma_wait3A_138 = arith.constant 0 : i32
    %dma_wait3A_139 = tpu.memref_slice %arg5[%select_n3A_116, %dma_wait3A_137, %select_n3A_132, %dma_wait3A_138] : memref<8x1250x8x128xf32, #tpu.memory_space<hbm>> -> memref<1x25x1x128xf32, #tpu.memory_space<hbm>>
    %dma_wait3A_140 = tpu.memref_squeeze %dma_wait3A_139 : memref<1x25x1x128xf32, #tpu.memory_space<hbm>> -> memref<25x128xf32, #tpu.memory_space<hbm>>
    tpu.wait_dma2 semaphore(%arg15 : memref<!tpu.dma_semaphore, #tpu.memory_space<semaphore_mem>>) src(%arg11 : memref<25x128xf32, #tpu.memory_space<vmem>>) dst(%dma_wait3A_140 : memref<25x128xf32, #tpu.memory_space<hbm>>)
    %mul3A_141 = arith.constant 2 : i32
    %mul3A_142 = arith.muli %add3A, %mul3A_141 : i32
    %add3A_143 = arith.constant 1 : i32
    %add3A_144 = arith.addi %mul3A_142, %add3A_143 : i32
    %mul3A_145 = arith.constant 4 : i32
    %mul3A_146 = arith.muli %add3A_144, %mul3A_145 : i32
    %add3A_147 = arith.constant 0 : i32
    %add3A_148 = arith.addi %mul3A_146, %add3A_147 : i32
    %mul3A_149 = arith.constant 16 : i32
    %mul3A_150 = arith.muli %add3A_148, %mul3A_149 : i32
    %get3A_151 = arith.index_cast %mul3A_150 : i32 to index
    %get3A_152 = tpu.vector_load %arg12[%get3A_151] {strides = array<i32>} : memref<4096xf32, #tpu.memory_space<vmem>>, vector<16xf32>,
    %mul3A_153 = arith.constant 4 : i32
    %mul3A_154 = arith.muli %add3A_144, %mul3A_153 : i32
    %add3A_155 = arith.constant 1 : i32
    %add3A_156 = arith.addi %mul3A_154, %add3A_155 : i32
    %mul3A_157 = arith.constant 16 : i32
    %mul3A_158 = arith.muli %add3A_156, %mul3A_157 : i32
    %get3A_159 = arith.index_cast %mul3A_158 : i32 to index
    %get3A_160 = tpu.vector_load %arg12[%get3A_159] {strides = array<i32>} : memref<4096xf32, #tpu.memory_space<vmem>>, vector<16xf32>,
    %mul3A_161 = arith.constant 4 : i32
    %mul3A_162 = arith.muli %add3A_144, %mul3A_161 : i32
    %add3A_163 = arith.constant 2 : i32
    %add3A_164 = arith.addi %mul3A_162, %add3A_163 : i32
    %mul3A_165 = arith.constant 16 : i32
    %mul3A_166 = arith.muli %add3A_164, %mul3A_165 : i32
    %get3A_167 = arith.index_cast %mul3A_166 : i32 to index
    %get3A_168 = tpu.vector_load %arg12[%get3A_167] {strides = array<i32>} : memref<4096xf32, #tpu.memory_space<vmem>>, vector<16xf32>,
    %mul3A_169 = arith.constant 4 : i32
    %mul3A_170 = arith.muli %add3A_144, %mul3A_169 : i32
    %add3A_171 = arith.constant 3 : i32
    %add3A_172 = arith.addi %mul3A_170, %add3A_171 : i32
    %mul3A_173 = arith.constant 16 : i32
    %mul3A_174 = arith.muli %add3A_172, %mul3A_173 : i32
    %get3A_175 = arith.index_cast %mul3A_174 : i32 to index
    %get3A_176 = tpu.vector_load %arg12[%get3A_175] {strides = array<i32>} : memref<4096xf32, #tpu.memory_space<vmem>>, vector<16xf32>,
    %dma_start3A_177 = arith.constant 0 : i32
    %dma_start3A_178 = arith.constant 0 : i32
    %dma_start3A_179 = tpu.memref_slice %arg2[%add3A_144, %dma_start3A_177, %dma_start3A_178] : memref<64x4x160000xf32, #tpu.memory_space<hbm>> -> memref<1x4x3200xf32, #tpu.memory_space<hbm>>
    %dma_start3A_180 = tpu.memref_squeeze %dma_start3A_179 : memref<1x4x3200xf32, #tpu.memory_space<hbm>> -> memref<4x3200xf32, #tpu.memory_space<hbm>>
    %dma_start3A_181 = arith.constant 0 : i32
    %dma_start3A_182 = arith.constant 0 : i32
    %dma_start3A_183 = tpu.memref_slice %arg2[%add3A_144, %dma_start3A_181, %dma_start3A_182] : memref<64x4x160000xf32, #tpu.memory_space<hbm>> -> memref<1x4x3200xf32, #tpu.memory_space<hbm>>
    %dma_start3A_184 = tpu.memref_squeeze %dma_start3A_183 : memref<1x4x3200xf32, #tpu.memory_space<hbm>> -> memref<4x3200xf32, #tpu.memory_space<hbm>>
    tpu.enqueue_dma source(%dma_start3A_184 : memref<4x3200xf32, #tpu.memory_space<hbm>>) target(%arg6 : memref<4x3200xf32, #tpu.memory_space<vmem>>) target_semaphore(%arg13 : memref<!tpu.dma_semaphore, #tpu.memory_space<semaphore_mem>>)
    %dma_start3A_185 = arith.constant 0 : i32
    %dma_start3A_186 = arith.constant 0 : i32
    %dma_start3A_187 = tpu.memref_slice %arg3[%add3A_144, %dma_start3A_185, %dma_start3A_186] : memref<64x4x160000xf32, #tpu.memory_space<hbm>> -> memref<1x4x3200xf32, #tpu.memory_space<hbm>>
    %dma_start3A_188 = tpu.memref_squeeze %dma_start3A_187 : memref<1x4x3200xf32, #tpu.memory_space<hbm>> -> memref<4x3200xf32, #tpu.memory_space<hbm>>
    %dma_start3A_189 = arith.constant 0 : i32
    %dma_start3A_190 = arith.constant 0 : i32
    %dma_start3A_191 = tpu.memref_slice %arg3[%add3A_144, %dma_start3A_189, %dma_start3A_190] : memref<64x4x160000xf32, #tpu.memory_space<hbm>> -> memref<1x4x3200xf32, #tpu.memory_space<hbm>>
    %dma_start3A_192 = tpu.memref_squeeze %dma_start3A_191 : memref<1x4x3200xf32, #tpu.memory_space<hbm>> -> memref<4x3200xf32, #tpu.memory_space<hbm>>
    tpu.enqueue_dma source(%dma_start3A_192 : memref<4x3200xf32, #tpu.memory_space<hbm>>) target(%arg7 : memref<4x3200xf32, #tpu.memory_space<vmem>>) target_semaphore(%arg13 : memref<!tpu.dma_semaphore, #tpu.memory_space<semaphore_mem>>)
    %scan3A_193 = arith.constant 0 : i32
    %scan3A_194 = arith.constant 0 : i32
    %scan3A_195 = arith.constant 25 : i32
    %scan3A_196 = arith.addi %scan3A_194, %scan3A_195 : i32
    %scan3A_197 = arith.constant 1 : i32
    scf.for %scan3A_295 = %scan3A_194 to %scan3A_196 step %scan3A_197  : i32 {
      %mul3A_296 = arith.constant 2 : i32
      %mul3A_297 = arith.muli %mul3A_296, %scan3A_295 : i32
      %add3A_298 = arith.constant 1 : i32
      %add3A_299 = arith.addi %mul3A_297, %add3A_298 : i32
      %mul3A_300 = arith.constant 3200 : i32
      %mul3A_301 = arith.muli %add3A_299, %mul3A_300 : i32
      %dma_start3A_302 = arith.constant 0 : i32
      %dma_start3A_303 = tpu.memref_slice %arg2[%add3A_144, %dma_start3A_302, %mul3A_301] : memref<64x4x160000xf32, #tpu.memory_space<hbm>> -> memref<1x4x3200xf32, #tpu.memory_space<hbm>>
      %dma_start3A_304 = tpu.memref_squeeze %dma_start3A_303 : memref<1x4x3200xf32, #tpu.memory_space<hbm>> -> memref<4x3200xf32, #tpu.memory_space<hbm>>
      %dma_start3A_305 = arith.constant 0 : i32
      %dma_start3A_306 = tpu.memref_slice %arg2[%add3A_144, %dma_start3A_305, %mul3A_301] : memref<64x4x160000xf32, #tpu.memory_space<hbm>> -> memref<1x4x3200xf32, #tpu.memory_space<hbm>>
      %dma_start3A_307 = tpu.memref_squeeze %dma_start3A_306 : memref<1x4x3200xf32, #tpu.memory_space<hbm>> -> memref<4x3200xf32, #tpu.memory_space<hbm>>
      tpu.enqueue_dma source(%dma_start3A_307 : memref<4x3200xf32, #tpu.memory_space<hbm>>) target(%arg8 : memref<4x3200xf32, #tpu.memory_space<vmem>>) target_semaphore(%arg14 : memref<!tpu.dma_semaphore, #tpu.memory_space<semaphore_mem>>)
      %add3A_308 = arith.constant 1 : i32
      %add3A_309 = arith.addi %mul3A_297, %add3A_308 : i32
      %mul3A_310 = arith.constant 3200 : i32
      %mul3A_311 = arith.muli %add3A_309, %mul3A_310 : i32
      %dma_start3A_312 = arith.constant 0 : i32
      %dma_start3A_313 = tpu.memref_slice %arg3[%add3A_144, %dma_start3A_312, %mul3A_311] : memref<64x4x160000xf32, #tpu.memory_space<hbm>> -> memref<1x4x3200xf32, #tpu.memory_space<hbm>>
      %dma_start3A_314 = tpu.memref_squeeze %dma_start3A_313 : memref<1x4x3200xf32, #tpu.memory_space<hbm>> -> memref<4x3200xf32, #tpu.memory_space<hbm>>
      %dma_start3A_315 = arith.constant 0 : i32
      %dma_start3A_316 = tpu.memref_slice %arg3[%add3A_144, %dma_start3A_315, %mul3A_311] : memref<64x4x160000xf32, #tpu.memory_space<hbm>> -> memref<1x4x3200xf32, #tpu.memory_space<hbm>>
      %dma_start3A_317 = tpu.memref_squeeze %dma_start3A_316 : memref<1x4x3200xf32, #tpu.memory_space<hbm>> -> memref<4x3200xf32, #tpu.memory_space<hbm>>
      tpu.enqueue_dma source(%dma_start3A_317 : memref<4x3200xf32, #tpu.memory_space<hbm>>) target(%arg9 : memref<4x3200xf32, #tpu.memory_space<vmem>>) target_semaphore(%arg14 : memref<!tpu.dma_semaphore, #tpu.memory_space<semaphore_mem>>)
      %mul3A_318 = arith.constant 3200 : i32
      %mul3A_319 = arith.muli %mul3A_297, %mul3A_318 : i32
      %dma_wait3A_320 = arith.constant 0 : i32
      %dma_wait3A_321 = tpu.memref_slice %arg2[%add3A_144, %dma_wait3A_320, %mul3A_319] : memref<64x4x160000xf32, #tpu.memory_space<hbm>> -> memref<1x4x3200xf32, #tpu.memory_space<hbm>>
      %dma_wait3A_322 = tpu.memref_squeeze %dma_wait3A_321 : memref<1x4x3200xf32, #tpu.memory_space<hbm>> -> memref<4x3200xf32, #tpu.memory_space<hbm>>
      %dma_wait3A_323 = arith.constant 0 : i32
      %dma_wait3A_324 = tpu.memref_slice %arg2[%add3A_144, %dma_wait3A_323, %mul3A_319] : memref<64x4x160000xf32, #tpu.memory_space<hbm>> -> memref<1x4x3200xf32, #tpu.memory_space<hbm>>
      %dma_wait3A_325 = tpu.memref_squeeze %dma_wait3A_324 : memref<1x4x3200xf32, #tpu.memory_space<hbm>> -> memref<4x3200xf32, #tpu.memory_space<hbm>>
      tpu.wait_dma2 semaphore(%arg13 : memref<!tpu.dma_semaphore, #tpu.memory_space<semaphore_mem>>) src(%dma_wait3A_325 : memref<4x3200xf32, #tpu.memory_space<hbm>>) dst(%arg6 : memref<4x3200xf32, #tpu.memory_space<vmem>>)
      %mul3A_326 = arith.constant 3200 : i32
      %mul3A_327 = arith.muli %mul3A_297, %mul3A_326 : i32
      %dma_wait3A_328 = arith.constant 0 : i32
      %dma_wait3A_329 = tpu.memref_slice %arg3[%add3A_144, %dma_wait3A_328, %mul3A_327] : memref<64x4x160000xf32, #tpu.memory_space<hbm>> -> memref<1x4x3200xf32, #tpu.memory_space<hbm>>
      %dma_wait3A_330 = tpu.memref_squeeze %dma_wait3A_329 : memref<1x4x3200xf32, #tpu.memory_space<hbm>> -> memref<4x3200xf32, #tpu.memory_space<hbm>>
      %dma_wait3A_331 = arith.constant 0 : i32
      %dma_wait3A_332 = tpu.memref_slice %arg3[%add3A_144, %dma_wait3A_331, %mul3A_327] : memref<64x4x160000xf32, #tpu.memory_space<hbm>> -> memref<1x4x3200xf32, #tpu.memory_space<hbm>>
      %dma_wait3A_333 = tpu.memref_squeeze %dma_wait3A_332 : memref<1x4x3200xf32, #tpu.memory_space<hbm>> -> memref<4x3200xf32, #tpu.memory_space<hbm>>
      tpu.wait_dma2 semaphore(%arg13 : memref<!tpu.dma_semaphore, #tpu.memory_space<semaphore_mem>>) src(%dma_wait3A_333 : memref<4x3200xf32, #tpu.memory_space<hbm>>) dst(%arg7 : memref<4x3200xf32, #tpu.memory_space<vmem>>)
      %gt3A = arith.constant 0 : i32
      %gt3A_334 = arith.cmpi sgt, %scan3A_295, %gt3A : i32
      %convert_element_type3A = arith.extui %gt3A_334 : i1 to i32
      %cond3A = arith.constant 0 : i32
      %cond3A_335 = arith.cmpi ne, %convert_element_type3A, %cond3A : i32
      scf.if %cond3A_335 {
        %jit3A_469 = arith.constant 8 : i32
        %div3A_470 = arith.divsi %add3A_144, %jit3A_469 : i32
        %sign3A_471 = arith.constant 0 : i32
        %sign3A_472 = arith.cmpi sgt, %add3A_144, %sign3A_471 : i32
        %sign3A_473 = arith.extui %sign3A_472 : i1 to i32
        %sign3A_474 = arith.constant 0 : i32
        %sign3A_475 = arith.cmpi slt, %add3A_144, %sign3A_474 : i32
        %sign3A_476 = arith.extui %sign3A_475 : i1 to i32
        %sign3A_477 = arith.subi %sign3A_473, %sign3A_476 : i32
        %sign3A_478 = arith.constant 0 : i32
        %sign3A_479 = arith.cmpi sgt, %jit3A_469, %sign3A_478 : i32
        %sign3A_480 = arith.extui %sign3A_479 : i1 to i32
        %sign3A_481 = arith.constant 0 : i32
        %sign3A_482 = arith.cmpi slt, %jit3A_469, %sign3A_481 : i32
        %sign3A_483 = arith.extui %sign3A_482 : i1 to i32
        %sign3A_484 = arith.subi %sign3A_480, %sign3A_483 : i32
        %ne3A_485 = arith.cmpi ne, %sign3A_477, %sign3A_484 : i32
        %rem3A_486 = arith.remsi %add3A_144, %jit3A_469 : i32
        %ne3A_487 = arith.constant 0 : i32
        %ne3A_488 = arith.cmpi ne, %rem3A_486, %ne3A_487 : i32
        %and3A_489 = arith.andi %ne3A_485, %ne3A_488 : i1
        %sub3A_490 = arith.constant 1 : i32
        %sub3A_491 = arith.subi %div3A_470, %sub3A_490 : i32
        %select_n3A_492 = arith.select %and3A_489, %sub3A_491, %div3A_470 : i32
        %jit3A_493 = arith.constant 8 : i32
        %eq3A_494 = arith.constant 0 : i32
        %eq3A_495 = arith.cmpi eq, %jit3A_493, %eq3A_494 : i32
        %jit3A_496 = arith.constant 1 : i32
        %select_n3A_497 = arith.select %eq3A_495, %jit3A_496, %jit3A_493 : i32
        %rem3A_498 = arith.remsi %add3A_144, %select_n3A_497 : i32
        %ne3A_499 = arith.constant 0 : i32
        %ne3A_500 = arith.cmpi ne, %rem3A_498, %ne3A_499 : i32
        %lt3A_501 = arith.constant 0 : i32
        %lt3A_502 = arith.cmpi slt, %rem3A_498, %lt3A_501 : i32
        %lt3A_503 = arith.constant 0 : i32
        %lt3A_504 = arith.cmpi slt, %select_n3A_497, %lt3A_503 : i32
        %ne3A_505 = arith.xori %lt3A_502, %lt3A_504 : i1
        %and3A_506 = arith.andi %ne3A_505, %ne3A_500 : i1
        %add3A_507 = arith.addi %rem3A_498, %select_n3A_497 : i32
        %select_n3A_508 = arith.select %and3A_506, %add3A_507, %rem3A_498 : i32
        %dma_wait3A_509 = arith.constant 0 : i32
        %dma_wait3A_510 = arith.constant 0 : i32
        %dma_wait3A_511 = tpu.memref_slice %arg5[%select_n3A_492, %dma_wait3A_509, %select_n3A_508, %dma_wait3A_510] : memref<8x1250x8x128xf32, #tpu.memory_space<hbm>> -> memref<1x25x1x128xf32, #tpu.memory_space<hbm>>
        %dma_wait3A_512 = tpu.memref_squeeze %dma_wait3A_511 : memref<1x25x1x128xf32, #tpu.memory_space<hbm>> -> memref<25x128xf32, #tpu.memory_space<hbm>>
        %dma_wait3A_513 = arith.constant 0 : i32
        %dma_wait3A_514 = arith.constant 0 : i32
        %dma_wait3A_515 = tpu.memref_slice %arg5[%select_n3A_492, %dma_wait3A_513, %select_n3A_508, %dma_wait3A_514] : memref<8x1250x8x128xf32, #tpu.memory_space<hbm>> -> memref<1x25x1x128xf32, #tpu.memory_space<hbm>>
        %dma_wait3A_516 = tpu.memref_squeeze %dma_wait3A_515 : memref<1x25x1x128xf32, #tpu.memory_space<hbm>> -> memref<25x128xf32, #tpu.memory_space<hbm>>
        tpu.wait_dma2 semaphore(%arg15 : memref<!tpu.dma_semaphore, #tpu.memory_space<semaphore_mem>>) src(%arg10 : memref<25x128xf32, #tpu.memory_space<vmem>>) dst(%dma_wait3A_516 : memref<25x128xf32, #tpu.memory_space<hbm>>)
      } else {
      }
      %parallel_loop3A = arith.constant 0 : i32
      %parallel_loop3A_336 = arith.constant 25 : i32
      %parallel_loop3A_337 = arith.constant 1 : i32
      scf.for %parallel_loop3A_469 = %parallel_loop3A to %parallel_loop3A_336 step %parallel_loop3A_337  : i32 {
        %parallel_loop3A_470 = arith.constant 128 : i32
        %parallel_loop3A_471 = arith.muli %parallel_loop3A_469, %parallel_loop3A_470 : i32
        %parallel_loop3A_472 = arith.constant 0 : i32
        %parallel_loop3A_473 = arith.addi %parallel_loop3A_471, %parallel_loop3A_472 : i32
        %parallel_loop3A_474 = arith.constant 0 : i32
        %parallel_loop3A_475 = arith.index_cast %parallel_loop3A_474 : i32 to index
        %parallel_loop3A_476 = arith.index_cast %parallel_loop3A_473 : i32 to index
        %parallel_loop3A_477 = tpu.vector_load %arg6[%parallel_loop3A_475, %parallel_loop3A_476] {strides = array<i32>} : memref<4x3200xf32, #tpu.memory_space<vmem>>, vector<16xf32>,
        %parallel_loop3A_478 = arith.constant 1 : i32
        %parallel_loop3A_479 = arith.index_cast %parallel_loop3A_478 : i32 to index
        %parallel_loop3A_480 = arith.index_cast %parallel_loop3A_473 : i32 to index
        %parallel_loop3A_481 = tpu.vector_load %arg6[%parallel_loop3A_479, %parallel_loop3A_480] {strides = array<i32>} : memref<4x3200xf32, #tpu.memory_space<vmem>>, vector<16xf32>,
        %parallel_loop3A_482 = arith.constant 2 : i32
        %parallel_loop3A_483 = arith.index_cast %parallel_loop3A_482 : i32 to index
        %parallel_loop3A_484 = arith.index_cast %parallel_loop3A_473 : i32 to index
        %parallel_loop3A_485 = tpu.vector_load %arg6[%parallel_loop3A_483, %parallel_loop3A_484] {strides = array<i32>} : memref<4x3200xf32, #tpu.memory_space<vmem>>, vector<16xf32>,
        %parallel_loop3A_486 = arith.constant 3 : i32
        %parallel_loop3A_487 = arith.index_cast %parallel_loop3A_486 : i32 to index
        %parallel_loop3A_488 = arith.index_cast %parallel_loop3A_473 : i32 to index
        %parallel_loop3A_489 = tpu.vector_load %arg6[%parallel_loop3A_487, %parallel_loop3A_488] {strides = array<i32>} : memref<4x3200xf32, #tpu.memory_space<vmem>>, vector<16xf32>,
        %parallel_loop3A_490 = arith.constant 0 : i32
        %parallel_loop3A_491 = arith.index_cast %parallel_loop3A_490 : i32 to index
        %parallel_loop3A_492 = arith.index_cast %parallel_loop3A_473 : i32 to index
        %parallel_loop3A_493 = tpu.vector_load %arg7[%parallel_loop3A_491, %parallel_loop3A_492] {strides = array<i32>} : memref<4x3200xf32, #tpu.memory_space<vmem>>, vector<16xf32>,
        %parallel_loop3A_494 = arith.constant 1 : i32
        %parallel_loop3A_495 = arith.index_cast %parallel_loop3A_494 : i32 to index
        %parallel_loop3A_496 = arith.index_cast %parallel_loop3A_473 : i32 to index
        %parallel_loop3A_497 = tpu.vector_load %arg7[%parallel_loop3A_495, %parallel_loop3A_496] {strides = array<i32>} : memref<4x3200xf32, #tpu.memory_space<vmem>>, vector<16xf32>,
        %parallel_loop3A_498 = arith.constant 2 : i32
        %parallel_loop3A_499 = arith.index_cast %parallel_loop3A_498 : i32 to index
        %parallel_loop3A_500 = arith.index_cast %parallel_loop3A_473 : i32 to index
        %parallel_loop3A_501 = tpu.vector_load %arg7[%parallel_loop3A_499, %parallel_loop3A_500] {strides = array<i32>} : memref<4x3200xf32, #tpu.memory_space<vmem>>, vector<16xf32>,
        %parallel_loop3A_502 = arith.constant 3 : i32
        %parallel_loop3A_503 = arith.index_cast %parallel_loop3A_502 : i32 to index
        %parallel_loop3A_504 = arith.index_cast %parallel_loop3A_473 : i32 to index
        %parallel_loop3A_505 = tpu.vector_load %arg7[%parallel_loop3A_503, %parallel_loop3A_504] {strides = array<i32>} : memref<4x3200xf32, #tpu.memory_space<vmem>>, vector<16xf32>,
        %parallel_loop3A_506 = arith.mulf %parallel_loop3A_477, %parallel_loop3A_493 : vector<16xf32>
        %parallel_loop3A_507 = arith.mulf %get3A_152, %parallel_loop3A_506 : vector<16xf32>
        %parallel_loop3A_508 = arith.addf %parallel_loop3A_497, %parallel_loop3A_501 : vector<16xf32>
        %parallel_loop3A_509 = arith.addf %parallel_loop3A_508, %parallel_loop3A_505 : vector<16xf32>
        %parallel_loop3A_510 = arith.mulf %parallel_loop3A_477, %parallel_loop3A_509 : vector<16xf32>
        %parallel_loop3A_511 = arith.mulf %get3A_160, %parallel_loop3A_510 : vector<16xf32>
        %parallel_loop3A_512 = arith.addf %parallel_loop3A_507, %parallel_loop3A_511 : vector<16xf32>
        %parallel_loop3A_513 = arith.addf %parallel_loop3A_481, %parallel_loop3A_485 : vector<16xf32>
        %parallel_loop3A_514 = arith.addf %parallel_loop3A_513, %parallel_loop3A_489 : vector<16xf32>
        %parallel_loop3A_515 = arith.mulf %parallel_loop3A_514, %parallel_loop3A_493 : vector<16xf32>
        %parallel_loop3A_516 = arith.mulf %get3A_168, %parallel_loop3A_515 : vector<16xf32>
        %parallel_loop3A_517 = arith.mulf %parallel_loop3A_481, %parallel_loop3A_497 : vector<16xf32>
        %parallel_loop3A_518 = arith.mulf %parallel_loop3A_485, %parallel_loop3A_501 : vector<16xf32>
        %parallel_loop3A_519 = arith.addf %parallel_loop3A_517, %parallel_loop3A_518 : vector<16xf32>
        %parallel_loop3A_520 = arith.mulf %parallel_loop3A_489, %parallel_loop3A_505 : vector<16xf32>
        %parallel_loop3A_521 = arith.addf %parallel_loop3A_519, %parallel_loop3A_520 : vector<16xf32>
        %parallel_loop3A_522 = arith.mulf %get3A_176, %parallel_loop3A_521 : vector<16xf32>
        %parallel_loop3A_523 = arith.addf %parallel_loop3A_516, %parallel_loop3A_522 : vector<16xf32>
        %parallel_loop3A_524 = arith.addf %parallel_loop3A_512, %parallel_loop3A_523 : vector<16xf32>
        %parallel_loop3A_525 = arith.index_cast %parallel_loop3A_469 : i32 to index
        %parallel_loop3A_526 = arith.constant 0 : index
        %parallel_loop3A_527 = tpu.vector_load %arg10[%parallel_loop3A_525, %parallel_loop3A_526] {strides = array<i32>} : memref<25x128xf32, #tpu.memory_space<vmem>>, vector<16xf32>,
        tpu.vector_store %arg10[%parallel_loop3A_525, %parallel_loop3A_526], %parallel_loop3A_524 {strides = array<i32>} : memref<25x128xf32, #tpu.memory_space<vmem>>, vector<16xf32>,
        %parallel_loop3A_528 = arith.constant 128 : i32
        %parallel_loop3A_529 = arith.muli %parallel_loop3A_469, %parallel_loop3A_528 : i32
        %parallel_loop3A_530 = arith.constant 16 : i32
        %parallel_loop3A_531 = arith.addi %parallel_loop3A_529, %parallel_loop3A_530 : i32
        %parallel_loop3A_532 = arith.constant 0 : i32
        %parallel_loop3A_533 = arith.index_cast %parallel_loop3A_532 : i32 to index
        %parallel_loop3A_534 = arith.index_cast %parallel_loop3A_531 : i32 to index
        %parallel_loop3A_535 = tpu.vector_load %arg6[%parallel_loop3A_533, %parallel_loop3A_534] {strides = array<i32>} : memref<4x3200xf32, #tpu.memory_space<vmem>>, vector<16xf32>,
        %parallel_loop3A_536 = arith.constant 1 : i32
        %parallel_loop3A_537 = arith.index_cast %parallel_loop3A_536 : i32 to index
        %parallel_loop3A_538 = arith.index_cast %parallel_loop3A_531 : i32 to index
        %parallel_loop3A_539 = tpu.vector_load %arg6[%parallel_loop3A_537, %parallel_loop3A_538] {strides = array<i32>} : memref<4x3200xf32, #tpu.memory_space<vmem>>, vector<16xf32>,
        %parallel_loop3A_540 = arith.constant 2 : i32
        %parallel_loop3A_541 = arith.index_cast %parallel_loop3A_540 : i32 to index
        %parallel_loop3A_542 = arith.index_cast %parallel_loop3A_531 : i32 to index
        %parallel_loop3A_543 = tpu.vector_load %arg6[%parallel_loop3A_541, %parallel_loop3A_542] {strides = array<i32>} : memref<4x3200xf32, #tpu.memory_space<vmem>>, vector<16xf32>,
        %parallel_loop3A_544 = arith.constant 3 : i32
        %parallel_loop3A_545 = arith.index_cast %parallel_loop3A_544 : i32 to index
        %parallel_loop3A_546 = arith.index_cast %parallel_loop3A_531 : i32 to index
        %parallel_loop3A_547 = tpu.vector_load %arg6[%parallel_loop3A_545, %parallel_loop3A_546] {strides = array<i32>} : memref<4x3200xf32, #tpu.memory_space<vmem>>, vector<16xf32>,
        %parallel_loop3A_548 = arith.constant 0 : i32
        %parallel_loop3A_549 = arith.index_cast %parallel_loop3A_548 : i32 to index
        %parallel_loop3A_550 = arith.index_cast %parallel_loop3A_531 : i32 to index
        %parallel_loop3A_551 = tpu.vector_load %arg7[%parallel_loop3A_549, %parallel_loop3A_550] {strides = array<i32>} : memref<4x3200xf32, #tpu.memory_space<vmem>>, vector<16xf32>,
        %parallel_loop3A_552 = arith.constant 1 : i32
        %parallel_loop3A_553 = arith.index_cast %parallel_loop3A_552 : i32 to index
        %parallel_loop3A_554 = arith.index_cast %parallel_loop3A_531 : i32 to index
        %parallel_loop3A_555 = tpu.vector_load %arg7[%parallel_loop3A_553, %parallel_loop3A_554] {strides = array<i32>} : memref<4x3200xf32, #tpu.memory_space<vmem>>, vector<16xf32>,
        %parallel_loop3A_556 = arith.constant 2 : i32
        %parallel_loop3A_557 = arith.index_cast %parallel_loop3A_556 : i32 to index
        %parallel_loop3A_558 = arith.index_cast %parallel_loop3A_531 : i32 to index
        %parallel_loop3A_559 = tpu.vector_load %arg7[%parallel_loop3A_557, %parallel_loop3A_558] {strides = array<i32>} : memref<4x3200xf32, #tpu.memory_space<vmem>>, vector<16xf32>,
        %parallel_loop3A_560 = arith.constant 3 : i32
        %parallel_loop3A_561 = arith.index_cast %parallel_loop3A_560 : i32 to index
        %parallel_loop3A_562 = arith.index_cast %parallel_loop3A_531 : i32 to index
        %parallel_loop3A_563 = tpu.vector_load %arg7[%parallel_loop3A_561, %parallel_loop3A_562] {strides = array<i32>} : memref<4x3200xf32, #tpu.memory_space<vmem>>, vector<16xf32>,
        %parallel_loop3A_564 = arith.mulf %parallel_loop3A_535, %parallel_loop3A_551 : vector<16xf32>
        %parallel_loop3A_565 = arith.mulf %get3A_152, %parallel_loop3A_564 : vector<16xf32>
        %parallel_loop3A_566 = arith.addf %parallel_loop3A_555, %parallel_loop3A_559 : vector<16xf32>
        %parallel_loop3A_567 = arith.addf %parallel_loop3A_566, %parallel_loop3A_563 : vector<16xf32>
        %parallel_loop3A_568 = arith.mulf %parallel_loop3A_535, %parallel_loop3A_567 : vector<16xf32>
        %parallel_loop3A_569 = arith.mulf %get3A_160, %parallel_loop3A_568 : vector<16xf32>
        %parallel_loop3A_570 = arith.addf %parallel_loop3A_565, %parallel_loop3A_569 : vector<16xf32>
        %parallel_loop3A_571 = arith.addf %parallel_loop3A_539, %parallel_loop3A_543 : vector<16xf32>
        %parallel_loop3A_572 = arith.addf %parallel_loop3A_571, %parallel_loop3A_547 : vector<16xf32>
        %parallel_loop3A_573 = arith.mulf %parallel_loop3A_572, %parallel_loop3A_551 : vector<16xf32>
        %parallel_loop3A_574 = arith.mulf %get3A_168, %parallel_loop3A_573 : vector<16xf32>
        %parallel_loop3A_575 = arith.mulf %parallel_loop3A_539, %parallel_loop3A_555 : vector<16xf32>
        %parallel_loop3A_576 = arith.mulf %parallel_loop3A_543, %parallel_loop3A_559 : vector<16xf32>
        %parallel_loop3A_577 = arith.addf %parallel_loop3A_575, %parallel_loop3A_576 : vector<16xf32>
        %parallel_loop3A_578 = arith.mulf %parallel_loop3A_547, %parallel_loop3A_563 : vector<16xf32>
        %parallel_loop3A_579 = arith.addf %parallel_loop3A_577, %parallel_loop3A_578 : vector<16xf32>
        %parallel_loop3A_580 = arith.mulf %get3A_176, %parallel_loop3A_579 : vector<16xf32>
        %parallel_loop3A_581 = arith.addf %parallel_loop3A_574, %parallel_loop3A_580 : vector<16xf32>
        %parallel_loop3A_582 = arith.addf %parallel_loop3A_570, %parallel_loop3A_581 : vector<16xf32>
        %parallel_loop3A_583 = arith.index_cast %parallel_loop3A_469 : i32 to index
        %parallel_loop3A_584 = arith.constant 16 : index
        %parallel_loop3A_585 = tpu.vector_load %arg10[%parallel_loop3A_583, %parallel_loop3A_584] {strides = array<i32>} : memref<25x128xf32, #tpu.memory_space<vmem>>, vector<16xf32>,
        tpu.vector_store %arg10[%parallel_loop3A_583, %parallel_loop3A_584], %parallel_loop3A_582 {strides = array<i32>} : memref<25x128xf32, #tpu.memory_space<vmem>>, vector<16xf32>,
        %parallel_loop3A_586 = arith.constant 128 : i32
        %parallel_loop3A_587 = arith.muli %parallel_loop3A_469, %parallel_loop3A_586 : i32
        %parallel_loop3A_588 = arith.constant 32 : i32
        %parallel_loop3A_589 = arith.addi %parallel_loop3A_587, %parallel_loop3A_588 : i32
        %parallel_loop3A_590 = arith.constant 0 : i32
        %parallel_loop3A_591 = arith.index_cast %parallel_loop3A_590 : i32 to index
        %parallel_loop3A_592 = arith.index_cast %parallel_loop3A_589 : i32 to index
        %parallel_loop3A_593 = tpu.vector_load %arg6[%parallel_loop3A_591, %parallel_loop3A_592] {strides = array<i32>} : memref<4x3200xf32, #tpu.memory_space<vmem>>, vector<16xf32>,
        %parallel_loop3A_594 = arith.constant 1 : i32
        %parallel_loop3A_595 = arith.index_cast %parallel_loop3A_594 : i32 to index
        %parallel_loop3A_596 = arith.index_cast %parallel_loop3A_589 : i32 to index
        %parallel_loop3A_597 = tpu.vector_load %arg6[%parallel_loop3A_595, %parallel_loop3A_596] {strides = array<i32>} : memref<4x3200xf32, #tpu.memory_space<vmem>>, vector<16xf32>,
        %parallel_loop3A_598 = arith.constant 2 : i32
        %parallel_loop3A_599 = arith.index_cast %parallel_loop3A_598 : i32 to index
        %parallel_loop3A_600 = arith.index_cast %parallel_loop3A_589 : i32 to index
        %parallel_loop3A_601 = tpu.vector_load %arg6[%parallel_loop3A_599, %parallel_loop3A_600] {strides = array<i32>} : memref<4x3200xf32, #tpu.memory_space<vmem>>, vector<16xf32>,
        %parallel_loop3A_602 = arith.constant 3 : i32
        %parallel_loop3A_603 = arith.index_cast %parallel_loop3A_602 : i32 to index
        %parallel_loop3A_604 = arith.index_cast %parallel_loop3A_589 : i32 to index
        %parallel_loop3A_605 = tpu.vector_load %arg6[%parallel_loop3A_603, %parallel_loop3A_604] {strides = array<i32>} : memref<4x3200xf32, #tpu.memory_space<vmem>>, vector<16xf32>,
        %parallel_loop3A_606 = arith.constant 0 : i32
        %parallel_loop3A_607 = arith.index_cast %parallel_loop3A_606 : i32 to index
        %parallel_loop3A_608 = arith.index_cast %parallel_loop3A_589 : i32 to index
        %parallel_loop3A_609 = tpu.vector_load %arg7[%parallel_loop3A_607, %parallel_loop3A_608] {strides = array<i32>} : memref<4x3200xf32, #tpu.memory_space<vmem>>, vector<16xf32>,
        %parallel_loop3A_610 = arith.constant 1 : i32
        %parallel_loop3A_611 = arith.index_cast %parallel_loop3A_610 : i32 to index
        %parallel_loop3A_612 = arith.index_cast %parallel_loop3A_589 : i32 to index
        %parallel_loop3A_613 = tpu.vector_load %arg7[%parallel_loop3A_611, %parallel_loop3A_612] {strides = array<i32>} : memref<4x3200xf32, #tpu.memory_space<vmem>>, vector<16xf32>,
        %parallel_loop3A_614 = arith.constant 2 : i32
        %parallel_loop3A_615 = arith.index_cast %parallel_loop3A_614 : i32 to index
        %parallel_loop3A_616 = arith.index_cast %parallel_loop3A_589 : i32 to index
        %parallel_loop3A_617 = tpu.vector_load %arg7[%parallel_loop3A_615, %parallel_loop3A_616] {strides = array<i32>} : memref<4x3200xf32, #tpu.memory_space<vmem>>, vector<16xf32>,
        %parallel_loop3A_618 = arith.constant 3 : i32
        %parallel_loop3A_619 = arith.index_cast %parallel_loop3A_618 : i32 to index
        %parallel_loop3A_620 = arith.index_cast %parallel_loop3A_589 : i32 to index
        %parallel_loop3A_621 = tpu.vector_load %arg7[%parallel_loop3A_619, %parallel_loop3A_620] {strides = array<i32>} : memref<4x3200xf32, #tpu.memory_space<vmem>>, vector<16xf32>,
        %parallel_loop3A_622 = arith.mulf %parallel_loop3A_593, %parallel_loop3A_609 : vector<16xf32>
        %parallel_loop3A_623 = arith.mulf %get3A_152, %parallel_loop3A_622 : vector<16xf32>
        %parallel_loop3A_624 = arith.addf %parallel_loop3A_613, %parallel_loop3A_617 : vector<16xf32>
        %parallel_loop3A_625 = arith.addf %parallel_loop3A_624, %parallel_loop3A_621 : vector<16xf32>
        %parallel_loop3A_626 = arith.mulf %parallel_loop3A_593, %parallel_loop3A_625 : vector<16xf32>
        %parallel_loop3A_627 = arith.mulf %get3A_160, %parallel_loop3A_626 : vector<16xf32>
        %parallel_loop3A_628 = arith.addf %parallel_loop3A_623, %parallel_loop3A_627 : vector<16xf32>
        %parallel_loop3A_629 = arith.addf %parallel_loop3A_597, %parallel_loop3A_601 : vector<16xf32>
        %parallel_loop3A_630 = arith.addf %parallel_loop3A_629, %parallel_loop3A_605 : vector<16xf32>
        %parallel_loop3A_631 = arith.mulf %parallel_loop3A_630, %parallel_loop3A_609 : vector<16xf32>
        %parallel_loop3A_632 = arith.mulf %get3A_168, %parallel_loop3A_631 : vector<16xf32>
        %parallel_loop3A_633 = arith.mulf %parallel_loop3A_597, %parallel_loop3A_613 : vector<16xf32>
        %parallel_loop3A_634 = arith.mulf %parallel_loop3A_601, %parallel_loop3A_617 : vector<16xf32>
        %parallel_loop3A_635 = arith.addf %parallel_loop3A_633, %parallel_loop3A_634 : vector<16xf32>
        %parallel_loop3A_636 = arith.mulf %parallel_loop3A_605, %parallel_loop3A_621 : vector<16xf32>
        %parallel_loop3A_637 = arith.addf %parallel_loop3A_635, %parallel_loop3A_636 : vector<16xf32>
        %parallel_loop3A_638 = arith.mulf %get3A_176, %parallel_loop3A_637 : vector<16xf32>
        %parallel_loop3A_639 = arith.addf %parallel_loop3A_632, %parallel_loop3A_638 : vector<16xf32>
        %parallel_loop3A_640 = arith.addf %parallel_loop3A_628, %parallel_loop3A_639 : vector<16xf32>
        %parallel_loop3A_641 = arith.index_cast %parallel_loop3A_469 : i32 to index
        %parallel_loop3A_642 = arith.constant 32 : index
        %parallel_loop3A_643 = tpu.vector_load %arg10[%parallel_loop3A_641, %parallel_loop3A_642] {strides = array<i32>} : memref<25x128xf32, #tpu.memory_space<vmem>>, vector<16xf32>,
        tpu.vector_store %arg10[%parallel_loop3A_641, %parallel_loop3A_642], %parallel_loop3A_640 {strides = array<i32>} : memref<25x128xf32, #tpu.memory_space<vmem>>, vector<16xf32>,
        %parallel_loop3A_644 = arith.constant 128 : i32
        %parallel_loop3A_645 = arith.muli %parallel_loop3A_469, %parallel_loop3A_644 : i32
        %parallel_loop3A_646 = arith.constant 48 : i32
        %parallel_loop3A_647 = arith.addi %parallel_loop3A_645, %parallel_loop3A_646 : i32
        %parallel_loop3A_648 = arith.constant 0 : i32
        %parallel_loop3A_649 = arith.index_cast %parallel_loop3A_648 : i32 to index
        %parallel_loop3A_650 = arith.index_cast %parallel_loop3A_647 : i32 to index
        %parallel_loop3A_651 = tpu.vector_load %arg6[%parallel_loop3A_649, %parallel_loop3A_650] {strides = array<i32>} : memref<4x3200xf32, #tpu.memory_space<vmem>>, vector<16xf32>,
        %parallel_loop3A_652 = arith.constant 1 : i32
        %parallel_loop3A_653 = arith.index_cast %parallel_loop3A_652 : i32 to index
        %parallel_loop3A_654 = arith.index_cast %parallel_loop3A_647 : i32 to index
        %parallel_loop3A_655 = tpu.vector_load %arg6[%parallel_loop3A_653, %parallel_loop3A_654] {strides = array<i32>} : memref<4x3200xf32, #tpu.memory_space<vmem>>, vector<16xf32>,
        %parallel_loop3A_656 = arith.constant 2 : i32
        %parallel_loop3A_657 = arith.index_cast %parallel_loop3A_656 : i32 to index
        %parallel_loop3A_658 = arith.index_cast %parallel_loop3A_647 : i32 to index
        %parallel_loop3A_659 = tpu.vector_load %arg6[%parallel_loop3A_657, %parallel_loop3A_658] {strides = array<i32>} : memref<4x3200xf32, #tpu.memory_space<vmem>>, vector<16xf32>,
        %parallel_loop3A_660 = arith.constant 3 : i32
        %parallel_loop3A_661 = arith.index_cast %parallel_loop3A_660 : i32 to index
        %parallel_loop3A_662 = arith.index_cast %parallel_loop3A_647 : i32 to index
        %parallel_loop3A_663 = tpu.vector_load %arg6[%parallel_loop3A_661, %parallel_loop3A_662] {strides = array<i32>} : memref<4x3200xf32, #tpu.memory_space<vmem>>, vector<16xf32>,
        %parallel_loop3A_664 = arith.constant 0 : i32
        %parallel_loop3A_665 = arith.index_cast %parallel_loop3A_664 : i32 to index
        %parallel_loop3A_666 = arith.index_cast %parallel_loop3A_647 : i32 to index
        %parallel_loop3A_667 = tpu.vector_load %arg7[%parallel_loop3A_665, %parallel_loop3A_666] {strides = array<i32>} : memref<4x3200xf32, #tpu.memory_space<vmem>>, vector<16xf32>,
        %parallel_loop3A_668 = arith.constant 1 : i32
        %parallel_loop3A_669 = arith.index_cast %parallel_loop3A_668 : i32 to index
        %parallel_loop3A_670 = arith.index_cast %parallel_loop3A_647 : i32 to index
        %parallel_loop3A_671 = tpu.vector_load %arg7[%parallel_loop3A_669, %parallel_loop3A_670] {strides = array<i32>} : memref<4x3200xf32, #tpu.memory_space<vmem>>, vector<16xf32>,
        %parallel_loop3A_672 = arith.constant 2 : i32
        %parallel_loop3A_673 = arith.index_cast %parallel_loop3A_672 : i32 to index
        %parallel_loop3A_674 = arith.index_cast %parallel_loop3A_647 : i32 to index
        %parallel_loop3A_675 = tpu.vector_load %arg7[%parallel_loop3A_673, %parallel_loop3A_674] {strides = array<i32>} : memref<4x3200xf32, #tpu.memory_space<vmem>>, vector<16xf32>,
        %parallel_loop3A_676 = arith.constant 3 : i32
        %parallel_loop3A_677 = arith.index_cast %parallel_loop3A_676 : i32 to index
        %parallel_loop3A_678 = arith.index_cast %parallel_loop3A_647 : i32 to index
        %parallel_loop3A_679 = tpu.vector_load %arg7[%parallel_loop3A_677, %parallel_loop3A_678] {strides = array<i32>} : memref<4x3200xf32, #tpu.memory_space<vmem>>, vector<16xf32>,
        %parallel_loop3A_680 = arith.mulf %parallel_loop3A_651, %parallel_loop3A_667 : vector<16xf32>
        %parallel_loop3A_681 = arith.mulf %get3A_152, %parallel_loop3A_680 : vector<16xf32>
        %parallel_loop3A_682 = arith.addf %parallel_loop3A_671, %parallel_loop3A_675 : vector<16xf32>
        %parallel_loop3A_683 = arith.addf %parallel_loop3A_682, %parallel_loop3A_679 : vector<16xf32>
        %parallel_loop3A_684 = arith.mulf %parallel_loop3A_651, %parallel_loop3A_683 : vector<16xf32>
        %parallel_loop3A_685 = arith.mulf %get3A_160, %parallel_loop3A_684 : vector<16xf32>
        %parallel_loop3A_686 = arith.addf %parallel_loop3A_681, %parallel_loop3A_685 : vector<16xf32>
        %parallel_loop3A_687 = arith.addf %parallel_loop3A_655, %parallel_loop3A_659 : vector<16xf32>
        %parallel_loop3A_688 = arith.addf %parallel_loop3A_687, %parallel_loop3A_663 : vector<16xf32>
        %parallel_loop3A_689 = arith.mulf %parallel_loop3A_688, %parallel_loop3A_667 : vector<16xf32>
        %parallel_loop3A_690 = arith.mulf %get3A_168, %parallel_loop3A_689 : vector<16xf32>
        %parallel_loop3A_691 = arith.mulf %parallel_loop3A_655, %parallel_loop3A_671 : vector<16xf32>
        %parallel_loop3A_692 = arith.mulf %parallel_loop3A_659, %parallel_loop3A_675 : vector<16xf32>
        %parallel_loop3A_693 = arith.addf %parallel_loop3A_691, %parallel_loop3A_692 : vector<16xf32>
        %parallel_loop3A_694 = arith.mulf %parallel_loop3A_663, %parallel_loop3A_679 : vector<16xf32>
        %parallel_loop3A_695 = arith.addf %parallel_loop3A_693, %parallel_loop3A_694 : vector<16xf32>
        %parallel_loop3A_696 = arith.mulf %get3A_176, %parallel_loop3A_695 : vector<16xf32>
        %parallel_loop3A_697 = arith.addf %parallel_loop3A_690, %parallel_loop3A_696 : vector<16xf32>
        %parallel_loop3A_698 = arith.addf %parallel_loop3A_686, %parallel_loop3A_697 : vector<16xf32>
        %parallel_loop3A_699 = arith.index_cast %parallel_loop3A_469 : i32 to index
        %parallel_loop3A_700 = arith.constant 48 : index
        %parallel_loop3A_701 = tpu.vector_load %arg10[%parallel_loop3A_699, %parallel_loop3A_700] {strides = array<i32>} : memref<25x128xf32, #tpu.memory_space<vmem>>, vector<16xf32>,
        tpu.vector_store %arg10[%parallel_loop3A_699, %parallel_loop3A_700], %parallel_loop3A_698 {strides = array<i32>} : memref<25x128xf32, #tpu.memory_space<vmem>>, vector<16xf32>,
        %parallel_loop3A_702 = arith.constant 128 : i32
        %parallel_loop3A_703 = arith.muli %parallel_loop3A_469, %parallel_loop3A_702 : i32
        %parallel_loop3A_704 = arith.constant 64 : i32
        %parallel_loop3A_705 = arith.addi %parallel_loop3A_703, %parallel_loop3A_704 : i32
        %parallel_loop3A_706 = arith.constant 0 : i32
        %parallel_loop3A_707 = arith.index_cast %parallel_loop3A_706 : i32 to index
        %parallel_loop3A_708 = arith.index_cast %parallel_loop3A_705 : i32 to index
        %parallel_loop3A_709 = tpu.vector_load %arg6[%parallel_loop3A_707, %parallel_loop3A_708] {strides = array<i32>} : memref<4x3200xf32, #tpu.memory_space<vmem>>, vector<16xf32>,
        %parallel_loop3A_710 = arith.constant 1 : i32
        %parallel_loop3A_711 = arith.index_cast %parallel_loop3A_710 : i32 to index
        %parallel_loop3A_712 = arith.index_cast %parallel_loop3A_705 : i32 to index
        %parallel_loop3A_713 = tpu.vector_load %arg6[%parallel_loop3A_711, %parallel_loop3A_712] {strides = array<i32>} : memref<4x3200xf32, #tpu.memory_space<vmem>>, vector<16xf32>,
        %parallel_loop3A_714 = arith.constant 2 : i32
        %parallel_loop3A_715 = arith.index_cast %parallel_loop3A_714 : i32 to index
        %parallel_loop3A_716 = arith.index_cast %parallel_loop3A_705 : i32 to index
        %parallel_loop3A_717 = tpu.vector_load %arg6[%parallel_loop3A_715, %parallel_loop3A_716] {strides = array<i32>} : memref<4x3200xf32, #tpu.memory_space<vmem>>, vector<16xf32>,
        %parallel_loop3A_718 = arith.constant 3 : i32
        %parallel_loop3A_719 = arith.index_cast %parallel_loop3A_718 : i32 to index
        %parallel_loop3A_720 = arith.index_cast %parallel_loop3A_705 : i32 to index
        %parallel_loop3A_721 = tpu.vector_load %arg6[%parallel_loop3A_719, %parallel_loop3A_720] {strides = array<i32>} : memref<4x3200xf32, #tpu.memory_space<vmem>>, vector<16xf32>,
        %parallel_loop3A_722 = arith.constant 0 : i32
        %parallel_loop3A_723 = arith.index_cast %parallel_loop3A_722 : i32 to index
        %parallel_loop3A_724 = arith.index_cast %parallel_loop3A_705 : i32 to index
        %parallel_loop3A_725 = tpu.vector_load %arg7[%parallel_loop3A_723, %parallel_loop3A_724] {strides = array<i32>} : memref<4x3200xf32, #tpu.memory_space<vmem>>, vector<16xf32>,
        %parallel_loop3A_726 = arith.constant 1 : i32
        %parallel_loop3A_727 = arith.index_cast %parallel_loop3A_726 : i32 to index
        %parallel_loop3A_728 = arith.index_cast %parallel_loop3A_705 : i32 to index
        %parallel_loop3A_729 = tpu.vector_load %arg7[%parallel_loop3A_727, %parallel_loop3A_728] {strides = array<i32>} : memref<4x3200xf32, #tpu.memory_space<vmem>>, vector<16xf32>,
        %parallel_loop3A_730 = arith.constant 2 : i32
        %parallel_loop3A_731 = arith.index_cast %parallel_loop3A_730 : i32 to index
        %parallel_loop3A_732 = arith.index_cast %parallel_loop3A_705 : i32 to index
        %parallel_loop3A_733 = tpu.vector_load %arg7[%parallel_loop3A_731, %parallel_loop3A_732] {strides = array<i32>} : memref<4x3200xf32, #tpu.memory_space<vmem>>, vector<16xf32>,
        %parallel_loop3A_734 = arith.constant 3 : i32
        %parallel_loop3A_735 = arith.index_cast %parallel_loop3A_734 : i32 to index
        %parallel_loop3A_736 = arith.index_cast %parallel_loop3A_705 : i32 to index
        %parallel_loop3A_737 = tpu.vector_load %arg7[%parallel_loop3A_735, %parallel_loop3A_736] {strides = array<i32>} : memref<4x3200xf32, #tpu.memory_space<vmem>>, vector<16xf32>,
        %parallel_loop3A_738 = arith.mulf %parallel_loop3A_709, %parallel_loop3A_725 : vector<16xf32>
        %parallel_loop3A_739 = arith.mulf %get3A_152, %parallel_loop3A_738 : vector<16xf32>
        %parallel_loop3A_740 = arith.addf %parallel_loop3A_729, %parallel_loop3A_733 : vector<16xf32>
        %parallel_loop3A_741 = arith.addf %parallel_loop3A_740, %parallel_loop3A_737 : vector<16xf32>
        %parallel_loop3A_742 = arith.mulf %parallel_loop3A_709, %parallel_loop3A_741 : vector<16xf32>
        %parallel_loop3A_743 = arith.mulf %get3A_160, %parallel_loop3A_742 : vector<16xf32>
        %parallel_loop3A_744 = arith.addf %parallel_loop3A_739, %parallel_loop3A_743 : vector<16xf32>
        %parallel_loop3A_745 = arith.addf %parallel_loop3A_713, %parallel_loop3A_717 : vector<16xf32>
        %parallel_loop3A_746 = arith.addf %parallel_loop3A_745, %parallel_loop3A_721 : vector<16xf32>
        %parallel_loop3A_747 = arith.mulf %parallel_loop3A_746, %parallel_loop3A_725 : vector<16xf32>
        %parallel_loop3A_748 = arith.mulf %get3A_168, %parallel_loop3A_747 : vector<16xf32>
        %parallel_loop3A_749 = arith.mulf %parallel_loop3A_713, %parallel_loop3A_729 : vector<16xf32>
        %parallel_loop3A_750 = arith.mulf %parallel_loop3A_717, %parallel_loop3A_733 : vector<16xf32>
        %parallel_loop3A_751 = arith.addf %parallel_loop3A_749, %parallel_loop3A_750 : vector<16xf32>
        %parallel_loop3A_752 = arith.mulf %parallel_loop3A_721, %parallel_loop3A_737 : vector<16xf32>
        %parallel_loop3A_753 = arith.addf %parallel_loop3A_751, %parallel_loop3A_752 : vector<16xf32>
        %parallel_loop3A_754 = arith.mulf %get3A_176, %parallel_loop3A_753 : vector<16xf32>
        %parallel_loop3A_755 = arith.addf %parallel_loop3A_748, %parallel_loop3A_754 : vector<16xf32>
        %parallel_loop3A_756 = arith.addf %parallel_loop3A_744, %parallel_loop3A_755 : vector<16xf32>
        %parallel_loop3A_757 = arith.index_cast %parallel_loop3A_469 : i32 to index
        %parallel_loop3A_758 = arith.constant 64 : index
        %parallel_loop3A_759 = tpu.vector_load %arg10[%parallel_loop3A_757, %parallel_loop3A_758] {strides = array<i32>} : memref<25x128xf32, #tpu.memory_space<vmem>>, vector<16xf32>,
        tpu.vector_store %arg10[%parallel_loop3A_757, %parallel_loop3A_758], %parallel_loop3A_756 {strides = array<i32>} : memref<25x128xf32, #tpu.memory_space<vmem>>, vector<16xf32>,
        %parallel_loop3A_760 = arith.constant 128 : i32
        %parallel_loop3A_761 = arith.muli %parallel_loop3A_469, %parallel_loop3A_760 : i32
        %parallel_loop3A_762 = arith.constant 80 : i32
        %parallel_loop3A_763 = arith.addi %parallel_loop3A_761, %parallel_loop3A_762 : i32
        %parallel_loop3A_764 = arith.constant 0 : i32
        %parallel_loop3A_765 = arith.index_cast %parallel_loop3A_764 : i32 to index
        %parallel_loop3A_766 = arith.index_cast %parallel_loop3A_763 : i32 to index
        %parallel_loop3A_767 = tpu.vector_load %arg6[%parallel_loop3A_765, %parallel_loop3A_766] {strides = array<i32>} : memref<4x3200xf32, #tpu.memory_space<vmem>>, vector<16xf32>,
        %parallel_loop3A_768 = arith.constant 1 : i32
        %parallel_loop3A_769 = arith.index_cast %parallel_loop3A_768 : i32 to index
        %parallel_loop3A_770 = arith.index_cast %parallel_loop3A_763 : i32 to index
        %parallel_loop3A_771 = tpu.vector_load %arg6[%parallel_loop3A_769, %parallel_loop3A_770] {strides = array<i32>} : memref<4x3200xf32, #tpu.memory_space<vmem>>, vector<16xf32>,
        %parallel_loop3A_772 = arith.constant 2 : i32
        %parallel_loop3A_773 = arith.index_cast %parallel_loop3A_772 : i32 to index
        %parallel_loop3A_774 = arith.index_cast %parallel_loop3A_763 : i32 to index
        %parallel_loop3A_775 = tpu.vector_load %arg6[%parallel_loop3A_773, %parallel_loop3A_774] {strides = array<i32>} : memref<4x3200xf32, #tpu.memory_space<vmem>>, vector<16xf32>,
        %parallel_loop3A_776 = arith.constant 3 : i32
        %parallel_loop3A_777 = arith.index_cast %parallel_loop3A_776 : i32 to index
        %parallel_loop3A_778 = arith.index_cast %parallel_loop3A_763 : i32 to index
        %parallel_loop3A_779 = tpu.vector_load %arg6[%parallel_loop3A_777, %parallel_loop3A_778] {strides = array<i32>} : memref<4x3200xf32, #tpu.memory_space<vmem>>, vector<16xf32>,
        %parallel_loop3A_780 = arith.constant 0 : i32
        %parallel_loop3A_781 = arith.index_cast %parallel_loop3A_780 : i32 to index
        %parallel_loop3A_782 = arith.index_cast %parallel_loop3A_763 : i32 to index
        %parallel_loop3A_783 = tpu.vector_load %arg7[%parallel_loop3A_781, %parallel_loop3A_782] {strides = array<i32>} : memref<4x3200xf32, #tpu.memory_space<vmem>>, vector<16xf32>,
        %parallel_loop3A_784 = arith.constant 1 : i32
        %parallel_loop3A_785 = arith.index_cast %parallel_loop3A_784 : i32 to index
        %parallel_loop3A_786 = arith.index_cast %parallel_loop3A_763 : i32 to index
        %parallel_loop3A_787 = tpu.vector_load %arg7[%parallel_loop3A_785, %parallel_loop3A_786] {strides = array<i32>} : memref<4x3200xf32, #tpu.memory_space<vmem>>, vector<16xf32>,
        %parallel_loop3A_788 = arith.constant 2 : i32
        %parallel_loop3A_789 = arith.index_cast %parallel_loop3A_788 : i32 to index
        %parallel_loop3A_790 = arith.index_cast %parallel_loop3A_763 : i32 to index
        %parallel_loop3A_791 = tpu.vector_load %arg7[%parallel_loop3A_789, %parallel_loop3A_790] {strides = array<i32>} : memref<4x3200xf32, #tpu.memory_space<vmem>>, vector<16xf32>,
        %parallel_loop3A_792 = arith.constant 3 : i32
        %parallel_loop3A_793 = arith.index_cast %parallel_loop3A_792 : i32 to index
        %parallel_loop3A_794 = arith.index_cast %parallel_loop3A_763 : i32 to index
        %parallel_loop3A_795 = tpu.vector_load %arg7[%parallel_loop3A_793, %parallel_loop3A_794] {strides = array<i32>} : memref<4x3200xf32, #tpu.memory_space<vmem>>, vector<16xf32>,
        %parallel_loop3A_796 = arith.mulf %parallel_loop3A_767, %parallel_loop3A_783 : vector<16xf32>
        %parallel_loop3A_797 = arith.mulf %get3A_152, %parallel_loop3A_796 : vector<16xf32>
        %parallel_loop3A_798 = arith.addf %parallel_loop3A_787, %parallel_loop3A_791 : vector<16xf32>
        %parallel_loop3A_799 = arith.addf %parallel_loop3A_798, %parallel_loop3A_795 : vector<16xf32>
        %parallel_loop3A_800 = arith.mulf %parallel_loop3A_767, %parallel_loop3A_799 : vector<16xf32>
        %parallel_loop3A_801 = arith.mulf %get3A_160, %parallel_loop3A_800 : vector<16xf32>
        %parallel_loop3A_802 = arith.addf %parallel_loop3A_797, %parallel_loop3A_801 : vector<16xf32>
        %parallel_loop3A_803 = arith.addf %parallel_loop3A_771, %parallel_loop3A_775 : vector<16xf32>
        %parallel_loop3A_804 = arith.addf %parallel_loop3A_803, %parallel_loop3A_779 : vector<16xf32>
        %parallel_loop3A_805 = arith.mulf %parallel_loop3A_804, %parallel_loop3A_783 : vector<16xf32>
        %parallel_loop3A_806 = arith.mulf %get3A_168, %parallel_loop3A_805 : vector<16xf32>
        %parallel_loop3A_807 = arith.mulf %parallel_loop3A_771, %parallel_loop3A_787 : vector<16xf32>
        %parallel_loop3A_808 = arith.mulf %parallel_loop3A_775, %parallel_loop3A_791 : vector<16xf32>
        %parallel_loop3A_809 = arith.addf %parallel_loop3A_807, %parallel_loop3A_808 : vector<16xf32>
        %parallel_loop3A_810 = arith.mulf %parallel_loop3A_779, %parallel_loop3A_795 : vector<16xf32>
        %parallel_loop3A_811 = arith.addf %parallel_loop3A_809, %parallel_loop3A_810 : vector<16xf32>
        %parallel_loop3A_812 = arith.mulf %get3A_176, %parallel_loop3A_811 : vector<16xf32>
        %parallel_loop3A_813 = arith.addf %parallel_loop3A_806, %parallel_loop3A_812 : vector<16xf32>
        %parallel_loop3A_814 = arith.addf %parallel_loop3A_802, %parallel_loop3A_813 : vector<16xf32>
        %parallel_loop3A_815 = arith.index_cast %parallel_loop3A_469 : i32 to index
        %parallel_loop3A_816 = arith.constant 80 : index
        %parallel_loop3A_817 = tpu.vector_load %arg10[%parallel_loop3A_815, %parallel_loop3A_816] {strides = array<i32>} : memref<25x128xf32, #tpu.memory_space<vmem>>, vector<16xf32>,
        tpu.vector_store %arg10[%parallel_loop3A_815, %parallel_loop3A_816], %parallel_loop3A_814 {strides = array<i32>} : memref<25x128xf32, #tpu.memory_space<vmem>>, vector<16xf32>,
        %parallel_loop3A_818 = arith.constant 128 : i32
        %parallel_loop3A_819 = arith.muli %parallel_loop3A_469, %parallel_loop3A_818 : i32
        %parallel_loop3A_820 = arith.constant 96 : i32
        %parallel_loop3A_821 = arith.addi %parallel_loop3A_819, %parallel_loop3A_820 : i32
        %parallel_loop3A_822 = arith.constant 0 : i32
        %parallel_loop3A_823 = arith.index_cast %parallel_loop3A_822 : i32 to index
        %parallel_loop3A_824 = arith.index_cast %parallel_loop3A_821 : i32 to index
        %parallel_loop3A_825 = tpu.vector_load %arg6[%parallel_loop3A_823, %parallel_loop3A_824] {strides = array<i32>} : memref<4x3200xf32, #tpu.memory_space<vmem>>, vector<16xf32>,
        %parallel_loop3A_826 = arith.constant 1 : i32
        %parallel_loop3A_827 = arith.index_cast %parallel_loop3A_826 : i32 to index
        %parallel_loop3A_828 = arith.index_cast %parallel_loop3A_821 : i32 to index
        %parallel_loop3A_829 = tpu.vector_load %arg6[%parallel_loop3A_827, %parallel_loop3A_828] {strides = array<i32>} : memref<4x3200xf32, #tpu.memory_space<vmem>>, vector<16xf32>,
        %parallel_loop3A_830 = arith.constant 2 : i32
        %parallel_loop3A_831 = arith.index_cast %parallel_loop3A_830 : i32 to index
        %parallel_loop3A_832 = arith.index_cast %parallel_loop3A_821 : i32 to index
        %parallel_loop3A_833 = tpu.vector_load %arg6[%parallel_loop3A_831, %parallel_loop3A_832] {strides = array<i32>} : memref<4x3200xf32, #tpu.memory_space<vmem>>, vector<16xf32>,
        %parallel_loop3A_834 = arith.constant 3 : i32
        %parallel_loop3A_835 = arith.index_cast %parallel_loop3A_834 : i32 to index
        %parallel_loop3A_836 = arith.index_cast %parallel_loop3A_821 : i32 to index
        %parallel_loop3A_837 = tpu.vector_load %arg6[%parallel_loop3A_835, %parallel_loop3A_836] {strides = array<i32>} : memref<4x3200xf32, #tpu.memory_space<vmem>>, vector<16xf32>,
        %parallel_loop3A_838 = arith.constant 0 : i32
        %parallel_loop3A_839 = arith.index_cast %parallel_loop3A_838 : i32 to index
        %parallel_loop3A_840 = arith.index_cast %parallel_loop3A_821 : i32 to index
        %parallel_loop3A_841 = tpu.vector_load %arg7[%parallel_loop3A_839, %parallel_loop3A_840] {strides = array<i32>} : memref<4x3200xf32, #tpu.memory_space<vmem>>, vector<16xf32>,
        %parallel_loop3A_842 = arith.constant 1 : i32
        %parallel_loop3A_843 = arith.index_cast %parallel_loop3A_842 : i32 to index
        %parallel_loop3A_844 = arith.index_cast %parallel_loop3A_821 : i32 to index
        %parallel_loop3A_845 = tpu.vector_load %arg7[%parallel_loop3A_843, %parallel_loop3A_844] {strides = array<i32>} : memref<4x3200xf32, #tpu.memory_space<vmem>>, vector<16xf32>,
        %parallel_loop3A_846 = arith.constant 2 : i32
        %parallel_loop3A_847 = arith.index_cast %parallel_loop3A_846 : i32 to index
        %parallel_loop3A_848 = arith.index_cast %parallel_loop3A_821 : i32 to index
        %parallel_loop3A_849 = tpu.vector_load %arg7[%parallel_loop3A_847, %parallel_loop3A_848] {strides = array<i32>} : memref<4x3200xf32, #tpu.memory_space<vmem>>, vector<16xf32>,
        %parallel_loop3A_850 = arith.constant 3 : i32
        %parallel_loop3A_851 = arith.index_cast %parallel_loop3A_850 : i32 to index
        %parallel_loop3A_852 = arith.index_cast %parallel_loop3A_821 : i32 to index
        %parallel_loop3A_853 = tpu.vector_load %arg7[%parallel_loop3A_851, %parallel_loop3A_852] {strides = array<i32>} : memref<4x3200xf32, #tpu.memory_space<vmem>>, vector<16xf32>,
        %parallel_loop3A_854 = arith.mulf %parallel_loop3A_825, %parallel_loop3A_841 : vector<16xf32>
        %parallel_loop3A_855 = arith.mulf %get3A_152, %parallel_loop3A_854 : vector<16xf32>
        %parallel_loop3A_856 = arith.addf %parallel_loop3A_845, %parallel_loop3A_849 : vector<16xf32>
        %parallel_loop3A_857 = arith.addf %parallel_loop3A_856, %parallel_loop3A_853 : vector<16xf32>
        %parallel_loop3A_858 = arith.mulf %parallel_loop3A_825, %parallel_loop3A_857 : vector<16xf32>
        %parallel_loop3A_859 = arith.mulf %get3A_160, %parallel_loop3A_858 : vector<16xf32>
        %parallel_loop3A_860 = arith.addf %parallel_loop3A_855, %parallel_loop3A_859 : vector<16xf32>
        %parallel_loop3A_861 = arith.addf %parallel_loop3A_829, %parallel_loop3A_833 : vector<16xf32>
        %parallel_loop3A_862 = arith.addf %parallel_loop3A_861, %parallel_loop3A_837 : vector<16xf32>
        %parallel_loop3A_863 = arith.mulf %parallel_loop3A_862, %parallel_loop3A_841 : vector<16xf32>
        %parallel_loop3A_864 = arith.mulf %get3A_168, %parallel_loop3A_863 : vector<16xf32>
        %parallel_loop3A_865 = arith.mulf %parallel_loop3A_829, %parallel_loop3A_845 : vector<16xf32>
        %parallel_loop3A_866 = arith.mulf %parallel_loop3A_833, %parallel_loop3A_849 : vector<16xf32>
        %parallel_loop3A_867 = arith.addf %parallel_loop3A_865, %parallel_loop3A_866 : vector<16xf32>
        %parallel_loop3A_868 = arith.mulf %parallel_loop3A_837, %parallel_loop3A_853 : vector<16xf32>
        %parallel_loop3A_869 = arith.addf %parallel_loop3A_867, %parallel_loop3A_868 : vector<16xf32>
        %parallel_loop3A_870 = arith.mulf %get3A_176, %parallel_loop3A_869 : vector<16xf32>
        %parallel_loop3A_871 = arith.addf %parallel_loop3A_864, %parallel_loop3A_870 : vector<16xf32>
        %parallel_loop3A_872 = arith.addf %parallel_loop3A_860, %parallel_loop3A_871 : vector<16xf32>
        %parallel_loop3A_873 = arith.index_cast %parallel_loop3A_469 : i32 to index
        %parallel_loop3A_874 = arith.constant 96 : index
        %parallel_loop3A_875 = tpu.vector_load %arg10[%parallel_loop3A_873, %parallel_loop3A_874] {strides = array<i32>} : memref<25x128xf32, #tpu.memory_space<vmem>>, vector<16xf32>,
        tpu.vector_store %arg10[%parallel_loop3A_873, %parallel_loop3A_874], %parallel_loop3A_872 {strides = array<i32>} : memref<25x128xf32, #tpu.memory_space<vmem>>, vector<16xf32>,
        %parallel_loop3A_876 = arith.constant 128 : i32
        %parallel_loop3A_877 = arith.muli %parallel_loop3A_469, %parallel_loop3A_876 : i32
        %parallel_loop3A_878 = arith.constant 112 : i32
        %parallel_loop3A_879 = arith.addi %parallel_loop3A_877, %parallel_loop3A_878 : i32
        %parallel_loop3A_880 = arith.constant 0 : i32
        %parallel_loop3A_881 = arith.index_cast %parallel_loop3A_880 : i32 to index
        %parallel_loop3A_882 = arith.index_cast %parallel_loop3A_879 : i32 to index
        %parallel_loop3A_883 = tpu.vector_load %arg6[%parallel_loop3A_881, %parallel_loop3A_882] {strides = array<i32>} : memref<4x3200xf32, #tpu.memory_space<vmem>>, vector<16xf32>,
        %parallel_loop3A_884 = arith.constant 1 : i32
        %parallel_loop3A_885 = arith.index_cast %parallel_loop3A_884 : i32 to index
        %parallel_loop3A_886 = arith.index_cast %parallel_loop3A_879 : i32 to index
        %parallel_loop3A_887 = tpu.vector_load %arg6[%parallel_loop3A_885, %parallel_loop3A_886] {strides = array<i32>} : memref<4x3200xf32, #tpu.memory_space<vmem>>, vector<16xf32>,
        %parallel_loop3A_888 = arith.constant 2 : i32
        %parallel_loop3A_889 = arith.index_cast %parallel_loop3A_888 : i32 to index
        %parallel_loop3A_890 = arith.index_cast %parallel_loop3A_879 : i32 to index
        %parallel_loop3A_891 = tpu.vector_load %arg6[%parallel_loop3A_889, %parallel_loop3A_890] {strides = array<i32>} : memref<4x3200xf32, #tpu.memory_space<vmem>>, vector<16xf32>,
        %parallel_loop3A_892 = arith.constant 3 : i32
        %parallel_loop3A_893 = arith.index_cast %parallel_loop3A_892 : i32 to index
        %parallel_loop3A_894 = arith.index_cast %parallel_loop3A_879 : i32 to index
        %parallel_loop3A_895 = tpu.vector_load %arg6[%parallel_loop3A_893, %parallel_loop3A_894] {strides = array<i32>} : memref<4x3200xf32, #tpu.memory_space<vmem>>, vector<16xf32>,
        %parallel_loop3A_896 = arith.constant 0 : i32
        %parallel_loop3A_897 = arith.index_cast %parallel_loop3A_896 : i32 to index
        %parallel_loop3A_898 = arith.index_cast %parallel_loop3A_879 : i32 to index
        %parallel_loop3A_899 = tpu.vector_load %arg7[%parallel_loop3A_897, %parallel_loop3A_898] {strides = array<i32>} : memref<4x3200xf32, #tpu.memory_space<vmem>>, vector<16xf32>,
        %parallel_loop3A_900 = arith.constant 1 : i32
        %parallel_loop3A_901 = arith.index_cast %parallel_loop3A_900 : i32 to index
        %parallel_loop3A_902 = arith.index_cast %parallel_loop3A_879 : i32 to index
        %parallel_loop3A_903 = tpu.vector_load %arg7[%parallel_loop3A_901, %parallel_loop3A_902] {strides = array<i32>} : memref<4x3200xf32, #tpu.memory_space<vmem>>, vector<16xf32>,
        %parallel_loop3A_904 = arith.constant 2 : i32
        %parallel_loop3A_905 = arith.index_cast %parallel_loop3A_904 : i32 to index
        %parallel_loop3A_906 = arith.index_cast %parallel_loop3A_879 : i32 to index
        %parallel_loop3A_907 = tpu.vector_load %arg7[%parallel_loop3A_905, %parallel_loop3A_906] {strides = array<i32>} : memref<4x3200xf32, #tpu.memory_space<vmem>>, vector<16xf32>,
        %parallel_loop3A_908 = arith.constant 3 : i32
        %parallel_loop3A_909 = arith.index_cast %parallel_loop3A_908 : i32 to index
        %parallel_loop3A_910 = arith.index_cast %parallel_loop3A_879 : i32 to index
        %parallel_loop3A_911 = tpu.vector_load %arg7[%parallel_loop3A_909, %parallel_loop3A_910] {strides = array<i32>} : memref<4x3200xf32, #tpu.memory_space<vmem>>, vector<16xf32>,
        %parallel_loop3A_912 = arith.mulf %parallel_loop3A_883, %parallel_loop3A_899 : vector<16xf32>
        %parallel_loop3A_913 = arith.mulf %get3A_152, %parallel_loop3A_912 : vector<16xf32>
        %parallel_loop3A_914 = arith.addf %parallel_loop3A_903, %parallel_loop3A_907 : vector<16xf32>
        %parallel_loop3A_915 = arith.addf %parallel_loop3A_914, %parallel_loop3A_911 : vector<16xf32>
        %parallel_loop3A_916 = arith.mulf %parallel_loop3A_883, %parallel_loop3A_915 : vector<16xf32>
        %parallel_loop3A_917 = arith.mulf %get3A_160, %parallel_loop3A_916 : vector<16xf32>
        %parallel_loop3A_918 = arith.addf %parallel_loop3A_913, %parallel_loop3A_917 : vector<16xf32>
        %parallel_loop3A_919 = arith.addf %parallel_loop3A_887, %parallel_loop3A_891 : vector<16xf32>
        %parallel_loop3A_920 = arith.addf %parallel_loop3A_919, %parallel_loop3A_895 : vector<16xf32>
        %parallel_loop3A_921 = arith.mulf %parallel_loop3A_920, %parallel_loop3A_899 : vector<16xf32>
        %parallel_loop3A_922 = arith.mulf %get3A_168, %parallel_loop3A_921 : vector<16xf32>
        %parallel_loop3A_923 = arith.mulf %parallel_loop3A_887, %parallel_loop3A_903 : vector<16xf32>
        %parallel_loop3A_924 = arith.mulf %parallel_loop3A_891, %parallel_loop3A_907 : vector<16xf32>
        %parallel_loop3A_925 = arith.addf %parallel_loop3A_923, %parallel_loop3A_924 : vector<16xf32>
        %parallel_loop3A_926 = arith.mulf %parallel_loop3A_895, %parallel_loop3A_911 : vector<16xf32>
        %parallel_loop3A_927 = arith.addf %parallel_loop3A_925, %parallel_loop3A_926 : vector<16xf32>
        %parallel_loop3A_928 = arith.mulf %get3A_176, %parallel_loop3A_927 : vector<16xf32>
        %parallel_loop3A_929 = arith.addf %parallel_loop3A_922, %parallel_loop3A_928 : vector<16xf32>
        %parallel_loop3A_930 = arith.addf %parallel_loop3A_918, %parallel_loop3A_929 : vector<16xf32>
        %parallel_loop3A_931 = arith.index_cast %parallel_loop3A_469 : i32 to index
        %parallel_loop3A_932 = arith.constant 112 : index
        %parallel_loop3A_933 = tpu.vector_load %arg10[%parallel_loop3A_931, %parallel_loop3A_932] {strides = array<i32>} : memref<25x128xf32, #tpu.memory_space<vmem>>, vector<16xf32>,
        tpu.vector_store %arg10[%parallel_loop3A_931, %parallel_loop3A_932], %parallel_loop3A_930 {strides = array<i32>} : memref<25x128xf32, #tpu.memory_space<vmem>>, vector<16xf32>,
      } {sc.loop_unroll_factor = 5 : i64, sc.parallel_access}
      %jit3A_338 = arith.constant 8 : i32
      %div3A_339 = arith.divsi %add3A_144, %jit3A_338 : i32
      %sign3A_340 = arith.constant 0 : i32
      %sign3A_341 = arith.cmpi sgt, %add3A_144, %sign3A_340 : i32
      %sign3A_342 = arith.extui %sign3A_341 : i1 to i32
      %sign3A_343 = arith.constant 0 : i32
      %sign3A_344 = arith.cmpi slt, %add3A_144, %sign3A_343 : i32
      %sign3A_345 = arith.extui %sign3A_344 : i1 to i32
      %sign3A_346 = arith.subi %sign3A_342, %sign3A_345 : i32
      %sign3A_347 = arith.constant 0 : i32
      %sign3A_348 = arith.cmpi sgt, %jit3A_338, %sign3A_347 : i32
      %sign3A_349 = arith.extui %sign3A_348 : i1 to i32
      %sign3A_350 = arith.constant 0 : i32
      %sign3A_351 = arith.cmpi slt, %jit3A_338, %sign3A_350 : i32
      %sign3A_352 = arith.extui %sign3A_351 : i1 to i32
      %sign3A_353 = arith.subi %sign3A_349, %sign3A_352 : i32
      %ne3A_354 = arith.cmpi ne, %sign3A_346, %sign3A_353 : i32
      %rem3A_355 = arith.remsi %add3A_144, %jit3A_338 : i32
      %ne3A_356 = arith.constant 0 : i32
      %ne3A_357 = arith.cmpi ne, %rem3A_355, %ne3A_356 : i32
      %and3A_358 = arith.andi %ne3A_354, %ne3A_357 : i1
      %sub3A_359 = arith.constant 1 : i32
      %sub3A_360 = arith.subi %div3A_339, %sub3A_359 : i32
      %select_n3A_361 = arith.select %and3A_358, %sub3A_360, %div3A_339 : i32
      %mul3A_362 = arith.constant 25 : i32
      %mul3A_363 = arith.muli %mul3A_297, %mul3A_362 : i32
      %jit3A_364 = arith.constant 8 : i32
      %eq3A_365 = arith.constant 0 : i32
      %eq3A_366 = arith.cmpi eq, %jit3A_364, %eq3A_365 : i32
      %jit3A_367 = arith.constant 1 : i32
      %select_n3A_368 = arith.select %eq3A_366, %jit3A_367, %jit3A_364 : i32
      %rem3A_369 = arith.remsi %add3A_144, %select_n3A_368 : i32
      %ne3A_370 = arith.constant 0 : i32
      %ne3A_371 = arith.cmpi ne, %rem3A_369, %ne3A_370 : i32
      %lt3A_372 = arith.constant 0 : i32
      %lt3A_373 = arith.cmpi slt, %rem3A_369, %lt3A_372 : i32
      %lt3A_374 = arith.constant 0 : i32
      %lt3A_375 = arith.cmpi slt, %select_n3A_368, %lt3A_374 : i32
      %ne3A_376 = arith.xori %lt3A_373, %lt3A_375 : i1
      %and3A_377 = arith.andi %ne3A_376, %ne3A_371 : i1
      %add3A_378 = arith.addi %rem3A_369, %select_n3A_368 : i32
      %select_n3A_379 = arith.select %and3A_377, %add3A_378, %rem3A_369 : i32
      %dma_start3A_380 = arith.constant 0 : i32
      %dma_start3A_381 = tpu.memref_slice %arg5[%select_n3A_361, %mul3A_363, %select_n3A_379, %dma_start3A_380] : memref<8x1250x8x128xf32, #tpu.memory_space<hbm>> -> memref<1x25x1x128xf32, #tpu.memory_space<hbm>>
      %dma_start3A_382 = tpu.memref_squeeze %dma_start3A_381 : memref<1x25x1x128xf32, #tpu.memory_space<hbm>> -> memref<25x128xf32, #tpu.memory_space<hbm>>
      %dma_start3A_383 = arith.constant 0 : i32
      %dma_start3A_384 = tpu.memref_slice %arg5[%select_n3A_361, %mul3A_363, %select_n3A_379, %dma_start3A_383] : memref<8x1250x8x128xf32, #tpu.memory_space<hbm>> -> memref<1x25x1x128xf32, #tpu.memory_space<hbm>>
      %dma_start3A_385 = tpu.memref_squeeze %dma_start3A_384 : memref<1x25x1x128xf32, #tpu.memory_space<hbm>> -> memref<25x128xf32, #tpu.memory_space<hbm>>
      tpu.enqueue_dma source(%arg10 : memref<25x128xf32, #tpu.memory_space<vmem>>) target(%dma_start3A_385 : memref<25x128xf32, #tpu.memory_space<hbm>>) target_semaphore(%arg15 : memref<!tpu.dma_semaphore, #tpu.memory_space<semaphore_mem>>)
      %lt3A_386 = arith.constant 24 : i32
      %lt3A_387 = arith.cmpi slt, %scan3A_295, %lt3A_386 : i32
      %convert_element_type3A_388 = arith.extui %lt3A_387 : i1 to i32
      %cond3A_389 = arith.constant 0 : i32
      %cond3A_390 = arith.cmpi ne, %convert_element_type3A_388, %cond3A_389 : i32
      scf.if %cond3A_390 {
        %add3A_469 = arith.constant 2 : i32
        %add3A_470 = arith.addi %mul3A_297, %add3A_469 : i32
        %mul3A_471 = arith.constant 3200 : i32
        %mul3A_472 = arith.muli %add3A_470, %mul3A_471 : i32
        %dma_start3A_473 = arith.constant 0 : i32
        %dma_start3A_474 = tpu.memref_slice %arg2[%add3A_144, %dma_start3A_473, %mul3A_472] : memref<64x4x160000xf32, #tpu.memory_space<hbm>> -> memref<1x4x3200xf32, #tpu.memory_space<hbm>>
        %dma_start3A_475 = tpu.memref_squeeze %dma_start3A_474 : memref<1x4x3200xf32, #tpu.memory_space<hbm>> -> memref<4x3200xf32, #tpu.memory_space<hbm>>
        %dma_start3A_476 = arith.constant 0 : i32
        %dma_start3A_477 = tpu.memref_slice %arg2[%add3A_144, %dma_start3A_476, %mul3A_472] : memref<64x4x160000xf32, #tpu.memory_space<hbm>> -> memref<1x4x3200xf32, #tpu.memory_space<hbm>>
        %dma_start3A_478 = tpu.memref_squeeze %dma_start3A_477 : memref<1x4x3200xf32, #tpu.memory_space<hbm>> -> memref<4x3200xf32, #tpu.memory_space<hbm>>
        tpu.enqueue_dma source(%dma_start3A_478 : memref<4x3200xf32, #tpu.memory_space<hbm>>) target(%arg6 : memref<4x3200xf32, #tpu.memory_space<vmem>>) target_semaphore(%arg13 : memref<!tpu.dma_semaphore, #tpu.memory_space<semaphore_mem>>)
        %add3A_479 = arith.constant 2 : i32
        %add3A_480 = arith.addi %mul3A_297, %add3A_479 : i32
        %mul3A_481 = arith.constant 3200 : i32
        %mul3A_482 = arith.muli %add3A_480, %mul3A_481 : i32
        %dma_start3A_483 = arith.constant 0 : i32
        %dma_start3A_484 = tpu.memref_slice %arg3[%add3A_144, %dma_start3A_483, %mul3A_482] : memref<64x4x160000xf32, #tpu.memory_space<hbm>> -> memref<1x4x3200xf32, #tpu.memory_space<hbm>>
        %dma_start3A_485 = tpu.memref_squeeze %dma_start3A_484 : memref<1x4x3200xf32, #tpu.memory_space<hbm>> -> memref<4x3200xf32, #tpu.memory_space<hbm>>
        %dma_start3A_486 = arith.constant 0 : i32
        %dma_start3A_487 = tpu.memref_slice %arg3[%add3A_144, %dma_start3A_486, %mul3A_482] : memref<64x4x160000xf32, #tpu.memory_space<hbm>> -> memref<1x4x3200xf32, #tpu.memory_space<hbm>>
        %dma_start3A_488 = tpu.memref_squeeze %dma_start3A_487 : memref<1x4x3200xf32, #tpu.memory_space<hbm>> -> memref<4x3200xf32, #tpu.memory_space<hbm>>
        tpu.enqueue_dma source(%dma_start3A_488 : memref<4x3200xf32, #tpu.memory_space<hbm>>) target(%arg7 : memref<4x3200xf32, #tpu.memory_space<vmem>>) target_semaphore(%arg13 : memref<!tpu.dma_semaphore, #tpu.memory_space<semaphore_mem>>)
      } else {
      }
      %add3A_391 = arith.constant 1 : i32
      %add3A_392 = arith.addi %mul3A_297, %add3A_391 : i32
      %mul3A_393 = arith.constant 3200 : i32
      %mul3A_394 = arith.muli %add3A_392, %mul3A_393 : i32
      %dma_wait3A_395 = arith.constant 0 : i32
      %dma_wait3A_396 = tpu.memref_slice %arg2[%add3A_144, %dma_wait3A_395, %mul3A_394] : memref<64x4x160000xf32, #tpu.memory_space<hbm>> -> memref<1x4x3200xf32, #tpu.memory_space<hbm>>
      %dma_wait3A_397 = tpu.memref_squeeze %dma_wait3A_396 : memref<1x4x3200xf32, #tpu.memory_space<hbm>> -> memref<4x3200xf32, #tpu.memory_space<hbm>>
      %dma_wait3A_398 = arith.constant 0 : i32
      %dma_wait3A_399 = tpu.memref_slice %arg2[%add3A_144, %dma_wait3A_398, %mul3A_394] : memref<64x4x160000xf32, #tpu.memory_space<hbm>> -> memref<1x4x3200xf32, #tpu.memory_space<hbm>>
      %dma_wait3A_400 = tpu.memref_squeeze %dma_wait3A_399 : memref<1x4x3200xf32, #tpu.memory_space<hbm>> -> memref<4x3200xf32, #tpu.memory_space<hbm>>
      tpu.wait_dma2 semaphore(%arg14 : memref<!tpu.dma_semaphore, #tpu.memory_space<semaphore_mem>>) src(%dma_wait3A_400 : memref<4x3200xf32, #tpu.memory_space<hbm>>) dst(%arg8 : memref<4x3200xf32, #tpu.memory_space<vmem>>)
      %add3A_401 = arith.constant 1 : i32
      %add3A_402 = arith.addi %mul3A_297, %add3A_401 : i32
      %mul3A_403 = arith.constant 3200 : i32
      %mul3A_404 = arith.muli %add3A_402, %mul3A_403 : i32
      %dma_wait3A_405 = arith.constant 0 : i32
      %dma_wait3A_406 = tpu.memref_slice %arg3[%add3A_144, %dma_wait3A_405, %mul3A_404] : memref<64x4x160000xf32, #tpu.memory_space<hbm>> -> memref<1x4x3200xf32, #tpu.memory_space<hbm>>
      %dma_wait3A_407 = tpu.memref_squeeze %dma_wait3A_406 : memref<1x4x3200xf32, #tpu.memory_space<hbm>> -> memref<4x3200xf32, #tpu.memory_space<hbm>>
      %dma_wait3A_408 = arith.constant 0 : i32
      %dma_wait3A_409 = tpu.memref_slice %arg3[%add3A_144, %dma_wait3A_408, %mul3A_404] : memref<64x4x160000xf32, #tpu.memory_space<hbm>> -> memref<1x4x3200xf32, #tpu.memory_space<hbm>>
      %dma_wait3A_410 = tpu.memref_squeeze %dma_wait3A_409 : memref<1x4x3200xf32, #tpu.memory_space<hbm>> -> memref<4x3200xf32, #tpu.memory_space<hbm>>
      tpu.wait_dma2 semaphore(%arg14 : memref<!tpu.dma_semaphore, #tpu.memory_space<semaphore_mem>>) src(%dma_wait3A_410 : memref<4x3200xf32, #tpu.memory_space<hbm>>) dst(%arg9 : memref<4x3200xf32, #tpu.memory_space<vmem>>)
      %gt3A_411 = arith.constant 0 : i32
      %gt3A_412 = arith.cmpi sgt, %scan3A_295, %gt3A_411 : i32
      %convert_element_type3A_413 = arith.extui %gt3A_412 : i1 to i32
      %cond3A_414 = arith.constant 0 : i32
      %cond3A_415 = arith.cmpi ne, %convert_element_type3A_413, %cond3A_414 : i32
      scf.if %cond3A_415 {
        %jit3A_469 = arith.constant 8 : i32
        %div3A_470 = arith.divsi %add3A_144, %jit3A_469 : i32
        %sign3A_471 = arith.constant 0 : i32
        %sign3A_472 = arith.cmpi sgt, %add3A_144, %sign3A_471 : i32
        %sign3A_473 = arith.extui %sign3A_472 : i1 to i32
        %sign3A_474 = arith.constant 0 : i32
        %sign3A_475 = arith.cmpi slt, %add3A_144, %sign3A_474 : i32
        %sign3A_476 = arith.extui %sign3A_475 : i1 to i32
        %sign3A_477 = arith.subi %sign3A_473, %sign3A_476 : i32
        %sign3A_478 = arith.constant 0 : i32
        %sign3A_479 = arith.cmpi sgt, %jit3A_469, %sign3A_478 : i32
        %sign3A_480 = arith.extui %sign3A_479 : i1 to i32
        %sign3A_481 = arith.constant 0 : i32
        %sign3A_482 = arith.cmpi slt, %jit3A_469, %sign3A_481 : i32
        %sign3A_483 = arith.extui %sign3A_482 : i1 to i32
        %sign3A_484 = arith.subi %sign3A_480, %sign3A_483 : i32
        %ne3A_485 = arith.cmpi ne, %sign3A_477, %sign3A_484 : i32
        %rem3A_486 = arith.remsi %add3A_144, %jit3A_469 : i32
        %ne3A_487 = arith.constant 0 : i32
        %ne3A_488 = arith.cmpi ne, %rem3A_486, %ne3A_487 : i32
        %and3A_489 = arith.andi %ne3A_485, %ne3A_488 : i1
        %sub3A_490 = arith.constant 1 : i32
        %sub3A_491 = arith.subi %div3A_470, %sub3A_490 : i32
        %select_n3A_492 = arith.select %and3A_489, %sub3A_491, %div3A_470 : i32
        %jit3A_493 = arith.constant 8 : i32
        %eq3A_494 = arith.constant 0 : i32
        %eq3A_495 = arith.cmpi eq, %jit3A_493, %eq3A_494 : i32
        %jit3A_496 = arith.constant 1 : i32
        %select_n3A_497 = arith.select %eq3A_495, %jit3A_496, %jit3A_493 : i32
        %rem3A_498 = arith.remsi %add3A_144, %select_n3A_497 : i32
        %ne3A_499 = arith.constant 0 : i32
        %ne3A_500 = arith.cmpi ne, %rem3A_498, %ne3A_499 : i32
        %lt3A_501 = arith.constant 0 : i32
        %lt3A_502 = arith.cmpi slt, %rem3A_498, %lt3A_501 : i32
        %lt3A_503 = arith.constant 0 : i32
        %lt3A_504 = arith.cmpi slt, %select_n3A_497, %lt3A_503 : i32
        %ne3A_505 = arith.xori %lt3A_502, %lt3A_504 : i1
        %and3A_506 = arith.andi %ne3A_505, %ne3A_500 : i1
        %add3A_507 = arith.addi %rem3A_498, %select_n3A_497 : i32
        %select_n3A_508 = arith.select %and3A_506, %add3A_507, %rem3A_498 : i32
        %dma_wait3A_509 = arith.constant 0 : i32
        %dma_wait3A_510 = arith.constant 0 : i32
        %dma_wait3A_511 = tpu.memref_slice %arg5[%select_n3A_492, %dma_wait3A_509, %select_n3A_508, %dma_wait3A_510] : memref<8x1250x8x128xf32, #tpu.memory_space<hbm>> -> memref<1x25x1x128xf32, #tpu.memory_space<hbm>>
        %dma_wait3A_512 = tpu.memref_squeeze %dma_wait3A_511 : memref<1x25x1x128xf32, #tpu.memory_space<hbm>> -> memref<25x128xf32, #tpu.memory_space<hbm>>
        %dma_wait3A_513 = arith.constant 0 : i32
        %dma_wait3A_514 = arith.constant 0 : i32
        %dma_wait3A_515 = tpu.memref_slice %arg5[%select_n3A_492, %dma_wait3A_513, %select_n3A_508, %dma_wait3A_514] : memref<8x1250x8x128xf32, #tpu.memory_space<hbm>> -> memref<1x25x1x128xf32, #tpu.memory_space<hbm>>
        %dma_wait3A_516 = tpu.memref_squeeze %dma_wait3A_515 : memref<1x25x1x128xf32, #tpu.memory_space<hbm>> -> memref<25x128xf32, #tpu.memory_space<hbm>>
        tpu.wait_dma2 semaphore(%arg15 : memref<!tpu.dma_semaphore, #tpu.memory_space<semaphore_mem>>) src(%arg11 : memref<25x128xf32, #tpu.memory_space<vmem>>) dst(%dma_wait3A_516 : memref<25x128xf32, #tpu.memory_space<hbm>>)
      } else {
      }
      %parallel_loop3A_416 = arith.constant 0 : i32
      %parallel_loop3A_417 = arith.constant 25 : i32
      %parallel_loop3A_418 = arith.constant 1 : i32
      scf.for %parallel_loop3A_469 = %parallel_loop3A_416 to %parallel_loop3A_417 step %parallel_loop3A_418  : i32 {
        %parallel_loop3A_470 = arith.constant 128 : i32
        %parallel_loop3A_471 = arith.muli %parallel_loop3A_469, %parallel_loop3A_470 : i32
        %parallel_loop3A_472 = arith.constant 0 : i32
        %parallel_loop3A_473 = arith.addi %parallel_loop3A_471, %parallel_loop3A_472 : i32
        %parallel_loop3A_474 = arith.constant 0 : i32
        %parallel_loop3A_475 = arith.index_cast %parallel_loop3A_474 : i32 to index
        %parallel_loop3A_476 = arith.index_cast %parallel_loop3A_473 : i32 to index
        %parallel_loop3A_477 = tpu.vector_load %arg8[%parallel_loop3A_475, %parallel_loop3A_476] {strides = array<i32>} : memref<4x3200xf32, #tpu.memory_space<vmem>>, vector<16xf32>,
        %parallel_loop3A_478 = arith.constant 1 : i32
        %parallel_loop3A_479 = arith.index_cast %parallel_loop3A_478 : i32 to index
        %parallel_loop3A_480 = arith.index_cast %parallel_loop3A_473 : i32 to index
        %parallel_loop3A_481 = tpu.vector_load %arg8[%parallel_loop3A_479, %parallel_loop3A_480] {strides = array<i32>} : memref<4x3200xf32, #tpu.memory_space<vmem>>, vector<16xf32>,
        %parallel_loop3A_482 = arith.constant 2 : i32
        %parallel_loop3A_483 = arith.index_cast %parallel_loop3A_482 : i32 to index
        %parallel_loop3A_484 = arith.index_cast %parallel_loop3A_473 : i32 to index
        %parallel_loop3A_485 = tpu.vector_load %arg8[%parallel_loop3A_483, %parallel_loop3A_484] {strides = array<i32>} : memref<4x3200xf32, #tpu.memory_space<vmem>>, vector<16xf32>,
        %parallel_loop3A_486 = arith.constant 3 : i32
        %parallel_loop3A_487 = arith.index_cast %parallel_loop3A_486 : i32 to index
        %parallel_loop3A_488 = arith.index_cast %parallel_loop3A_473 : i32 to index
        %parallel_loop3A_489 = tpu.vector_load %arg8[%parallel_loop3A_487, %parallel_loop3A_488] {strides = array<i32>} : memref<4x3200xf32, #tpu.memory_space<vmem>>, vector<16xf32>,
        %parallel_loop3A_490 = arith.constant 0 : i32
        %parallel_loop3A_491 = arith.index_cast %parallel_loop3A_490 : i32 to index
        %parallel_loop3A_492 = arith.index_cast %parallel_loop3A_473 : i32 to index
        %parallel_loop3A_493 = tpu.vector_load %arg9[%parallel_loop3A_491, %parallel_loop3A_492] {strides = array<i32>} : memref<4x3200xf32, #tpu.memory_space<vmem>>, vector<16xf32>,
        %parallel_loop3A_494 = arith.constant 1 : i32
        %parallel_loop3A_495 = arith.index_cast %parallel_loop3A_494 : i32 to index
        %parallel_loop3A_496 = arith.index_cast %parallel_loop3A_473 : i32 to index
        %parallel_loop3A_497 = tpu.vector_load %arg9[%parallel_loop3A_495, %parallel_loop3A_496] {strides = array<i32>} : memref<4x3200xf32, #tpu.memory_space<vmem>>, vector<16xf32>,
        %parallel_loop3A_498 = arith.constant 2 : i32
        %parallel_loop3A_499 = arith.index_cast %parallel_loop3A_498 : i32 to index
        %parallel_loop3A_500 = arith.index_cast %parallel_loop3A_473 : i32 to index
        %parallel_loop3A_501 = tpu.vector_load %arg9[%parallel_loop3A_499, %parallel_loop3A_500] {strides = array<i32>} : memref<4x3200xf32, #tpu.memory_space<vmem>>, vector<16xf32>,
        %parallel_loop3A_502 = arith.constant 3 : i32
        %parallel_loop3A_503 = arith.index_cast %parallel_loop3A_502 : i32 to index
        %parallel_loop3A_504 = arith.index_cast %parallel_loop3A_473 : i32 to index
        %parallel_loop3A_505 = tpu.vector_load %arg9[%parallel_loop3A_503, %parallel_loop3A_504] {strides = array<i32>} : memref<4x3200xf32, #tpu.memory_space<vmem>>, vector<16xf32>,
        %parallel_loop3A_506 = arith.mulf %parallel_loop3A_477, %parallel_loop3A_493 : vector<16xf32>
        %parallel_loop3A_507 = arith.mulf %get3A_152, %parallel_loop3A_506 : vector<16xf32>
        %parallel_loop3A_508 = arith.addf %parallel_loop3A_497, %parallel_loop3A_501 : vector<16xf32>
        %parallel_loop3A_509 = arith.addf %parallel_loop3A_508, %parallel_loop3A_505 : vector<16xf32>
        %parallel_loop3A_510 = arith.mulf %parallel_loop3A_477, %parallel_loop3A_509 : vector<16xf32>
        %parallel_loop3A_511 = arith.mulf %get3A_160, %parallel_loop3A_510 : vector<16xf32>
        %parallel_loop3A_512 = arith.addf %parallel_loop3A_507, %parallel_loop3A_511 : vector<16xf32>
        %parallel_loop3A_513 = arith.addf %parallel_loop3A_481, %parallel_loop3A_485 : vector<16xf32>
        %parallel_loop3A_514 = arith.addf %parallel_loop3A_513, %parallel_loop3A_489 : vector<16xf32>
        %parallel_loop3A_515 = arith.mulf %parallel_loop3A_514, %parallel_loop3A_493 : vector<16xf32>
        %parallel_loop3A_516 = arith.mulf %get3A_168, %parallel_loop3A_515 : vector<16xf32>
        %parallel_loop3A_517 = arith.mulf %parallel_loop3A_481, %parallel_loop3A_497 : vector<16xf32>
        %parallel_loop3A_518 = arith.mulf %parallel_loop3A_485, %parallel_loop3A_501 : vector<16xf32>
        %parallel_loop3A_519 = arith.addf %parallel_loop3A_517, %parallel_loop3A_518 : vector<16xf32>
        %parallel_loop3A_520 = arith.mulf %parallel_loop3A_489, %parallel_loop3A_505 : vector<16xf32>
        %parallel_loop3A_521 = arith.addf %parallel_loop3A_519, %parallel_loop3A_520 : vector<16xf32>
        %parallel_loop3A_522 = arith.mulf %get3A_176, %parallel_loop3A_521 : vector<16xf32>
        %parallel_loop3A_523 = arith.addf %parallel_loop3A_516, %parallel_loop3A_522 : vector<16xf32>
        %parallel_loop3A_524 = arith.addf %parallel_loop3A_512, %parallel_loop3A_523 : vector<16xf32>
        %parallel_loop3A_525 = arith.index_cast %parallel_loop3A_469 : i32 to index
        %parallel_loop3A_526 = arith.constant 0 : index
        %parallel_loop3A_527 = tpu.vector_load %arg11[%parallel_loop3A_525, %parallel_loop3A_526] {strides = array<i32>} : memref<25x128xf32, #tpu.memory_space<vmem>>, vector<16xf32>,
        tpu.vector_store %arg11[%parallel_loop3A_525, %parallel_loop3A_526], %parallel_loop3A_524 {strides = array<i32>} : memref<25x128xf32, #tpu.memory_space<vmem>>, vector<16xf32>,
        %parallel_loop3A_528 = arith.constant 128 : i32
        %parallel_loop3A_529 = arith.muli %parallel_loop3A_469, %parallel_loop3A_528 : i32
        %parallel_loop3A_530 = arith.constant 16 : i32
        %parallel_loop3A_531 = arith.addi %parallel_loop3A_529, %parallel_loop3A_530 : i32
        %parallel_loop3A_532 = arith.constant 0 : i32
        %parallel_loop3A_533 = arith.index_cast %parallel_loop3A_532 : i32 to index
        %parallel_loop3A_534 = arith.index_cast %parallel_loop3A_531 : i32 to index
        %parallel_loop3A_535 = tpu.vector_load %arg8[%parallel_loop3A_533, %parallel_loop3A_534] {strides = array<i32>} : memref<4x3200xf32, #tpu.memory_space<vmem>>, vector<16xf32>,
        %parallel_loop3A_536 = arith.constant 1 : i32
        %parallel_loop3A_537 = arith.index_cast %parallel_loop3A_536 : i32 to index
        %parallel_loop3A_538 = arith.index_cast %parallel_loop3A_531 : i32 to index
        %parallel_loop3A_539 = tpu.vector_load %arg8[%parallel_loop3A_537, %parallel_loop3A_538] {strides = array<i32>} : memref<4x3200xf32, #tpu.memory_space<vmem>>, vector<16xf32>,
        %parallel_loop3A_540 = arith.constant 2 : i32
        %parallel_loop3A_541 = arith.index_cast %parallel_loop3A_540 : i32 to index
        %parallel_loop3A_542 = arith.index_cast %parallel_loop3A_531 : i32 to index
        %parallel_loop3A_543 = tpu.vector_load %arg8[%parallel_loop3A_541, %parallel_loop3A_542] {strides = array<i32>} : memref<4x3200xf32, #tpu.memory_space<vmem>>, vector<16xf32>,
        %parallel_loop3A_544 = arith.constant 3 : i32
        %parallel_loop3A_545 = arith.index_cast %parallel_loop3A_544 : i32 to index
        %parallel_loop3A_546 = arith.index_cast %parallel_loop3A_531 : i32 to index
        %parallel_loop3A_547 = tpu.vector_load %arg8[%parallel_loop3A_545, %parallel_loop3A_546] {strides = array<i32>} : memref<4x3200xf32, #tpu.memory_space<vmem>>, vector<16xf32>,
        %parallel_loop3A_548 = arith.constant 0 : i32
        %parallel_loop3A_549 = arith.index_cast %parallel_loop3A_548 : i32 to index
        %parallel_loop3A_550 = arith.index_cast %parallel_loop3A_531 : i32 to index
        %parallel_loop3A_551 = tpu.vector_load %arg9[%parallel_loop3A_549, %parallel_loop3A_550] {strides = array<i32>} : memref<4x3200xf32, #tpu.memory_space<vmem>>, vector<16xf32>,
        %parallel_loop3A_552 = arith.constant 1 : i32
        %parallel_loop3A_553 = arith.index_cast %parallel_loop3A_552 : i32 to index
        %parallel_loop3A_554 = arith.index_cast %parallel_loop3A_531 : i32 to index
        %parallel_loop3A_555 = tpu.vector_load %arg9[%parallel_loop3A_553, %parallel_loop3A_554] {strides = array<i32>} : memref<4x3200xf32, #tpu.memory_space<vmem>>, vector<16xf32>,
        %parallel_loop3A_556 = arith.constant 2 : i32
        %parallel_loop3A_557 = arith.index_cast %parallel_loop3A_556 : i32 to index
        %parallel_loop3A_558 = arith.index_cast %parallel_loop3A_531 : i32 to index
        %parallel_loop3A_559 = tpu.vector_load %arg9[%parallel_loop3A_557, %parallel_loop3A_558] {strides = array<i32>} : memref<4x3200xf32, #tpu.memory_space<vmem>>, vector<16xf32>,
        %parallel_loop3A_560 = arith.constant 3 : i32
        %parallel_loop3A_561 = arith.index_cast %parallel_loop3A_560 : i32 to index
        %parallel_loop3A_562 = arith.index_cast %parallel_loop3A_531 : i32 to index
        %parallel_loop3A_563 = tpu.vector_load %arg9[%parallel_loop3A_561, %parallel_loop3A_562] {strides = array<i32>} : memref<4x3200xf32, #tpu.memory_space<vmem>>, vector<16xf32>,
        %parallel_loop3A_564 = arith.mulf %parallel_loop3A_535, %parallel_loop3A_551 : vector<16xf32>
        %parallel_loop3A_565 = arith.mulf %get3A_152, %parallel_loop3A_564 : vector<16xf32>
        %parallel_loop3A_566 = arith.addf %parallel_loop3A_555, %parallel_loop3A_559 : vector<16xf32>
        %parallel_loop3A_567 = arith.addf %parallel_loop3A_566, %parallel_loop3A_563 : vector<16xf32>
        %parallel_loop3A_568 = arith.mulf %parallel_loop3A_535, %parallel_loop3A_567 : vector<16xf32>
        %parallel_loop3A_569 = arith.mulf %get3A_160, %parallel_loop3A_568 : vector<16xf32>
        %parallel_loop3A_570 = arith.addf %parallel_loop3A_565, %parallel_loop3A_569 : vector<16xf32>
        %parallel_loop3A_571 = arith.addf %parallel_loop3A_539, %parallel_loop3A_543 : vector<16xf32>
        %parallel_loop3A_572 = arith.addf %parallel_loop3A_571, %parallel_loop3A_547 : vector<16xf32>
        %parallel_loop3A_573 = arith.mulf %parallel_loop3A_572, %parallel_loop3A_551 : vector<16xf32>
        %parallel_loop3A_574 = arith.mulf %get3A_168, %parallel_loop3A_573 : vector<16xf32>
        %parallel_loop3A_575 = arith.mulf %parallel_loop3A_539, %parallel_loop3A_555 : vector<16xf32>
        %parallel_loop3A_576 = arith.mulf %parallel_loop3A_543, %parallel_loop3A_559 : vector<16xf32>
        %parallel_loop3A_577 = arith.addf %parallel_loop3A_575, %parallel_loop3A_576 : vector<16xf32>
        %parallel_loop3A_578 = arith.mulf %parallel_loop3A_547, %parallel_loop3A_563 : vector<16xf32>
        %parallel_loop3A_579 = arith.addf %parallel_loop3A_577, %parallel_loop3A_578 : vector<16xf32>
        %parallel_loop3A_580 = arith.mulf %get3A_176, %parallel_loop3A_579 : vector<16xf32>
        %parallel_loop3A_581 = arith.addf %parallel_loop3A_574, %parallel_loop3A_580 : vector<16xf32>
        %parallel_loop3A_582 = arith.addf %parallel_loop3A_570, %parallel_loop3A_581 : vector<16xf32>
        %parallel_loop3A_583 = arith.index_cast %parallel_loop3A_469 : i32 to index
        %parallel_loop3A_584 = arith.constant 16 : index
        %parallel_loop3A_585 = tpu.vector_load %arg11[%parallel_loop3A_583, %parallel_loop3A_584] {strides = array<i32>} : memref<25x128xf32, #tpu.memory_space<vmem>>, vector<16xf32>,
        tpu.vector_store %arg11[%parallel_loop3A_583, %parallel_loop3A_584], %parallel_loop3A_582 {strides = array<i32>} : memref<25x128xf32, #tpu.memory_space<vmem>>, vector<16xf32>,
        %parallel_loop3A_586 = arith.constant 128 : i32
        %parallel_loop3A_587 = arith.muli %parallel_loop3A_469, %parallel_loop3A_586 : i32
        %parallel_loop3A_588 = arith.constant 32 : i32
        %parallel_loop3A_589 = arith.addi %parallel_loop3A_587, %parallel_loop3A_588 : i32
        %parallel_loop3A_590 = arith.constant 0 : i32
        %parallel_loop3A_591 = arith.index_cast %parallel_loop3A_590 : i32 to index
        %parallel_loop3A_592 = arith.index_cast %parallel_loop3A_589 : i32 to index
        %parallel_loop3A_593 = tpu.vector_load %arg8[%parallel_loop3A_591, %parallel_loop3A_592] {strides = array<i32>} : memref<4x3200xf32, #tpu.memory_space<vmem>>, vector<16xf32>,
        %parallel_loop3A_594 = arith.constant 1 : i32
        %parallel_loop3A_595 = arith.index_cast %parallel_loop3A_594 : i32 to index
        %parallel_loop3A_596 = arith.index_cast %parallel_loop3A_589 : i32 to index
        %parallel_loop3A_597 = tpu.vector_load %arg8[%parallel_loop3A_595, %parallel_loop3A_596] {strides = array<i32>} : memref<4x3200xf32, #tpu.memory_space<vmem>>, vector<16xf32>,
        %parallel_loop3A_598 = arith.constant 2 : i32
        %parallel_loop3A_599 = arith.index_cast %parallel_loop3A_598 : i32 to index
        %parallel_loop3A_600 = arith.index_cast %parallel_loop3A_589 : i32 to index
        %parallel_loop3A_601 = tpu.vector_load %arg8[%parallel_loop3A_599, %parallel_loop3A_600] {strides = array<i32>} : memref<4x3200xf32, #tpu.memory_space<vmem>>, vector<16xf32>,
        %parallel_loop3A_602 = arith.constant 3 : i32
        %parallel_loop3A_603 = arith.index_cast %parallel_loop3A_602 : i32 to index
        %parallel_loop3A_604 = arith.index_cast %parallel_loop3A_589 : i32 to index
        %parallel_loop3A_605 = tpu.vector_load %arg8[%parallel_loop3A_603, %parallel_loop3A_604] {strides = array<i32>} : memref<4x3200xf32, #tpu.memory_space<vmem>>, vector<16xf32>,
        %parallel_loop3A_606 = arith.constant 0 : i32
        %parallel_loop3A_607 = arith.index_cast %parallel_loop3A_606 : i32 to index
        %parallel_loop3A_608 = arith.index_cast %parallel_loop3A_589 : i32 to index
        %parallel_loop3A_609 = tpu.vector_load %arg9[%parallel_loop3A_607, %parallel_loop3A_608] {strides = array<i32>} : memref<4x3200xf32, #tpu.memory_space<vmem>>, vector<16xf32>,
        %parallel_loop3A_610 = arith.constant 1 : i32
        %parallel_loop3A_611 = arith.index_cast %parallel_loop3A_610 : i32 to index
        %parallel_loop3A_612 = arith.index_cast %parallel_loop3A_589 : i32 to index
        %parallel_loop3A_613 = tpu.vector_load %arg9[%parallel_loop3A_611, %parallel_loop3A_612] {strides = array<i32>} : memref<4x3200xf32, #tpu.memory_space<vmem>>, vector<16xf32>,
        %parallel_loop3A_614 = arith.constant 2 : i32
        %parallel_loop3A_615 = arith.index_cast %parallel_loop3A_614 : i32 to index
        %parallel_loop3A_616 = arith.index_cast %parallel_loop3A_589 : i32 to index
        %parallel_loop3A_617 = tpu.vector_load %arg9[%parallel_loop3A_615, %parallel_loop3A_616] {strides = array<i32>} : memref<4x3200xf32, #tpu.memory_space<vmem>>, vector<16xf32>,
        %parallel_loop3A_618 = arith.constant 3 : i32
        %parallel_loop3A_619 = arith.index_cast %parallel_loop3A_618 : i32 to index
        %parallel_loop3A_620 = arith.index_cast %parallel_loop3A_589 : i32 to index
        %parallel_loop3A_621 = tpu.vector_load %arg9[%parallel_loop3A_619, %parallel_loop3A_620] {strides = array<i32>} : memref<4x3200xf32, #tpu.memory_space<vmem>>, vector<16xf32>,
        %parallel_loop3A_622 = arith.mulf %parallel_loop3A_593, %parallel_loop3A_609 : vector<16xf32>
        %parallel_loop3A_623 = arith.mulf %get3A_152, %parallel_loop3A_622 : vector<16xf32>
        %parallel_loop3A_624 = arith.addf %parallel_loop3A_613, %parallel_loop3A_617 : vector<16xf32>
        %parallel_loop3A_625 = arith.addf %parallel_loop3A_624, %parallel_loop3A_621 : vector<16xf32>
        %parallel_loop3A_626 = arith.mulf %parallel_loop3A_593, %parallel_loop3A_625 : vector<16xf32>
        %parallel_loop3A_627 = arith.mulf %get3A_160, %parallel_loop3A_626 : vector<16xf32>
        %parallel_loop3A_628 = arith.addf %parallel_loop3A_623, %parallel_loop3A_627 : vector<16xf32>
        %parallel_loop3A_629 = arith.addf %parallel_loop3A_597, %parallel_loop3A_601 : vector<16xf32>
        %parallel_loop3A_630 = arith.addf %parallel_loop3A_629, %parallel_loop3A_605 : vector<16xf32>
        %parallel_loop3A_631 = arith.mulf %parallel_loop3A_630, %parallel_loop3A_609 : vector<16xf32>
        %parallel_loop3A_632 = arith.mulf %get3A_168, %parallel_loop3A_631 : vector<16xf32>
        %parallel_loop3A_633 = arith.mulf %parallel_loop3A_597, %parallel_loop3A_613 : vector<16xf32>
        %parallel_loop3A_634 = arith.mulf %parallel_loop3A_601, %parallel_loop3A_617 : vector<16xf32>
        %parallel_loop3A_635 = arith.addf %parallel_loop3A_633, %parallel_loop3A_634 : vector<16xf32>
        %parallel_loop3A_636 = arith.mulf %parallel_loop3A_605, %parallel_loop3A_621 : vector<16xf32>
        %parallel_loop3A_637 = arith.addf %parallel_loop3A_635, %parallel_loop3A_636 : vector<16xf32>
        %parallel_loop3A_638 = arith.mulf %get3A_176, %parallel_loop3A_637 : vector<16xf32>
        %parallel_loop3A_639 = arith.addf %parallel_loop3A_632, %parallel_loop3A_638 : vector<16xf32>
        %parallel_loop3A_640 = arith.addf %parallel_loop3A_628, %parallel_loop3A_639 : vector<16xf32>
        %parallel_loop3A_641 = arith.index_cast %parallel_loop3A_469 : i32 to index
        %parallel_loop3A_642 = arith.constant 32 : index
        %parallel_loop3A_643 = tpu.vector_load %arg11[%parallel_loop3A_641, %parallel_loop3A_642] {strides = array<i32>} : memref<25x128xf32, #tpu.memory_space<vmem>>, vector<16xf32>,
        tpu.vector_store %arg11[%parallel_loop3A_641, %parallel_loop3A_642], %parallel_loop3A_640 {strides = array<i32>} : memref<25x128xf32, #tpu.memory_space<vmem>>, vector<16xf32>,
        %parallel_loop3A_644 = arith.constant 128 : i32
        %parallel_loop3A_645 = arith.muli %parallel_loop3A_469, %parallel_loop3A_644 : i32
        %parallel_loop3A_646 = arith.constant 48 : i32
        %parallel_loop3A_647 = arith.addi %parallel_loop3A_645, %parallel_loop3A_646 : i32
        %parallel_loop3A_648 = arith.constant 0 : i32
        %parallel_loop3A_649 = arith.index_cast %parallel_loop3A_648 : i32 to index
        %parallel_loop3A_650 = arith.index_cast %parallel_loop3A_647 : i32 to index
        %parallel_loop3A_651 = tpu.vector_load %arg8[%parallel_loop3A_649, %parallel_loop3A_650] {strides = array<i32>} : memref<4x3200xf32, #tpu.memory_space<vmem>>, vector<16xf32>,
        %parallel_loop3A_652 = arith.constant 1 : i32
        %parallel_loop3A_653 = arith.index_cast %parallel_loop3A_652 : i32 to index
        %parallel_loop3A_654 = arith.index_cast %parallel_loop3A_647 : i32 to index
        %parallel_loop3A_655 = tpu.vector_load %arg8[%parallel_loop3A_653, %parallel_loop3A_654] {strides = array<i32>} : memref<4x3200xf32, #tpu.memory_space<vmem>>, vector<16xf32>,
        %parallel_loop3A_656 = arith.constant 2 : i32
        %parallel_loop3A_657 = arith.index_cast %parallel_loop3A_656 : i32 to index
        %parallel_loop3A_658 = arith.index_cast %parallel_loop3A_647 : i32 to index
        %parallel_loop3A_659 = tpu.vector_load %arg8[%parallel_loop3A_657, %parallel_loop3A_658] {strides = array<i32>} : memref<4x3200xf32, #tpu.memory_space<vmem>>, vector<16xf32>,
        %parallel_loop3A_660 = arith.constant 3 : i32
        %parallel_loop3A_661 = arith.index_cast %parallel_loop3A_660 : i32 to index
        %parallel_loop3A_662 = arith.index_cast %parallel_loop3A_647 : i32 to index
        %parallel_loop3A_663 = tpu.vector_load %arg8[%parallel_loop3A_661, %parallel_loop3A_662] {strides = array<i32>} : memref<4x3200xf32, #tpu.memory_space<vmem>>, vector<16xf32>,
        %parallel_loop3A_664 = arith.constant 0 : i32
        %parallel_loop3A_665 = arith.index_cast %parallel_loop3A_664 : i32 to index
        %parallel_loop3A_666 = arith.index_cast %parallel_loop3A_647 : i32 to index
        %parallel_loop3A_667 = tpu.vector_load %arg9[%parallel_loop3A_665, %parallel_loop3A_666] {strides = array<i32>} : memref<4x3200xf32, #tpu.memory_space<vmem>>, vector<16xf32>,
        %parallel_loop3A_668 = arith.constant 1 : i32
        %parallel_loop3A_669 = arith.index_cast %parallel_loop3A_668 : i32 to index
        %parallel_loop3A_670 = arith.index_cast %parallel_loop3A_647 : i32 to index
        %parallel_loop3A_671 = tpu.vector_load %arg9[%parallel_loop3A_669, %parallel_loop3A_670] {strides = array<i32>} : memref<4x3200xf32, #tpu.memory_space<vmem>>, vector<16xf32>,
        %parallel_loop3A_672 = arith.constant 2 : i32
        %parallel_loop3A_673 = arith.index_cast %parallel_loop3A_672 : i32 to index
        %parallel_loop3A_674 = arith.index_cast %parallel_loop3A_647 : i32 to index
        %parallel_loop3A_675 = tpu.vector_load %arg9[%parallel_loop3A_673, %parallel_loop3A_674] {strides = array<i32>} : memref<4x3200xf32, #tpu.memory_space<vmem>>, vector<16xf32>,
        %parallel_loop3A_676 = arith.constant 3 : i32
        %parallel_loop3A_677 = arith.index_cast %parallel_loop3A_676 : i32 to index
        %parallel_loop3A_678 = arith.index_cast %parallel_loop3A_647 : i32 to index
        %parallel_loop3A_679 = tpu.vector_load %arg9[%parallel_loop3A_677, %parallel_loop3A_678] {strides = array<i32>} : memref<4x3200xf32, #tpu.memory_space<vmem>>, vector<16xf32>,
        %parallel_loop3A_680 = arith.mulf %parallel_loop3A_651, %parallel_loop3A_667 : vector<16xf32>
        %parallel_loop3A_681 = arith.mulf %get3A_152, %parallel_loop3A_680 : vector<16xf32>
        %parallel_loop3A_682 = arith.addf %parallel_loop3A_671, %parallel_loop3A_675 : vector<16xf32>
        %parallel_loop3A_683 = arith.addf %parallel_loop3A_682, %parallel_loop3A_679 : vector<16xf32>
        %parallel_loop3A_684 = arith.mulf %parallel_loop3A_651, %parallel_loop3A_683 : vector<16xf32>
        %parallel_loop3A_685 = arith.mulf %get3A_160, %parallel_loop3A_684 : vector<16xf32>
        %parallel_loop3A_686 = arith.addf %parallel_loop3A_681, %parallel_loop3A_685 : vector<16xf32>
        %parallel_loop3A_687 = arith.addf %parallel_loop3A_655, %parallel_loop3A_659 : vector<16xf32>
        %parallel_loop3A_688 = arith.addf %parallel_loop3A_687, %parallel_loop3A_663 : vector<16xf32>
        %parallel_loop3A_689 = arith.mulf %parallel_loop3A_688, %parallel_loop3A_667 : vector<16xf32>
        %parallel_loop3A_690 = arith.mulf %get3A_168, %parallel_loop3A_689 : vector<16xf32>
        %parallel_loop3A_691 = arith.mulf %parallel_loop3A_655, %parallel_loop3A_671 : vector<16xf32>
        %parallel_loop3A_692 = arith.mulf %parallel_loop3A_659, %parallel_loop3A_675 : vector<16xf32>
        %parallel_loop3A_693 = arith.addf %parallel_loop3A_691, %parallel_loop3A_692 : vector<16xf32>
        %parallel_loop3A_694 = arith.mulf %parallel_loop3A_663, %parallel_loop3A_679 : vector<16xf32>
        %parallel_loop3A_695 = arith.addf %parallel_loop3A_693, %parallel_loop3A_694 : vector<16xf32>
        %parallel_loop3A_696 = arith.mulf %get3A_176, %parallel_loop3A_695 : vector<16xf32>
        %parallel_loop3A_697 = arith.addf %parallel_loop3A_690, %parallel_loop3A_696 : vector<16xf32>
        %parallel_loop3A_698 = arith.addf %parallel_loop3A_686, %parallel_loop3A_697 : vector<16xf32>
        %parallel_loop3A_699 = arith.index_cast %parallel_loop3A_469 : i32 to index
        %parallel_loop3A_700 = arith.constant 48 : index
        %parallel_loop3A_701 = tpu.vector_load %arg11[%parallel_loop3A_699, %parallel_loop3A_700] {strides = array<i32>} : memref<25x128xf32, #tpu.memory_space<vmem>>, vector<16xf32>,
        tpu.vector_store %arg11[%parallel_loop3A_699, %parallel_loop3A_700], %parallel_loop3A_698 {strides = array<i32>} : memref<25x128xf32, #tpu.memory_space<vmem>>, vector<16xf32>,
        %parallel_loop3A_702 = arith.constant 128 : i32
        %parallel_loop3A_703 = arith.muli %parallel_loop3A_469, %parallel_loop3A_702 : i32
        %parallel_loop3A_704 = arith.constant 64 : i32
        %parallel_loop3A_705 = arith.addi %parallel_loop3A_703, %parallel_loop3A_704 : i32
        %parallel_loop3A_706 = arith.constant 0 : i32
        %parallel_loop3A_707 = arith.index_cast %parallel_loop3A_706 : i32 to index
        %parallel_loop3A_708 = arith.index_cast %parallel_loop3A_705 : i32 to index
        %parallel_loop3A_709 = tpu.vector_load %arg8[%parallel_loop3A_707, %parallel_loop3A_708] {strides = array<i32>} : memref<4x3200xf32, #tpu.memory_space<vmem>>, vector<16xf32>,
        %parallel_loop3A_710 = arith.constant 1 : i32
        %parallel_loop3A_711 = arith.index_cast %parallel_loop3A_710 : i32 to index
        %parallel_loop3A_712 = arith.index_cast %parallel_loop3A_705 : i32 to index
        %parallel_loop3A_713 = tpu.vector_load %arg8[%parallel_loop3A_711, %parallel_loop3A_712] {strides = array<i32>} : memref<4x3200xf32, #tpu.memory_space<vmem>>, vector<16xf32>,
        %parallel_loop3A_714 = arith.constant 2 : i32
        %parallel_loop3A_715 = arith.index_cast %parallel_loop3A_714 : i32 to index
        %parallel_loop3A_716 = arith.index_cast %parallel_loop3A_705 : i32 to index
        %parallel_loop3A_717 = tpu.vector_load %arg8[%parallel_loop3A_715, %parallel_loop3A_716] {strides = array<i32>} : memref<4x3200xf32, #tpu.memory_space<vmem>>, vector<16xf32>,
        %parallel_loop3A_718 = arith.constant 3 : i32
        %parallel_loop3A_719 = arith.index_cast %parallel_loop3A_718 : i32 to index
        %parallel_loop3A_720 = arith.index_cast %parallel_loop3A_705 : i32 to index
        %parallel_loop3A_721 = tpu.vector_load %arg8[%parallel_loop3A_719, %parallel_loop3A_720] {strides = array<i32>} : memref<4x3200xf32, #tpu.memory_space<vmem>>, vector<16xf32>,
        %parallel_loop3A_722 = arith.constant 0 : i32
        %parallel_loop3A_723 = arith.index_cast %parallel_loop3A_722 : i32 to index
        %parallel_loop3A_724 = arith.index_cast %parallel_loop3A_705 : i32 to index
        %parallel_loop3A_725 = tpu.vector_load %arg9[%parallel_loop3A_723, %parallel_loop3A_724] {strides = array<i32>} : memref<4x3200xf32, #tpu.memory_space<vmem>>, vector<16xf32>,
        %parallel_loop3A_726 = arith.constant 1 : i32
        %parallel_loop3A_727 = arith.index_cast %parallel_loop3A_726 : i32 to index
        %parallel_loop3A_728 = arith.index_cast %parallel_loop3A_705 : i32 to index
        %parallel_loop3A_729 = tpu.vector_load %arg9[%parallel_loop3A_727, %parallel_loop3A_728] {strides = array<i32>} : memref<4x3200xf32, #tpu.memory_space<vmem>>, vector<16xf32>,
        %parallel_loop3A_730 = arith.constant 2 : i32
        %parallel_loop3A_731 = arith.index_cast %parallel_loop3A_730 : i32 to index
        %parallel_loop3A_732 = arith.index_cast %parallel_loop3A_705 : i32 to index
        %parallel_loop3A_733 = tpu.vector_load %arg9[%parallel_loop3A_731, %parallel_loop3A_732] {strides = array<i32>} : memref<4x3200xf32, #tpu.memory_space<vmem>>, vector<16xf32>,
        %parallel_loop3A_734 = arith.constant 3 : i32
        %parallel_loop3A_735 = arith.index_cast %parallel_loop3A_734 : i32 to index
        %parallel_loop3A_736 = arith.index_cast %parallel_loop3A_705 : i32 to index
        %parallel_loop3A_737 = tpu.vector_load %arg9[%parallel_loop3A_735, %parallel_loop3A_736] {strides = array<i32>} : memref<4x3200xf32, #tpu.memory_space<vmem>>, vector<16xf32>,
        %parallel_loop3A_738 = arith.mulf %parallel_loop3A_709, %parallel_loop3A_725 : vector<16xf32>
        %parallel_loop3A_739 = arith.mulf %get3A_152, %parallel_loop3A_738 : vector<16xf32>
        %parallel_loop3A_740 = arith.addf %parallel_loop3A_729, %parallel_loop3A_733 : vector<16xf32>
        %parallel_loop3A_741 = arith.addf %parallel_loop3A_740, %parallel_loop3A_737 : vector<16xf32>
        %parallel_loop3A_742 = arith.mulf %parallel_loop3A_709, %parallel_loop3A_741 : vector<16xf32>
        %parallel_loop3A_743 = arith.mulf %get3A_160, %parallel_loop3A_742 : vector<16xf32>
        %parallel_loop3A_744 = arith.addf %parallel_loop3A_739, %parallel_loop3A_743 : vector<16xf32>
        %parallel_loop3A_745 = arith.addf %parallel_loop3A_713, %parallel_loop3A_717 : vector<16xf32>
        %parallel_loop3A_746 = arith.addf %parallel_loop3A_745, %parallel_loop3A_721 : vector<16xf32>
        %parallel_loop3A_747 = arith.mulf %parallel_loop3A_746, %parallel_loop3A_725 : vector<16xf32>
        %parallel_loop3A_748 = arith.mulf %get3A_168, %parallel_loop3A_747 : vector<16xf32>
        %parallel_loop3A_749 = arith.mulf %parallel_loop3A_713, %parallel_loop3A_729 : vector<16xf32>
        %parallel_loop3A_750 = arith.mulf %parallel_loop3A_717, %parallel_loop3A_733 : vector<16xf32>
        %parallel_loop3A_751 = arith.addf %parallel_loop3A_749, %parallel_loop3A_750 : vector<16xf32>
        %parallel_loop3A_752 = arith.mulf %parallel_loop3A_721, %parallel_loop3A_737 : vector<16xf32>
        %parallel_loop3A_753 = arith.addf %parallel_loop3A_751, %parallel_loop3A_752 : vector<16xf32>
        %parallel_loop3A_754 = arith.mulf %get3A_176, %parallel_loop3A_753 : vector<16xf32>
        %parallel_loop3A_755 = arith.addf %parallel_loop3A_748, %parallel_loop3A_754 : vector<16xf32>
        %parallel_loop3A_756 = arith.addf %parallel_loop3A_744, %parallel_loop3A_755 : vector<16xf32>
        %parallel_loop3A_757 = arith.index_cast %parallel_loop3A_469 : i32 to index
        %parallel_loop3A_758 = arith.constant 64 : index
        %parallel_loop3A_759 = tpu.vector_load %arg11[%parallel_loop3A_757, %parallel_loop3A_758] {strides = array<i32>} : memref<25x128xf32, #tpu.memory_space<vmem>>, vector<16xf32>,
        tpu.vector_store %arg11[%parallel_loop3A_757, %parallel_loop3A_758], %parallel_loop3A_756 {strides = array<i32>} : memref<25x128xf32, #tpu.memory_space<vmem>>, vector<16xf32>,
        %parallel_loop3A_760 = arith.constant 128 : i32
        %parallel_loop3A_761 = arith.muli %parallel_loop3A_469, %parallel_loop3A_760 : i32
        %parallel_loop3A_762 = arith.constant 80 : i32
        %parallel_loop3A_763 = arith.addi %parallel_loop3A_761, %parallel_loop3A_762 : i32
        %parallel_loop3A_764 = arith.constant 0 : i32
        %parallel_loop3A_765 = arith.index_cast %parallel_loop3A_764 : i32 to index
        %parallel_loop3A_766 = arith.index_cast %parallel_loop3A_763 : i32 to index
        %parallel_loop3A_767 = tpu.vector_load %arg8[%parallel_loop3A_765, %parallel_loop3A_766] {strides = array<i32>} : memref<4x3200xf32, #tpu.memory_space<vmem>>, vector<16xf32>,
        %parallel_loop3A_768 = arith.constant 1 : i32
        %parallel_loop3A_769 = arith.index_cast %parallel_loop3A_768 : i32 to index
        %parallel_loop3A_770 = arith.index_cast %parallel_loop3A_763 : i32 to index
        %parallel_loop3A_771 = tpu.vector_load %arg8[%parallel_loop3A_769, %parallel_loop3A_770] {strides = array<i32>} : memref<4x3200xf32, #tpu.memory_space<vmem>>, vector<16xf32>,
        %parallel_loop3A_772 = arith.constant 2 : i32
        %parallel_loop3A_773 = arith.index_cast %parallel_loop3A_772 : i32 to index
        %parallel_loop3A_774 = arith.index_cast %parallel_loop3A_763 : i32 to index
        %parallel_loop3A_775 = tpu.vector_load %arg8[%parallel_loop3A_773, %parallel_loop3A_774] {strides = array<i32>} : memref<4x3200xf32, #tpu.memory_space<vmem>>, vector<16xf32>,
        %parallel_loop3A_776 = arith.constant 3 : i32
        %parallel_loop3A_777 = arith.index_cast %parallel_loop3A_776 : i32 to index
        %parallel_loop3A_778 = arith.index_cast %parallel_loop3A_763 : i32 to index
        %parallel_loop3A_779 = tpu.vector_load %arg8[%parallel_loop3A_777, %parallel_loop3A_778] {strides = array<i32>} : memref<4x3200xf32, #tpu.memory_space<vmem>>, vector<16xf32>,
        %parallel_loop3A_780 = arith.constant 0 : i32
        %parallel_loop3A_781 = arith.index_cast %parallel_loop3A_780 : i32 to index
        %parallel_loop3A_782 = arith.index_cast %parallel_loop3A_763 : i32 to index
        %parallel_loop3A_783 = tpu.vector_load %arg9[%parallel_loop3A_781, %parallel_loop3A_782] {strides = array<i32>} : memref<4x3200xf32, #tpu.memory_space<vmem>>, vector<16xf32>,
        %parallel_loop3A_784 = arith.constant 1 : i32
        %parallel_loop3A_785 = arith.index_cast %parallel_loop3A_784 : i32 to index
        %parallel_loop3A_786 = arith.index_cast %parallel_loop3A_763 : i32 to index
        %parallel_loop3A_787 = tpu.vector_load %arg9[%parallel_loop3A_785, %parallel_loop3A_786] {strides = array<i32>} : memref<4x3200xf32, #tpu.memory_space<vmem>>, vector<16xf32>,
        %parallel_loop3A_788 = arith.constant 2 : i32
        %parallel_loop3A_789 = arith.index_cast %parallel_loop3A_788 : i32 to index
        %parallel_loop3A_790 = arith.index_cast %parallel_loop3A_763 : i32 to index
        %parallel_loop3A_791 = tpu.vector_load %arg9[%parallel_loop3A_789, %parallel_loop3A_790] {strides = array<i32>} : memref<4x3200xf32, #tpu.memory_space<vmem>>, vector<16xf32>,
        %parallel_loop3A_792 = arith.constant 3 : i32
        %parallel_loop3A_793 = arith.index_cast %parallel_loop3A_792 : i32 to index
        %parallel_loop3A_794 = arith.index_cast %parallel_loop3A_763 : i32 to index
        %parallel_loop3A_795 = tpu.vector_load %arg9[%parallel_loop3A_793, %parallel_loop3A_794] {strides = array<i32>} : memref<4x3200xf32, #tpu.memory_space<vmem>>, vector<16xf32>,
        %parallel_loop3A_796 = arith.mulf %parallel_loop3A_767, %parallel_loop3A_783 : vector<16xf32>
        %parallel_loop3A_797 = arith.mulf %get3A_152, %parallel_loop3A_796 : vector<16xf32>
        %parallel_loop3A_798 = arith.addf %parallel_loop3A_787, %parallel_loop3A_791 : vector<16xf32>
        %parallel_loop3A_799 = arith.addf %parallel_loop3A_798, %parallel_loop3A_795 : vector<16xf32>
        %parallel_loop3A_800 = arith.mulf %parallel_loop3A_767, %parallel_loop3A_799 : vector<16xf32>
        %parallel_loop3A_801 = arith.mulf %get3A_160, %parallel_loop3A_800 : vector<16xf32>
        %parallel_loop3A_802 = arith.addf %parallel_loop3A_797, %parallel_loop3A_801 : vector<16xf32>
        %parallel_loop3A_803 = arith.addf %parallel_loop3A_771, %parallel_loop3A_775 : vector<16xf32>
        %parallel_loop3A_804 = arith.addf %parallel_loop3A_803, %parallel_loop3A_779 : vector<16xf32>
        %parallel_loop3A_805 = arith.mulf %parallel_loop3A_804, %parallel_loop3A_783 : vector<16xf32>
        %parallel_loop3A_806 = arith.mulf %get3A_168, %parallel_loop3A_805 : vector<16xf32>
        %parallel_loop3A_807 = arith.mulf %parallel_loop3A_771, %parallel_loop3A_787 : vector<16xf32>
        %parallel_loop3A_808 = arith.mulf %parallel_loop3A_775, %parallel_loop3A_791 : vector<16xf32>
        %parallel_loop3A_809 = arith.addf %parallel_loop3A_807, %parallel_loop3A_808 : vector<16xf32>
        %parallel_loop3A_810 = arith.mulf %parallel_loop3A_779, %parallel_loop3A_795 : vector<16xf32>
        %parallel_loop3A_811 = arith.addf %parallel_loop3A_809, %parallel_loop3A_810 : vector<16xf32>
        %parallel_loop3A_812 = arith.mulf %get3A_176, %parallel_loop3A_811 : vector<16xf32>
        %parallel_loop3A_813 = arith.addf %parallel_loop3A_806, %parallel_loop3A_812 : vector<16xf32>
        %parallel_loop3A_814 = arith.addf %parallel_loop3A_802, %parallel_loop3A_813 : vector<16xf32>
        %parallel_loop3A_815 = arith.index_cast %parallel_loop3A_469 : i32 to index
        %parallel_loop3A_816 = arith.constant 80 : index
        %parallel_loop3A_817 = tpu.vector_load %arg11[%parallel_loop3A_815, %parallel_loop3A_816] {strides = array<i32>} : memref<25x128xf32, #tpu.memory_space<vmem>>, vector<16xf32>,
        tpu.vector_store %arg11[%parallel_loop3A_815, %parallel_loop3A_816], %parallel_loop3A_814 {strides = array<i32>} : memref<25x128xf32, #tpu.memory_space<vmem>>, vector<16xf32>,
        %parallel_loop3A_818 = arith.constant 128 : i32
        %parallel_loop3A_819 = arith.muli %parallel_loop3A_469, %parallel_loop3A_818 : i32
        %parallel_loop3A_820 = arith.constant 96 : i32
        %parallel_loop3A_821 = arith.addi %parallel_loop3A_819, %parallel_loop3A_820 : i32
        %parallel_loop3A_822 = arith.constant 0 : i32
        %parallel_loop3A_823 = arith.index_cast %parallel_loop3A_822 : i32 to index
        %parallel_loop3A_824 = arith.index_cast %parallel_loop3A_821 : i32 to index
        %parallel_loop3A_825 = tpu.vector_load %arg8[%parallel_loop3A_823, %parallel_loop3A_824] {strides = array<i32>} : memref<4x3200xf32, #tpu.memory_space<vmem>>, vector<16xf32>,
        %parallel_loop3A_826 = arith.constant 1 : i32
        %parallel_loop3A_827 = arith.index_cast %parallel_loop3A_826 : i32 to index
        %parallel_loop3A_828 = arith.index_cast %parallel_loop3A_821 : i32 to index
        %parallel_loop3A_829 = tpu.vector_load %arg8[%parallel_loop3A_827, %parallel_loop3A_828] {strides = array<i32>} : memref<4x3200xf32, #tpu.memory_space<vmem>>, vector<16xf32>,
        %parallel_loop3A_830 = arith.constant 2 : i32
        %parallel_loop3A_831 = arith.index_cast %parallel_loop3A_830 : i32 to index
        %parallel_loop3A_832 = arith.index_cast %parallel_loop3A_821 : i32 to index
        %parallel_loop3A_833 = tpu.vector_load %arg8[%parallel_loop3A_831, %parallel_loop3A_832] {strides = array<i32>} : memref<4x3200xf32, #tpu.memory_space<vmem>>, vector<16xf32>,
        %parallel_loop3A_834 = arith.constant 3 : i32
        %parallel_loop3A_835 = arith.index_cast %parallel_loop3A_834 : i32 to index
        %parallel_loop3A_836 = arith.index_cast %parallel_loop3A_821 : i32 to index
        %parallel_loop3A_837 = tpu.vector_load %arg8[%parallel_loop3A_835, %parallel_loop3A_836] {strides = array<i32>} : memref<4x3200xf32, #tpu.memory_space<vmem>>, vector<16xf32>,
        %parallel_loop3A_838 = arith.constant 0 : i32
        %parallel_loop3A_839 = arith.index_cast %parallel_loop3A_838 : i32 to index
        %parallel_loop3A_840 = arith.index_cast %parallel_loop3A_821 : i32 to index
        %parallel_loop3A_841 = tpu.vector_load %arg9[%parallel_loop3A_839, %parallel_loop3A_840] {strides = array<i32>} : memref<4x3200xf32, #tpu.memory_space<vmem>>, vector<16xf32>,
        %parallel_loop3A_842 = arith.constant 1 : i32
        %parallel_loop3A_843 = arith.index_cast %parallel_loop3A_842 : i32 to index
        %parallel_loop3A_844 = arith.index_cast %parallel_loop3A_821 : i32 to index
        %parallel_loop3A_845 = tpu.vector_load %arg9[%parallel_loop3A_843, %parallel_loop3A_844] {strides = array<i32>} : memref<4x3200xf32, #tpu.memory_space<vmem>>, vector<16xf32>,
        %parallel_loop3A_846 = arith.constant 2 : i32
        %parallel_loop3A_847 = arith.index_cast %parallel_loop3A_846 : i32 to index
        %parallel_loop3A_848 = arith.index_cast %parallel_loop3A_821 : i32 to index
        %parallel_loop3A_849 = tpu.vector_load %arg9[%parallel_loop3A_847, %parallel_loop3A_848] {strides = array<i32>} : memref<4x3200xf32, #tpu.memory_space<vmem>>, vector<16xf32>,
        %parallel_loop3A_850 = arith.constant 3 : i32
        %parallel_loop3A_851 = arith.index_cast %parallel_loop3A_850 : i32 to index
        %parallel_loop3A_852 = arith.index_cast %parallel_loop3A_821 : i32 to index
        %parallel_loop3A_853 = tpu.vector_load %arg9[%parallel_loop3A_851, %parallel_loop3A_852] {strides = array<i32>} : memref<4x3200xf32, #tpu.memory_space<vmem>>, vector<16xf32>,
        %parallel_loop3A_854 = arith.mulf %parallel_loop3A_825, %parallel_loop3A_841 : vector<16xf32>
        %parallel_loop3A_855 = arith.mulf %get3A_152, %parallel_loop3A_854 : vector<16xf32>
        %parallel_loop3A_856 = arith.addf %parallel_loop3A_845, %parallel_loop3A_849 : vector<16xf32>
        %parallel_loop3A_857 = arith.addf %parallel_loop3A_856, %parallel_loop3A_853 : vector<16xf32>
        %parallel_loop3A_858 = arith.mulf %parallel_loop3A_825, %parallel_loop3A_857 : vector<16xf32>
        %parallel_loop3A_859 = arith.mulf %get3A_160, %parallel_loop3A_858 : vector<16xf32>
        %parallel_loop3A_860 = arith.addf %parallel_loop3A_855, %parallel_loop3A_859 : vector<16xf32>
        %parallel_loop3A_861 = arith.addf %parallel_loop3A_829, %parallel_loop3A_833 : vector<16xf32>
        %parallel_loop3A_862 = arith.addf %parallel_loop3A_861, %parallel_loop3A_837 : vector<16xf32>
        %parallel_loop3A_863 = arith.mulf %parallel_loop3A_862, %parallel_loop3A_841 : vector<16xf32>
        %parallel_loop3A_864 = arith.mulf %get3A_168, %parallel_loop3A_863 : vector<16xf32>
        %parallel_loop3A_865 = arith.mulf %parallel_loop3A_829, %parallel_loop3A_845 : vector<16xf32>
        %parallel_loop3A_866 = arith.mulf %parallel_loop3A_833, %parallel_loop3A_849 : vector<16xf32>
        %parallel_loop3A_867 = arith.addf %parallel_loop3A_865, %parallel_loop3A_866 : vector<16xf32>
        %parallel_loop3A_868 = arith.mulf %parallel_loop3A_837, %parallel_loop3A_853 : vector<16xf32>
        %parallel_loop3A_869 = arith.addf %parallel_loop3A_867, %parallel_loop3A_868 : vector<16xf32>
        %parallel_loop3A_870 = arith.mulf %get3A_176, %parallel_loop3A_869 : vector<16xf32>
        %parallel_loop3A_871 = arith.addf %parallel_loop3A_864, %parallel_loop3A_870 : vector<16xf32>
        %parallel_loop3A_872 = arith.addf %parallel_loop3A_860, %parallel_loop3A_871 : vector<16xf32>
        %parallel_loop3A_873 = arith.index_cast %parallel_loop3A_469 : i32 to index
        %parallel_loop3A_874 = arith.constant 96 : index
        %parallel_loop3A_875 = tpu.vector_load %arg11[%parallel_loop3A_873, %parallel_loop3A_874] {strides = array<i32>} : memref<25x128xf32, #tpu.memory_space<vmem>>, vector<16xf32>,
        tpu.vector_store %arg11[%parallel_loop3A_873, %parallel_loop3A_874], %parallel_loop3A_872 {strides = array<i32>} : memref<25x128xf32, #tpu.memory_space<vmem>>, vector<16xf32>,
        %parallel_loop3A_876 = arith.constant 128 : i32
        %parallel_loop3A_877 = arith.muli %parallel_loop3A_469, %parallel_loop3A_876 : i32
        %parallel_loop3A_878 = arith.constant 112 : i32
        %parallel_loop3A_879 = arith.addi %parallel_loop3A_877, %parallel_loop3A_878 : i32
        %parallel_loop3A_880 = arith.constant 0 : i32
        %parallel_loop3A_881 = arith.index_cast %parallel_loop3A_880 : i32 to index
        %parallel_loop3A_882 = arith.index_cast %parallel_loop3A_879 : i32 to index
        %parallel_loop3A_883 = tpu.vector_load %arg8[%parallel_loop3A_881, %parallel_loop3A_882] {strides = array<i32>} : memref<4x3200xf32, #tpu.memory_space<vmem>>, vector<16xf32>,
        %parallel_loop3A_884 = arith.constant 1 : i32
        %parallel_loop3A_885 = arith.index_cast %parallel_loop3A_884 : i32 to index
        %parallel_loop3A_886 = arith.index_cast %parallel_loop3A_879 : i32 to index
        %parallel_loop3A_887 = tpu.vector_load %arg8[%parallel_loop3A_885, %parallel_loop3A_886] {strides = array<i32>} : memref<4x3200xf32, #tpu.memory_space<vmem>>, vector<16xf32>,
        %parallel_loop3A_888 = arith.constant 2 : i32
        %parallel_loop3A_889 = arith.index_cast %parallel_loop3A_888 : i32 to index
        %parallel_loop3A_890 = arith.index_cast %parallel_loop3A_879 : i32 to index
        %parallel_loop3A_891 = tpu.vector_load %arg8[%parallel_loop3A_889, %parallel_loop3A_890] {strides = array<i32>} : memref<4x3200xf32, #tpu.memory_space<vmem>>, vector<16xf32>,
        %parallel_loop3A_892 = arith.constant 3 : i32
        %parallel_loop3A_893 = arith.index_cast %parallel_loop3A_892 : i32 to index
        %parallel_loop3A_894 = arith.index_cast %parallel_loop3A_879 : i32 to index
        %parallel_loop3A_895 = tpu.vector_load %arg8[%parallel_loop3A_893, %parallel_loop3A_894] {strides = array<i32>} : memref<4x3200xf32, #tpu.memory_space<vmem>>, vector<16xf32>,
        %parallel_loop3A_896 = arith.constant 0 : i32
        %parallel_loop3A_897 = arith.index_cast %parallel_loop3A_896 : i32 to index
        %parallel_loop3A_898 = arith.index_cast %parallel_loop3A_879 : i32 to index
        %parallel_loop3A_899 = tpu.vector_load %arg9[%parallel_loop3A_897, %parallel_loop3A_898] {strides = array<i32>} : memref<4x3200xf32, #tpu.memory_space<vmem>>, vector<16xf32>,
        %parallel_loop3A_900 = arith.constant 1 : i32
        %parallel_loop3A_901 = arith.index_cast %parallel_loop3A_900 : i32 to index
        %parallel_loop3A_902 = arith.index_cast %parallel_loop3A_879 : i32 to index
        %parallel_loop3A_903 = tpu.vector_load %arg9[%parallel_loop3A_901, %parallel_loop3A_902] {strides = array<i32>} : memref<4x3200xf32, #tpu.memory_space<vmem>>, vector<16xf32>,
        %parallel_loop3A_904 = arith.constant 2 : i32
        %parallel_loop3A_905 = arith.index_cast %parallel_loop3A_904 : i32 to index
        %parallel_loop3A_906 = arith.index_cast %parallel_loop3A_879 : i32 to index
        %parallel_loop3A_907 = tpu.vector_load %arg9[%parallel_loop3A_905, %parallel_loop3A_906] {strides = array<i32>} : memref<4x3200xf32, #tpu.memory_space<vmem>>, vector<16xf32>,
        %parallel_loop3A_908 = arith.constant 3 : i32
        %parallel_loop3A_909 = arith.index_cast %parallel_loop3A_908 : i32 to index
        %parallel_loop3A_910 = arith.index_cast %parallel_loop3A_879 : i32 to index
        %parallel_loop3A_911 = tpu.vector_load %arg9[%parallel_loop3A_909, %parallel_loop3A_910] {strides = array<i32>} : memref<4x3200xf32, #tpu.memory_space<vmem>>, vector<16xf32>,
        %parallel_loop3A_912 = arith.mulf %parallel_loop3A_883, %parallel_loop3A_899 : vector<16xf32>
        %parallel_loop3A_913 = arith.mulf %get3A_152, %parallel_loop3A_912 : vector<16xf32>
        %parallel_loop3A_914 = arith.addf %parallel_loop3A_903, %parallel_loop3A_907 : vector<16xf32>
        %parallel_loop3A_915 = arith.addf %parallel_loop3A_914, %parallel_loop3A_911 : vector<16xf32>
        %parallel_loop3A_916 = arith.mulf %parallel_loop3A_883, %parallel_loop3A_915 : vector<16xf32>
        %parallel_loop3A_917 = arith.mulf %get3A_160, %parallel_loop3A_916 : vector<16xf32>
        %parallel_loop3A_918 = arith.addf %parallel_loop3A_913, %parallel_loop3A_917 : vector<16xf32>
        %parallel_loop3A_919 = arith.addf %parallel_loop3A_887, %parallel_loop3A_891 : vector<16xf32>
        %parallel_loop3A_920 = arith.addf %parallel_loop3A_919, %parallel_loop3A_895 : vector<16xf32>
        %parallel_loop3A_921 = arith.mulf %parallel_loop3A_920, %parallel_loop3A_899 : vector<16xf32>
        %parallel_loop3A_922 = arith.mulf %get3A_168, %parallel_loop3A_921 : vector<16xf32>
        %parallel_loop3A_923 = arith.mulf %parallel_loop3A_887, %parallel_loop3A_903 : vector<16xf32>
        %parallel_loop3A_924 = arith.mulf %parallel_loop3A_891, %parallel_loop3A_907 : vector<16xf32>
        %parallel_loop3A_925 = arith.addf %parallel_loop3A_923, %parallel_loop3A_924 : vector<16xf32>
        %parallel_loop3A_926 = arith.mulf %parallel_loop3A_895, %parallel_loop3A_911 : vector<16xf32>
        %parallel_loop3A_927 = arith.addf %parallel_loop3A_925, %parallel_loop3A_926 : vector<16xf32>
        %parallel_loop3A_928 = arith.mulf %get3A_176, %parallel_loop3A_927 : vector<16xf32>
        %parallel_loop3A_929 = arith.addf %parallel_loop3A_922, %parallel_loop3A_928 : vector<16xf32>
        %parallel_loop3A_930 = arith.addf %parallel_loop3A_918, %parallel_loop3A_929 : vector<16xf32>
        %parallel_loop3A_931 = arith.index_cast %parallel_loop3A_469 : i32 to index
        %parallel_loop3A_932 = arith.constant 112 : index
        %parallel_loop3A_933 = tpu.vector_load %arg11[%parallel_loop3A_931, %parallel_loop3A_932] {strides = array<i32>} : memref<25x128xf32, #tpu.memory_space<vmem>>, vector<16xf32>,
        tpu.vector_store %arg11[%parallel_loop3A_931, %parallel_loop3A_932], %parallel_loop3A_930 {strides = array<i32>} : memref<25x128xf32, #tpu.memory_space<vmem>>, vector<16xf32>,
      } {sc.loop_unroll_factor = 5 : i64, sc.parallel_access}
      %add3A_419 = arith.constant 1 : i32
      %add3A_420 = arith.addi %mul3A_297, %add3A_419 : i32
      %jit3A_421 = arith.constant 8 : i32
      %div3A_422 = arith.divsi %add3A_144, %jit3A_421 : i32
      %sign3A_423 = arith.constant 0 : i32
      %sign3A_424 = arith.cmpi sgt, %add3A_144, %sign3A_423 : i32
      %sign3A_425 = arith.extui %sign3A_424 : i1 to i32
      %sign3A_426 = arith.constant 0 : i32
      %sign3A_427 = arith.cmpi slt, %add3A_144, %sign3A_426 : i32
      %sign3A_428 = arith.extui %sign3A_427 : i1 to i32
      %sign3A_429 = arith.subi %sign3A_425, %sign3A_428 : i32
      %sign3A_430 = arith.constant 0 : i32
      %sign3A_431 = arith.cmpi sgt, %jit3A_421, %sign3A_430 : i32
      %sign3A_432 = arith.extui %sign3A_431 : i1 to i32
      %sign3A_433 = arith.constant 0 : i32
      %sign3A_434 = arith.cmpi slt, %jit3A_421, %sign3A_433 : i32
      %sign3A_435 = arith.extui %sign3A_434 : i1 to i32
      %sign3A_436 = arith.subi %sign3A_432, %sign3A_435 : i32
      %ne3A_437 = arith.cmpi ne, %sign3A_429, %sign3A_436 : i32
      %rem3A_438 = arith.remsi %add3A_144, %jit3A_421 : i32
      %ne3A_439 = arith.constant 0 : i32
      %ne3A_440 = arith.cmpi ne, %rem3A_438, %ne3A_439 : i32
      %and3A_441 = arith.andi %ne3A_437, %ne3A_440 : i1
      %sub3A_442 = arith.constant 1 : i32
      %sub3A_443 = arith.subi %div3A_422, %sub3A_442 : i32
      %select_n3A_444 = arith.select %and3A_441, %sub3A_443, %div3A_422 : i32
      %mul3A_445 = arith.constant 25 : i32
      %mul3A_446 = arith.muli %add3A_420, %mul3A_445 : i32
      %jit3A_447 = arith.constant 8 : i32
      %eq3A_448 = arith.constant 0 : i32
      %eq3A_449 = arith.cmpi eq, %jit3A_447, %eq3A_448 : i32
      %jit3A_450 = arith.constant 1 : i32
      %select_n3A_451 = arith.select %eq3A_449, %jit3A_450, %jit3A_447 : i32
      %rem3A_452 = arith.remsi %add3A_144, %select_n3A_451 : i32
      %ne3A_453 = arith.constant 0 : i32
      %ne3A_454 = arith.cmpi ne, %rem3A_452, %ne3A_453 : i32
      %lt3A_455 = arith.constant 0 : i32
      %lt3A_456 = arith.cmpi slt, %rem3A_452, %lt3A_455 : i32
      %lt3A_457 = arith.constant 0 : i32
      %lt3A_458 = arith.cmpi slt, %select_n3A_451, %lt3A_457 : i32
      %ne3A_459 = arith.xori %lt3A_456, %lt3A_458 : i1
      %and3A_460 = arith.andi %ne3A_459, %ne3A_454 : i1
      %add3A_461 = arith.addi %rem3A_452, %select_n3A_451 : i32
      %select_n3A_462 = arith.select %and3A_460, %add3A_461, %rem3A_452 : i32
      %dma_start3A_463 = arith.constant 0 : i32
      %dma_start3A_464 = tpu.memref_slice %arg5[%select_n3A_444, %mul3A_446, %select_n3A_462, %dma_start3A_463] : memref<8x1250x8x128xf32, #tpu.memory_space<hbm>> -> memref<1x25x1x128xf32, #tpu.memory_space<hbm>>
      %dma_start3A_465 = tpu.memref_squeeze %dma_start3A_464 : memref<1x25x1x128xf32, #tpu.memory_space<hbm>> -> memref<25x128xf32, #tpu.memory_space<hbm>>
      %dma_start3A_466 = arith.constant 0 : i32
      %dma_start3A_467 = tpu.memref_slice %arg5[%select_n3A_444, %mul3A_446, %select_n3A_462, %dma_start3A_466] : memref<8x1250x8x128xf32, #tpu.memory_space<hbm>> -> memref<1x25x1x128xf32, #tpu.memory_space<hbm>>
      %dma_start3A_468 = tpu.memref_squeeze %dma_start3A_467 : memref<1x25x1x128xf32, #tpu.memory_space<hbm>> -> memref<25x128xf32, #tpu.memory_space<hbm>>
      tpu.enqueue_dma source(%arg11 : memref<25x128xf32, #tpu.memory_space<vmem>>) target(%dma_start3A_468 : memref<25x128xf32, #tpu.memory_space<hbm>>) target_semaphore(%arg15 : memref<!tpu.dma_semaphore, #tpu.memory_space<semaphore_mem>>)
    }
    %scan3A_198 = arith.constant 25 : i32
    %jit3A_199 = arith.constant 8 : i32
    %div3A_200 = arith.divsi %add3A_144, %jit3A_199 : i32
    %sign3A_201 = arith.constant 0 : i32
    %sign3A_202 = arith.cmpi sgt, %add3A_144, %sign3A_201 : i32
    %sign3A_203 = arith.extui %sign3A_202 : i1 to i32
    %sign3A_204 = arith.constant 0 : i32
    %sign3A_205 = arith.cmpi slt, %add3A_144, %sign3A_204 : i32
    %sign3A_206 = arith.extui %sign3A_205 : i1 to i32
    %sign3A_207 = arith.subi %sign3A_203, %sign3A_206 : i32
    %sign3A_208 = arith.constant 0 : i32
    %sign3A_209 = arith.cmpi sgt, %jit3A_199, %sign3A_208 : i32
    %sign3A_210 = arith.extui %sign3A_209 : i1 to i32
    %sign3A_211 = arith.constant 0 : i32
    %sign3A_212 = arith.cmpi slt, %jit3A_199, %sign3A_211 : i32
    %sign3A_213 = arith.extui %sign3A_212 : i1 to i32
    %sign3A_214 = arith.subi %sign3A_210, %sign3A_213 : i32
    %ne3A_215 = arith.cmpi ne, %sign3A_207, %sign3A_214 : i32
    %rem3A_216 = arith.remsi %add3A_144, %jit3A_199 : i32
    %ne3A_217 = arith.constant 0 : i32
    %ne3A_218 = arith.cmpi ne, %rem3A_216, %ne3A_217 : i32
    %and3A_219 = arith.andi %ne3A_215, %ne3A_218 : i1
    %sub3A_220 = arith.constant 1 : i32
    %sub3A_221 = arith.subi %div3A_200, %sub3A_220 : i32
    %select_n3A_222 = arith.select %and3A_219, %sub3A_221, %div3A_200 : i32
    %jit3A_223 = arith.constant 8 : i32
    %eq3A_224 = arith.constant 0 : i32
    %eq3A_225 = arith.cmpi eq, %jit3A_223, %eq3A_224 : i32
    %jit3A_226 = arith.constant 1 : i32
    %select_n3A_227 = arith.select %eq3A_225, %jit3A_226, %jit3A_223 : i32
    %rem3A_228 = arith.remsi %add3A_144, %select_n3A_227 : i32
    %ne3A_229 = arith.constant 0 : i32
    %ne3A_230 = arith.cmpi ne, %rem3A_228, %ne3A_229 : i32
    %lt3A_231 = arith.constant 0 : i32
    %lt3A_232 = arith.cmpi slt, %rem3A_228, %lt3A_231 : i32
    %lt3A_233 = arith.constant 0 : i32
    %lt3A_234 = arith.cmpi slt, %select_n3A_227, %lt3A_233 : i32
    %ne3A_235 = arith.xori %lt3A_232, %lt3A_234 : i1
    %and3A_236 = arith.andi %ne3A_235, %ne3A_230 : i1
    %add3A_237 = arith.addi %rem3A_228, %select_n3A_227 : i32
    %select_n3A_238 = arith.select %and3A_236, %add3A_237, %rem3A_228 : i32
    %dma_wait3A_239 = arith.constant 0 : i32
    %dma_wait3A_240 = arith.constant 0 : i32
    %dma_wait3A_241 = tpu.memref_slice %arg5[%select_n3A_222, %dma_wait3A_239, %select_n3A_238, %dma_wait3A_240] : memref<8x1250x8x128xf32, #tpu.memory_space<hbm>> -> memref<1x25x1x128xf32, #tpu.memory_space<hbm>>
    %dma_wait3A_242 = tpu.memref_squeeze %dma_wait3A_241 : memref<1x25x1x128xf32, #tpu.memory_space<hbm>> -> memref<25x128xf32, #tpu.memory_space<hbm>>
    %dma_wait3A_243 = arith.constant 0 : i32
    %dma_wait3A_244 = arith.constant 0 : i32
    %dma_wait3A_245 = tpu.memref_slice %arg5[%select_n3A_222, %dma_wait3A_243, %select_n3A_238, %dma_wait3A_244] : memref<8x1250x8x128xf32, #tpu.memory_space<hbm>> -> memref<1x25x1x128xf32, #tpu.memory_space<hbm>>
    %dma_wait3A_246 = tpu.memref_squeeze %dma_wait3A_245 : memref<1x25x1x128xf32, #tpu.memory_space<hbm>> -> memref<25x128xf32, #tpu.memory_space<hbm>>
    tpu.wait_dma2 semaphore(%arg15 : memref<!tpu.dma_semaphore, #tpu.memory_space<semaphore_mem>>) src(%arg10 : memref<25x128xf32, #tpu.memory_space<vmem>>) dst(%dma_wait3A_246 : memref<25x128xf32, #tpu.memory_space<hbm>>)
    %jit3A_247 = arith.constant 8 : i32
    %div3A_248 = arith.divsi %add3A_144, %jit3A_247 : i32
    %sign3A_249 = arith.constant 0 : i32
    %sign3A_250 = arith.cmpi sgt, %add3A_144, %sign3A_249 : i32
    %sign3A_251 = arith.extui %sign3A_250 : i1 to i32
    %sign3A_252 = arith.constant 0 : i32
    %sign3A_253 = arith.cmpi slt, %add3A_144, %sign3A_252 : i32
    %sign3A_254 = arith.extui %sign3A_253 : i1 to i32
    %sign3A_255 = arith.subi %sign3A_251, %sign3A_254 : i32
    %sign3A_256 = arith.constant 0 : i32
    %sign3A_257 = arith.cmpi sgt, %jit3A_247, %sign3A_256 : i32
    %sign3A_258 = arith.extui %sign3A_257 : i1 to i32
    %sign3A_259 = arith.constant 0 : i32
    %sign3A_260 = arith.cmpi slt, %jit3A_247, %sign3A_259 : i32
    %sign3A_261 = arith.extui %sign3A_260 : i1 to i32
    %sign3A_262 = arith.subi %sign3A_258, %sign3A_261 : i32
    %ne3A_263 = arith.cmpi ne, %sign3A_255, %sign3A_262 : i32
    %rem3A_264 = arith.remsi %add3A_144, %jit3A_247 : i32
    %ne3A_265 = arith.constant 0 : i32
    %ne3A_266 = arith.cmpi ne, %rem3A_264, %ne3A_265 : i32
    %and3A_267 = arith.andi %ne3A_263, %ne3A_266 : i1
    %sub3A_268 = arith.constant 1 : i32
    %sub3A_269 = arith.subi %div3A_248, %sub3A_268 : i32
    %select_n3A_270 = arith.select %and3A_267, %sub3A_269, %div3A_248 : i32
    %jit3A_271 = arith.constant 8 : i32
    %eq3A_272 = arith.constant 0 : i32
    %eq3A_273 = arith.cmpi eq, %jit3A_271, %eq3A_272 : i32
    %jit3A_274 = arith.constant 1 : i32
    %select_n3A_275 = arith.select %eq3A_273, %jit3A_274, %jit3A_271 : i32
    %rem3A_276 = arith.remsi %add3A_144, %select_n3A_275 : i32
    %ne3A_277 = arith.constant 0 : i32
    %ne3A_278 = arith.cmpi ne, %rem3A_276, %ne3A_277 : i32
    %lt3A_279 = arith.constant 0 : i32
    %lt3A_280 = arith.cmpi slt, %rem3A_276, %lt3A_279 : i32
    %lt3A_281 = arith.constant 0 : i32
    %lt3A_282 = arith.cmpi slt, %select_n3A_275, %lt3A_281 : i32
    %ne3A_283 = arith.xori %lt3A_280, %lt3A_282 : i1
    %and3A_284 = arith.andi %ne3A_283, %ne3A_278 : i1
    %add3A_285 = arith.addi %rem3A_276, %select_n3A_275 : i32
    %select_n3A_286 = arith.select %and3A_284, %add3A_285, %rem3A_276 : i32
    %dma_wait3A_287 = arith.constant 0 : i32
    %dma_wait3A_288 = arith.constant 0 : i32
    %dma_wait3A_289 = tpu.memref_slice %arg5[%select_n3A_270, %dma_wait3A_287, %select_n3A_286, %dma_wait3A_288] : memref<8x1250x8x128xf32, #tpu.memory_space<hbm>> -> memref<1x25x1x128xf32, #tpu.memory_space<hbm>>
    %dma_wait3A_290 = tpu.memref_squeeze %dma_wait3A_289 : memref<1x25x1x128xf32, #tpu.memory_space<hbm>> -> memref<25x128xf32, #tpu.memory_space<hbm>>
    %dma_wait3A_291 = arith.constant 0 : i32
    %dma_wait3A_292 = arith.constant 0 : i32
    %dma_wait3A_293 = tpu.memref_slice %arg5[%select_n3A_270, %dma_wait3A_291, %select_n3A_286, %dma_wait3A_292] : memref<8x1250x8x128xf32, #tpu.memory_space<hbm>> -> memref<1x25x1x128xf32, #tpu.memory_space<hbm>>
    %dma_wait3A_294 = tpu.memref_squeeze %dma_wait3A_293 : memref<1x25x1x128xf32, #tpu.memory_space<hbm>> -> memref<25x128xf32, #tpu.memory_space<hbm>>
    tpu.wait_dma2 semaphore(%arg15 : memref<!tpu.dma_semaphore, #tpu.memory_space<semaphore_mem>>) src(%arg11 : memref<25x128xf32, #tpu.memory_space<vmem>>) dst(%dma_wait3A_294 : memref<25x128xf32, #tpu.memory_space<hbm>>)
    return
  }
}

</mosaic_0001>

<sc_bundles>
// kernel: kernel.3.cloned.1.call-start
scs
__scs_entry_jumppad:
0x0: {  	(pc) =	sbr.rel $0x88, $3  }
0x1: {  	(tag) =	ssettag $0x0;
	lr =	simm.s32 $0x1  }
0x2: {  	[smem:$0x3F9E] =	sst lr;
	_ =	strace $0xD0000000  }
0x3: {  	_ = 	snop  }
0x4: {  	_ = 	snop  }
0x5: {  	_ = 	snop  }
0x6: {  	_ = 	snop  }
0x7: {  	_ = 	snop  }
__scs_overlays_trampoline_lowered:
0x8: {  	[smem:$0x3FAD] =	sst s0  }
0x9: {  	[smem:$0x3FAE] =	sst s1  }
0xa: {  	[smem:$0x3FAF] =	sst s2  }
0xb: {  	[smem:$0x3FB0] =	sst s3  }
0xc: {  	[smem:$0x3FB1] =	sst s4  }
0xd: {  	[smem:$0x3FB2] =	sst s5  }
0xe: {  	[smem:$0x3FB3] =	sst s6  }
0xf: {  	[smem:$0x3FB4] =	sst s7  }
0x10: {  	[smem:$0x3FB5] =	sst s8  }
0x11: {  	[smem:$0x3FB6] =	sst s9;
	s0 =	simm.s32 @!p0 $0x0  }
0x12: {  	s1 =	sld [smem:$0x3F9C];
	s0 =	simm.s32 @p0 $0x1  }
0x13: {  	[smem:$0x3FB7] =	sst s0;
	s0 =	simm.s32 @!p1 $0x0  }
0x14: {  	s2 =	sld [smem:$0x3F9B];
	s0 =	simm.s32 @p1 $0x1  }
0x15: {  	[smem:$0x3FB8] =	sst s0;
	s0 =	simm.s32 @!p2 $0x0  }
0x16: {  	s3 =	sld [smem:$0x3FDB];
	s0 =	simm.s32 @p2 $0x1  }
0x17: {  	s4 =	simm.s32 $0x1BF5;
	[smem:$0x3FBA] =	sst s0  }
0x18: {  	s0 =	sld [smem:$0x3F9D];
	_ =	swait.ge [sflag:s4], $0x0  }
0x19: {  	s7 =	sld [smem:$0x3F9E]  }
0x1a: {  	s8 =	sadd.s32 $0xFFFFE003, lr  }
0x1b: {  	s9 =	sadd.s32 $0xFFFFFEF7, lr;
	s5 =	simm.s32 $0xFFFFFFFF;
	p2 =	slt.u32 s8, $0xFFFFF086  }
0x1c: {  	p1 =	slt.u32 s9, $0xF7A;
	s5 =	simm.s32 @!p2 $0x0  }
0x1d: {  	s5 =	simm.s32 @p1 $0x1;
	p0 =	seq.s32 s7, s2  }
0x1e: {  	s7 =	smul.u32 @!p0 $0xF7A, s2;
	p2 =	seq.s32 @!p0 s5, $0x0  }
0x1f: {  	s9 =	smul.u32 $0xF7A, s1;
	s8 =	simm.s32 @!p0 $0x1BF5;
	p2 =	por !p2, p0  }
0x20: {  	[sflag:s8] =	ssyncset.s32 @!p0 $0xFFFFF086;
	s6 =	sadd.s32 @!p0 s3, s7;
	s7 =	simm.s32 @!p0 $0x108  }
0x21: {  	s3 =	sadd.s32 s3, s9;
	s6 =	sadd.s32 @!p0 $0x88, s6;
	s7 =	simm.s32 @p2 $0x1082  }
0x22: {  	[simem:s7], [sflag:s8] =	dma.local @!p0 [hbm:s6], $0xF7A  }
0x23: {  	s9 =	sor.u32 $0xD0000000, s2;
	s6 =	simm.s32 $0x108;
	_ =	swait.ge @!p0 [sflag:s8], $0x0  }
0x24: {  	s3 =	sadd.s32 $0x88, s3;
	s6 =	simm.s32 @!p1 $0x1082;
	[sflag:s4] =	ssyncset.s32 $0xFFFFF086  }
0x25: {  	[simem:s6], [sflag:s4] =	dma.local [hbm:s3], $0xF7A  }
0x26: {  	[smem:$0x3F9E] =	sst s1;
	(tag) =	ssettag s2;
	_ =	strace s9  }
0x27: {  	s1 =	sld [smem:$0x3FAE]  }
0x28: {  	s2 =	sld [smem:$0x3FAF]  }
0x29: {  	s4 =	sld [smem:$0x3FB1]  }
0x2a: {  	p0 =	seq.s32 s5, $0x0;
	s5 =	sld [smem:$0x3FB2]  }
0x2b: {  	s6 =	sld [smem:$0x3FB3]  }
0x2c: {  	s7 =	sld [smem:$0x3FB4]  }
0x2d: {  	s3 =	simm.s32 $0x108;
	s8 =	sld [smem:$0x3FB5]  }
0x2e: {  	s3 =	simm.s32 @!p0 $0x1082;
	s9 =	sld [smem:$0x3FB6]  }
0x2f: {  	lr =	sadd.s32 s0, s3;
	s0 =	sld [smem:$0x3FAD]  }
0x30: {  	s3 =	sld [smem:$0x3FB0]  }
0x31: {  	[smem:$0x3FB9] =	sst s10  }
0x32: {  	s10 =	sld [smem:$0x3FB7];
	_ =	sdelay $0x3  }
0x33: {  	p0 =	seq.s32 s10, $0x1;
	s10 =	sld [smem:$0x3FB9];
	_ =	sdelay $0x3  }
0x34: {  	[smem:$0x3FB9] =	sst s10  }
0x35: {  	s10 =	sld [smem:$0x3FB8];
	_ =	sdelay $0x3  }
0x36: {  	p1 =	seq.s32 s10, $0x1;
	s10 =	sld [smem:$0x3FB9];
	_ =	sdelay $0x3  }
0x37: {  	[smem:$0x3FB9] =	sst s10  }
0x38: {  	s10 =	sld [smem:$0x3FBA]  }
0x39: {  	_ = 	snop;
	(pc) =	sbr.ind lr, $3  }
0x3a: {  	_ = 	snop  }
0x3b: {  	_ = 	snop  }
0x3c: {  	p2 =	seq.s32 s10, $0x1;
	s10 =	sld [smem:$0x3FB9]  }
0x3d: {  	_ =	shalt  }
0x3e: {  	_ =	shalt  }
0x3f: {  	_ =	shalt  }
0x40: {  	_ =	shalt  }
0x41: {  	_ =	shalt  }
0x42: {  	_ =	shalt  }
0x43: {  	_ =	shalt  }
0x44: {  	_ =	shalt  }
0x45: {  	_ =	shalt  }
0x46: {  	_ =	shalt  }
0x47: {  	_ =	shalt  }
0x48: {  	_ =	shalt  }
0x49: {  	_ =	shalt  }
0x4a: {  	_ =	shalt  }
0x4b: {  	_ =	shalt  }
0x4c: {  	_ =	shalt  }
0x4d: {  	_ =	shalt  }
0x4e: {  	_ =	shalt  }
0x4f: {  	_ =	shalt  }
0x50: {  	_ =	shalt  }
0x51: {  	_ =	shalt  }
0x52: {  	_ =	shalt  }
0x53: {  	_ =	shalt  }
0x54: {  	_ =	shalt  }
0x55: {  	_ =	shalt  }
0x56: {  	_ =	shalt  }
0x57: {  	_ =	shalt  }
0x58: {  	_ =	shalt  }
0x59: {  	_ =	shalt  }
0x5a: {  	_ =	shalt  }
0x5b: {  	_ =	shalt  }
0x5c: {  	_ =	shalt  }
0x5d: {  	_ =	shalt  }
0x5e: {  	_ =	shalt  }
0x5f: {  	_ =	shalt  }
0x60: {  	_ =	shalt  }
0x61: {  	_ =	shalt  }
0x62: {  	_ =	shalt  }
0x63: {  	_ =	shalt  }
0x64: {  	_ =	shalt  }
0x65: {  	_ =	shalt  }
0x66: {  	_ =	shalt  }
0x67: {  	_ =	shalt  }
0x68: {  	_ =	shalt  }
0x69: {  	_ =	shalt  }
0x6a: {  	_ =	shalt  }
0x6b: {  	_ =	shalt  }
0x6c: {  	_ =	shalt  }
0x6d: {  	_ =	shalt  }
0x6e: {  	_ =	shalt  }
0x6f: {  	_ =	shalt  }
0x70: {  	_ =	shalt  }
0x71: {  	_ =	shalt  }
0x72: {  	_ =	shalt  }
0x73: {  	_ =	shalt  }
0x74: {  	_ =	shalt  }
0x75: {  	_ =	shalt  }
0x76: {  	_ =	shalt  }
0x77: {  	_ =	shalt  }
0x78: {  	_ =	shalt  }
0x79: {  	_ =	shalt  }
0x7a: {  	_ =	shalt  }
0x7b: {  	_ =	shalt  }
0x7c: {  	_ =	shalt  }
0x7d: {  	_ =	shalt  }
0x7e: {  	_ =	shalt  }
0x7f: {  	_ =	shalt  }
0x80: {  	_ =	shalt  }
0x81: {  	_ =	shalt  }
0x82: {  	_ =	shalt  }
0x83: {  	_ =	shalt  }
0x84: {  	_ =	shalt  }
0x85: {  	_ =	shalt  }
0x86: {  	_ =	shalt  }
0x87: {  	_ =	shalt  }
.Lfunc_end0:
.L_simem_size_0:
called_computation_lowered:
.L_overlay_start_0:
0x88: {  	s2 =	sld [smem:$0x3FD9]  }
0x89: {  	s3 =	sld [smem:$0x3FFE];
	_ =	sdelay $0x1  }
0x8a: {  	s1 =	srdreg.scid  }
0x8b: {  	s0 =	sand.u32 $0x1, s1  }
0x8c: {  	s17 =	sshll.u32 s0, $0xA;
	s2 =	sadd.s32 s3, s2  }
0x8d: {  	s2 =	sadd.s32 s2, s17  }
0x8e: {  	[smem:$0x3FC5] =	sst s2  }
0x8f: {  	_ = 	snop  }
0x90: {  	s2 =	sld [smem:$0x3FC9]  }
0x91: {  	s18 =	sld [smem:$0x3FC8]  }
0x92: {  	s4 =	sld [smem:$0x3FD0];
	(tm) =	ssettm $0x1  }
0x93: {  	s5 =	sld [smem:$0x3FFB];
	_ =	sdelay $0x3  }
0x94: {  	_ =	strace s5  }
0x95: {  	s5 =	sld [smem:$0x3FFC];
	_ =	sdelay $0x3  }
0x96: {  	_ =	strace s5  }
0x97: {  	s5 =	sld [smem:$0x3FFD];
	_ =	sdelay $0x3  }
0x98: {  	_ =	strace s5  }
0x99: {  	_ =	strace $0x8FFFFFFF  }
0x9a: {  	s19 =	sld [smem:$0x3FDB];
	_ =	sdelay $0x1  }
0x9b: {  	s6 =	simm.s32 $_scs_section_size  }
0x9c: {  	s7 =	simm.s32 $_size__tile_overlayer_lowered;
	s8 =	simm.s32 $_tile_overlayer_lowered  }
0x9d: {  	s22 =	simm.s32 $0x1BFF;
	s21 =	sshll.u32 s8, $0x1;
	s5 =	sadd.s32 s6, s19  }
0x9e: {  	s9 =	simm.s32 $0x0;
	s20 =	sshll.u32 s7, $0x1;
	s7 =	sadd.s32 s21, s5  }
0x9f: {  	[timem:s9], [sflag:s22] =	dma.local [hbm:s7], s20  }
0xa0: {  	_ =	swait.ge [sflag:s22], s20  }
0xa1: {  	s6 =	ssub.s32 $0x0, s20;
	[sflag:s22] =	ssyncset.done $0x0  }
0xa2: {  	[sflag:s22] =	ssyncadd.s32 s6;
	_ =	sdelay $0x1  }
0xa3: {  	s23 =	simm.s32 $0x1B8B  }
0xa4: {  	_ =	swait.ge [sflag:s23], $0x1  }
0xa5: {  	[sflag:s23] =	ssyncset.done $0x0  }
0xa6: {  	s25 =	simm.s32 $0x1B8E;
	s24 =	sld [smem:$0x3FFE];
	[sflag:s23] =	ssyncadd.s32 $0xFFFFFFFF  }
0xa7: {  	s26 =	simm.s32 $execute0_lowered;
	[smem:$0x3FD2] =	sst s25  }
0xa8: {  	s7 =	sshll.u32 s26, $0x1;
	_ =	strace $0x80000046;
	[dreg:$0x1] =	wrdreg $0xFFFFFFFF  }
0xa9: {  	s28 =	simm.s32 $_size_execute0_lowered;
	s5 =	sadd.s32 s5, s7;
	[dreg:$0x0] =	wrdreg $0x0  }
0xaa: {  	s7 =	sshll.u32 s28, $0x1;
	[dreg:$0x2] =	wrdreg s5  }
0xab: {  	[dreg:$0x3] =	wrdreg s7  }
0xac: {  	[dreg:$0x4] =	wrdreg $0xC0  }
0xad: {  	_ =	task [dreg:s9], $0x5FFFF  }
0xae: {  	[dreg:$0x1] =	wrdreg $0xFFFFFFFF  }
0xaf: {  	[dreg:$0x0] =	wrdreg $0x60  }
0xb0: {  	[dreg:$0x2] =	wrdreg s2  }
0xb1: {  	[dreg:$0x3] =	wrdreg s18  }
0xb2: {  	[dreg:$0x4] =	wrdreg s24  }
0xb3: {  	[dreg:$0x5] =	wrdreg s4  }
0xb4: {  	[dreg:$0x6] =	wrdreg $0x9  }
0xb5: {  	_ =	task.clear_ibuf [dreg:s9], $0x7FFFF;
	_ =	strace $0x90000046  }
0xb6: {  	s29 =	simm.s32 $0x9;
	_ =	strace $0x80000048  }
0xb7: {  	_ =	swait.ge [sflag:s29], $0x1  }
0xb8: {  	[sflag:s29] =	ssyncadd.s32 $0xFFFFFFFF  }
0xb9: {  	_ =	strace $0x90000048  }
0xba: {  	_ =	sfence  }
0xbb: {  	s30 =	sld [smem:$0x0];
	_ =	sdelay $0x2  }
0xbc: {  	s31 =	sshll.u32 s1, $0xD;
	s1 =	sshrl.u32 s1, $0x2  }
0xbd: {  	s3 =	sand.u32 $0x4000, s31;
	s1 =	sadd.s32 s1, s30  }
0xbe: {  	s0 =	sor.u32 s3, s0;
	s1 =	sshll.u32 s1, $0x11  }
0xbf: {  	s0 =	sor.u32 s1, s0  }
0xc0: {  	s0 =	sadd.s32 $0x8F2B, s0  }
0xc1: {  	[sflag:s0] =	ssyncadd.remote.s32 $0x1  }
0xc2: {  	_ =	sfence.sel $0xFFFF  }
0xc3: {  	[dreg:$0x0] =	wrdreg $0xFFFFFFFF;
	(pc) =	sbr.abs _section_cstart, $3  }
0xc4: {  	[dreg:$0x1] =	wrdreg $0xFFFFFFFF  }
0xc5: {  	_ =	task.clear_ibuf [dreg:s9], $0x2FFFF;
	_ =	strace $0x9FFFFFFF  }
0xc6: {  	(tm) =	ssettm $0x7FFFFFFF  }
0xc7: {  	_ =	shalt  }
tec
execute0_lowered:
.L_overlay_start_1:
0x0: {  	(tag) =	ssettag $0x1  }
0x1: {  	s1 =	rddreg [dreg:$0x0]  }
0x2: {  	s3 =	rddreg [dreg:$0x1]  }
0x3: {  	s0 =	rddreg [dreg:$0x2]  }
0x4: {  	s4 =	rddreg [dreg:$0x3]  }
0x5: {  	s2 =	srdreg.scid;
	s9 =	stileid.u32  }
0x6: {  	s5 =	simm.s32 $0x0;
	s20 =	simm.s32 $0x4;
	s28 =	simm.s32 $0xC800  }
0x7: {  	s29 =	simm.s32 $0x2;
	s30 =	simm.s32 $0xD800;
	s31 =	simm.s32 $0x3  }
0x8: {  	s2 =	sand.u32 $0x1, s2;
	s6 =	sshll.u32 s9, $0x1;
	[smem:$0x7FF] =	sst s5  }
0x9: {  	s0 =	sadd.s32 $0x400, s0;
	s9 =	sshrl.u32 s9, $0x1;
	s7 =	ssub.s32 $0x2, s2  }
0xa: {  	s2 =	sor.u32 s2, s6;
	_ =	strace $0x80000047;
	s9 =	smul.u32 $0x138800, s9  }
0xb: {  	[dreg:$0x5] =	wrdreg s0;
	s8 =	sshrl.u32 s7, $0x1;
	s6 =	smul.u32 $0x138800, s2  }
0xc: {  	s10 =	sshll.u32 s2, $0x8;
	s22 =	ssub.s32 s7, s8;
	s8 =	sshll.u32 s2, $0x7  }
0xd: {  	s2 =	sshllo.u32 s2, $0x1;
	s24 =	sand.u32 $0x300, s10;
	s23 =	sshrl.u32 s6, $0x3  }
0xe: {  	s10 =	smul.u32 $0x9C400, s2;
	s12 =	sor.u32 s24, s9;
	s2 =	sshll.u32 s2, $0x7  }
0xf: {  	s13 =	sadd.s32 $0x6400, s6;
	s0 =	smax.u32 s22, $0x1;
	s22 =	simm.s32 $0x6400  }
0x10: {  	s24 =	simm.s32 $0x1;
	s11 =	sadd.s32 s1, s23;
	s7 =	sadd.s32 s3, s23  }
0x11: {  	s2 =	sand.u32 $0x380, s2;
	[dreg:$0xa] =	wrdreg s0;
	s23 =	simm.s32 $0x9600  }
0x12: {  	s0 =	simm.s32 $0x0;
	[dreg:$0x6] =	wrdreg s11;
	s25 =	sshrl.u32 s10, $0x3  }
0x13: {  	[dreg:$0x7] =	wrdreg s7;
	s16 =	sor.u32 s2, s9;
	s26 =	sadd.s32 s1, s25  }
0x14: {  	s17 =	sadd.s32 $0x6400, s10;
	s7 =	sadd.s32 s3, s25;
	[dreg:$0x8] =	wrdreg s26  }
0x15: {  	s25 =	simm.s32 $0x80;
	[dreg:$0x9] =	wrdreg s7;
	s26 =	simm.s32 $0x400  }
.LBB2_1:
0x16: {  	s2 =	rddreg [dreg:$0x5];
	s7 =	simm.s32 $0xE800  }
0x17: {  	[tilespmem:s7], [sflag:$0x4] =	stream.linear.gather [hbm4b:s2+s5], $0x1000, $0x38;
	[tilespmem:$0xF800] =	vst v63  }
0x18: {  	_ =	swait.ge [sflag:s20], $0x1000  }
0x19: {  	[sflag:s20] =	ssyncset.done $0x0  }
0x1a: {  	[sflag:s20] =	ssyncadd.s32 $0xFFFFF000  }
0x1b: {  	v0 =	vld [tilespmem:s8+$0xE800]  }
0x1c: {  	v1 =	vld [tilespmem:s8+$0xE810]  }
0x1d: {  	s18 =	rddreg [dreg:$0x6];
	v2 =	vld [tilespmem:s8+$0xE820]  }
0x1e: {  	v3 =	vld [tilespmem:s8+$0xE830];
	[tilespmem:s5], [sflag:$0x1] =	stream.linear.gather [hbm4b:s18+s5], $0x3200, $0x38  }
0x1f: {  	s21 =	simm.s32 $0x3200;
	s2 =	simm.s32 $0x0;
	s19 =	rddreg [dreg:$0x7]  }
0x20: {  	[tilespmem:s21], [sflag:$0x1] =	stream.linear.gather [hbm4b:s19+s5], $0x3200, $0x38;
	[tilespmem:$0xF800] =	vst v63  }
.LBB2_2:
0x21: {  	s19 =	sshllo.u32 s2, $0x1  }
0x22: {  	s7 =	smul.u32 $0x3200, s19;
	_ =	sdelay $0x1  }
0x23: {  	s7 =	sadd.s32 s6, s7  }
0x24: {  	s7 =	sshrl.u32 s7, $0x3  }
0x25: {  	s9 =	sadd.s32 s1, s7  }
0x26: {  	[tilespmem:s22], [sflag:$0x2] =	stream.linear.gather [hbm4b:s9+s5], $0x3200, $0x38;
	[tilespmem:$0xF800] =	vst v63  }
0x27: {  	s7 =	sadd.s32 s3, s7  }
0x28: {  	[tilespmem:s23], [sflag:$0x2] =	stream.linear.gather [hbm4b:s7+s5], $0x3200, $0x38;
	[tilespmem:$0xF800] =	vst v63  }
0x29: {  	_ =	swait.ge [sflag:s24], $0x3200  }
0x2a: {  	[sflag:s24] =	ssyncset.done $0x0  }
0x2b: {  	[sflag:s24] =	ssyncadd.s32 $0xFFFFCE00  }
0x2c: {  	_ =	swait.ge [sflag:s24], $0x3200  }
0x2d: {  	p0 =	seq.s32 s2, $0x0;
	[sflag:s24] =	ssyncset.done $0x0  }
0x2e: {  	s7 =	simm.s32 @!p0 $0x3;
	[sflag:s24] =	ssyncadd.s32 $0xFFFFCE00  }
0x2f: {  	_ =	swait.ge @!p0 [sflag:s7], $0xC80  }
0x30: {  	[sflag:s7] =	ssyncset.done @!p0 $0x0  }
0x31: {  	s21 =	simm.s32 $0x0;
	[sflag:s7] =	ssyncadd.s32 @!p0 $0xFFFFF380  }
.LBB2_3:
0x32: {  	s9 =	sshll.u32 s21, $0x9  }
0x33: {  	v4 =	vld [tilespmem:s9+$0x0]  }
0x34: {  	v5 =	vld [tilespmem:s9+$0x80]  }
0x35: {  	v6 =	vld [tilespmem:s9+$0x3280]  }
0x36: {  	v7 =	vld [tilespmem:s9+$0x3300]  }
0x37: {  	v8 =	vld [tilespmem:s9+$0x100]  }
0x38: {  	v9 =	vld [tilespmem:s9+$0x3380]  }
0x39: {  	v10 =	vld [tilespmem:s9+$0x180]  }
0x3a: {  	v11 =	vld [tilespmem:s9+$0x3200]  }
0x3b: {  	v12 =	vadd.f32 v7, v6  }
0x3c: {  	v13 =	vadd.f32 v8, v5;
	v5 =	vmul.f32 v6, v5;
	v55 =	vmul.f32 v7, v8  }
0x3d: {  	v56 =	vadd.f32 v9, v12  }
0x3e: {  	v58 =	vmul.f32 v9, v10;
	v57 =	vadd.f32 v10, v13;
	v5 =	vadd.f32 v55, v5  }
0x3f: {  	v59 =	vmul.f32 v11, v4;
	v4 =	vmul.f32 v56, v4  }
0x40: {  	v60 =	vmul.f32 v11, v57;
	v5 =	vadd.f32 v58, v5  }
0x41: {  	v61 =	vmul.f32 v59, v0;
	v4 =	vmul.f32 v4, v1  }
0x42: {  	v7 =	vmul.f32 v60, v2;
	v5 =	vmul.f32 v5, v3;
	_ =	sdelay $0x1  }
0x43: {  	v4 =	vadd.f32 v4, v61;
	v5 =	vadd.f32 v5, v7;
	_ =	sdelay $0x1  }
0x44: {  	v4 =	vadd.f32 v5, v4  }
0x45: {  	s7 =	sshll.u32 s21, $0x7  }
0x46: {  	[tilespmem:s7+$0xC800] =	vst v4  }
0x47: {  	v4 =	vld [tilespmem:s9+$0x10]  }
0x48: {  	v5 =	vld [tilespmem:s9+$0x90]  }
0x49: {  	v62 =	vld [tilespmem:s9+$0x3290]  }
0x4a: {  	v63 =	vld [tilespmem:s9+$0x3310]  }
0x4b: {  	v16 =	vld [tilespmem:s9+$0x110]  }
0x4c: {  	v17 =	vld [tilespmem:s9+$0x3390]  }
0x4d: {  	v18 =	vld [tilespmem:s9+$0x190]  }
0x4e: {  	v19 =	vld [tilespmem:s9+$0x3210]  }
0x4f: {  	v20 =	vadd.f32 v63, v62  }
0x50: {  	v21 =	vadd.f32 v16, v5;
	v5 =	vmul.f32 v62, v5;
	v22 =	vmul.f32 v63, v16  }
0x51: {  	v23 =	vadd.f32 v17, v20  }
0x52: {  	v25 =	vmul.f32 v17, v18;
	v24 =	vadd.f32 v18, v21;
	v5 =	vadd.f32 v22, v5  }
0x53: {  	v26 =	vmul.f32 v19, v4;
	v4 =	vmul.f32 v23, v4  }
0x54: {  	v27 =	vmul.f32 v19, v24;
	v5 =	vadd.f32 v25, v5  }
0x55: {  	v28 =	vmul.f32 v26, v0;
	v4 =	vmul.f32 v4, v1  }
0x56: {  	v7 =	vmul.f32 v27, v2;
	v5 =	vmul.f32 v5, v3;
	_ =	sdelay $0x1  }
0x57: {  	v4 =	vadd.f32 v4, v28;
	v5 =	vadd.f32 v5, v7;
	_ =	sdelay $0x1  }
0x58: {  	v4 =	vadd.f32 v5, v4;
	_ =	sdelay $0x1  }
0x59: {  	[tilespmem:s7+$0xC810] =	vst v4  }
0x5a: {  	v4 =	vld [tilespmem:s9+$0x20]  }
0x5b: {  	v5 =	vld [tilespmem:s9+$0xA0]  }
0x5c: {  	v29 =	vld [tilespmem:s9+$0x32A0]  }
0x5d: {  	v30 =	vld [tilespmem:s9+$0x3320]  }
0x5e: {  	v31 =	vld [tilespmem:s9+$0x120]  }
0x5f: {  	v32 =	vld [tilespmem:s9+$0x33A0]  }
0x60: {  	v33 =	vld [tilespmem:s9+$0x1A0]  }
0x61: {  	v34 =	vld [tilespmem:s9+$0x3220]  }
0x62: {  	v35 =	vadd.f32 v30, v29  }
0x63: {  	v36 =	vadd.f32 v31, v5;
	v5 =	vmul.f32 v29, v5;
	v37 =	vmul.f32 v30, v31  }
0x64: {  	v38 =	vadd.f32 v32, v35  }
0x65: {  	v40 =	vmul.f32 v32, v33;
	v39 =	vadd.f32 v33, v36;
	v5 =	vadd.f32 v37, v5  }
0x66: {  	v41 =	vmul.f32 v34, v4;
	v4 =	vmul.f32 v38, v4  }
0x67: {  	v42 =	vmul.f32 v34, v39;
	v5 =	vadd.f32 v40, v5  }
0x68: {  	v43 =	vmul.f32 v41, v0;
	v4 =	vmul.f32 v4, v1  }
0x69: {  	v7 =	vmul.f32 v42, v2;
	v5 =	vmul.f32 v5, v3;
	_ =	sdelay $0x1  }
0x6a: {  	v4 =	vadd.f32 v4, v43;
	v5 =	vadd.f32 v5, v7;
	_ =	sdelay $0x1  }
0x6b: {  	v4 =	vadd.f32 v5, v4;
	_ =	sdelay $0x1  }
0x6c: {  	v55 =	vld [tilespmem:s9+$0x280];
	[tilespmem:s7+$0xC820] =	vst v4  }
0x6d: {  	v4 =	vld [tilespmem:s9+$0x30]  }
0x6e: {  	v5 =	vld [tilespmem:s9+$0xB0]  }
0x6f: {  	v44 =	vld [tilespmem:s9+$0x32B0]  }
0x70: {  	v45 =	vld [tilespmem:s9+$0x3330]  }
0x71: {  	v46 =	vld [tilespmem:s9+$0x130]  }
0x72: {  	v47 =	vld [tilespmem:s9+$0x33B0]  }
0x73: {  	v48 =	vld [tilespmem:s9+$0x1B0]  }
0x74: {  	v49 =	vld [tilespmem:s9+$0x3230]  }
0x75: {  	v57 =	vld [tilespmem:s9+$0x3480];
	v50 =	vadd.f32 v45, v44  }
0x76: {  	v51 =	vadd.f32 v46, v5;
	v5 =	vmul.f32 v44, v5;
	v52 =	vmul.f32 v45, v46  }
0x77: {  	v59 =	vld [tilespmem:s9+$0x3500];
	v54 =	vadd.f32 v47, v50  }
0x78: {  	v60 =	vld [tilespmem:s9+$0x300];
	v56 =	vmul.f32 v47, v48;
	v13 =	vadd.f32 v48, v51;
	v5 =	vadd.f32 v52, v5  }
0x79: {  	v14 =	vld [tilespmem:s9+$0x380];
	v58 =	vmul.f32 v49, v4;
	v4 =	vmul.f32 v54, v4  }
0x7a: {  	v61 =	vld [tilespmem:s9+$0x3580];
	v9 =	vmul.f32 v57, v55;
	v11 =	vmul.f32 v49, v13;
	v5 =	vadd.f32 v56, v5  }
0x7b: {  	v10 =	vmul.f32 v58, v0;
	v4 =	vmul.f32 v4, v1  }
0x7c: {  	v62 =	vld [tilespmem:s9+$0x3400];
	v11 =	vmul.f32 v11, v2;
	v5 =	vmul.f32 v5, v3  }
0x7d: {  	v53 =	vld [tilespmem:s9+$0x200];
	v15 =	vadd.f32 v60, v55;
	v6 =	vmul.f32 v59, v60;
	v63 =	vadd.f32 v59, v57  }
0x7e: {  	v4 =	vadd.f32 v4, v10;
	v5 =	vadd.f32 v5, v11  }
0x7f: {  	v12 =	vadd.f32 v14, v15;
	v6 =	vadd.f32 v6, v9;
	v15 =	vmul.f32 v61, v14  }
0x80: {  	v4 =	vadd.f32 v5, v4;
	v5 =	vadd.f32 v61, v63  }
0x81: {  	v6 =	vadd.f32 v15, v6;
	v8 =	vmul.f32 v62, v12  }
0x82: {  	[tilespmem:s7+$0xC830] =	vst v4;
	v4 =	vmul.f32 v62, v53;
	v5 =	vmul.f32 v5, v53  }
0x83: {  	v6 =	vmul.f32 v6, v3;
	v8 =	vmul.f32 v8, v2;
	v16 =	vld [tilespmem:s9+$0x40]  }
0x84: {  	v17 =	vld [tilespmem:s9+$0xC0];
	v4 =	vmul.f32 v4, v0;
	v5 =	vmul.f32 v5, v1  }
0x85: {  	v18 =	vld [tilespmem:s9+$0x32C0]  }
0x86: {  	v19 =	vld [tilespmem:s9+$0x3340];
	v4 =	vadd.f32 v5, v4;
	v5 =	vadd.f32 v6, v8  }
0x87: {  	v20 =	vld [tilespmem:s9+$0x140]  }
0x88: {  	v21 =	vld [tilespmem:s9+$0x33C0];
	v4 =	vadd.f32 v5, v4  }
0x89: {  	s11 =	sadd.s32 $0x240, s9;
	v22 =	vld [tilespmem:s9+$0x1C0]  }
0x8a: {  	s11 =	sand.u32 $0x7E00, s11;
	v5 =	vld [tilespmem:s9+$0x3240];
	[tilespmem:s7+$0xC880] =	vst v4  }
0x8b: {  	v23 =	vadd.f32 v19, v18;
	v27 =	vld [tilespmem:s11+$0x90]  }
0x8c: {  	v9 =	vmul.f32 v18, v17;
	v24 =	vmul.f32 v19, v20;
	v4 =	vadd.f32 v20, v17;
	v28 =	vld [tilespmem:s11+$0x3290]  }
0x8d: {  	v26 =	vadd.f32 v21, v23;
	v31 =	vld [tilespmem:s11+$0x110]  }
0x8e: {  	v6 =	vmul.f32 v21, v22;
	v9 =	vadd.f32 v24, v9;
	v30 =	vld [tilespmem:s11+$0x3310];
	v4 =	vadd.f32 v22, v4  }
0x8f: {  	v33 =	vld [tilespmem:s11+$0x3390];
	v7 =	vmul.f32 v26, v16;
	v29 =	vmul.f32 v5, v16  }
0x90: {  	v34 =	vld [tilespmem:s11+$0x190];
	v4 =	vmul.f32 v5, v4;
	v5 =	vadd.f32 v6, v9  }
0x91: {  	v25 =	vld [tilespmem:s11+$0x10];
	v7 =	vmul.f32 v7, v1;
	v32 =	vmul.f32 v29, v0  }
0x92: {  	v35 =	vld [tilespmem:s11+$0x3210];
	v4 =	vmul.f32 v4, v2;
	v5 =	vmul.f32 v5, v3;
	v36 =	vadd.f32 v31, v27  }
0x93: {  	v8 =	vmul.f32 v28, v27;
	v6 =	vmul.f32 v30, v31;
	v7 =	vadd.f32 v7, v32  }
0x94: {  	v4 =	vadd.f32 v5, v4;
	v5 =	vadd.f32 v30, v28  }
0x95: {  	v38 =	vmul.f32 v33, v34;
	v37 =	vadd.f32 v34, v36;
	v6 =	vadd.f32 v6, v8  }
0x96: {  	v4 =	vadd.f32 v4, v7;
	v5 =	vadd.f32 v33, v5  }
0x97: {  	v39 =	vmul.f32 v35, v25;
	v6 =	vadd.f32 v38, v6  }
0x98: {  	v5 =	vmul.f32 v5, v25;
	[tilespmem:s7+$0xC840] =	vst v4;
	v4 =	vmul.f32 v35, v37  }
0x99: {  	v41 =	vmul.f32 v39, v0;
	v6 =	vmul.f32 v6, v3;
	v40 =	vld [tilespmem:s9+$0x50]  }
0x9a: {  	v42 =	vld [tilespmem:s9+$0xD0];
	v5 =	vmul.f32 v5, v1;
	v4 =	vmul.f32 v4, v2  }
0x9b: {  	v43 =	vld [tilespmem:s9+$0x150]  }
0x9c: {  	v44 =	vld [tilespmem:s9+$0x32D0];
	v5 =	vadd.f32 v5, v41;
	v4 =	vadd.f32 v6, v4  }
0x9d: {  	v45 =	vld [tilespmem:s9+$0x3350]  }
0x9e: {  	v46 =	vld [tilespmem:s9+$0x1D0];
	v4 =	vadd.f32 v4, v5  }
0x9f: {  	v47 =	vld [tilespmem:s9+$0x3250]  }
0xa0: {  	v5 =	vld [tilespmem:s9+$0x33D0];
	[tilespmem:s7+$0xC890] =	vst v4  }
0xa1: {  	s15 =	sadd.s32 $0x280, s9;
	v49 =	vld [tilespmem:s9+$0x2A0]  }
0xa2: {  	s14 =	sand.u32 $0x7E00, s15;
	v17 =	vadd.f32 v43, v42;
	v50 =	vld [tilespmem:s9+$0x34A0]  }
0xa3: {  	v16 =	vld [tilespmem:s14+$0x3320]  }
0xa4: {  	s11 =	sor.u32 $0x1A0, s15;
	v17 =	vadd.f32 v46, v17;
	v51 =	vld [tilespmem:s14+$0x120]  }
0xa5: {  	v48 =	vadd.f32 v45, v44;
	v9 =	vmul.f32 v44, v42;
	v6 =	vmul.f32 v45, v43;
	v53 =	vld [tilespmem:s11+$0x3200]  }
0xa6: {  	v52 =	vmul.f32 v47, v40;
	v54 =	vld [tilespmem:s11+$0x0];
	v12 =	vmul.f32 v47, v17  }
0xa7: {  	v6 =	vadd.f32 v6, v9;
	v4 =	vld [tilespmem:s14+$0x20];
	v13 =	vadd.f32 v5, v48;
	v5 =	vmul.f32 v5, v46  }
0xa8: {  	v55 =	vmul.f32 v52, v0;
	v56 =	vld [tilespmem:s14+$0x3220];
	v12 =	vmul.f32 v12, v2  }
0xa9: {  	v7 =	vmul.f32 v13, v40;
	v5 =	vadd.f32 v5, v6;
	v57 =	vadd.f32 v16, v50  }
0xaa: {  	v58 =	vadd.f32 v51, v49;
	v14 =	vmul.f32 v50, v49;
	v10 =	vmul.f32 v16, v51  }
0xab: {  	v60 =	vld [tilespmem:s9+$0x480];
	v8 =	vmul.f32 v53, v54;
	v7 =	vmul.f32 v7, v1;
	v6 =	vadd.f32 v53, v57  }
0xac: {  	v61 =	vld [tilespmem:s9+$0x3680];
	v5 =	vmul.f32 v5, v3;
	v17 =	vadd.f32 v54, v58;
	v10 =	vadd.f32 v10, v14  }
0xad: {  	v63 =	vld [tilespmem:s9+$0x3700];
	v62 =	vmul.f32 v56, v4;
	v7 =	vadd.f32 v7, v55;
	v4 =	vmul.f32 v6, v4  }
0xae: {  	v19 =	vld [tilespmem:s9+$0x500];
	v5 =	vadd.f32 v5, v12;
	v18 =	vmul.f32 v56, v17;
	v8 =	vadd.f32 v8, v10  }
0xaf: {  	v21 =	vld [tilespmem:s9+$0x3780];
	v20 =	vmul.f32 v62, v0;
	v4 =	vmul.f32 v4, v1  }
0xb0: {  	v22 =	vld [tilespmem:s9+$0x580];
	v5 =	vadd.f32 v5, v7;
	v9 =	vmul.f32 v18, v2;
	v8 =	vmul.f32 v8, v3  }
0xb1: {  	v59 =	vld [tilespmem:s9+$0x400]  }
0xb2: {  	v23 =	vld [tilespmem:s9+$0x3600];
	[tilespmem:s7+$0xC850] =	vst v5;
	v4 =	vadd.f32 v4, v20;
	v8 =	vadd.f32 v8, v9  }
0xb3: {  	v25 =	vadd.f32 v19, v60;
	v13 =	vmul.f32 v61, v60;
	v6 =	vmul.f32 v63, v19;
	v26 =	vld [tilespmem:s9+$0x60]  }
0xb4: {  	v24 =	vadd.f32 v63, v61;
	v29 =	vld [tilespmem:s9+$0xE0];
	v4 =	vadd.f32 v8, v4  }
0xb5: {  	s18 =	sadd.s32 $0x2C0, s9;
	v28 =	vmul.f32 v21, v22;
	v27 =	vadd.f32 v22, v25;
	v6 =	vadd.f32 v6, v13;
	v37 =	vld [tilespmem:s9+$0x160]  }
0xb6: {  	s11 =	sand.u32 $0x7E00, s18;
	v5 =	vadd.f32 v21, v24;
	v18 =	vld [tilespmem:s9+$0x32E0];
	[tilespmem:s7+$0xC8A0] =	vst v4  }
0xb7: {  	v7 =	vmul.f32 v23, v27;
	v6 =	vadd.f32 v28, v6;
	v30 =	vld [tilespmem:s11+$0x30]  }
0xb8: {  	v5 =	vmul.f32 v5, v59;
	v4 =	vmul.f32 v23, v59;
	v31 =	vld [tilespmem:s11+$0xB0]  }
0xb9: {  	v7 =	vmul.f32 v7, v2;
	v6 =	vmul.f32 v6, v3;
	v32 =	vld [tilespmem:s11+$0x32B0]  }
0xba: {  	v5 =	vmul.f32 v5, v1;
	v33 =	vld [tilespmem:s11+$0x3330];
	v4 =	vmul.f32 v4, v0  }
0xbb: {  	v34 =	vld [tilespmem:s11+$0x130]  }
0xbc: {  	v35 =	vld [tilespmem:s11+$0x33B0];
	v4 =	vadd.f32 v5, v4;
	v5 =	vadd.f32 v6, v7  }
0xbd: {  	v36 =	vld [tilespmem:s11+$0x1B0]  }
0xbe: {  	v4 =	vadd.f32 v5, v4;
	v5 =	vld [tilespmem:s11+$0x3230]  }
0xbf: {  	v19 =	vld [tilespmem:s9+$0x3360];
	v38 =	vadd.f32 v33, v32  }
0xc0: {  	v52 =	vld [tilespmem:s9+$0x1E0];
	v9 =	vmul.f32 v32, v31;
	v39 =	vmul.f32 v33, v34;
	[tilespmem:s7+$0xC900] =	vst v4;
	v4 =	vadd.f32 v34, v31  }
0xc1: {  	s14 =	sadd.s32 $0x440, s9;
	v53 =	vld [tilespmem:s9+$0x33E0];
	v41 =	vadd.f32 v35, v38  }
0xc2: {  	v56 =	vld [tilespmem:s9+$0x3260];
	s11 =	sand.u32 $0x7E00, s14;
	v6 =	vmul.f32 v35, v36;
	v9 =	vadd.f32 v39, v9;
	v4 =	vadd.f32 v36, v4  }
0xc3: {  	v42 =	vld [tilespmem:s11+$0x90];
	v12 =	vmul.f32 v41, v30;
	v44 =	vmul.f32 v5, v30  }
0xc4: {  	v43 =	vld [tilespmem:s11+$0x3290];
	v4 =	vmul.f32 v5, v4;
	v5 =	vadd.f32 v6, v9  }
0xc5: {  	v45 =	vld [tilespmem:s11+$0x3310];
	v48 =	vmul.f32 v12, v1;
	v47 =	vmul.f32 v44, v0  }
0xc6: {  	v46 =	vld [tilespmem:s11+$0x110];
	v4 =	vmul.f32 v4, v2;
	v5 =	vmul.f32 v5, v3  }
0xc7: {  	v61 =	vadd.f32 v37, v29;
	v49 =	vld [tilespmem:s11+$0x3390]  }
0xc8: {  	v50 =	vld [tilespmem:s11+$0x190];
	v9 =	vadd.f32 v48, v47;
	v4 =	vadd.f32 v5, v4  }
0xc9: {  	v22 =	vadd.f32 v52, v61;
	v61 =	vld [tilespmem:s9+$0x680]  }
0xca: {  	v51 =	vld [tilespmem:s11+$0x3210];
	v4 =	vadd.f32 v4, v9  }
0xcb: {  	s15 =	sadd.s32 $0x300, s9;
	v40 =	vld [tilespmem:s11+$0x10];
	v20 =	vadd.f32 v46, v42;
	v7 =	vmul.f32 v43, v42;
	v6 =	vmul.f32 v45, v46  }
0xcc: {  	s18 =	sand.u32 $0x7E00, s15;
	v8 =	vmul.f32 v56, v22;
	v22 =	vld [tilespmem:s9+$0x3980];
	v5 =	vadd.f32 v45, v43;
	[tilespmem:s7+$0xC8B0] =	vst v4  }
0xcd: {  	v55 =	vmul.f32 v49, v50;
	v54 =	vadd.f32 v50, v20;
	v6 =	vadd.f32 v6, v7;
	v57 =	vld [tilespmem:s18+$0x40]  }
0xce: {  	v5 =	vadd.f32 v49, v5;
	v59 =	vld [tilespmem:s18+$0xC0]  }
0xcf: {  	v58 =	vadd.f32 v19, v18;
	v10 =	vmul.f32 v51, v54;
	v6 =	vadd.f32 v55, v6;
	v60 =	vld [tilespmem:s18+$0x32C0]  }
0xd0: {  	v4 =	vmul.f32 v51, v40;
	v5 =	vmul.f32 v5, v40;
	v62 =	vld [tilespmem:s9+$0x3540]  }
0xd1: {  	s11 =	sor.u32 $0x1C0, s15;
	v7 =	vadd.f32 v53, v58;
	v10 =	vmul.f32 v10, v2;
	v6 =	vmul.f32 v6, v3;
	v63 =	vld [tilespmem:s9+$0x340]  }
0xd2: {  	v23 =	vld [tilespmem:s11+$0x3200];
	v4 =	vmul.f32 v4, v0;
	v5 =	vmul.f32 v5, v1  }
0xd3: {  	v21 =	vmul.f32 v56, v26;
	v7 =	vmul.f32 v7, v26;
	v26 =	vld [tilespmem:s18+$0x3240]  }
0xd4: {  	v11 =	vmul.f32 v18, v29;
	v24 =	vld [tilespmem:s11+$0x0];
	v4 =	vadd.f32 v5, v4;
	v5 =	vadd.f32 v6, v10  }
0xd5: {  	v15 =	vmul.f32 v19, v37;
	v27 =	vadd.f32 v62, v60;
	v28 =	vmul.f32 v60, v59;
	v60 =	vld [tilespmem:s9+$0x600]  }
0xd6: {  	v4 =	vadd.f32 v5, v4;
	v29 =	vmul.f32 v62, v63;
	v62 =	vld [tilespmem:s9+$0x3880]  }
0xd7: {  	v11 =	vadd.f32 v15, v11;
	v9 =	vmul.f32 v53, v52;
	v5 =	vmul.f32 v21, v0;
	v21 =	vld [tilespmem:s9+$0x700]  }
0xd8: {  	v33 =	vmul.f32 v26, v57;
	[tilespmem:s7+$0xC910] =	vst v4;
	v4 =	vadd.f32 v63, v59;
	v63 =	vld [tilespmem:s9+$0x3900]  }
0xd9: {  	v9 =	vadd.f32 v9, v11;
	v10 =	vmul.f32 v23, v24;
	v11 =	vadd.f32 v23, v27;
	v23 =	vld [tilespmem:s9+$0x780]  }
0xda: {  	s15 =	sadd.s32 $0x480, s9;
	v37 =	vmul.f32 v33, v0;
	v33 =	vld [tilespmem:s9+$0x800]  }
0xdb: {  	s18 =	sand.u32 $0x7E00, s15;
	v12 =	vadd.f32 v29, v28;
	v29 =	vld [tilespmem:s9+$0x880]  }
0xdc: {  	v30 =	vld [tilespmem:s18+$0x20]  }
0xdd: {  	v8 =	vmul.f32 v8, v2;
	v31 =	vld [tilespmem:s9+$0x4A0]  }
0xde: {  	v25 =	vmul.f32 v7, v1;
	v9 =	vmul.f32 v9, v3;
	v32 =	vld [tilespmem:s9+$0x36A0]  }
0xdf: {  	v34 =	vld [tilespmem:s18+$0x3320]  }
0xe0: {  	s11 =	sor.u32 $0x1A0, s15;
	v8 =	vadd.f32 v9, v8;
	v5 =	vadd.f32 v25, v5;
	v36 =	vld [tilespmem:s18+$0x120]  }
0xe1: {  	v39 =	vld [tilespmem:s11+$0x3200]  }
0xe2: {  	v40 =	vld [tilespmem:s11+$0x0];
	v4 =	vadd.f32 v24, v4;
	v11 =	vmul.f32 v11, v57;
	v5 =	vadd.f32 v8, v5  }
0xe3: {  	v42 =	vld [tilespmem:s18+$0x3220]  }
0xe4: {  	v35 =	vadd.f32 v10, v12;
	v24 =	vld [tilespmem:s9+$0x3800];
	v4 =	vmul.f32 v26, v4;
	v38 =	vmul.f32 v11, v1;
	[tilespmem:s7+$0xC860] =	vst v5  }
0xe5: {  	v7 =	vld [tilespmem:s9+$0x70]  }
0xe6: {  	v6 =	vmul.f32 v35, v3;
	v4 =	vmul.f32 v4, v2;
	v41 =	vadd.f32 v38, v37;
	v37 =	vld [tilespmem:s9+$0x3A80]  }
0xe7: {  	v5 =	vadd.f32 v36, v31;
	v44 =	vmul.f32 v32, v31;
	v31 =	vld [tilespmem:s9+$0x980]  }
0xe8: {  	v13 =	vmul.f32 v34, v36;
	v4 =	vadd.f32 v6, v4;
	v6 =	vld [tilespmem:s9+$0xF0]  }
0xe9: {  	v43 =	vadd.f32 v34, v32;
	v45 =	vadd.f32 v40, v5;
	v5 =	vld [tilespmem:s9+$0x170]  }
0xea: {  	v11 =	vmul.f32 v39, v40;
	v10 =	vadd.f32 v13, v44;
	v40 =	vld [tilespmem:s9+$0x900]  }
0xeb: {  	v18 =	vmul.f32 v62, v61;
	v8 =	vadd.f32 v4, v41;
	v4 =	vadd.f32 v39, v43;
	v39 =	vld [tilespmem:s9+$0x3B00]  }
0xec: {  	s14 =	sadd.s32 $0x340, s9;
	v28 =	vadd.f32 v21, v61;
	v46 =	vmul.f32 v42, v30;
	v48 =	vmul.f32 v42, v45;
	v42 =	vld [tilespmem:s9+$0x3B80]  }
0xed: {  	s18 =	sand.u32 $0x7E00, s14;
	v32 =	vmul.f32 v63, v21;
	v49 =	vadd.f32 v11, v10;
	v43 =	vld [tilespmem:s9+$0x3A00];
	v47 =	vmul.f32 v4, v30;
	[tilespmem:s7+$0xC8C0] =	vst v8  }
0xee: {  	v27 =	vadd.f32 v63, v62;
	v51 =	vmul.f32 v46, v0;
	v8 =	vmul.f32 v48, v2;
	v50 =	vld [tilespmem:s18+$0x50]  }
0xef: {  	s15 =	sor.u32 $0x150, s14;
	v28 =	vadd.f32 v23, v28;
	v9 =	vmul.f32 v49, v3;
	v53 =	vld [tilespmem:s18+$0xD0];
	v52 =	vmul.f32 v47, v1  }
0xf0: {  	s11 =	sor.u32 $0x1D0, s14;
	v36 =	vmul.f32 v22, v23;
	v27 =	vadd.f32 v22, v27;
	v18 =	vadd.f32 v32, v18;
	v54 =	vld [tilespmem:s15+$0x0]  }
0xf1: {  	v55 =	vld [tilespmem:s11+$0x0];
	v8 =	vadd.f32 v9, v8;
	v11 =	vadd.f32 v52, v51  }
0xf2: {  	v17 =	vmul.f32 v27, v60;
	v18 =	vadd.f32 v36, v18;
	v56 =	vld [tilespmem:s18+$0x3250]  }
0xf3: {  	v30 =	vmul.f32 v24, v60;
	v24 =	vmul.f32 v24, v28;
	v57 =	vld [tilespmem:s18+$0x32D0];
	v8 =	vadd.f32 v8, v11  }
0xf4: {  	v17 =	vmul.f32 v17, v1;
	v18 =	vmul.f32 v18, v3;
	v58 =	vld [tilespmem:s15+$0x3200];
	s15 =	sadd.s32 $0x4C0, s9  }
0xf5: {  	v59 =	vld [tilespmem:s11+$0x3200];
	s11 =	sand.u32 $0x7E00, s15;
	v41 =	vmul.f32 v30, v0;
	v24 =	vmul.f32 v24, v2;
	[tilespmem:s7+$0xC920] =	vst v8  }
0xf6: {  	v45 =	vadd.f32 v40, v29;
	v44 =	vadd.f32 v39, v37;
	v8 =	vld [tilespmem:s11+$0x30]  }
0xf7: {  	v22 =	vmul.f32 v37, v29;
	v17 =	vadd.f32 v17, v41;
	v18 =	vadd.f32 v18, v24;
	v26 =	vld [tilespmem:s11+$0xB0]  }
0xf8: {  	v19 =	vmul.f32 v39, v40;
	v49 =	vadd.f32 v31, v45;
	v51 =	vmul.f32 v43, v33;
	v13 =	vld [tilespmem:s11+$0x130]  }
0xf9: {  	v25 =	vmul.f32 v56, v50;
	v35 =	vadd.f32 v58, v57;
	v17 =	vadd.f32 v18, v17;
	v46 =	vld [tilespmem:s11+$0x3230]  }
0xfa: {  	s18 =	sadd.s32 $0x640, s9;
	v38 =	vadd.f32 v54, v53;
	v12 =	vmul.f32 v57, v53;
	v11 =	vmul.f32 v58, v54;
	v48 =	vld [tilespmem:s11+$0x32B0]  }
0xfb: {  	s14 =	sand.u32 $0x7E00, s18;
	v47 =	vadd.f32 v42, v44;
	v34 =	vmul.f32 v25, v0;
	v25 =	vadd.f32 v59, v35;
	[tilespmem:s7+$0xC980] =	vst v17;
	v28 =	vld [tilespmem:s11+$0x3330]  }
0xfc: {  	v15 =	vmul.f32 v59, v55;
	v23 =	vadd.f32 v55, v38;
	v11 =	vadd.f32 v11, v12;
	v53 =	vld [tilespmem:s14+$0x10]  }
0xfd: {  	v54 =	vmul.f32 v43, v49;
	v55 =	vld [tilespmem:s14+$0x90];
	v10 =	vmul.f32 v25, v50  }
0xfe: {  	v52 =	vmul.f32 v47, v33;
	v57 =	vld [tilespmem:s14+$0x3310];
	v9 =	vmul.f32 v56, v23;
	v11 =	vadd.f32 v15, v11  }
0xff: {  	v19 =	vadd.f32 v19, v22;
	v58 =	vld [tilespmem:s14+$0x110];
	v50 =	vmul.f32 v42, v31;
	v10 =	vmul.f32 v10, v1  }
0x100: {  	v63 =	vld [tilespmem:s11+$0x33B0];
	v9 =	vmul.f32 v9, v2;
	v11 =	vmul.f32 v11, v3  }
0x101: {  	v12 =	vmul.f32 v51, v0;
	v17 =	vmul.f32 v52, v1;
	v60 =	vld [tilespmem:s14+$0x3390];
	v19 =	vadd.f32 v50, v19  }
0x102: {  	v18 =	vmul.f32 v54, v2;
	v61 =	vld [tilespmem:s14+$0x190];
	v10 =	vadd.f32 v10, v34;
	v9 =	vadd.f32 v11, v9  }
0x103: {  	v56 =	vld [tilespmem:s14+$0x3290];
	v12 =	vadd.f32 v17, v12;
	v19 =	vmul.f32 v19, v3;
	v34 =	vadd.f32 v28, v48  }
0x104: {  	s15 =	sadd.s32 $0x840, s9;
	v25 =	vld [tilespmem:s11+$0x1B0];
	v31 =	vadd.f32 v58, v55;
	v9 =	vadd.f32 v9, v10  }
0x105: {  	s18 =	sand.u32 $0x7E00, s15;
	s15 =	sadd.s32 $0x380, s9;
	v62 =	vld [tilespmem:s14+$0x3210];
	v29 =	vmul.f32 v46, v8;
	v59 =	vadd.f32 v19, v18;
	v23 =	vadd.f32 v63, v34  }
0x106: {  	v4 =	vld [tilespmem:s9+$0x1F0];
	s14 =	sand.u32 $0x7E00, s15;
	v32 =	vmul.f32 v57, v58;
	v37 =	vadd.f32 v13, v26;
	v47 =	vmul.f32 v48, v26;
	[tilespmem:s7+$0xC8D0] =	vst v9  }
0x107: {  	v13 =	vmul.f32 v28, v13;
	v12 =	vadd.f32 v59, v12;
	v23 =	vmul.f32 v23, v8;
	v8 =	vld [tilespmem:s14+$0x60]  }
0x108: {  	v11 =	vmul.f32 v60, v61;
	v30 =	vadd.f32 v57, v56;
	v15 =	vmul.f32 v56, v55;
	v9 =	vld [tilespmem:s14+$0x3260]  }
0x109: {  	v41 =	vadd.f32 v25, v37;
	v13 =	vadd.f32 v13, v47;
	v10 =	vmul.f32 v63, v25;
	v17 =	vld [tilespmem:s14+$0x32E0];
	[tilespmem:s7+$0xCA00] =	vst v12  }
0x10a: {  	v38 =	vmul.f32 v62, v53;
	v19 =	vmul.f32 v29, v0;
	v21 =	vadd.f32 v60, v30;
	v33 =	vld [tilespmem:s18+$0x10]  }
0x10b: {  	v15 =	vadd.f32 v32, v15;
	v14 =	vmul.f32 v46, v41;
	v10 =	vadd.f32 v10, v13;
	v35 =	vld [tilespmem:s18+$0x90]  }
0x10c: {  	v16 =	vmul.f32 v21, v53;
	v12 =	vadd.f32 v61, v31;
	v23 =	vmul.f32 v23, v1;
	v36 =	vld [tilespmem:s18+$0x3290]  }
0x10d: {  	v14 =	vmul.f32 v14, v2;
	v10 =	vmul.f32 v10, v3;
	v39 =	vld [tilespmem:s18+$0x3310]  }
0x10e: {  	v42 =	vmul.f32 v38, v0;
	v11 =	vadd.f32 v11, v15;
	v40 =	vld [tilespmem:s18+$0x110];
	v12 =	vmul.f32 v62, v12  }
0x10f: {  	v16 =	vmul.f32 v16, v1;
	v43 =	vld [tilespmem:s18+$0x3390];
	v19 =	vadd.f32 v23, v19;
	v10 =	vadd.f32 v10, v14  }
0x110: {  	v11 =	vmul.f32 v11, v3;
	v44 =	vld [tilespmem:s18+$0x190];
	v12 =	vmul.f32 v12, v2  }
0x111: {  	v46 =	vld [tilespmem:s18+$0x3210];
	v45 =	vadd.f32 v16, v42;
	v10 =	vadd.f32 v10, v19  }
0x112: {  	v31 =	vld [tilespmem:s9+$0x3E0];
	v48 =	vadd.f32 v11, v12;
	v49 =	vadd.f32 v39, v36  }
0x113: {  	v16 =	vld [tilespmem:s14+$0x3360];
	v50 =	vadd.f32 v40, v35;
	v18 =	vmul.f32 v36, v35;
	v15 =	vmul.f32 v39, v40  }
0x114: {  	v11 =	vld [tilespmem:s14+$0xE0];
	v51 =	vadd.f32 v48, v45;
	v24 =	vadd.f32 v43, v49  }
0x115: {  	s18 =	sadd.s32 $0x680, s9;
	v12 =	vld [tilespmem:s14+$0x160];
	v52 =	vmul.f32 v43, v44;
	[tilespmem:s7+$0xC930] =	vst v10;
	v26 =	vadd.f32 v44, v50;
	v15 =	vadd.f32 v15, v18  }
0x116: {  	s15 =	sand.u32 $0x7E00, s18;
	v53 =	vmul.f32 v46, v33;
	v44 =	vld [tilespmem:s9+$0x540];
	v22 =	vmul.f32 v24, v33;
	[tilespmem:s7+$0xC990] =	vst v51  }
0x117: {  	v20 =	vmul.f32 v46, v26;
	v15 =	vadd.f32 v52, v15;
	v54 =	vld [tilespmem:s15+$0x20]  }
0x118: {  	v55 =	vmul.f32 v53, v0;
	v56 =	vld [tilespmem:s9+$0x6A0];
	v22 =	vmul.f32 v22, v1  }
0x119: {  	v58 =	vld [tilespmem:s9+$0x38A0];
	v20 =	vmul.f32 v20, v2;
	v15 =	vmul.f32 v15, v3  }
0x11a: {  	v59 =	vld [tilespmem:s15+$0x3320]  }
0x11b: {  	s11 =	sor.u32 $0x1A0, s18;
	v57 =	vld [tilespmem:s15+$0x120];
	v21 =	vadd.f32 v22, v55;
	v15 =	vadd.f32 v15, v20  }
0x11c: {  	v61 =	vld [tilespmem:s11+$0x3200]  }
0x11d: {  	v60 =	vld [tilespmem:s11+$0x0];
	v15 =	vadd.f32 v15, v21  }
0x11e: {  	s11 =	sadd.s32 $0x880, s9;
	v62 =	vld [tilespmem:s15+$0x3220]  }
0x11f: {  	v50 =	vld [tilespmem:s9+$0x3740];
	s18 =	sor.u32 $0x1A0, s11;
	v32 =	vadd.f32 v59, v58;
	[tilespmem:s7+$0xCA10] =	vst v15  }
0x120: {  	v34 =	vadd.f32 v57, v56;
	v13 =	vmul.f32 v58, v56;
	v20 =	vmul.f32 v59, v57;
	v15 =	vld [tilespmem:s18+$0x0]  }
0x121: {  	v22 =	vadd.f32 v61, v32;
	v35 =	vld [tilespmem:s9+$0x8A0]  }
0x122: {  	s11 =	sand.u32 $0x7E00, s11;
	v14 =	vmul.f32 v61, v60;
	v36 =	vadd.f32 v60, v34;
	v13 =	vadd.f32 v20, v13;
	v37 =	vld [tilespmem:s9+$0x3AA0]  }
0x123: {  	v38 =	vmul.f32 v62, v54;
	v39 =	vld [tilespmem:s11+$0x3320];
	v18 =	vmul.f32 v22, v54  }
0x124: {  	v40 =	vld [tilespmem:s11+$0x120];
	v19 =	vmul.f32 v62, v36;
	v13 =	vadd.f32 v14, v13  }
0x125: {  	v21 =	vmul.f32 v38, v0;
	v63 =	vld [tilespmem:s18+$0x3200];
	v18 =	vmul.f32 v18, v1  }
0x126: {  	s15 =	sadd.s32 $0x500, s9;
	v42 =	vld [tilespmem:s11+$0x20];
	v19 =	vmul.f32 v19, v2;
	v13 =	vmul.f32 v13, v3  }
0x127: {  	s18 =	sand.u32 $0x7E00, s15;
	v43 =	vld [tilespmem:s11+$0x3220];
	v18 =	vadd.f32 v18, v21  }
0x128: {  	v33 =	vld [tilespmem:s18+$0x40];
	v13 =	vadd.f32 v13, v19;
	v45 =	vadd.f32 v39, v37  }
0x129: {  	s15 =	sor.u32 $0x1C0, s15;
	v41 =	vld [tilespmem:s18+$0xC0];
	v47 =	vadd.f32 v40, v35;
	v20 =	vmul.f32 v37, v35;
	v14 =	vmul.f32 v39, v40  }
0x12a: {  	v46 =	vld [tilespmem:s15+$0x0];
	v13 =	vadd.f32 v13, v18;
	v49 =	vadd.f32 v63, v45  }
0x12b: {  	v48 =	vld [tilespmem:s18+$0x32C0];
	v10 =	vmul.f32 v63, v15;
	v51 =	vadd.f32 v15, v47;
	v14 =	vadd.f32 v14, v20  }
0x12c: {  	v52 =	vld [tilespmem:s18+$0x3240];
	s18 =	sadd.s32 $0x6C0, s9;
	v53 =	vmul.f32 v43, v42;
	v18 =	vmul.f32 v49, v42  }
0x12d: {  	v54 =	vld [tilespmem:s15+$0x3200];
	s14 =	sand.u32 $0x7E00, s18;
	[tilespmem:s7+$0xC9A0] =	vst v13;
	v55 =	vmul.f32 v43, v51;
	v10 =	vadd.f32 v10, v14  }
0x12e: {  	v20 =	vmul.f32 v53, v0;
	v14 =	vld [tilespmem:s14+$0x30];
	v18 =	vmul.f32 v18, v1  }
0x12f: {  	v56 =	vld [tilespmem:s14+$0xB0];
	v13 =	vmul.f32 v55, v2;
	v10 =	vmul.f32 v10, v3  }
0x130: {  	v59 =	vld [tilespmem:s14+$0x130]  }
0x131: {  	v60 =	vld [tilespmem:s14+$0x1B0];
	v18 =	vadd.f32 v18, v20;
	v10 =	vadd.f32 v10, v13  }
0x132: {  	v19 =	vmul.f32 v50, v44;
	v58 =	vadd.f32 v44, v41;
	v63 =	vld [tilespmem:s14+$0x3230]  }
0x133: {  	v57 =	vadd.f32 v50, v48;
	v22 =	vmul.f32 v48, v41;
	v36 =	vld [tilespmem:s14+$0x32B0];
	v10 =	vadd.f32 v10, v18  }
0x134: {  	s15 =	sadd.s32 $0x8C0, s9;
	v62 =	vadd.f32 v46, v58;
	v38 =	vld [tilespmem:s14+$0x3330]  }
0x135: {  	s18 =	sand.u32 $0x7E00, s15;
	v35 =	vmul.f32 v54, v46;
	v61 =	vadd.f32 v54, v57;
	v19 =	vadd.f32 v19, v22;
	v39 =	vld [tilespmem:s14+$0x33B0];
	[tilespmem:s7+$0xCA20] =	vst v10  }
0x136: {  	v37 =	vmul.f32 v52, v33;
	v15 =	vmul.f32 v52, v62;
	v41 =	vld [tilespmem:s18+$0x30]  }
0x137: {  	v19 =	vadd.f32 v35, v19;
	v13 =	vmul.f32 v61, v33;
	v42 =	vld [tilespmem:s18+$0xB0]  }
0x138: {  	v40 =	vmul.f32 v37, v0;
	v15 =	vmul.f32 v15, v2;
	v43 =	vld [tilespmem:s18+$0x130]  }
0x139: {  	v19 =	vmul.f32 v19, v3;
	v13 =	vmul.f32 v13, v1;
	v45 =	vld [tilespmem:s18+$0x1B0]  }
0x13a: {  	v48 =	vadd.f32 v38, v36;
	v51 =	vmul.f32 v36, v56;
	v52 =	vmul.f32 v38, v59;
	v46 =	vld [tilespmem:s18+$0x3230]  }
0x13b: {  	v44 =	vadd.f32 v19, v15;
	v10 =	vadd.f32 v13, v40;
	v47 =	vld [tilespmem:s18+$0x32B0]  }
0x13c: {  	v20 =	vmul.f32 v39, v60;
	v13 =	vadd.f32 v39, v48;
	v15 =	vadd.f32 v52, v51;
	v49 =	vld [tilespmem:s18+$0x3330]  }
0x13d: {  	v50 =	vadd.f32 v59, v56;
	v53 =	vld [tilespmem:s18+$0x33B0];
	v10 =	vadd.f32 v44, v10  }
0x13e: {  	v56 =	vmul.f32 v63, v14;
	v13 =	vmul.f32 v13, v14;
	v14 =	vld [tilespmem:s9+$0x32F0];
	v15 =	vadd.f32 v20, v15  }
0x13f: {  	s14 =	sadd.s32 $0x540, s9;
	v32 =	vadd.f32 v60, v50;
	[tilespmem:s7+$0xC940] =	vst v10;
	v10 =	vld [tilespmem:s9+$0x3270]  }
0x140: {  	s15 =	sand.u32 $0x7E00, s14;
	v59 =	vmul.f32 v15, v3;
	v15 =	vld [tilespmem:s9+$0x3370]  }
0x141: {  	s18 =	sor.u32 $0x150, s14;
	v24 =	vmul.f32 v63, v32;
	v54 =	vld [tilespmem:s15+$0x32D0]  }
0x142: {  	v21 =	vmul.f32 v56, v0;
	v13 =	vmul.f32 v13, v1;
	v55 =	vld [tilespmem:s18+$0x3200]  }
0x143: {  	v24 =	vmul.f32 v24, v2;
	v57 =	vld [tilespmem:s15+$0x50]  }
0x144: {  	s14 =	sor.u32 $0x1D0, s14;
	v58 =	vld [tilespmem:s15+$0x3250];
	v21 =	vadd.f32 v13, v21  }
0x145: {  	v33 =	vld [tilespmem:s14+$0x3200];
	v24 =	vadd.f32 v59, v24;
	v60 =	vadd.f32 v49, v47  }
0x146: {  	v62 =	vld [tilespmem:s15+$0xD0];
	v30 =	vmul.f32 v47, v42;
	v22 =	vadd.f32 v43, v42;
	v28 =	vmul.f32 v49, v43  }
0x147: {  	v63 =	vld [tilespmem:s18+$0x0];
	v21 =	vadd.f32 v24, v21;
	v61 =	vadd.f32 v53, v60  }
0x148: {  	v37 =	vld [tilespmem:s14+$0x0];
	v19 =	vmul.f32 v53, v45;
	v22 =	vadd.f32 v45, v22;
	v28 =	vadd.f32 v28, v30  }
0x149: {  	s15 =	sadd.s32 $0x700, s9;
	v13 =	vld [tilespmem:s9+$0x33F0];
	v18 =	vmul.f32 v46, v41;
	v24 =	vmul.f32 v61, v41  }
0x14a: {  	s18 =	sand.u32 $0x7E00, s15;
	v49 =	vld [tilespmem:s9+$0x35E0];
	[tilespmem:s7+$0xC9B0] =	vst v21;
	v22 =	vmul.f32 v46, v22;
	v19 =	vadd.f32 v19, v28  }
0x14b: {  	v18 =	vmul.f32 v18, v0;
	v38 =	vld [tilespmem:s18+$0x40];
	v24 =	vmul.f32 v24, v1  }
0x14c: {  	v34 =	vadd.f32 v55, v54;
	v39 =	vld [tilespmem:s18+$0xC0];
	v22 =	vmul.f32 v22, v2;
	v19 =	vmul.f32 v19, v3  }
0x14d: {  	v25 =	vmul.f32 v54, v62;
	v32 =	vadd.f32 v63, v62;
	v26 =	vmul.f32 v55, v63;
	v40 =	vld [tilespmem:s18+$0x32C0]  }
0x14e: {  	v41 =	vld [tilespmem:s9+$0x3940];
	v18 =	vadd.f32 v24, v18;
	v19 =	vadd.f32 v19, v22  }
0x14f: {  	s11 =	sor.u32 $0x1C0, s15;
	v42 =	vld [tilespmem:s9+$0x740];
	v34 =	vadd.f32 v33, v34;
	v43 =	vadd.f32 v26, v25  }
0x150: {  	v21 =	vmul.f32 v33, v37;
	v44 =	vld [tilespmem:s11+$0x3200];
	v45 =	vadd.f32 v37, v32;
	v18 =	vadd.f32 v19, v18  }
0x151: {  	s15 =	sadd.s32 $0x900, s9;
	v36 =	vmul.f32 v58, v57;
	v46 =	vld [tilespmem:s11+$0x0];
	v20 =	vmul.f32 v34, v57  }
0x152: {  	s14 =	sand.u32 $0x7E00, s15;
	v48 =	vld [tilespmem:s18+$0x3240];
	v26 =	vmul.f32 v58, v45;
	v21 =	vadd.f32 v21, v43;
	[tilespmem:s7+$0xCA30] =	vst v18  }
0x153: {  	v23 =	vmul.f32 v36, v0;
	v20 =	vmul.f32 v20, v1;
	v50 =	vadd.f32 v41, v40;
	v53 =	vld [tilespmem:s14+$0x40]  }
0x154: {  	v51 =	vadd.f32 v42, v39;
	v26 =	vmul.f32 v26, v2;
	v21 =	vmul.f32 v21, v3;
	v54 =	vld [tilespmem:s14+$0xC0]  }
0x155: {  	v52 =	vmul.f32 v40, v39;
	v22 =	vmul.f32 v41, v42;
	v47 =	vadd.f32 v20, v23;
	v55 =	vld [tilespmem:s14+$0x32C0]  }
0x156: {  	v24 =	vadd.f32 v44, v50;
	v21 =	vadd.f32 v21, v26;
	v57 =	vld [tilespmem:s9+$0x3B40]  }
0x157: {  	s11 =	sor.u32 $0x1C0, s15;
	v25 =	vmul.f32 v44, v46;
	v18 =	vadd.f32 v46, v51;
	v22 =	vadd.f32 v22, v52;
	v59 =	vld [tilespmem:s9+$0x940]  }
0x158: {  	v56 =	vmul.f32 v48, v38;
	v61 =	vld [tilespmem:s11+$0x3200];
	v24 =	vmul.f32 v24, v38;
	v19 =	vadd.f32 v21, v47  }
0x159: {  	s18 =	sadd.s32 $0x580, s9;
	v40 =	vmul.f32 v17, v11;
	v62 =	vld [tilespmem:s11+$0x0];
	v18 =	vmul.f32 v48, v18;
	v58 =	vadd.f32 v25, v22  }
0x15a: {  	s18 =	sand.u32 $0x7E00, s18;
	v17 =	vadd.f32 v16, v17;
	v60 =	vmul.f32 v56, v0;
	v36 =	vld [tilespmem:s14+$0x3240];
	v24 =	vmul.f32 v24, v1;
	[tilespmem:s7+$0xC950] =	vst v19  }
0x15b: {  	v11 =	vadd.f32 v12, v11;
	v18 =	vmul.f32 v18, v2;
	v20 =	vmul.f32 v58, v3;
	v32 =	vld [tilespmem:s18+$0x60]  }
0x15c: {  	v37 =	vmul.f32 v9, v8;
	v17 =	vadd.f32 v49, v17;
	v39 =	vld [tilespmem:s18+$0xE0];
	v63 =	vadd.f32 v24, v60  }
0x15d: {  	v16 =	vmul.f32 v16, v12;
	v41 =	vld [tilespmem:s18+$0x160];
	v18 =	vadd.f32 v20, v18;
	v38 =	vadd.f32 v57, v55  }
0x15e: {  	v42 =	vld [tilespmem:s18+$0x32E0];
	v27 =	vmul.f32 v55, v54;
	v29 =	vadd.f32 v59, v54;
	v22 =	vmul.f32 v57, v59  }
0x15f: {  	v23 =	vmul.f32 v49, v31;
	v44 =	vld [tilespmem:s18+$0x3360];
	v18 =	vadd.f32 v18, v63;
	v20 =	vadd.f32 v61, v38  }
0x160: {  	v35 =	vld [tilespmem:s9+$0x5E0];
	v25 =	vmul.f32 v61, v62;
	v22 =	vadd.f32 v22, v27;
	v29 =	vadd.f32 v62, v29  }
0x161: {  	s15 =	sadd.s32 $0x740, s9;
	v11 =	vadd.f32 v31, v11;
	v28 =	vmul.f32 v36, v53;
	v27 =	vld [tilespmem:s18+$0x3260];
	v20 =	vmul.f32 v20, v53  }
0x162: {  	s11 =	sand.u32 $0x7E00, s15;
	v8 =	vmul.f32 v17, v8;
	v61 =	vld [tilespmem:s9+$0x37E0];
	[tilespmem:s7+$0xC9C0] =	vst v18;
	v43 =	vmul.f32 v36, v29;
	v22 =	vadd.f32 v25, v22  }
0x163: {  	v16 =	vadd.f32 v16, v40;
	v46 =	vmul.f32 v28, v0;
	v45 =	vld [tilespmem:s11+$0x50];
	v20 =	vmul.f32 v20, v1  }
0x164: {  	s18 =	sor.u32 $0x150, s15;
	v47 =	vld [tilespmem:s11+$0xD0];
	v18 =	vmul.f32 v43, v2;
	v22 =	vmul.f32 v22, v3  }
0x165: {  	v52 =	vmul.f32 v37, v0;
	s14 =	sor.u32 $0x1D0, s15;
	v9 =	vmul.f32 v9, v11;
	v50 =	vadd.f32 v23, v16;
	v48 =	vld [tilespmem:s18+$0x0]  }
0x166: {  	v8 =	vmul.f32 v8, v1;
	v49 =	vld [tilespmem:s14+$0x0];
	v20 =	vadd.f32 v20, v46;
	v18 =	vadd.f32 v22, v18  }
0x167: {  	v9 =	vmul.f32 v9, v2;
	v11 =	vmul.f32 v50, v3;
	v51 =	vld [tilespmem:s11+$0x32D0]  }
0x168: {  	v53 =	vld [tilespmem:s18+$0x3200];
	v18 =	vadd.f32 v18, v20  }
0x169: {  	v8 =	vadd.f32 v8, v52;
	v9 =	vadd.f32 v11, v9;
	s15 =	sadd.s32 $0x940, s9;
	v54 =	vld [tilespmem:s11+$0x3250]  }
0x16a: {  	v26 =	vmul.f32 v42, v39;
	v38 =	vadd.f32 v41, v39;
	v19 =	vmul.f32 v44, v41;
	v55 =	vld [tilespmem:s14+$0x3200];
	s18 =	sor.u32 $0x150, s15;
	[tilespmem:s7+$0xCA40] =	vst v18  }
0x16b: {  	v8 =	vadd.f32 v9, v8;
	v63 =	vadd.f32 v44, v42;
	s14 =	sor.u32 $0x1D0, s15;
	v18 =	vld [tilespmem:s18+$0x0]  }
0x16c: {  	v31 =	vadd.f32 v35, v38;
	v19 =	vadd.f32 v19, v26;
	v56 =	vld [tilespmem:s14+$0x0]  }
0x16d: {  	v41 =	vmul.f32 v27, v32;
	v42 =	vmul.f32 v61, v35;
	v57 =	vadd.f32 v53, v51;
	v58 =	vld [tilespmem:s18+$0x3200]  }
0x16e: {  	s15 =	sand.u32 $0x7E00, s15;
	v59 =	vadd.f32 v48, v47;
	v16 =	vmul.f32 v51, v47;
	v23 =	vmul.f32 v53, v48;
	v60 =	vld [tilespmem:s14+$0x3200]  }
0x16f: {  	v27 =	vmul.f32 v27, v31;
	v17 =	vmul.f32 v55, v49;
	v62 =	vadd.f32 v55, v57;
	v37 =	vld [tilespmem:s15+$0x32D0]  }
0x170: {  	v34 =	vmul.f32 v54, v45;
	v11 =	vadd.f32 v49, v59;
	v16 =	vadd.f32 v23, v16;
	v39 =	vld [tilespmem:s15+$0xD0]  }
0x171: {  	v47 =	vmul.f32 v27, v2;
	v51 =	vadd.f32 v15, v14;
	s18 =	sadd.s32 $0x3C0, s9;
	v43 =	vld [tilespmem:s15+$0x50];
	v12 =	vmul.f32 v62, v45  }
0x172: {  	[tilespmem:s7+$0xC8E0] =	vst v8;
	v14 =	vmul.f32 v14, v6;
	v44 =	vld [tilespmem:s15+$0x3250];
	s11 =	sand.u32 $0x7E00, s18;
	v11 =	vmul.f32 v54, v11;
	v17 =	vadd.f32 v17, v16  }
0x173: {  	v36 =	vmul.f32 v34, v0;
	v8 =	vld [tilespmem:s11+$0x70];
	v12 =	vmul.f32 v12, v1  }
0x174: {  	v19 =	vadd.f32 v42, v19;
	v9 =	vld [tilespmem:s11+$0xF0];
	v11 =	vmul.f32 v11, v2;
	v17 =	vmul.f32 v17, v3  }
0x175: {  	v6 =	vadd.f32 v5, v6;
	v5 =	vmul.f32 v15, v5;
	v23 =	vadd.f32 v61, v63;
	v16 =	vld [tilespmem:s11+$0x170]  }
0x176: {  	v19 =	vmul.f32 v19, v3;
	s14 =	sor.u32 $0x1F0, s18;
	v31 =	vld [tilespmem:s11+$0x32F0];
	v20 =	vadd.f32 v12, v36;
	v11 =	vadd.f32 v17, v11  }
0x177: {  	v40 =	vmul.f32 v23, v32;
	v63 =	vld [tilespmem:s14+$0x3200];
	v45 =	vadd.f32 v58, v37;
	v46 =	vadd.f32 v18, v39  }
0x178: {  	v12 =	vld [tilespmem:s14+$0x0];
	v21 =	vmul.f32 v37, v39;
	v18 =	vmul.f32 v58, v18;
	v20 =	vadd.f32 v11, v20  }
0x179: {  	v23 =	vmul.f32 v41, v0;
	s18 =	sadd.s32 $0x780, s9;
	v17 =	vmul.f32 v40, v1;
	v11 =	vld [tilespmem:s11+$0x3270];
	v26 =	vadd.f32 v60, v45  }
0x17a: {  	s15 =	sand.u32 $0x7E00, s18;
	v50 =	vmul.f32 v60, v56;
	v18 =	vadd.f32 v18, v21;
	v60 =	vld [tilespmem:s11+$0x3370];
	[tilespmem:s7+$0xC9D0] =	vst v20;
	v20 =	vadd.f32 v56, v46  }
0x17b: {  	v29 =	vmul.f32 v44, v43;
	v26 =	vmul.f32 v26, v43;
	v48 =	vld [tilespmem:s15+$0x60]  }
0x17c: {  	v19 =	vadd.f32 v19, v47;
	v18 =	vadd.f32 v50, v18;
	v49 =	vld [tilespmem:s15+$0xE0];
	v20 =	vmul.f32 v44, v20  }
0x17d: {  	v17 =	vadd.f32 v17, v23;
	v55 =	vmul.f32 v29, v0;
	v52 =	vld [tilespmem:s15+$0x32E0];
	v26 =	vmul.f32 v26, v1  }
0x17e: {  	v6 =	vadd.f32 v4, v6;
	v53 =	vld [tilespmem:s15+$0x3360];
	v18 =	vmul.f32 v18, v3;
	v20 =	vmul.f32 v20, v2  }
0x17f: {  	v5 =	vadd.f32 v5, v14;
	v4 =	vmul.f32 v13, v4;
	v17 =	vadd.f32 v19, v17;
	v54 =	vld [tilespmem:s15+$0x160]  }
0x180: {  	v56 =	vld [tilespmem:s9+$0x39E0];
	v24 =	vadd.f32 v26, v55;
	v18 =	vadd.f32 v18, v20  }
0x181: {  	v6 =	vmul.f32 v10, v6;
	v4 =	vadd.f32 v4, v5;
	s11 =	sadd.s32 $0x5C0, s9;
	v57 =	vld [tilespmem:s9+$0x7E0]  }
0x182: {  	v22 =	vadd.f32 v13, v51;
	v58 =	vmul.f32 v10, v7;
	s14 =	sand.u32 $0x7E00, s11;
	v59 =	vld [tilespmem:s15+$0x3260];
	[tilespmem:s7+$0xC960] =	vst v17;
	v18 =	vadd.f32 v18, v24  }
0x183: {  	s18 =	sadd.s32 $0x980, s9;
	v6 =	vmul.f32 v6, v2;
	v4 =	vmul.f32 v4, v3;
	v27 =	vld [tilespmem:s14+$0x70]  }
0x184: {  	v7 =	vmul.f32 v22, v7;
	v32 =	vmul.f32 v58, v0;
	s15 =	sand.u32 $0x7E00, s18;
	v46 =	vld [tilespmem:s14+$0x170];
	v61 =	vadd.f32 v53, v52;
	[tilespmem:s7+$0xCA50] =	vst v18  }
0x185: {  	v28 =	vmul.f32 v52, v49;
	v62 =	vadd.f32 v54, v49;
	v21 =	vmul.f32 v53, v54;
	v34 =	vld [tilespmem:s15+$0xE0]  }
0x186: {  	v7 =	vmul.f32 v7, v1;
	v51 =	vmul.f32 v31, v9;
	v22 =	vadd.f32 v56, v61;
	v35 =	vld [tilespmem:s15+$0x160]  }
0x187: {  	v19 =	vmul.f32 v56, v57;
	v21 =	vadd.f32 v21, v28;
	v17 =	vadd.f32 v57, v62;
	v36 =	vld [tilespmem:s15+$0x32E0]  }
0x188: {  	v33 =	vmul.f32 v59, v48;
	v22 =	vmul.f32 v22, v48;
	v37 =	vld [tilespmem:s15+$0x3360]  }
0x189: {  	v9 =	vadd.f32 v16, v9;
	v17 =	vmul.f32 v59, v17;
	v19 =	vadd.f32 v19, v21;
	v39 =	vld [tilespmem:s15+$0x60]  }
0x18a: {  	v18 =	vmul.f32 v33, v0;
	v41 =	vld [tilespmem:s9+$0x3BE0];
	v22 =	vmul.f32 v22, v1  }
0x18b: {  	v9 =	vadd.f32 v12, v9;
	v42 =	vld [tilespmem:s9+$0x9E0];
	v17 =	vmul.f32 v17, v2;
	v19 =	vmul.f32 v19, v3  }
0x18c: {  	s11 =	sor.u32 $0x1F0, s11;
	v12 =	vmul.f32 v63, v12;
	v40 =	vadd.f32 v60, v31;
	v45 =	vld [tilespmem:s15+$0x3260];
	v38 =	vadd.f32 v22, v18  }
0x18d: {  	v50 =	vld [tilespmem:s11+$0x0];
	v9 =	vmul.f32 v11, v9;
	v17 =	vadd.f32 v19, v17;
	v47 =	vadd.f32 v37, v36  }
0x18e: {  	v52 =	vld [tilespmem:s14+$0x32F0];
	v48 =	vmul.f32 v36, v34;
	v49 =	vmul.f32 v37, v35;
	v21 =	vadd.f32 v35, v34  }
0x18f: {  	v20 =	vmul.f32 v60, v16;
	v53 =	vld [tilespmem:s14+$0x3370];
	v44 =	vadd.f32 v17, v38;
	v22 =	vadd.f32 v41, v47  }
0x190: {  	v54 =	vld [tilespmem:s14+$0x3270];
	v10 =	vmul.f32 v41, v42;
	v24 =	vadd.f32 v49, v48;
	v21 =	vadd.f32 v42, v21  }
0x191: {  	v4 =	vadd.f32 v4, v6;
	v28 =	vld [tilespmem:s14+$0xF0];
	s15 =	sadd.s32 $0x7C0, s9;
	v18 =	vmul.f32 v45, v39;
	v22 =	vmul.f32 v22, v39  }
0x192: {  	v43 =	vadd.f32 v63, v40;
	v56 =	vld [tilespmem:s11+$0x3200];
	s18 =	sand.u32 $0x7E00, s15;
	[tilespmem:s7+$0xC9E0] =	vst v44;
	v55 =	vmul.f32 v45, v21;
	v10 =	vadd.f32 v10, v24  }
0x193: {  	v20 =	vadd.f32 v20, v51;
	v18 =	vmul.f32 v18, v0;
	v5 =	vld [tilespmem:s18+$0x70];
	v57 =	vmul.f32 v22, v1  }
0x194: {  	v7 =	vadd.f32 v7, v32;
	v58 =	vld [tilespmem:s18+$0xF0];
	v14 =	vmul.f32 v55, v2;
	v10 =	vmul.f32 v10, v3  }
0x195: {  	v13 =	vmul.f32 v43, v8;
	v8 =	vmul.f32 v11, v8;
	v31 =	vadd.f32 v12, v20;
	s14 =	sor.u32 $0x1F0, s15;
	v60 =	vld [tilespmem:s18+$0x170]  }
0x196: {  	v9 =	vmul.f32 v9, v2;
	v61 =	vld [tilespmem:s14+$0x0];
	v18 =	vadd.f32 v57, v18;
	v10 =	vadd.f32 v10, v14  }
0x197: {  	v4 =	vadd.f32 v4, v7;
	v8 =	vmul.f32 v8, v0;
	v13 =	vmul.f32 v13, v1;
	v32 =	vld [tilespmem:s18+$0x32F0]  }
0x198: {  	v59 =	vadd.f32 v53, v52;
	v11 =	vmul.f32 v31, v3;
	v34 =	vld [tilespmem:s18+$0x3370];
	v10 =	vadd.f32 v10, v18  }
0x199: {  	v33 =	vmul.f32 v54, v27;
	s9 =	sadd.s32 $0x9C0, s9;
	v8 =	vadd.f32 v13, v8;
	v38 =	vadd.f32 v46, v28;
	v63 =	vld [tilespmem:s18+$0x3270]  }
0x19a: {  	s15 =	sand.u32 $0x7E00, s9;
	v62 =	vadd.f32 v56, v59;
	v9 =	vadd.f32 v11, v9;
	v35 =	vld [tilespmem:s14+$0x3200];
	[tilespmem:s7+$0xCA60] =	vst v10  }
0x19b: {  	v6 =	vmul.f32 v33, v0;
	v40 =	vmul.f32 v52, v28;
	v7 =	vadd.f32 v50, v38;
	v10 =	vld [tilespmem:s15+$0x70]  }
0x19c: {  	v15 =	vmul.f32 v56, v50;
	v17 =	vmul.f32 v53, v46;
	v8 =	vadd.f32 v9, v8;
	v37 =	vld [tilespmem:s15+$0xF0]  }
0x19d: {  	v7 =	vmul.f32 v54, v7;
	v14 =	vmul.f32 v62, v27;
	v41 =	vadd.f32 v34, v32;
	v39 =	vld [tilespmem:s15+$0x32F0]  }
0x19e: {  	v43 =	vadd.f32 v60, v58;
	v12 =	vmul.f32 v32, v58;
	v50 =	vmul.f32 v34, v60;
	v42 =	vld [tilespmem:s15+$0x3370]  }
0x19f: {  	s9 =	sor.u32 $0x1F0, s9;
	v36 =	vmul.f32 v14, v1;
	v14 =	vadd.f32 v17, v40;
	v45 =	vadd.f32 v35, v41;
	v44 =	vld [tilespmem:s15+$0x170]  }
0x1a0: {  	v53 =	vmul.f32 v35, v61;
	v47 =	vadd.f32 v61, v43;
	v12 =	vadd.f32 v50, v12;
	v46 =	vld [tilespmem:s9+$0x3200]  }
0x1a1: {  	v14 =	vadd.f32 v15, v14;
	v49 =	vmul.f32 v45, v5;
	v5 =	vmul.f32 v63, v5;
	v48 =	vld [tilespmem:s9+$0x0]  }
0x1a2: {  	v7 =	vmul.f32 v7, v2;
	v16 =	vmul.f32 v63, v47;
	v12 =	vadd.f32 v53, v12;
	v51 =	vld [tilespmem:s15+$0x3270]  }
0x1a3: {  	v14 =	vmul.f32 v14, v3;
	v5 =	vmul.f32 v5, v0;
	v52 =	vadd.f32 v42, v39  }
0x1a4: {  	v54 =	vadd.f32 v44, v37;
	v11 =	vmul.f32 v39, v37;
	v55 =	vmul.f32 v42, v44  }
0x1a5: {  	v59 =	vmul.f32 v49, v1;
	v60 =	vmul.f32 v16, v2;
	v56 =	vadd.f32 v46, v52  }
0x1a6: {  	v58 =	vmul.f32 v46, v48;
	v20 =	vadd.f32 v48, v54;
	v11 =	vadd.f32 v55, v11  }
0x1a7: {  	v6 =	vadd.f32 v36, v6;
	v57 =	vmul.f32 v56, v10;
	v10 =	vmul.f32 v51, v10  }
0x1a8: {  	v12 =	vmul.f32 v12, v3;
	v18 =	vmul.f32 v51, v20;
	v11 =	vadd.f32 v58, v11  }
0x1a9: {  	v7 =	vadd.f32 v14, v7;
	v61 =	vmul.f32 v10, v0;
	v62 =	vmul.f32 v57, v1  }
0x1aa: {  	v5 =	vadd.f32 v59, v5;
	v63 =	vmul.f32 v18, v2;
	v11 =	vmul.f32 v11, v3  }
0x1ab: {  	p1 =	slt.u32 s21, $0x14;
	v12 =	vadd.f32 v12, v60;
	v6 =	vadd.f32 v7, v6  }
.Ltmp0:
0x1ac: {  	[tilespmem:s7+$0xC870] =	vst v4;
	v4 =	vadd.f32 v62, v61;
	v7 =	vadd.f32 v11, v63;
	(pc) =	sbr.rel @p1 .LBB2_3-.Ltmp0, $4  }
0x1ad: {  	[tilespmem:s7+$0xC8F0] =	vst v8;
	v5 =	vadd.f32 v12, v5  }
0x1ae: {  	[tilespmem:s7+$0xC970] =	vst v6;
	v4 =	vadd.f32 v7, v4  }
0x1af: {  	s18 =	sadd.s32 $0x5, s21;
	[tilespmem:s7+$0xC9F0] =	vst v5  }
0x1b0: {  	s21 =	smov.u32 s18;
	[tilespmem:s7+$0xCA70] =	vst v4  }
0x1b1: {  	s7 =	smul.u32 $0xC800, s2;
	_ =	sdelay $0x1  }
0x1b2: {  	s7 =	sadd.s32 s12, s7  }
0x1b3: {  	p1 =	seq.s32 s2, $0x18;
	s7 =	sshrl.u32 s7, $0x3  }
0x1b4: {  	s9 =	smul.u32 @!p1 $0x6400, s2;
	s7 =	sadd.s32 s4, s7  }
0x1b5: {  	[hbm4b:s7+s25] =	stream.strided.scatter [tilespmem:s28], [sflag:$0x3], $0xC80, s26, s25, $0x38;
	[tilespmem:$0xF800] =	vst v63  }
0x1b6: {  	s7 =	sadd.s32 @!p1 s9, s13  }
0x1b7: {  	s7 =	sshrl.u32 @!p1 s7, $0x3  }
0x1b8: {  	s11 =	simm.s32 @!p1 $0x0;
	s9 =	sadd.s32 @!p1 s1, s7  }
0x1b9: {  	[tilespmem:s11], [sflag:$0x1] =	stream.linear.gather @!p1 [hbm4b:s9+s11], $0x3200, $0x38;
	[tilespmem:$0xF800] =	vst v63  }
0x1ba: {  	s7 =	sadd.s32 @!p1 s3, s7;
	s9 =	simm.s32 @!p1 $0x3200  }
0x1bb: {  	[tilespmem:s9], [sflag:$0x1] =	stream.linear.gather @!p1 [hbm4b:s7+s11], $0x3200, $0x38;
	[tilespmem:$0xF800] =	vst v63  }
0x1bc: {  	_ =	swait.ge [sflag:s29], $0x3200  }
0x1bd: {  	[sflag:s29] =	ssyncset.done $0x0  }
0x1be: {  	[sflag:s29] =	ssyncadd.s32 $0xFFFFCE00  }
0x1bf: {  	_ =	swait.ge [sflag:s29], $0x3200  }
0x1c0: {  	[sflag:s29] =	ssyncset.done $0x0  }
0x1c1: {  	s7 =	simm.s32 @!p0 $0x3;
	[sflag:s29] =	ssyncadd.s32 $0xFFFFCE00  }
0x1c2: {  	_ =	swait.ge @!p0 [sflag:s7], $0xC80  }
0x1c3: {  	[sflag:s7] =	ssyncset.done @!p0 $0x0  }
0x1c4: {  	s21 =	simm.s32 $0x0;
	[sflag:s7] =	ssyncadd.s32 @!p0 $0xFFFFF380  }
.LBB2_5:
0x1c5: {  	s9 =	sshll.u32 s21, $0x9  }
0x1c6: {  	v4 =	vld [tilespmem:s9+$0x6400]  }
0x1c7: {  	v5 =	vld [tilespmem:s9+$0x6480]  }
0x1c8: {  	v6 =	vld [tilespmem:s9+$0x9680]  }
0x1c9: {  	v7 =	vld [tilespmem:s9+$0x9700]  }
0x1ca: {  	v8 =	vld [tilespmem:s9+$0x6500]  }
0x1cb: {  	v9 =	vld [tilespmem:s9+$0x9780]  }
0x1cc: {  	v10 =	vld [tilespmem:s9+$0x6580]  }
0x1cd: {  	v11 =	vld [tilespmem:s9+$0x9600]  }
0x1ce: {  	v12 =	vadd.f32 v7, v6  }
0x1cf: {  	v13 =	vadd.f32 v8, v5;
	v5 =	vmul.f32 v6, v5;
	v55 =	vmul.f32 v7, v8  }
0x1d0: {  	v56 =	vadd.f32 v9, v12  }
0x1d1: {  	v58 =	vmul.f32 v9, v10;
	v57 =	vadd.f32 v10, v13;
	v5 =	vadd.f32 v55, v5  }
0x1d2: {  	v59 =	vmul.f32 v11, v4;
	v4 =	vmul.f32 v56, v4  }
0x1d3: {  	v60 =	vmul.f32 v11, v57;
	v5 =	vadd.f32 v58, v5  }
0x1d4: {  	v61 =	vmul.f32 v59, v0;
	v4 =	vmul.f32 v4, v1  }
0x1d5: {  	v7 =	vmul.f32 v60, v2;
	v5 =	vmul.f32 v5, v3;
	_ =	sdelay $0x1  }
0x1d6: {  	v4 =	vadd.f32 v4, v61;
	v5 =	vadd.f32 v5, v7;
	_ =	sdelay $0x1  }
0x1d7: {  	v4 =	vadd.f32 v5, v4  }
0x1d8: {  	s7 =	sshll.u32 s21, $0x7  }
0x1d9: {  	[tilespmem:s7+$0xD800] =	vst v4  }
0x1da: {  	v4 =	vld [tilespmem:s9+$0x6410]  }
0x1db: {  	v5 =	vld [tilespmem:s9+$0x6490]  }
0x1dc: {  	v62 =	vld [tilespmem:s9+$0x9690]  }
0x1dd: {  	v63 =	vld [tilespmem:s9+$0x9710]  }
0x1de: {  	v16 =	vld [tilespmem:s9+$0x6510]  }
0x1df: {  	v17 =	vld [tilespmem:s9+$0x9790]  }
0x1e0: {  	v18 =	vld [tilespmem:s9+$0x6590]  }
0x1e1: {  	v19 =	vld [tilespmem:s9+$0x9610]  }
0x1e2: {  	v20 =	vadd.f32 v63, v62  }
0x1e3: {  	v21 =	vadd.f32 v16, v5;
	v5 =	vmul.f32 v62, v5;
	v22 =	vmul.f32 v63, v16  }
0x1e4: {  	v23 =	vadd.f32 v17, v20  }
0x1e5: {  	v25 =	vmul.f32 v17, v18;
	v24 =	vadd.f32 v18, v21;
	v5 =	vadd.f32 v22, v5  }
0x1e6: {  	v26 =	vmul.f32 v19, v4;
	v4 =	vmul.f32 v23, v4  }
0x1e7: {  	v27 =	vmul.f32 v19, v24;
	v5 =	vadd.f32 v25, v5  }
0x1e8: {  	v28 =	vmul.f32 v26, v0;
	v4 =	vmul.f32 v4, v1  }
0x1e9: {  	v7 =	vmul.f32 v27, v2;
	v5 =	vmul.f32 v5, v3;
	_ =	sdelay $0x1  }
0x1ea: {  	v4 =	vadd.f32 v4, v28;
	v5 =	vadd.f32 v5, v7;
	_ =	sdelay $0x1  }
0x1eb: {  	v4 =	vadd.f32 v5, v4;
	_ =	sdelay $0x1  }
0x1ec: {  	[tilespmem:s7+$0xD810] =	vst v4  }
0x1ed: {  	v4 =	vld [tilespmem:s9+$0x6420]  }
0x1ee: {  	v5 =	vld [tilespmem:s9+$0x64A0]  }
0x1ef: {  	v29 =	vld [tilespmem:s9+$0x96A0]  }
0x1f0: {  	v30 =	vld [tilespmem:s9+$0x9720]  }
0x1f1: {  	v31 =	vld [tilespmem:s9+$0x6520]  }
0x1f2: {  	v32 =	vld [tilespmem:s9+$0x97A0]  }
0x1f3: {  	v33 =	vld [tilespmem:s9+$0x65A0]  }
0x1f4: {  	v34 =	vld [tilespmem:s9+$0x9620]  }
0x1f5: {  	v35 =	vadd.f32 v30, v29  }
0x1f6: {  	v36 =	vadd.f32 v31, v5;
	v5 =	vmul.f32 v29, v5;
	v37 =	vmul.f32 v30, v31  }
0x1f7: {  	v38 =	vadd.f32 v32, v35  }
0x1f8: {  	v40 =	vmul.f32 v32, v33;
	v39 =	vadd.f32 v33, v36;
	v5 =	vadd.f32 v37, v5  }
0x1f9: {  	v41 =	vmul.f32 v34, v4;
	v4 =	vmul.f32 v38, v4  }
0x1fa: {  	v42 =	vmul.f32 v34, v39;
	v5 =	vadd.f32 v40, v5  }
0x1fb: {  	v43 =	vmul.f32 v41, v0;
	v4 =	vmul.f32 v4, v1  }
0x1fc: {  	v7 =	vmul.f32 v42, v2;
	v5 =	vmul.f32 v5, v3;
	_ =	sdelay $0x1  }
0x1fd: {  	v4 =	vadd.f32 v4, v43;
	v5 =	vadd.f32 v5, v7;
	_ =	sdelay $0x1  }
0x1fe: {  	v4 =	vadd.f32 v5, v4;
	_ =	sdelay $0x1  }
0x1ff: {  	v55 =	vld [tilespmem:s9+$0x6680];
	[tilespmem:s7+$0xD820] =	vst v4  }
0x200: {  	v4 =	vld [tilespmem:s9+$0x6430]  }
0x201: {  	v5 =	vld [tilespmem:s9+$0x64B0]  }
0x202: {  	v44 =	vld [tilespmem:s9+$0x96B0]  }
0x203: {  	v45 =	vld [tilespmem:s9+$0x9730]  }
0x204: {  	v46 =	vld [tilespmem:s9+$0x6530]  }
0x205: {  	v47 =	vld [tilespmem:s9+$0x97B0]  }
0x206: {  	v48 =	vld [tilespmem:s9+$0x65B0]  }
0x207: {  	v49 =	vld [tilespmem:s9+$0x9630]  }
0x208: {  	v57 =	vld [tilespmem:s9+$0x9880];
	v50 =	vadd.f32 v45, v44  }
0x209: {  	v51 =	vadd.f32 v46, v5;
	v5 =	vmul.f32 v44, v5;
	v52 =	vmul.f32 v45, v46  }
0x20a: {  	v59 =	vld [tilespmem:s9+$0x9900];
	v54 =	vadd.f32 v47, v50  }
0x20b: {  	v60 =	vld [tilespmem:s9+$0x6700];
	v56 =	vmul.f32 v47, v48;
	v13 =	vadd.f32 v48, v51;
	v5 =	vadd.f32 v52, v5  }
0x20c: {  	v14 =	vld [tilespmem:s9+$0x6780];
	v58 =	vmul.f32 v49, v4;
	v4 =	vmul.f32 v54, v4  }
0x20d: {  	v61 =	vld [tilespmem:s9+$0x9980];
	v9 =	vmul.f32 v57, v55;
	v11 =	vmul.f32 v49, v13;
	v5 =	vadd.f32 v56, v5  }
0x20e: {  	v10 =	vmul.f32 v58, v0;
	v4 =	vmul.f32 v4, v1  }
0x20f: {  	v62 =	vld [tilespmem:s9+$0x9800];
	v11 =	vmul.f32 v11, v2;
	v5 =	vmul.f32 v5, v3  }
0x210: {  	v53 =	vld [tilespmem:s9+$0x6600];
	v15 =	vadd.f32 v60, v55;
	v6 =	vmul.f32 v59, v60;
	v63 =	vadd.f32 v59, v57  }
0x211: {  	v4 =	vadd.f32 v4, v10;
	v5 =	vadd.f32 v5, v11  }
0x212: {  	v12 =	vadd.f32 v14, v15;
	v6 =	vadd.f32 v6, v9;
	v15 =	vmul.f32 v61, v14  }
0x213: {  	v4 =	vadd.f32 v5, v4;
	v5 =	vadd.f32 v61, v63  }
0x214: {  	v6 =	vadd.f32 v15, v6;
	v8 =	vmul.f32 v62, v12  }
0x215: {  	[tilespmem:s7+$0xD830] =	vst v4;
	v4 =	vmul.f32 v62, v53;
	v5 =	vmul.f32 v5, v53  }
0x216: {  	v6 =	vmul.f32 v6, v3;
	v8 =	vmul.f32 v8, v2;
	v16 =	vld [tilespmem:s9+$0x6440]  }
0x217: {  	v17 =	vld [tilespmem:s9+$0x64C0];
	v4 =	vmul.f32 v4, v0;
	v5 =	vmul.f32 v5, v1  }
0x218: {  	v18 =	vld [tilespmem:s9+$0x96C0]  }
0x219: {  	v19 =	vld [tilespmem:s9+$0x9740];
	v4 =	vadd.f32 v5, v4;
	v5 =	vadd.f32 v6, v8  }
0x21a: {  	v20 =	vld [tilespmem:s9+$0x6540]  }
0x21b: {  	v21 =	vld [tilespmem:s9+$0x97C0];
	v4 =	vadd.f32 v5, v4  }
0x21c: {  	s11 =	sadd.s32 $0x240, s9;
	v22 =	vld [tilespmem:s9+$0x65C0]  }
0x21d: {  	s11 =	sand.u32 $0x7E00, s11;
	v5 =	vld [tilespmem:s9+$0x9640];
	[tilespmem:s7+$0xD880] =	vst v4  }
0x21e: {  	v23 =	vadd.f32 v19, v18;
	v27 =	vld [tilespmem:s11+$0x6490]  }
0x21f: {  	v9 =	vmul.f32 v18, v17;
	v24 =	vmul.f32 v19, v20;
	v4 =	vadd.f32 v20, v17;
	v28 =	vld [tilespmem:s11+$0x9690]  }
0x220: {  	v26 =	vadd.f32 v21, v23;
	v31 =	vld [tilespmem:s11+$0x6510]  }
0x221: {  	v6 =	vmul.f32 v21, v22;
	v9 =	vadd.f32 v24, v9;
	v30 =	vld [tilespmem:s11+$0x9710];
	v4 =	vadd.f32 v22, v4  }
0x222: {  	v33 =	vld [tilespmem:s11+$0x9790];
	v7 =	vmul.f32 v26, v16;
	v29 =	vmul.f32 v5, v16  }
0x223: {  	v34 =	vld [tilespmem:s11+$0x6590];
	v4 =	vmul.f32 v5, v4;
	v5 =	vadd.f32 v6, v9  }
0x224: {  	v25 =	vld [tilespmem:s11+$0x6410];
	v7 =	vmul.f32 v7, v1;
	v32 =	vmul.f32 v29, v0  }
0x225: {  	v35 =	vld [tilespmem:s11+$0x9610];
	v4 =	vmul.f32 v4, v2;
	v5 =	vmul.f32 v5, v3;
	v36 =	vadd.f32 v31, v27  }
0x226: {  	v8 =	vmul.f32 v28, v27;
	v6 =	vmul.f32 v30, v31;
	v7 =	vadd.f32 v7, v32  }
0x227: {  	v4 =	vadd.f32 v5, v4;
	v5 =	vadd.f32 v30, v28  }
0x228: {  	v38 =	vmul.f32 v33, v34;
	v37 =	vadd.f32 v34, v36;
	v6 =	vadd.f32 v6, v8  }
0x229: {  	v4 =	vadd.f32 v4, v7;
	v5 =	vadd.f32 v33, v5  }
0x22a: {  	v39 =	vmul.f32 v35, v25;
	v6 =	vadd.f32 v38, v6  }
0x22b: {  	v5 =	vmul.f32 v5, v25;
	[tilespmem:s7+$0xD840] =	vst v4;
	v4 =	vmul.f32 v35, v37  }
0x22c: {  	v41 =	vmul.f32 v39, v0;
	v6 =	vmul.f32 v6, v3;
	v40 =	vld [tilespmem:s9+$0x6450]  }
0x22d: {  	v42 =	vld [tilespmem:s9+$0x64D0];
	v5 =	vmul.f32 v5, v1;
	v4 =	vmul.f32 v4, v2  }
0x22e: {  	v43 =	vld [tilespmem:s9+$0x6550]  }
0x22f: {  	v44 =	vld [tilespmem:s9+$0x96D0];
	v5 =	vadd.f32 v5, v41;
	v4 =	vadd.f32 v6, v4  }
0x230: {  	v45 =	vld [tilespmem:s9+$0x9750]  }
0x231: {  	v46 =	vld [tilespmem:s9+$0x65D0];
	v4 =	vadd.f32 v4, v5  }
0x232: {  	v47 =	vld [tilespmem:s9+$0x9650]  }
0x233: {  	v5 =	vld [tilespmem:s9+$0x97D0];
	[tilespmem:s7+$0xD890] =	vst v4  }
0x234: {  	s15 =	sadd.s32 $0x280, s9;
	v49 =	vld [tilespmem:s9+$0x66A0]  }
0x235: {  	s14 =	sand.u32 $0x7E00, s15;
	v17 =	vadd.f32 v43, v42;
	v50 =	vld [tilespmem:s9+$0x98A0]  }
0x236: {  	v16 =	vld [tilespmem:s14+$0x9720]  }
0x237: {  	s11 =	sor.u32 $0x1A0, s15;
	v17 =	vadd.f32 v46, v17;
	v51 =	vld [tilespmem:s14+$0x6520]  }
0x238: {  	v48 =	vadd.f32 v45, v44;
	v9 =	vmul.f32 v44, v42;
	v6 =	vmul.f32 v45, v43;
	v53 =	vld [tilespmem:s11+$0x9600]  }
0x239: {  	v52 =	vmul.f32 v47, v40;
	v54 =	vld [tilespmem:s11+$0x6400];
	v12 =	vmul.f32 v47, v17  }
0x23a: {  	v6 =	vadd.f32 v6, v9;
	v4 =	vld [tilespmem:s14+$0x6420];
	v13 =	vadd.f32 v5, v48;
	v5 =	vmul.f32 v5, v46  }
0x23b: {  	v55 =	vmul.f32 v52, v0;
	v56 =	vld [tilespmem:s14+$0x9620];
	v12 =	vmul.f32 v12, v2  }
0x23c: {  	v7 =	vmul.f32 v13, v40;
	v5 =	vadd.f32 v5, v6;
	v57 =	vadd.f32 v16, v50  }
0x23d: {  	v58 =	vadd.f32 v51, v49;
	v14 =	vmul.f32 v50, v49;
	v10 =	vmul.f32 v16, v51  }
0x23e: {  	v60 =	vld [tilespmem:s9+$0x6880];
	v8 =	vmul.f32 v53, v54;
	v7 =	vmul.f32 v7, v1;
	v6 =	vadd.f32 v53, v57  }
0x23f: {  	v61 =	vld [tilespmem:s9+$0x9A80];
	v5 =	vmul.f32 v5, v3;
	v17 =	vadd.f32 v54, v58;
	v10 =	vadd.f32 v10, v14  }
0x240: {  	v63 =	vld [tilespmem:s9+$0x9B00];
	v62 =	vmul.f32 v56, v4;
	v7 =	vadd.f32 v7, v55;
	v4 =	vmul.f32 v6, v4  }
0x241: {  	v19 =	vld [tilespmem:s9+$0x6900];
	v5 =	vadd.f32 v5, v12;
	v18 =	vmul.f32 v56, v17;
	v8 =	vadd.f32 v8, v10  }
0x242: {  	v21 =	vld [tilespmem:s9+$0x9B80];
	v20 =	vmul.f32 v62, v0;
	v4 =	vmul.f32 v4, v1  }
0x243: {  	v22 =	vld [tilespmem:s9+$0x6980];
	v5 =	vadd.f32 v5, v7;
	v9 =	vmul.f32 v18, v2;
	v8 =	vmul.f32 v8, v3  }
0x244: {  	v59 =	vld [tilespmem:s9+$0x6800]  }
0x245: {  	v23 =	vld [tilespmem:s9+$0x9A00];
	[tilespmem:s7+$0xD850] =	vst v5;
	v4 =	vadd.f32 v4, v20;
	v8 =	vadd.f32 v8, v9  }
0x246: {  	v25 =	vadd.f32 v19, v60;
	v13 =	vmul.f32 v61, v60;
	v6 =	vmul.f32 v63, v19;
	v26 =	vld [tilespmem:s9+$0x6460]  }
0x247: {  	v24 =	vadd.f32 v63, v61;
	v29 =	vld [tilespmem:s9+$0x64E0];
	v4 =	vadd.f32 v8, v4  }
0x248: {  	s18 =	sadd.s32 $0x2C0, s9;
	v28 =	vmul.f32 v21, v22;
	v27 =	vadd.f32 v22, v25;
	v6 =	vadd.f32 v6, v13;
	v37 =	vld [tilespmem:s9+$0x6560]  }
0x249: {  	s11 =	sand.u32 $0x7E00, s18;
	v5 =	vadd.f32 v21, v24;
	v18 =	vld [tilespmem:s9+$0x96E0];
	[tilespmem:s7+$0xD8A0] =	vst v4  }
0x24a: {  	v7 =	vmul.f32 v23, v27;
	v6 =	vadd.f32 v28, v6;
	v30 =	vld [tilespmem:s11+$0x6430]  }
0x24b: {  	v5 =	vmul.f32 v5, v59;
	v4 =	vmul.f32 v23, v59;
	v31 =	vld [tilespmem:s11+$0x64B0]  }
0x24c: {  	v7 =	vmul.f32 v7, v2;
	v6 =	vmul.f32 v6, v3;
	v32 =	vld [tilespmem:s11+$0x96B0]  }
0x24d: {  	v5 =	vmul.f32 v5, v1;
	v33 =	vld [tilespmem:s11+$0x9730];
	v4 =	vmul.f32 v4, v0  }
0x24e: {  	v34 =	vld [tilespmem:s11+$0x6530]  }
0x24f: {  	v35 =	vld [tilespmem:s11+$0x97B0];
	v4 =	vadd.f32 v5, v4;
	v5 =	vadd.f32 v6, v7  }
0x250: {  	v36 =	vld [tilespmem:s11+$0x65B0]  }
0x251: {  	v4 =	vadd.f32 v5, v4;
	v5 =	vld [tilespmem:s11+$0x9630]  }
0x252: {  	v19 =	vld [tilespmem:s9+$0x9760];
	v38 =	vadd.f32 v33, v32  }
0x253: {  	v52 =	vld [tilespmem:s9+$0x65E0];
	v9 =	vmul.f32 v32, v31;
	v39 =	vmul.f32 v33, v34;
	[tilespmem:s7+$0xD900] =	vst v4;
	v4 =	vadd.f32 v34, v31  }
0x254: {  	s14 =	sadd.s32 $0x440, s9;
	v53 =	vld [tilespmem:s9+$0x97E0];
	v41 =	vadd.f32 v35, v38  }
0x255: {  	v56 =	vld [tilespmem:s9+$0x9660];
	s11 =	sand.u32 $0x7E00, s14;
	v6 =	vmul.f32 v35, v36;
	v9 =	vadd.f32 v39, v9;
	v4 =	vadd.f32 v36, v4  }
0x256: {  	v42 =	vld [tilespmem:s11+$0x6490];
	v12 =	vmul.f32 v41, v30;
	v44 =	vmul.f32 v5, v30  }
0x257: {  	v43 =	vld [tilespmem:s11+$0x9690];
	v4 =	vmul.f32 v5, v4;
	v5 =	vadd.f32 v6, v9  }
0x258: {  	v45 =	vld [tilespmem:s11+$0x9710];
	v48 =	vmul.f32 v12, v1;
	v47 =	vmul.f32 v44, v0  }
0x259: {  	v46 =	vld [tilespmem:s11+$0x6510];
	v4 =	vmul.f32 v4, v2;
	v5 =	vmul.f32 v5, v3  }
0x25a: {  	v61 =	vadd.f32 v37, v29;
	v49 =	vld [tilespmem:s11+$0x9790]  }
0x25b: {  	v50 =	vld [tilespmem:s11+$0x6590];
	v9 =	vadd.f32 v48, v47;
	v4 =	vadd.f32 v5, v4  }
0x25c: {  	v22 =	vadd.f32 v52, v61;
	v61 =	vld [tilespmem:s9+$0x6A80]  }
0x25d: {  	v51 =	vld [tilespmem:s11+$0x9610];
	v4 =	vadd.f32 v4, v9  }
0x25e: {  	s15 =	sadd.s32 $0x300, s9;
	v40 =	vld [tilespmem:s11+$0x6410];
	v20 =	vadd.f32 v46, v42;
	v7 =	vmul.f32 v43, v42;
	v6 =	vmul.f32 v45, v46  }
0x25f: {  	s18 =	sand.u32 $0x7E00, s15;
	v8 =	vmul.f32 v56, v22;
	v22 =	vld [tilespmem:s9+$0x9D80];
	v5 =	vadd.f32 v45, v43;
	[tilespmem:s7+$0xD8B0] =	vst v4  }
0x260: {  	v55 =	vmul.f32 v49, v50;
	v54 =	vadd.f32 v50, v20;
	v6 =	vadd.f32 v6, v7;
	v57 =	vld [tilespmem:s18+$0x6440]  }
0x261: {  	v5 =	vadd.f32 v49, v5;
	v59 =	vld [tilespmem:s18+$0x64C0]  }
0x262: {  	v58 =	vadd.f32 v19, v18;
	v10 =	vmul.f32 v51, v54;
	v6 =	vadd.f32 v55, v6;
	v60 =	vld [tilespmem:s18+$0x96C0]  }
0x263: {  	v4 =	vmul.f32 v51, v40;
	v5 =	vmul.f32 v5, v40;
	v62 =	vld [tilespmem:s9+$0x9940]  }
0x264: {  	s11 =	sor.u32 $0x1C0, s15;
	v7 =	vadd.f32 v53, v58;
	v10 =	vmul.f32 v10, v2;
	v6 =	vmul.f32 v6, v3;
	v63 =	vld [tilespmem:s9+$0x6740]  }
0x265: {  	v23 =	vld [tilespmem:s11+$0x9600];
	v4 =	vmul.f32 v4, v0;
	v5 =	vmul.f32 v5, v1  }
0x266: {  	v21 =	vmul.f32 v56, v26;
	v7 =	vmul.f32 v7, v26;
	v26 =	vld [tilespmem:s18+$0x9640]  }
0x267: {  	v11 =	vmul.f32 v18, v29;
	v24 =	vld [tilespmem:s11+$0x6400];
	v4 =	vadd.f32 v5, v4;
	v5 =	vadd.f32 v6, v10  }
0x268: {  	v15 =	vmul.f32 v19, v37;
	v27 =	vadd.f32 v62, v60;
	v28 =	vmul.f32 v60, v59;
	v60 =	vld [tilespmem:s9+$0x6A00]  }
0x269: {  	v4 =	vadd.f32 v5, v4;
	v29 =	vmul.f32 v62, v63;
	v62 =	vld [tilespmem:s9+$0x9C80]  }
0x26a: {  	v11 =	vadd.f32 v15, v11;
	v9 =	vmul.f32 v53, v52;
	v5 =	vmul.f32 v21, v0;
	v21 =	vld [tilespmem:s9+$0x6B00]  }
0x26b: {  	v33 =	vmul.f32 v26, v57;
	[tilespmem:s7+$0xD910] =	vst v4;
	v4 =	vadd.f32 v63, v59;
	v63 =	vld [tilespmem:s9+$0x9D00]  }
0x26c: {  	v9 =	vadd.f32 v9, v11;
	v10 =	vmul.f32 v23, v24;
	v11 =	vadd.f32 v23, v27;
	v23 =	vld [tilespmem:s9+$0x6B80]  }
0x26d: {  	s15 =	sadd.s32 $0x480, s9;
	v37 =	vmul.f32 v33, v0;
	v33 =	vld [tilespmem:s9+$0x6C00]  }
0x26e: {  	s18 =	sand.u32 $0x7E00, s15;
	v12 =	vadd.f32 v29, v28;
	v29 =	vld [tilespmem:s9+$0x6C80]  }
0x26f: {  	v30 =	vld [tilespmem:s18+$0x6420]  }
0x270: {  	v8 =	vmul.f32 v8, v2;
	v31 =	vld [tilespmem:s9+$0x68A0]  }
0x271: {  	v25 =	vmul.f32 v7, v1;
	v9 =	vmul.f32 v9, v3;
	v32 =	vld [tilespmem:s9+$0x9AA0]  }
0x272: {  	v34 =	vld [tilespmem:s18+$0x9720]  }
0x273: {  	s11 =	sor.u32 $0x1A0, s15;
	v8 =	vadd.f32 v9, v8;
	v5 =	vadd.f32 v25, v5;
	v36 =	vld [tilespmem:s18+$0x6520]  }
0x274: {  	v39 =	vld [tilespmem:s11+$0x9600]  }
0x275: {  	v40 =	vld [tilespmem:s11+$0x6400];
	v4 =	vadd.f32 v24, v4;
	v11 =	vmul.f32 v11, v57;
	v5 =	vadd.f32 v8, v5  }
0x276: {  	v42 =	vld [tilespmem:s18+$0x9620]  }
0x277: {  	v35 =	vadd.f32 v10, v12;
	v24 =	vld [tilespmem:s9+$0x9C00];
	v4 =	vmul.f32 v26, v4;
	v38 =	vmul.f32 v11, v1;
	[tilespmem:s7+$0xD860] =	vst v5  }
0x278: {  	v7 =	vld [tilespmem:s9+$0x6470]  }
0x279: {  	v6 =	vmul.f32 v35, v3;
	v4 =	vmul.f32 v4, v2;
	v41 =	vadd.f32 v38, v37;
	v37 =	vld [tilespmem:s9+$0x9E80]  }
0x27a: {  	v5 =	vadd.f32 v36, v31;
	v44 =	vmul.f32 v32, v31;
	v31 =	vld [tilespmem:s9+$0x6D80]  }
0x27b: {  	v13 =	vmul.f32 v34, v36;
	v4 =	vadd.f32 v6, v4;
	v6 =	vld [tilespmem:s9+$0x64F0]  }
0x27c: {  	v43 =	vadd.f32 v34, v32;
	v45 =	vadd.f32 v40, v5;
	v5 =	vld [tilespmem:s9+$0x6570]  }
0x27d: {  	v11 =	vmul.f32 v39, v40;
	v10 =	vadd.f32 v13, v44;
	v40 =	vld [tilespmem:s9+$0x6D00]  }
0x27e: {  	v18 =	vmul.f32 v62, v61;
	v8 =	vadd.f32 v4, v41;
	v4 =	vadd.f32 v39, v43;
	v39 =	vld [tilespmem:s9+$0x9F00]  }
0x27f: {  	s14 =	sadd.s32 $0x340, s9;
	v28 =	vadd.f32 v21, v61;
	v46 =	vmul.f32 v42, v30;
	v48 =	vmul.f32 v42, v45;
	v42 =	vld [tilespmem:s9+$0x9F80]  }
0x280: {  	s18 =	sand.u32 $0x7E00, s14;
	v32 =	vmul.f32 v63, v21;
	v49 =	vadd.f32 v11, v10;
	v43 =	vld [tilespmem:s9+$0x9E00];
	v47 =	vmul.f32 v4, v30;
	[tilespmem:s7+$0xD8C0] =	vst v8  }
0x281: {  	v27 =	vadd.f32 v63, v62;
	v51 =	vmul.f32 v46, v0;
	v8 =	vmul.f32 v48, v2;
	v50 =	vld [tilespmem:s18+$0x6450]  }
0x282: {  	s15 =	sor.u32 $0x150, s14;
	v28 =	vadd.f32 v23, v28;
	v9 =	vmul.f32 v49, v3;
	v53 =	vld [tilespmem:s18+$0x64D0];
	v52 =	vmul.f32 v47, v1  }
0x283: {  	s11 =	sor.u32 $0x1D0, s14;
	v36 =	vmul.f32 v22, v23;
	v27 =	vadd.f32 v22, v27;
	v18 =	vadd.f32 v32, v18;
	v54 =	vld [tilespmem:s15+$0x6400]  }
0x284: {  	v55 =	vld [tilespmem:s11+$0x6400];
	v8 =	vadd.f32 v9, v8;
	v11 =	vadd.f32 v52, v51  }
0x285: {  	v17 =	vmul.f32 v27, v60;
	v18 =	vadd.f32 v36, v18;
	v56 =	vld [tilespmem:s18+$0x9650]  }
0x286: {  	v30 =	vmul.f32 v24, v60;
	v24 =	vmul.f32 v24, v28;
	v57 =	vld [tilespmem:s18+$0x96D0];
	v8 =	vadd.f32 v8, v11  }
0x287: {  	v17 =	vmul.f32 v17, v1;
	v18 =	vmul.f32 v18, v3;
	v58 =	vld [tilespmem:s15+$0x9600];
	s15 =	sadd.s32 $0x4C0, s9  }
0x288: {  	v59 =	vld [tilespmem:s11+$0x9600];
	s11 =	sand.u32 $0x7E00, s15;
	v41 =	vmul.f32 v30, v0;
	v24 =	vmul.f32 v24, v2;
	[tilespmem:s7+$0xD920] =	vst v8  }
0x289: {  	v45 =	vadd.f32 v40, v29;
	v44 =	vadd.f32 v39, v37;
	v8 =	vld [tilespmem:s11+$0x6430]  }
0x28a: {  	v22 =	vmul.f32 v37, v29;
	v17 =	vadd.f32 v17, v41;
	v18 =	vadd.f32 v18, v24;
	v26 =	vld [tilespmem:s11+$0x64B0]  }
0x28b: {  	v19 =	vmul.f32 v39, v40;
	v49 =	vadd.f32 v31, v45;
	v51 =	vmul.f32 v43, v33;
	v13 =	vld [tilespmem:s11+$0x6530]  }
0x28c: {  	v25 =	vmul.f32 v56, v50;
	v35 =	vadd.f32 v58, v57;
	v17 =	vadd.f32 v18, v17;
	v46 =	vld [tilespmem:s11+$0x9630]  }
0x28d: {  	s18 =	sadd.s32 $0x640, s9;
	v38 =	vadd.f32 v54, v53;
	v12 =	vmul.f32 v57, v53;
	v11 =	vmul.f32 v58, v54;
	v48 =	vld [tilespmem:s11+$0x96B0]  }
0x28e: {  	s14 =	sand.u32 $0x7E00, s18;
	v47 =	vadd.f32 v42, v44;
	v34 =	vmul.f32 v25, v0;
	v25 =	vadd.f32 v59, v35;
	[tilespmem:s7+$0xD980] =	vst v17;
	v28 =	vld [tilespmem:s11+$0x9730]  }
0x28f: {  	v15 =	vmul.f32 v59, v55;
	v23 =	vadd.f32 v55, v38;
	v11 =	vadd.f32 v11, v12;
	v53 =	vld [tilespmem:s14+$0x6410]  }
0x290: {  	v54 =	vmul.f32 v43, v49;
	v55 =	vld [tilespmem:s14+$0x6490];
	v10 =	vmul.f32 v25, v50  }
0x291: {  	v52 =	vmul.f32 v47, v33;
	v57 =	vld [tilespmem:s14+$0x9710];
	v9 =	vmul.f32 v56, v23;
	v11 =	vadd.f32 v15, v11  }
0x292: {  	v19 =	vadd.f32 v19, v22;
	v58 =	vld [tilespmem:s14+$0x6510];
	v50 =	vmul.f32 v42, v31;
	v10 =	vmul.f32 v10, v1  }
0x293: {  	v63 =	vld [tilespmem:s11+$0x97B0];
	v9 =	vmul.f32 v9, v2;
	v11 =	vmul.f32 v11, v3  }
0x294: {  	v12 =	vmul.f32 v51, v0;
	v17 =	vmul.f32 v52, v1;
	v60 =	vld [tilespmem:s14+$0x9790];
	v19 =	vadd.f32 v50, v19  }
0x295: {  	v18 =	vmul.f32 v54, v2;
	v61 =	vld [tilespmem:s14+$0x6590];
	v10 =	vadd.f32 v10, v34;
	v9 =	vadd.f32 v11, v9  }
0x296: {  	v56 =	vld [tilespmem:s14+$0x9690];
	v12 =	vadd.f32 v17, v12;
	v19 =	vmul.f32 v19, v3;
	v34 =	vadd.f32 v28, v48  }
0x297: {  	s15 =	sadd.s32 $0x840, s9;
	v25 =	vld [tilespmem:s11+$0x65B0];
	v31 =	vadd.f32 v58, v55;
	v9 =	vadd.f32 v9, v10  }
0x298: {  	s18 =	sand.u32 $0x7E00, s15;
	s15 =	sadd.s32 $0x380, s9;
	v62 =	vld [tilespmem:s14+$0x9610];
	v29 =	vmul.f32 v46, v8;
	v59 =	vadd.f32 v19, v18;
	v23 =	vadd.f32 v63, v34  }
0x299: {  	v4 =	vld [tilespmem:s9+$0x65F0];
	s14 =	sand.u32 $0x7E00, s15;
	v32 =	vmul.f32 v57, v58;
	v37 =	vadd.f32 v13, v26;
	v47 =	vmul.f32 v48, v26;
	[tilespmem:s7+$0xD8D0] =	vst v9  }
0x29a: {  	v13 =	vmul.f32 v28, v13;
	v12 =	vadd.f32 v59, v12;
	v23 =	vmul.f32 v23, v8;
	v8 =	vld [tilespmem:s14+$0x6460]  }
0x29b: {  	v11 =	vmul.f32 v60, v61;
	v30 =	vadd.f32 v57, v56;
	v15 =	vmul.f32 v56, v55;
	v9 =	vld [tilespmem:s14+$0x9660]  }
0x29c: {  	v41 =	vadd.f32 v25, v37;
	v13 =	vadd.f32 v13, v47;
	v10 =	vmul.f32 v63, v25;
	v17 =	vld [tilespmem:s14+$0x96E0];
	[tilespmem:s7+$0xDA00] =	vst v12  }
0x29d: {  	v38 =	vmul.f32 v62, v53;
	v19 =	vmul.f32 v29, v0;
	v21 =	vadd.f32 v60, v30;
	v33 =	vld [tilespmem:s18+$0x6410]  }
0x29e: {  	v15 =	vadd.f32 v32, v15;
	v14 =	vmul.f32 v46, v41;
	v10 =	vadd.f32 v10, v13;
	v35 =	vld [tilespmem:s18+$0x6490]  }
0x29f: {  	v16 =	vmul.f32 v21, v53;
	v12 =	vadd.f32 v61, v31;
	v23 =	vmul.f32 v23, v1;
	v36 =	vld [tilespmem:s18+$0x9690]  }
0x2a0: {  	v14 =	vmul.f32 v14, v2;
	v10 =	vmul.f32 v10, v3;
	v39 =	vld [tilespmem:s18+$0x9710]  }
0x2a1: {  	v42 =	vmul.f32 v38, v0;
	v11 =	vadd.f32 v11, v15;
	v40 =	vld [tilespmem:s18+$0x6510];
	v12 =	vmul.f32 v62, v12  }
0x2a2: {  	v16 =	vmul.f32 v16, v1;
	v43 =	vld [tilespmem:s18+$0x9790];
	v19 =	vadd.f32 v23, v19;
	v10 =	vadd.f32 v10, v14  }
0x2a3: {  	v11 =	vmul.f32 v11, v3;
	v44 =	vld [tilespmem:s18+$0x6590];
	v12 =	vmul.f32 v12, v2  }
0x2a4: {  	v46 =	vld [tilespmem:s18+$0x9610];
	v45 =	vadd.f32 v16, v42;
	v10 =	vadd.f32 v10, v19  }
0x2a5: {  	v31 =	vld [tilespmem:s9+$0x67E0];
	v48 =	vadd.f32 v11, v12;
	v49 =	vadd.f32 v39, v36  }
0x2a6: {  	v16 =	vld [tilespmem:s14+$0x9760];
	v50 =	vadd.f32 v40, v35;
	v18 =	vmul.f32 v36, v35;
	v15 =	vmul.f32 v39, v40  }
0x2a7: {  	v11 =	vld [tilespmem:s14+$0x64E0];
	v51 =	vadd.f32 v48, v45;
	v24 =	vadd.f32 v43, v49  }
0x2a8: {  	s18 =	sadd.s32 $0x680, s9;
	v12 =	vld [tilespmem:s14+$0x6560];
	v52 =	vmul.f32 v43, v44;
	[tilespmem:s7+$0xD930] =	vst v10;
	v26 =	vadd.f32 v44, v50;
	v15 =	vadd.f32 v15, v18  }
0x2a9: {  	s15 =	sand.u32 $0x7E00, s18;
	v53 =	vmul.f32 v46, v33;
	v44 =	vld [tilespmem:s9+$0x6940];
	v22 =	vmul.f32 v24, v33;
	[tilespmem:s7+$0xD990] =	vst v51  }
0x2aa: {  	v20 =	vmul.f32 v46, v26;
	v15 =	vadd.f32 v52, v15;
	v54 =	vld [tilespmem:s15+$0x6420]  }
0x2ab: {  	v55 =	vmul.f32 v53, v0;
	v56 =	vld [tilespmem:s9+$0x6AA0];
	v22 =	vmul.f32 v22, v1  }
0x2ac: {  	v58 =	vld [tilespmem:s9+$0x9CA0];
	v20 =	vmul.f32 v20, v2;
	v15 =	vmul.f32 v15, v3  }
0x2ad: {  	v59 =	vld [tilespmem:s15+$0x9720]  }
0x2ae: {  	s11 =	sor.u32 $0x1A0, s18;
	v57 =	vld [tilespmem:s15+$0x6520];
	v21 =	vadd.f32 v22, v55;
	v15 =	vadd.f32 v15, v20  }
0x2af: {  	v61 =	vld [tilespmem:s11+$0x9600]  }
0x2b0: {  	v60 =	vld [tilespmem:s11+$0x6400];
	v15 =	vadd.f32 v15, v21  }
0x2b1: {  	s11 =	sadd.s32 $0x880, s9;
	v62 =	vld [tilespmem:s15+$0x9620]  }
0x2b2: {  	v50 =	vld [tilespmem:s9+$0x9B40];
	s18 =	sor.u32 $0x1A0, s11;
	v32 =	vadd.f32 v59, v58;
	[tilespmem:s7+$0xDA10] =	vst v15  }
0x2b3: {  	v34 =	vadd.f32 v57, v56;
	v13 =	vmul.f32 v58, v56;
	v20 =	vmul.f32 v59, v57;
	v15 =	vld [tilespmem:s18+$0x6400]  }
0x2b4: {  	v22 =	vadd.f32 v61, v32;
	v35 =	vld [tilespmem:s9+$0x6CA0]  }
0x2b5: {  	s11 =	sand.u32 $0x7E00, s11;
	v14 =	vmul.f32 v61, v60;
	v36 =	vadd.f32 v60, v34;
	v13 =	vadd.f32 v20, v13;
	v37 =	vld [tilespmem:s9+$0x9EA0]  }
0x2b6: {  	v38 =	vmul.f32 v62, v54;
	v39 =	vld [tilespmem:s11+$0x9720];
	v18 =	vmul.f32 v22, v54  }
0x2b7: {  	v40 =	vld [tilespmem:s11+$0x6520];
	v19 =	vmul.f32 v62, v36;
	v13 =	vadd.f32 v14, v13  }
0x2b8: {  	v21 =	vmul.f32 v38, v0;
	v63 =	vld [tilespmem:s18+$0x9600];
	v18 =	vmul.f32 v18, v1  }
0x2b9: {  	s15 =	sadd.s32 $0x500, s9;
	v42 =	vld [tilespmem:s11+$0x6420];
	v19 =	vmul.f32 v19, v2;
	v13 =	vmul.f32 v13, v3  }
0x2ba: {  	s18 =	sand.u32 $0x7E00, s15;
	v43 =	vld [tilespmem:s11+$0x9620];
	v18 =	vadd.f32 v18, v21  }
0x2bb: {  	v33 =	vld [tilespmem:s18+$0x6440];
	v13 =	vadd.f32 v13, v19;
	v45 =	vadd.f32 v39, v37  }
0x2bc: {  	s15 =	sor.u32 $0x1C0, s15;
	v41 =	vld [tilespmem:s18+$0x64C0];
	v47 =	vadd.f32 v40, v35;
	v20 =	vmul.f32 v37, v35;
	v14 =	vmul.f32 v39, v40  }
0x2bd: {  	v46 =	vld [tilespmem:s15+$0x6400];
	v13 =	vadd.f32 v13, v18;
	v49 =	vadd.f32 v63, v45  }
0x2be: {  	v48 =	vld [tilespmem:s18+$0x96C0];
	v10 =	vmul.f32 v63, v15;
	v51 =	vadd.f32 v15, v47;
	v14 =	vadd.f32 v14, v20  }
0x2bf: {  	v52 =	vld [tilespmem:s18+$0x9640];
	s18 =	sadd.s32 $0x6C0, s9;
	v53 =	vmul.f32 v43, v42;
	v18 =	vmul.f32 v49, v42  }
0x2c0: {  	v54 =	vld [tilespmem:s15+$0x9600];
	s14 =	sand.u32 $0x7E00, s18;
	[tilespmem:s7+$0xD9A0] =	vst v13;
	v55 =	vmul.f32 v43, v51;
	v10 =	vadd.f32 v10, v14  }
0x2c1: {  	v20 =	vmul.f32 v53, v0;
	v14 =	vld [tilespmem:s14+$0x6430];
	v18 =	vmul.f32 v18, v1  }
0x2c2: {  	v56 =	vld [tilespmem:s14+$0x64B0];
	v13 =	vmul.f32 v55, v2;
	v10 =	vmul.f32 v10, v3  }
0x2c3: {  	v59 =	vld [tilespmem:s14+$0x6530]  }
0x2c4: {  	v60 =	vld [tilespmem:s14+$0x65B0];
	v18 =	vadd.f32 v18, v20;
	v10 =	vadd.f32 v10, v13  }
0x2c5: {  	v19 =	vmul.f32 v50, v44;
	v58 =	vadd.f32 v44, v41;
	v63 =	vld [tilespmem:s14+$0x9630]  }
0x2c6: {  	v57 =	vadd.f32 v50, v48;
	v22 =	vmul.f32 v48, v41;
	v36 =	vld [tilespmem:s14+$0x96B0];
	v10 =	vadd.f32 v10, v18  }
0x2c7: {  	s15 =	sadd.s32 $0x8C0, s9;
	v62 =	vadd.f32 v46, v58;
	v38 =	vld [tilespmem:s14+$0x9730]  }
0x2c8: {  	s18 =	sand.u32 $0x7E00, s15;
	v35 =	vmul.f32 v54, v46;
	v61 =	vadd.f32 v54, v57;
	v19 =	vadd.f32 v19, v22;
	v39 =	vld [tilespmem:s14+$0x97B0];
	[tilespmem:s7+$0xDA20] =	vst v10  }
0x2c9: {  	v37 =	vmul.f32 v52, v33;
	v15 =	vmul.f32 v52, v62;
	v41 =	vld [tilespmem:s18+$0x6430]  }
0x2ca: {  	v19 =	vadd.f32 v35, v19;
	v13 =	vmul.f32 v61, v33;
	v42 =	vld [tilespmem:s18+$0x64B0]  }
0x2cb: {  	v40 =	vmul.f32 v37, v0;
	v15 =	vmul.f32 v15, v2;
	v43 =	vld [tilespmem:s18+$0x6530]  }
0x2cc: {  	v19 =	vmul.f32 v19, v3;
	v13 =	vmul.f32 v13, v1;
	v45 =	vld [tilespmem:s18+$0x65B0]  }
0x2cd: {  	v48 =	vadd.f32 v38, v36;
	v51 =	vmul.f32 v36, v56;
	v52 =	vmul.f32 v38, v59;
	v46 =	vld [tilespmem:s18+$0x9630]  }
0x2ce: {  	v44 =	vadd.f32 v19, v15;
	v10 =	vadd.f32 v13, v40;
	v47 =	vld [tilespmem:s18+$0x96B0]  }
0x2cf: {  	v20 =	vmul.f32 v39, v60;
	v13 =	vadd.f32 v39, v48;
	v15 =	vadd.f32 v52, v51;
	v49 =	vld [tilespmem:s18+$0x9730]  }
0x2d0: {  	v50 =	vadd.f32 v59, v56;
	v53 =	vld [tilespmem:s18+$0x97B0];
	v10 =	vadd.f32 v44, v10  }
0x2d1: {  	v56 =	vmul.f32 v63, v14;
	v13 =	vmul.f32 v13, v14;
	v14 =	vld [tilespmem:s9+$0x96F0];
	v15 =	vadd.f32 v20, v15  }
0x2d2: {  	s14 =	sadd.s32 $0x540, s9;
	v32 =	vadd.f32 v60, v50;
	[tilespmem:s7+$0xD940] =	vst v10;
	v10 =	vld [tilespmem:s9+$0x9670]  }
0x2d3: {  	s15 =	sand.u32 $0x7E00, s14;
	v59 =	vmul.f32 v15, v3;
	v15 =	vld [tilespmem:s9+$0x9770]  }
0x2d4: {  	s18 =	sor.u32 $0x150, s14;
	v24 =	vmul.f32 v63, v32;
	v54 =	vld [tilespmem:s15+$0x96D0]  }
0x2d5: {  	v21 =	vmul.f32 v56, v0;
	v13 =	vmul.f32 v13, v1;
	v55 =	vld [tilespmem:s18+$0x9600]  }
0x2d6: {  	v24 =	vmul.f32 v24, v2;
	v57 =	vld [tilespmem:s15+$0x6450]  }
0x2d7: {  	s14 =	sor.u32 $0x1D0, s14;
	v58 =	vld [tilespmem:s15+$0x9650];
	v21 =	vadd.f32 v13, v21  }
0x2d8: {  	v33 =	vld [tilespmem:s14+$0x9600];
	v24 =	vadd.f32 v59, v24;
	v60 =	vadd.f32 v49, v47  }
0x2d9: {  	v62 =	vld [tilespmem:s15+$0x64D0];
	v30 =	vmul.f32 v47, v42;
	v22 =	vadd.f32 v43, v42;
	v28 =	vmul.f32 v49, v43  }
0x2da: {  	v63 =	vld [tilespmem:s18+$0x6400];
	v21 =	vadd.f32 v24, v21;
	v61 =	vadd.f32 v53, v60  }
0x2db: {  	v37 =	vld [tilespmem:s14+$0x6400];
	v19 =	vmul.f32 v53, v45;
	v22 =	vadd.f32 v45, v22;
	v28 =	vadd.f32 v28, v30  }
0x2dc: {  	s15 =	sadd.s32 $0x700, s9;
	v13 =	vld [tilespmem:s9+$0x97F0];
	v18 =	vmul.f32 v46, v41;
	v24 =	vmul.f32 v61, v41  }
0x2dd: {  	s18 =	sand.u32 $0x7E00, s15;
	v49 =	vld [tilespmem:s9+$0x99E0];
	[tilespmem:s7+$0xD9B0] =	vst v21;
	v22 =	vmul.f32 v46, v22;
	v19 =	vadd.f32 v19, v28  }
0x2de: {  	v18 =	vmul.f32 v18, v0;
	v38 =	vld [tilespmem:s18+$0x6440];
	v24 =	vmul.f32 v24, v1  }
0x2df: {  	v34 =	vadd.f32 v55, v54;
	v39 =	vld [tilespmem:s18+$0x64C0];
	v22 =	vmul.f32 v22, v2;
	v19 =	vmul.f32 v19, v3  }
0x2e0: {  	v25 =	vmul.f32 v54, v62;
	v32 =	vadd.f32 v63, v62;
	v26 =	vmul.f32 v55, v63;
	v40 =	vld [tilespmem:s18+$0x96C0]  }
0x2e1: {  	v41 =	vld [tilespmem:s9+$0x9D40];
	v18 =	vadd.f32 v24, v18;
	v19 =	vadd.f32 v19, v22  }
0x2e2: {  	s11 =	sor.u32 $0x1C0, s15;
	v42 =	vld [tilespmem:s9+$0x6B40];
	v34 =	vadd.f32 v33, v34;
	v43 =	vadd.f32 v26, v25  }
0x2e3: {  	v21 =	vmul.f32 v33, v37;
	v44 =	vld [tilespmem:s11+$0x9600];
	v45 =	vadd.f32 v37, v32;
	v18 =	vadd.f32 v19, v18  }
0x2e4: {  	s15 =	sadd.s32 $0x900, s9;
	v36 =	vmul.f32 v58, v57;
	v46 =	vld [tilespmem:s11+$0x6400];
	v20 =	vmul.f32 v34, v57  }
0x2e5: {  	s14 =	sand.u32 $0x7E00, s15;
	v48 =	vld [tilespmem:s18+$0x9640];
	v26 =	vmul.f32 v58, v45;
	v21 =	vadd.f32 v21, v43;
	[tilespmem:s7+$0xDA30] =	vst v18  }
0x2e6: {  	v23 =	vmul.f32 v36, v0;
	v20 =	vmul.f32 v20, v1;
	v50 =	vadd.f32 v41, v40;
	v53 =	vld [tilespmem:s14+$0x6440]  }
0x2e7: {  	v51 =	vadd.f32 v42, v39;
	v26 =	vmul.f32 v26, v2;
	v21 =	vmul.f32 v21, v3;
	v54 =	vld [tilespmem:s14+$0x64C0]  }
0x2e8: {  	v52 =	vmul.f32 v40, v39;
	v22 =	vmul.f32 v41, v42;
	v47 =	vadd.f32 v20, v23;
	v55 =	vld [tilespmem:s14+$0x96C0]  }
0x2e9: {  	v24 =	vadd.f32 v44, v50;
	v21 =	vadd.f32 v21, v26;
	v57 =	vld [tilespmem:s9+$0x9F40]  }
0x2ea: {  	s11 =	sor.u32 $0x1C0, s15;
	v25 =	vmul.f32 v44, v46;
	v18 =	vadd.f32 v46, v51;
	v22 =	vadd.f32 v22, v52;
	v59 =	vld [tilespmem:s9+$0x6D40]  }
0x2eb: {  	v56 =	vmul.f32 v48, v38;
	v61 =	vld [tilespmem:s11+$0x9600];
	v24 =	vmul.f32 v24, v38;
	v19 =	vadd.f32 v21, v47  }
0x2ec: {  	s18 =	sadd.s32 $0x580, s9;
	v40 =	vmul.f32 v17, v11;
	v62 =	vld [tilespmem:s11+$0x6400];
	v18 =	vmul.f32 v48, v18;
	v58 =	vadd.f32 v25, v22  }
0x2ed: {  	s18 =	sand.u32 $0x7E00, s18;
	v17 =	vadd.f32 v16, v17;
	v60 =	vmul.f32 v56, v0;
	v36 =	vld [tilespmem:s14+$0x9640];
	v24 =	vmul.f32 v24, v1;
	[tilespmem:s7+$0xD950] =	vst v19  }
0x2ee: {  	v11 =	vadd.f32 v12, v11;
	v18 =	vmul.f32 v18, v2;
	v20 =	vmul.f32 v58, v3;
	v32 =	vld [tilespmem:s18+$0x6460]  }
0x2ef: {  	v37 =	vmul.f32 v9, v8;
	v17 =	vadd.f32 v49, v17;
	v39 =	vld [tilespmem:s18+$0x64E0];
	v63 =	vadd.f32 v24, v60  }
0x2f0: {  	v16 =	vmul.f32 v16, v12;
	v41 =	vld [tilespmem:s18+$0x6560];
	v18 =	vadd.f32 v20, v18;
	v38 =	vadd.f32 v57, v55  }
0x2f1: {  	v42 =	vld [tilespmem:s18+$0x96E0];
	v27 =	vmul.f32 v55, v54;
	v29 =	vadd.f32 v59, v54;
	v22 =	vmul.f32 v57, v59  }
0x2f2: {  	v23 =	vmul.f32 v49, v31;
	v44 =	vld [tilespmem:s18+$0x9760];
	v18 =	vadd.f32 v18, v63;
	v20 =	vadd.f32 v61, v38  }
0x2f3: {  	v35 =	vld [tilespmem:s9+$0x69E0];
	v25 =	vmul.f32 v61, v62;
	v22 =	vadd.f32 v22, v27;
	v29 =	vadd.f32 v62, v29  }
0x2f4: {  	s15 =	sadd.s32 $0x740, s9;
	v11 =	vadd.f32 v31, v11;
	v28 =	vmul.f32 v36, v53;
	v27 =	vld [tilespmem:s18+$0x9660];
	v20 =	vmul.f32 v20, v53  }
0x2f5: {  	s11 =	sand.u32 $0x7E00, s15;
	v8 =	vmul.f32 v17, v8;
	v61 =	vld [tilespmem:s9+$0x9BE0];
	[tilespmem:s7+$0xD9C0] =	vst v18;
	v43 =	vmul.f32 v36, v29;
	v22 =	vadd.f32 v25, v22  }
0x2f6: {  	v16 =	vadd.f32 v16, v40;
	v46 =	vmul.f32 v28, v0;
	v45 =	vld [tilespmem:s11+$0x6450];
	v20 =	vmul.f32 v20, v1  }
0x2f7: {  	s18 =	sor.u32 $0x150, s15;
	v47 =	vld [tilespmem:s11+$0x64D0];
	v18 =	vmul.f32 v43, v2;
	v22 =	vmul.f32 v22, v3  }
0x2f8: {  	v52 =	vmul.f32 v37, v0;
	s14 =	sor.u32 $0x1D0, s15;
	v9 =	vmul.f32 v9, v11;
	v50 =	vadd.f32 v23, v16;
	v48 =	vld [tilespmem:s18+$0x6400]  }
0x2f9: {  	v8 =	vmul.f32 v8, v1;
	v49 =	vld [tilespmem:s14+$0x6400];
	v20 =	vadd.f32 v20, v46;
	v18 =	vadd.f32 v22, v18  }
0x2fa: {  	v9 =	vmul.f32 v9, v2;
	v11 =	vmul.f32 v50, v3;
	v51 =	vld [tilespmem:s11+$0x96D0]  }
0x2fb: {  	v53 =	vld [tilespmem:s18+$0x9600];
	v18 =	vadd.f32 v18, v20  }
0x2fc: {  	v8 =	vadd.f32 v8, v52;
	v9 =	vadd.f32 v11, v9;
	s15 =	sadd.s32 $0x940, s9;
	v54 =	vld [tilespmem:s11+$0x9650]  }
0x2fd: {  	v26 =	vmul.f32 v42, v39;
	v38 =	vadd.f32 v41, v39;
	v19 =	vmul.f32 v44, v41;
	v55 =	vld [tilespmem:s14+$0x9600];
	s18 =	sor.u32 $0x150, s15;
	[tilespmem:s7+$0xDA40] =	vst v18  }
0x2fe: {  	v8 =	vadd.f32 v9, v8;
	v63 =	vadd.f32 v44, v42;
	s14 =	sor.u32 $0x1D0, s15;
	v18 =	vld [tilespmem:s18+$0x6400]  }
0x2ff: {  	v31 =	vadd.f32 v35, v38;
	v19 =	vadd.f32 v19, v26;
	v56 =	vld [tilespmem:s14+$0x6400]  }
0x300: {  	v41 =	vmul.f32 v27, v32;
	v42 =	vmul.f32 v61, v35;
	v57 =	vadd.f32 v53, v51;
	v58 =	vld [tilespmem:s18+$0x9600]  }
0x301: {  	s15 =	sand.u32 $0x7E00, s15;
	v59 =	vadd.f32 v48, v47;
	v16 =	vmul.f32 v51, v47;
	v23 =	vmul.f32 v53, v48;
	v60 =	vld [tilespmem:s14+$0x9600]  }
0x302: {  	v27 =	vmul.f32 v27, v31;
	v17 =	vmul.f32 v55, v49;
	v62 =	vadd.f32 v55, v57;
	v37 =	vld [tilespmem:s15+$0x96D0]  }
0x303: {  	v34 =	vmul.f32 v54, v45;
	v11 =	vadd.f32 v49, v59;
	v16 =	vadd.f32 v23, v16;
	v39 =	vld [tilespmem:s15+$0x64D0]  }
0x304: {  	v47 =	vmul.f32 v27, v2;
	v51 =	vadd.f32 v15, v14;
	s18 =	sadd.s32 $0x3C0, s9;
	v43 =	vld [tilespmem:s15+$0x6450];
	v12 =	vmul.f32 v62, v45  }
0x305: {  	[tilespmem:s7+$0xD8E0] =	vst v8;
	v14 =	vmul.f32 v14, v6;
	v44 =	vld [tilespmem:s15+$0x9650];
	s11 =	sand.u32 $0x7E00, s18;
	v11 =	vmul.f32 v54, v11;
	v17 =	vadd.f32 v17, v16  }
0x306: {  	v36 =	vmul.f32 v34, v0;
	v8 =	vld [tilespmem:s11+$0x6470];
	v12 =	vmul.f32 v12, v1  }
0x307: {  	v19 =	vadd.f32 v42, v19;
	v9 =	vld [tilespmem:s11+$0x64F0];
	v11 =	vmul.f32 v11, v2;
	v17 =	vmul.f32 v17, v3  }
0x308: {  	v6 =	vadd.f32 v5, v6;
	v5 =	vmul.f32 v15, v5;
	v23 =	vadd.f32 v61, v63;
	v16 =	vld [tilespmem:s11+$0x6570]  }
0x309: {  	v19 =	vmul.f32 v19, v3;
	s14 =	sor.u32 $0x1F0, s18;
	v31 =	vld [tilespmem:s11+$0x96F0];
	v20 =	vadd.f32 v12, v36;
	v11 =	vadd.f32 v17, v11  }
0x30a: {  	v40 =	vmul.f32 v23, v32;
	v63 =	vld [tilespmem:s14+$0x9600];
	v45 =	vadd.f32 v58, v37;
	v46 =	vadd.f32 v18, v39  }
0x30b: {  	v12 =	vld [tilespmem:s14+$0x6400];
	v21 =	vmul.f32 v37, v39;
	v18 =	vmul.f32 v58, v18;
	v20 =	vadd.f32 v11, v20  }
0x30c: {  	v23 =	vmul.f32 v41, v0;
	s18 =	sadd.s32 $0x780, s9;
	v17 =	vmul.f32 v40, v1;
	v11 =	vld [tilespmem:s11+$0x9670];
	v26 =	vadd.f32 v60, v45  }
0x30d: {  	s15 =	sand.u32 $0x7E00, s18;
	v50 =	vmul.f32 v60, v56;
	v18 =	vadd.f32 v18, v21;
	v60 =	vld [tilespmem:s11+$0x9770];
	[tilespmem:s7+$0xD9D0] =	vst v20;
	v20 =	vadd.f32 v56, v46  }
0x30e: {  	v29 =	vmul.f32 v44, v43;
	v26 =	vmul.f32 v26, v43;
	v48 =	vld [tilespmem:s15+$0x6460]  }
0x30f: {  	v19 =	vadd.f32 v19, v47;
	v18 =	vadd.f32 v50, v18;
	v49 =	vld [tilespmem:s15+$0x64E0];
	v20 =	vmul.f32 v44, v20  }
0x310: {  	v17 =	vadd.f32 v17, v23;
	v55 =	vmul.f32 v29, v0;
	v52 =	vld [tilespmem:s15+$0x96E0];
	v26 =	vmul.f32 v26, v1  }
0x311: {  	v6 =	vadd.f32 v4, v6;
	v53 =	vld [tilespmem:s15+$0x9760];
	v18 =	vmul.f32 v18, v3;
	v20 =	vmul.f32 v20, v2  }
0x312: {  	v5 =	vadd.f32 v5, v14;
	v4 =	vmul.f32 v13, v4;
	v17 =	vadd.f32 v19, v17;
	v54 =	vld [tilespmem:s15+$0x6560]  }
0x313: {  	v56 =	vld [tilespmem:s9+$0x9DE0];
	v24 =	vadd.f32 v26, v55;
	v18 =	vadd.f32 v18, v20  }
0x314: {  	v6 =	vmul.f32 v10, v6;
	v4 =	vadd.f32 v4, v5;
	s11 =	sadd.s32 $0x5C0, s9;
	v57 =	vld [tilespmem:s9+$0x6BE0]  }
0x315: {  	v22 =	vadd.f32 v13, v51;
	v58 =	vmul.f32 v10, v7;
	s14 =	sand.u32 $0x7E00, s11;
	v59 =	vld [tilespmem:s15+$0x9660];
	[tilespmem:s7+$0xD960] =	vst v17;
	v18 =	vadd.f32 v18, v24  }
0x316: {  	s18 =	sadd.s32 $0x980, s9;
	v6 =	vmul.f32 v6, v2;
	v4 =	vmul.f32 v4, v3;
	v27 =	vld [tilespmem:s14+$0x6470]  }
0x317: {  	v7 =	vmul.f32 v22, v7;
	v32 =	vmul.f32 v58, v0;
	s15 =	sand.u32 $0x7E00, s18;
	v46 =	vld [tilespmem:s14+$0x6570];
	v61 =	vadd.f32 v53, v52;
	[tilespmem:s7+$0xDA50] =	vst v18  }
0x318: {  	v28 =	vmul.f32 v52, v49;
	v62 =	vadd.f32 v54, v49;
	v21 =	vmul.f32 v53, v54;
	v34 =	vld [tilespmem:s15+$0x64E0]  }
0x319: {  	v7 =	vmul.f32 v7, v1;
	v51 =	vmul.f32 v31, v9;
	v22 =	vadd.f32 v56, v61;
	v35 =	vld [tilespmem:s15+$0x6560]  }
0x31a: {  	v19 =	vmul.f32 v56, v57;
	v21 =	vadd.f32 v21, v28;
	v17 =	vadd.f32 v57, v62;
	v36 =	vld [tilespmem:s15+$0x96E0]  }
0x31b: {  	v33 =	vmul.f32 v59, v48;
	v22 =	vmul.f32 v22, v48;
	v37 =	vld [tilespmem:s15+$0x9760]  }
0x31c: {  	v9 =	vadd.f32 v16, v9;
	v17 =	vmul.f32 v59, v17;
	v19 =	vadd.f32 v19, v21;
	v39 =	vld [tilespmem:s15+$0x6460]  }
0x31d: {  	v18 =	vmul.f32 v33, v0;
	v41 =	vld [tilespmem:s9+$0x9FE0];
	v22 =	vmul.f32 v22, v1  }
0x31e: {  	v9 =	vadd.f32 v12, v9;
	v42 =	vld [tilespmem:s9+$0x6DE0];
	v17 =	vmul.f32 v17, v2;
	v19 =	vmul.f32 v19, v3  }
0x31f: {  	s11 =	sor.u32 $0x1F0, s11;
	v12 =	vmul.f32 v63, v12;
	v40 =	vadd.f32 v60, v31;
	v45 =	vld [tilespmem:s15+$0x9660];
	v38 =	vadd.f32 v22, v18  }
0x320: {  	v50 =	vld [tilespmem:s11+$0x6400];
	v9 =	vmul.f32 v11, v9;
	v17 =	vadd.f32 v19, v17;
	v47 =	vadd.f32 v37, v36  }
0x321: {  	v52 =	vld [tilespmem:s14+$0x96F0];
	v48 =	vmul.f32 v36, v34;
	v49 =	vmul.f32 v37, v35;
	v21 =	vadd.f32 v35, v34  }
0x322: {  	v20 =	vmul.f32 v60, v16;
	v53 =	vld [tilespmem:s14+$0x9770];
	v44 =	vadd.f32 v17, v38;
	v22 =	vadd.f32 v41, v47  }
0x323: {  	v54 =	vld [tilespmem:s14+$0x9670];
	v10 =	vmul.f32 v41, v42;
	v24 =	vadd.f32 v49, v48;
	v21 =	vadd.f32 v42, v21  }
0x324: {  	v4 =	vadd.f32 v4, v6;
	v28 =	vld [tilespmem:s14+$0x64F0];
	s15 =	sadd.s32 $0x7C0, s9;
	v18 =	vmul.f32 v45, v39;
	v22 =	vmul.f32 v22, v39  }
0x325: {  	v43 =	vadd.f32 v63, v40;
	v56 =	vld [tilespmem:s11+$0x9600];
	s18 =	sand.u32 $0x7E00, s15;
	[tilespmem:s7+$0xD9E0] =	vst v44;
	v55 =	vmul.f32 v45, v21;
	v10 =	vadd.f32 v10, v24  }
0x326: {  	v20 =	vadd.f32 v20, v51;
	v18 =	vmul.f32 v18, v0;
	v5 =	vld [tilespmem:s18+$0x6470];
	v57 =	vmul.f32 v22, v1  }
0x327: {  	v7 =	vadd.f32 v7, v32;
	v58 =	vld [tilespmem:s18+$0x64F0];
	v14 =	vmul.f32 v55, v2;
	v10 =	vmul.f32 v10, v3  }
0x328: {  	v13 =	vmul.f32 v43, v8;
	v8 =	vmul.f32 v11, v8;
	v31 =	vadd.f32 v12, v20;
	s14 =	sor.u32 $0x1F0, s15;
	v60 =	vld [tilespmem:s18+$0x6570]  }
0x329: {  	v9 =	vmul.f32 v9, v2;
	v61 =	vld [tilespmem:s14+$0x6400];
	v18 =	vadd.f32 v57, v18;
	v10 =	vadd.f32 v10, v14  }
0x32a: {  	v4 =	vadd.f32 v4, v7;
	v8 =	vmul.f32 v8, v0;
	v13 =	vmul.f32 v13, v1;
	v32 =	vld [tilespmem:s18+$0x96F0]  }
0x32b: {  	v59 =	vadd.f32 v53, v52;
	v11 =	vmul.f32 v31, v3;
	v34 =	vld [tilespmem:s18+$0x9770];
	v10 =	vadd.f32 v10, v18  }
0x32c: {  	v33 =	vmul.f32 v54, v27;
	s9 =	sadd.s32 $0x9C0, s9;
	v8 =	vadd.f32 v13, v8;
	v38 =	vadd.f32 v46, v28;
	v63 =	vld [tilespmem:s18+$0x9670]  }
0x32d: {  	s15 =	sand.u32 $0x7E00, s9;
	v62 =	vadd.f32 v56, v59;
	v9 =	vadd.f32 v11, v9;
	v35 =	vld [tilespmem:s14+$0x9600];
	[tilespmem:s7+$0xDA60] =	vst v10  }
0x32e: {  	v6 =	vmul.f32 v33, v0;
	v40 =	vmul.f32 v52, v28;
	v7 =	vadd.f32 v50, v38;
	v10 =	vld [tilespmem:s15+$0x6470]  }
0x32f: {  	v15 =	vmul.f32 v56, v50;
	v17 =	vmul.f32 v53, v46;
	v8 =	vadd.f32 v9, v8;
	v37 =	vld [tilespmem:s15+$0x64F0]  }
0x330: {  	v7 =	vmul.f32 v54, v7;
	v14 =	vmul.f32 v62, v27;
	v41 =	vadd.f32 v34, v32;
	v39 =	vld [tilespmem:s15+$0x96F0]  }
0x331: {  	v43 =	vadd.f32 v60, v58;
	v12 =	vmul.f32 v32, v58;
	v50 =	vmul.f32 v34, v60;
	v42 =	vld [tilespmem:s15+$0x9770]  }
0x332: {  	s9 =	sor.u32 $0x1F0, s9;
	v36 =	vmul.f32 v14, v1;
	v14 =	vadd.f32 v17, v40;
	v45 =	vadd.f32 v35, v41;
	v44 =	vld [tilespmem:s15+$0x6570]  }
0x333: {  	v53 =	vmul.f32 v35, v61;
	v47 =	vadd.f32 v61, v43;
	v12 =	vadd.f32 v50, v12;
	v46 =	vld [tilespmem:s9+$0x9600]  }
0x334: {  	v14 =	vadd.f32 v15, v14;
	v49 =	vmul.f32 v45, v5;
	v5 =	vmul.f32 v63, v5;
	v48 =	vld [tilespmem:s9+$0x6400]  }
0x335: {  	v7 =	vmul.f32 v7, v2;
	v16 =	vmul.f32 v63, v47;
	v12 =	vadd.f32 v53, v12;
	v51 =	vld [tilespmem:s15+$0x9670]  }
0x336: {  	v14 =	vmul.f32 v14, v3;
	v5 =	vmul.f32 v5, v0;
	v52 =	vadd.f32 v42, v39  }
0x337: {  	v54 =	vadd.f32 v44, v37;
	v11 =	vmul.f32 v39, v37;
	v55 =	vmul.f32 v42, v44  }
0x338: {  	v59 =	vmul.f32 v49, v1;
	v60 =	vmul.f32 v16, v2;
	v56 =	vadd.f32 v46, v52  }
0x339: {  	v58 =	vmul.f32 v46, v48;
	v20 =	vadd.f32 v48, v54;
	v11 =	vadd.f32 v55, v11  }
0x33a: {  	v6 =	vadd.f32 v36, v6;
	v57 =	vmul.f32 v56, v10;
	v10 =	vmul.f32 v51, v10  }
0x33b: {  	v12 =	vmul.f32 v12, v3;
	v18 =	vmul.f32 v51, v20;
	v11 =	vadd.f32 v58, v11  }
0x33c: {  	v7 =	vadd.f32 v14, v7;
	v61 =	vmul.f32 v10, v0;
	v62 =	vmul.f32 v57, v1  }
0x33d: {  	v5 =	vadd.f32 v59, v5;
	v63 =	vmul.f32 v18, v2;
	v11 =	vmul.f32 v11, v3  }
0x33e: {  	p0 =	slt.u32 s21, $0x14;
	v12 =	vadd.f32 v12, v60;
	v6 =	vadd.f32 v7, v6  }
.Ltmp1:
0x33f: {  	[tilespmem:s7+$0xD870] =	vst v4;
	v4 =	vadd.f32 v62, v61;
	v7 =	vadd.f32 v11, v63;
	(pc) =	sbr.rel @p0 .LBB2_5-.Ltmp1, $4  }
0x340: {  	[tilespmem:s7+$0xD8F0] =	vst v8;
	v5 =	vadd.f32 v12, v5  }
0x341: {  	[tilespmem:s7+$0xD970] =	vst v6;
	v4 =	vadd.f32 v7, v4  }
0x342: {  	s18 =	sadd.s32 $0x5, s21;
	[tilespmem:s7+$0xD9F0] =	vst v5  }
0x343: {  	s21 =	smov.u32 s18;
	[tilespmem:s7+$0xDA70] =	vst v4  }
0x344: {  	s2 =	sadd.s32 $0x1, s2  }
0x345: {  	s7 =	smul.u32 $0x6400, s19;
	p0 =	sne.s32 s2, $0x19  }
.Ltmp2:
0x346: {  	_ = 	snop;
	(pc) =	sbr.rel @p0 .LBB2_2-.Ltmp2, $4  }
0x347: {  	s7 =	sadd.s32 s12, s7  }
0x348: {  	s7 =	sshrl.u32 s7, $0x3  }
0x349: {  	s7 =	sadd.s32 s4, s7  }
0x34a: {  	[hbm4b:s7+s25] =	stream.strided.scatter [tilespmem:s30], [sflag:$0x3], $0xC80, s26, s25, $0x38;
	[tilespmem:$0xF800] =	vst v63  }
0x34b: {  	_ =	swait.ge [sflag:s31], $0xC80  }
0x34c: {  	[sflag:s31] =	ssyncset.done $0x0  }
0x34d: {  	[sflag:s31] =	ssyncadd.s32 $0xFFFFF380  }
0x34e: {  	_ =	swait.ge [sflag:s31], $0xC80  }
0x34f: {  	[sflag:s31] =	ssyncset.done $0x0  }
0x350: {  	[sflag:s31] =	ssyncadd.s32 $0xFFFFF380  }
0x351: {  	v0 =	vld [tilespmem:s8+$0xE840]  }
0x352: {  	v1 =	vld [tilespmem:s8+$0xE850]  }
0x353: {  	s2 =	simm.s32 $0x0;
	s7 =	rddreg [dreg:$0x8];
	v2 =	vld [tilespmem:s8+$0xE860]  }
0x354: {  	v3 =	vld [tilespmem:s8+$0xE870];
	[tilespmem:s2], [sflag:$0x1] =	stream.linear.gather [hbm4b:s7+s2], $0x3200, $0x38  }
0x355: {  	s9 =	simm.s32 $0x3200;
	s21 =	rddreg [dreg:$0x9]  }
0x356: {  	[tilespmem:s9], [sflag:$0x1] =	stream.linear.gather [hbm4b:s21+s2], $0x3200, $0x38;
	[tilespmem:$0xF800] =	vst v63  }
.LBB2_8:
0x357: {  	s19 =	sshllo.u32 s2, $0x1  }
0x358: {  	s7 =	smul.u32 $0x3200, s19;
	_ =	sdelay $0x1  }
0x359: {  	s7 =	sadd.s32 s10, s7  }
0x35a: {  	s7 =	sshrl.u32 s7, $0x3  }
0x35b: {  	s9 =	sadd.s32 s1, s7  }
0x35c: {  	[tilespmem:s22], [sflag:$0x2] =	stream.linear.gather [hbm4b:s9+s5], $0x3200, $0x38;
	[tilespmem:$0xF800] =	vst v63  }
0x35d: {  	s7 =	sadd.s32 s3, s7  }
0x35e: {  	[tilespmem:s23], [sflag:$0x2] =	stream.linear.gather [hbm4b:s7+s5], $0x3200, $0x38;
	[tilespmem:$0xF800] =	vst v63  }
0x35f: {  	_ =	swait.ge [sflag:s24], $0x3200  }
0x360: {  	[sflag:s24] =	ssyncset.done $0x0  }
0x361: {  	[sflag:s24] =	ssyncadd.s32 $0xFFFFCE00  }
0x362: {  	_ =	swait.ge [sflag:s24], $0x3200  }
0x363: {  	p0 =	seq.s32 s2, $0x0;
	[sflag:s24] =	ssyncset.done $0x0  }
0x364: {  	s7 =	simm.s32 @!p0 $0x3;
	[sflag:s24] =	ssyncadd.s32 $0xFFFFCE00  }
0x365: {  	_ =	swait.ge @!p0 [sflag:s7], $0xC80  }
0x366: {  	[sflag:s7] =	ssyncset.done @!p0 $0x0  }
0x367: {  	s21 =	simm.s32 $0x0;
	[sflag:s7] =	ssyncadd.s32 @!p0 $0xFFFFF380  }
.LBB2_9:
0x368: {  	s9 =	sshll.u32 s21, $0x9  }
0x369: {  	v4 =	vld [tilespmem:s9+$0x0]  }
0x36a: {  	v5 =	vld [tilespmem:s9+$0x80]  }
0x36b: {  	v6 =	vld [tilespmem:s9+$0x3280]  }
0x36c: {  	v7 =	vld [tilespmem:s9+$0x3300]  }
0x36d: {  	v8 =	vld [tilespmem:s9+$0x100]  }
0x36e: {  	v9 =	vld [tilespmem:s9+$0x3380]  }
0x36f: {  	v10 =	vld [tilespmem:s9+$0x180]  }
0x370: {  	v11 =	vld [tilespmem:s9+$0x3200]  }
0x371: {  	v12 =	vadd.f32 v7, v6  }
0x372: {  	v13 =	vadd.f32 v8, v5;
	v5 =	vmul.f32 v6, v5;
	v55 =	vmul.f32 v7, v8  }
0x373: {  	v56 =	vadd.f32 v9, v12  }
0x374: {  	v58 =	vmul.f32 v9, v10;
	v57 =	vadd.f32 v10, v13;
	v5 =	vadd.f32 v55, v5  }
0x375: {  	v59 =	vmul.f32 v11, v4;
	v4 =	vmul.f32 v56, v4  }
0x376: {  	v60 =	vmul.f32 v11, v57;
	v5 =	vadd.f32 v58, v5  }
0x377: {  	v61 =	vmul.f32 v59, v0;
	v4 =	vmul.f32 v4, v1  }
0x378: {  	v7 =	vmul.f32 v60, v2;
	v5 =	vmul.f32 v5, v3;
	_ =	sdelay $0x1  }
0x379: {  	v4 =	vadd.f32 v4, v61;
	v5 =	vadd.f32 v5, v7;
	_ =	sdelay $0x1  }
0x37a: {  	v4 =	vadd.f32 v5, v4  }
0x37b: {  	s7 =	sshll.u32 s21, $0x7  }
0x37c: {  	[tilespmem:s7+$0xC800] =	vst v4  }
0x37d: {  	v4 =	vld [tilespmem:s9+$0x10]  }
0x37e: {  	v5 =	vld [tilespmem:s9+$0x90]  }
0x37f: {  	v62 =	vld [tilespmem:s9+$0x3290]  }
0x380: {  	v63 =	vld [tilespmem:s9+$0x3310]  }
0x381: {  	v16 =	vld [tilespmem:s9+$0x110]  }
0x382: {  	v17 =	vld [tilespmem:s9+$0x3390]  }
0x383: {  	v18 =	vld [tilespmem:s9+$0x190]  }
0x384: {  	v19 =	vld [tilespmem:s9+$0x3210]  }
0x385: {  	v20 =	vadd.f32 v63, v62  }
0x386: {  	v21 =	vadd.f32 v16, v5;
	v5 =	vmul.f32 v62, v5;
	v22 =	vmul.f32 v63, v16  }
0x387: {  	v23 =	vadd.f32 v17, v20  }
0x388: {  	v25 =	vmul.f32 v17, v18;
	v24 =	vadd.f32 v18, v21;
	v5 =	vadd.f32 v22, v5  }
0x389: {  	v26 =	vmul.f32 v19, v4;
	v4 =	vmul.f32 v23, v4  }
0x38a: {  	v27 =	vmul.f32 v19, v24;
	v5 =	vadd.f32 v25, v5  }
0x38b: {  	v28 =	vmul.f32 v26, v0;
	v4 =	vmul.f32 v4, v1  }
0x38c: {  	v7 =	vmul.f32 v27, v2;
	v5 =	vmul.f32 v5, v3;
	_ =	sdelay $0x1  }
0x38d: {  	v4 =	vadd.f32 v4, v28;
	v5 =	vadd.f32 v5, v7;
	_ =	sdelay $0x1  }
0x38e: {  	v4 =	vadd.f32 v5, v4;
	_ =	sdelay $0x1  }
0x38f: {  	[tilespmem:s7+$0xC810] =	vst v4  }
0x390: {  	v4 =	vld [tilespmem:s9+$0x20]  }
0x391: {  	v5 =	vld [tilespmem:s9+$0xA0]  }
0x392: {  	v29 =	vld [tilespmem:s9+$0x32A0]  }
0x393: {  	v30 =	vld [tilespmem:s9+$0x3320]  }
0x394: {  	v31 =	vld [tilespmem:s9+$0x120]  }
0x395: {  	v32 =	vld [tilespmem:s9+$0x33A0]  }
0x396: {  	v33 =	vld [tilespmem:s9+$0x1A0]  }
0x397: {  	v34 =	vld [tilespmem:s9+$0x3220]  }
0x398: {  	v35 =	vadd.f32 v30, v29  }
0x399: {  	v36 =	vadd.f32 v31, v5;
	v5 =	vmul.f32 v29, v5;
	v37 =	vmul.f32 v30, v31  }
0x39a: {  	v38 =	vadd.f32 v32, v35  }
0x39b: {  	v40 =	vmul.f32 v32, v33;
	v39 =	vadd.f32 v33, v36;
	v5 =	vadd.f32 v37, v5  }
0x39c: {  	v41 =	vmul.f32 v34, v4;
	v4 =	vmul.f32 v38, v4  }
0x39d: {  	v42 =	vmul.f32 v34, v39;
	v5 =	vadd.f32 v40, v5  }
0x39e: {  	v43 =	vmul.f32 v41, v0;
	v4 =	vmul.f32 v4, v1  }
0x39f: {  	v7 =	vmul.f32 v42, v2;
	v5 =	vmul.f32 v5, v3;
	_ =	sdelay $0x1  }
0x3a0: {  	v4 =	vadd.f32 v4, v43;
	v5 =	vadd.f32 v5, v7;
	_ =	sdelay $0x1  }
0x3a1: {  	v4 =	vadd.f32 v5, v4;
	_ =	sdelay $0x1  }
0x3a2: {  	v55 =	vld [tilespmem:s9+$0x280];
	[tilespmem:s7+$0xC820] =	vst v4  }
0x3a3: {  	v4 =	vld [tilespmem:s9+$0x30]  }
0x3a4: {  	v5 =	vld [tilespmem:s9+$0xB0]  }
0x3a5: {  	v44 =	vld [tilespmem:s9+$0x32B0]  }
0x3a6: {  	v45 =	vld [tilespmem:s9+$0x3330]  }
0x3a7: {  	v46 =	vld [tilespmem:s9+$0x130]  }
0x3a8: {  	v47 =	vld [tilespmem:s9+$0x33B0]  }
0x3a9: {  	v48 =	vld [tilespmem:s9+$0x1B0]  }
0x3aa: {  	v49 =	vld [tilespmem:s9+$0x3230]  }
0x3ab: {  	v57 =	vld [tilespmem:s9+$0x3480];
	v50 =	vadd.f32 v45, v44  }
0x3ac: {  	v51 =	vadd.f32 v46, v5;
	v5 =	vmul.f32 v44, v5;
	v52 =	vmul.f32 v45, v46  }
0x3ad: {  	v59 =	vld [tilespmem:s9+$0x3500];
	v54 =	vadd.f32 v47, v50  }
0x3ae: {  	v60 =	vld [tilespmem:s9+$0x300];
	v56 =	vmul.f32 v47, v48;
	v13 =	vadd.f32 v48, v51;
	v5 =	vadd.f32 v52, v5  }
0x3af: {  	v14 =	vld [tilespmem:s9+$0x380];
	v58 =	vmul.f32 v49, v4;
	v4 =	vmul.f32 v54, v4  }
0x3b0: {  	v61 =	vld [tilespmem:s9+$0x3580];
	v9 =	vmul.f32 v57, v55;
	v11 =	vmul.f32 v49, v13;
	v5 =	vadd.f32 v56, v5  }
0x3b1: {  	v10 =	vmul.f32 v58, v0;
	v4 =	vmul.f32 v4, v1  }
0x3b2: {  	v62 =	vld [tilespmem:s9+$0x3400];
	v11 =	vmul.f32 v11, v2;
	v5 =	vmul.f32 v5, v3  }
0x3b3: {  	v53 =	vld [tilespmem:s9+$0x200];
	v15 =	vadd.f32 v60, v55;
	v6 =	vmul.f32 v59, v60;
	v63 =	vadd.f32 v59, v57  }
0x3b4: {  	v4 =	vadd.f32 v4, v10;
	v5 =	vadd.f32 v5, v11  }
0x3b5: {  	v12 =	vadd.f32 v14, v15;
	v6 =	vadd.f32 v6, v9;
	v15 =	vmul.f32 v61, v14  }
0x3b6: {  	v4 =	vadd.f32 v5, v4;
	v5 =	vadd.f32 v61, v63  }
0x3b7: {  	v6 =	vadd.f32 v15, v6;
	v8 =	vmul.f32 v62, v12  }
0x3b8: {  	[tilespmem:s7+$0xC830] =	vst v4;
	v4 =	vmul.f32 v62, v53;
	v5 =	vmul.f32 v5, v53  }
0x3b9: {  	v6 =	vmul.f32 v6, v3;
	v8 =	vmul.f32 v8, v2;
	v16 =	vld [tilespmem:s9+$0x40]  }
0x3ba: {  	v17 =	vld [tilespmem:s9+$0xC0];
	v4 =	vmul.f32 v4, v0;
	v5 =	vmul.f32 v5, v1  }
0x3bb: {  	v18 =	vld [tilespmem:s9+$0x32C0]  }
0x3bc: {  	v19 =	vld [tilespmem:s9+$0x3340];
	v4 =	vadd.f32 v5, v4;
	v5 =	vadd.f32 v6, v8  }
0x3bd: {  	v20 =	vld [tilespmem:s9+$0x140]  }
0x3be: {  	v21 =	vld [tilespmem:s9+$0x33C0];
	v4 =	vadd.f32 v5, v4  }
0x3bf: {  	s11 =	sadd.s32 $0x240, s9;
	v22 =	vld [tilespmem:s9+$0x1C0]  }
0x3c0: {  	s11 =	sand.u32 $0x7E00, s11;
	v5 =	vld [tilespmem:s9+$0x3240];
	[tilespmem:s7+$0xC880] =	vst v4  }
0x3c1: {  	v23 =	vadd.f32 v19, v18;
	v27 =	vld [tilespmem:s11+$0x90]  }
0x3c2: {  	v9 =	vmul.f32 v18, v17;
	v24 =	vmul.f32 v19, v20;
	v4 =	vadd.f32 v20, v17;
	v28 =	vld [tilespmem:s11+$0x3290]  }
0x3c3: {  	v26 =	vadd.f32 v21, v23;
	v31 =	vld [tilespmem:s11+$0x110]  }
0x3c4: {  	v6 =	vmul.f32 v21, v22;
	v9 =	vadd.f32 v24, v9;
	v30 =	vld [tilespmem:s11+$0x3310];
	v4 =	vadd.f32 v22, v4  }
0x3c5: {  	v33 =	vld [tilespmem:s11+$0x3390];
	v7 =	vmul.f32 v26, v16;
	v29 =	vmul.f32 v5, v16  }
0x3c6: {  	v34 =	vld [tilespmem:s11+$0x190];
	v4 =	vmul.f32 v5, v4;
	v5 =	vadd.f32 v6, v9  }
0x3c7: {  	v25 =	vld [tilespmem:s11+$0x10];
	v7 =	vmul.f32 v7, v1;
	v32 =	vmul.f32 v29, v0  }
0x3c8: {  	v35 =	vld [tilespmem:s11+$0x3210];
	v4 =	vmul.f32 v4, v2;
	v5 =	vmul.f32 v5, v3;
	v36 =	vadd.f32 v31, v27  }
0x3c9: {  	v8 =	vmul.f32 v28, v27;
	v6 =	vmul.f32 v30, v31;
	v7 =	vadd.f32 v7, v32  }
0x3ca: {  	v4 =	vadd.f32 v5, v4;
	v5 =	vadd.f32 v30, v28  }
0x3cb: {  	v38 =	vmul.f32 v33, v34;
	v37 =	vadd.f32 v34, v36;
	v6 =	vadd.f32 v6, v8  }
0x3cc: {  	v4 =	vadd.f32 v4, v7;
	v5 =	vadd.f32 v33, v5  }
0x3cd: {  	v39 =	vmul.f32 v35, v25;
	v6 =	vadd.f32 v38, v6  }
0x3ce: {  	v5 =	vmul.f32 v5, v25;
	[tilespmem:s7+$0xC840] =	vst v4;
	v4 =	vmul.f32 v35, v37  }
0x3cf: {  	v41 =	vmul.f32 v39, v0;
	v6 =	vmul.f32 v6, v3;
	v40 =	vld [tilespmem:s9+$0x50]  }
0x3d0: {  	v42 =	vld [tilespmem:s9+$0xD0];
	v5 =	vmul.f32 v5, v1;
	v4 =	vmul.f32 v4, v2  }
0x3d1: {  	v43 =	vld [tilespmem:s9+$0x150]  }
0x3d2: {  	v44 =	vld [tilespmem:s9+$0x32D0];
	v5 =	vadd.f32 v5, v41;
	v4 =	vadd.f32 v6, v4  }
0x3d3: {  	v45 =	vld [tilespmem:s9+$0x3350]  }
0x3d4: {  	v46 =	vld [tilespmem:s9+$0x1D0];
	v4 =	vadd.f32 v4, v5  }
0x3d5: {  	v47 =	vld [tilespmem:s9+$0x3250]  }
0x3d6: {  	v5 =	vld [tilespmem:s9+$0x33D0];
	[tilespmem:s7+$0xC890] =	vst v4  }
0x3d7: {  	s15 =	sadd.s32 $0x280, s9;
	v49 =	vld [tilespmem:s9+$0x2A0]  }
0x3d8: {  	s14 =	sand.u32 $0x7E00, s15;
	v17 =	vadd.f32 v43, v42;
	v50 =	vld [tilespmem:s9+$0x34A0]  }
0x3d9: {  	v16 =	vld [tilespmem:s14+$0x3320]  }
0x3da: {  	s11 =	sor.u32 $0x1A0, s15;
	v17 =	vadd.f32 v46, v17;
	v51 =	vld [tilespmem:s14+$0x120]  }
0x3db: {  	v48 =	vadd.f32 v45, v44;
	v9 =	vmul.f32 v44, v42;
	v6 =	vmul.f32 v45, v43;
	v53 =	vld [tilespmem:s11+$0x3200]  }
0x3dc: {  	v52 =	vmul.f32 v47, v40;
	v54 =	vld [tilespmem:s11+$0x0];
	v12 =	vmul.f32 v47, v17  }
0x3dd: {  	v6 =	vadd.f32 v6, v9;
	v4 =	vld [tilespmem:s14+$0x20];
	v13 =	vadd.f32 v5, v48;
	v5 =	vmul.f32 v5, v46  }
0x3de: {  	v55 =	vmul.f32 v52, v0;
	v56 =	vld [tilespmem:s14+$0x3220];
	v12 =	vmul.f32 v12, v2  }
0x3df: {  	v7 =	vmul.f32 v13, v40;
	v5 =	vadd.f32 v5, v6;
	v57 =	vadd.f32 v16, v50  }
0x3e0: {  	v58 =	vadd.f32 v51, v49;
	v14 =	vmul.f32 v50, v49;
	v10 =	vmul.f32 v16, v51  }
0x3e1: {  	v60 =	vld [tilespmem:s9+$0x480];
	v8 =	vmul.f32 v53, v54;
	v7 =	vmul.f32 v7, v1;
	v6 =	vadd.f32 v53, v57  }
0x3e2: {  	v61 =	vld [tilespmem:s9+$0x3680];
	v5 =	vmul.f32 v5, v3;
	v17 =	vadd.f32 v54, v58;
	v10 =	vadd.f32 v10, v14  }
0x3e3: {  	v63 =	vld [tilespmem:s9+$0x3700];
	v62 =	vmul.f32 v56, v4;
	v7 =	vadd.f32 v7, v55;
	v4 =	vmul.f32 v6, v4  }
0x3e4: {  	v19 =	vld [tilespmem:s9+$0x500];
	v5 =	vadd.f32 v5, v12;
	v18 =	vmul.f32 v56, v17;
	v8 =	vadd.f32 v8, v10  }
0x3e5: {  	v21 =	vld [tilespmem:s9+$0x3780];
	v20 =	vmul.f32 v62, v0;
	v4 =	vmul.f32 v4, v1  }
0x3e6: {  	v22 =	vld [tilespmem:s9+$0x580];
	v5 =	vadd.f32 v5, v7;
	v9 =	vmul.f32 v18, v2;
	v8 =	vmul.f32 v8, v3  }
0x3e7: {  	v59 =	vld [tilespmem:s9+$0x400]  }
0x3e8: {  	v23 =	vld [tilespmem:s9+$0x3600];
	[tilespmem:s7+$0xC850] =	vst v5;
	v4 =	vadd.f32 v4, v20;
	v8 =	vadd.f32 v8, v9  }
0x3e9: {  	v25 =	vadd.f32 v19, v60;
	v13 =	vmul.f32 v61, v60;
	v6 =	vmul.f32 v63, v19;
	v26 =	vld [tilespmem:s9+$0x60]  }
0x3ea: {  	v24 =	vadd.f32 v63, v61;
	v29 =	vld [tilespmem:s9+$0xE0];
	v4 =	vadd.f32 v8, v4  }
0x3eb: {  	s18 =	sadd.s32 $0x2C0, s9;
	v28 =	vmul.f32 v21, v22;
	v27 =	vadd.f32 v22, v25;
	v6 =	vadd.f32 v6, v13;
	v37 =	vld [tilespmem:s9+$0x160]  }
0x3ec: {  	s11 =	sand.u32 $0x7E00, s18;
	v5 =	vadd.f32 v21, v24;
	v18 =	vld [tilespmem:s9+$0x32E0];
	[tilespmem:s7+$0xC8A0] =	vst v4  }
0x3ed: {  	v7 =	vmul.f32 v23, v27;
	v6 =	vadd.f32 v28, v6;
	v30 =	vld [tilespmem:s11+$0x30]  }
0x3ee: {  	v5 =	vmul.f32 v5, v59;
	v4 =	vmul.f32 v23, v59;
	v31 =	vld [tilespmem:s11+$0xB0]  }
0x3ef: {  	v7 =	vmul.f32 v7, v2;
	v6 =	vmul.f32 v6, v3;
	v32 =	vld [tilespmem:s11+$0x32B0]  }
0x3f0: {  	v5 =	vmul.f32 v5, v1;
	v33 =	vld [tilespmem:s11+$0x3330];
	v4 =	vmul.f32 v4, v0  }
0x3f1: {  	v34 =	vld [tilespmem:s11+$0x130]  }
0x3f2: {  	v35 =	vld [tilespmem:s11+$0x33B0];
	v4 =	vadd.f32 v5, v4;
	v5 =	vadd.f32 v6, v7  }
0x3f3: {  	v36 =	vld [tilespmem:s11+$0x1B0]  }
0x3f4: {  	v4 =	vadd.f32 v5, v4;
	v5 =	vld [tilespmem:s11+$0x3230]  }
0x3f5: {  	v19 =	vld [tilespmem:s9+$0x3360];
	v38 =	vadd.f32 v33, v32  }
0x3f6: {  	v52 =	vld [tilespmem:s9+$0x1E0];
	v9 =	vmul.f32 v32, v31;
	v39 =	vmul.f32 v33, v34;
	[tilespmem:s7+$0xC900] =	vst v4;
	v4 =	vadd.f32 v34, v31  }
0x3f7: {  	s14 =	sadd.s32 $0x440, s9;
	v53 =	vld [tilespmem:s9+$0x33E0];
	v41 =	vadd.f32 v35, v38  }
0x3f8: {  	v56 =	vld [tilespmem:s9+$0x3260];
	s11 =	sand.u32 $0x7E00, s14;
	v6 =	vmul.f32 v35, v36;
	v9 =	vadd.f32 v39, v9;
	v4 =	vadd.f32 v36, v4  }
0x3f9: {  	v42 =	vld [tilespmem:s11+$0x90];
	v12 =	vmul.f32 v41, v30;
	v44 =	vmul.f32 v5, v30  }
0x3fa: {  	v43 =	vld [tilespmem:s11+$0x3290];
	v4 =	vmul.f32 v5, v4;
	v5 =	vadd.f32 v6, v9  }
0x3fb: {  	v45 =	vld [tilespmem:s11+$0x3310];
	v48 =	vmul.f32 v12, v1;
	v47 =	vmul.f32 v44, v0  }
0x3fc: {  	v46 =	vld [tilespmem:s11+$0x110];
	v4 =	vmul.f32 v4, v2;
	v5 =	vmul.f32 v5, v3  }
0x3fd: {  	v61 =	vadd.f32 v37, v29;
	v49 =	vld [tilespmem:s11+$0x3390]  }
0x3fe: {  	v50 =	vld [tilespmem:s11+$0x190];
	v9 =	vadd.f32 v48, v47;
	v4 =	vadd.f32 v5, v4  }
0x3ff: {  	v22 =	vadd.f32 v52, v61;
	v61 =	vld [tilespmem:s9+$0x680]  }
0x400: {  	v51 =	vld [tilespmem:s11+$0x3210];
	v4 =	vadd.f32 v4, v9  }
0x401: {  	s15 =	sadd.s32 $0x300, s9;
	v40 =	vld [tilespmem:s11+$0x10];
	v20 =	vadd.f32 v46, v42;
	v7 =	vmul.f32 v43, v42;
	v6 =	vmul.f32 v45, v46  }
0x402: {  	s18 =	sand.u32 $0x7E00, s15;
	v8 =	vmul.f32 v56, v22;
	v22 =	vld [tilespmem:s9+$0x3980];
	v5 =	vadd.f32 v45, v43;
	[tilespmem:s7+$0xC8B0] =	vst v4  }
0x403: {  	v55 =	vmul.f32 v49, v50;
	v54 =	vadd.f32 v50, v20;
	v6 =	vadd.f32 v6, v7;
	v57 =	vld [tilespmem:s18+$0x40]  }
0x404: {  	v5 =	vadd.f32 v49, v5;
	v59 =	vld [tilespmem:s18+$0xC0]  }
0x405: {  	v58 =	vadd.f32 v19, v18;
	v10 =	vmul.f32 v51, v54;
	v6 =	vadd.f32 v55, v6;
	v60 =	vld [tilespmem:s18+$0x32C0]  }
0x406: {  	v4 =	vmul.f32 v51, v40;
	v5 =	vmul.f32 v5, v40;
	v62 =	vld [tilespmem:s9+$0x3540]  }
0x407: {  	s11 =	sor.u32 $0x1C0, s15;
	v7 =	vadd.f32 v53, v58;
	v10 =	vmul.f32 v10, v2;
	v6 =	vmul.f32 v6, v3;
	v63 =	vld [tilespmem:s9+$0x340]  }
0x408: {  	v23 =	vld [tilespmem:s11+$0x3200];
	v4 =	vmul.f32 v4, v0;
	v5 =	vmul.f32 v5, v1  }
0x409: {  	v21 =	vmul.f32 v56, v26;
	v7 =	vmul.f32 v7, v26;
	v26 =	vld [tilespmem:s18+$0x3240]  }
0x40a: {  	v11 =	vmul.f32 v18, v29;
	v24 =	vld [tilespmem:s11+$0x0];
	v4 =	vadd.f32 v5, v4;
	v5 =	vadd.f32 v6, v10  }
0x40b: {  	v15 =	vmul.f32 v19, v37;
	v27 =	vadd.f32 v62, v60;
	v28 =	vmul.f32 v60, v59;
	v60 =	vld [tilespmem:s9+$0x600]  }
0x40c: {  	v4 =	vadd.f32 v5, v4;
	v29 =	vmul.f32 v62, v63;
	v62 =	vld [tilespmem:s9+$0x3880]  }
0x40d: {  	v11 =	vadd.f32 v15, v11;
	v9 =	vmul.f32 v53, v52;
	v5 =	vmul.f32 v21, v0;
	v21 =	vld [tilespmem:s9+$0x700]  }
0x40e: {  	v33 =	vmul.f32 v26, v57;
	[tilespmem:s7+$0xC910] =	vst v4;
	v4 =	vadd.f32 v63, v59;
	v63 =	vld [tilespmem:s9+$0x3900]  }
0x40f: {  	v9 =	vadd.f32 v9, v11;
	v10 =	vmul.f32 v23, v24;
	v11 =	vadd.f32 v23, v27;
	v23 =	vld [tilespmem:s9+$0x780]  }
0x410: {  	s15 =	sadd.s32 $0x480, s9;
	v37 =	vmul.f32 v33, v0;
	v33 =	vld [tilespmem:s9+$0x800]  }
0x411: {  	s18 =	sand.u32 $0x7E00, s15;
	v12 =	vadd.f32 v29, v28;
	v29 =	vld [tilespmem:s9+$0x880]  }
0x412: {  	v30 =	vld [tilespmem:s18+$0x20]  }
0x413: {  	v8 =	vmul.f32 v8, v2;
	v31 =	vld [tilespmem:s9+$0x4A0]  }
0x414: {  	v25 =	vmul.f32 v7, v1;
	v9 =	vmul.f32 v9, v3;
	v32 =	vld [tilespmem:s9+$0x36A0]  }
0x415: {  	v34 =	vld [tilespmem:s18+$0x3320]  }
0x416: {  	s11 =	sor.u32 $0x1A0, s15;
	v8 =	vadd.f32 v9, v8;
	v5 =	vadd.f32 v25, v5;
	v36 =	vld [tilespmem:s18+$0x120]  }
0x417: {  	v39 =	vld [tilespmem:s11+$0x3200]  }
0x418: {  	v40 =	vld [tilespmem:s11+$0x0];
	v4 =	vadd.f32 v24, v4;
	v11 =	vmul.f32 v11, v57;
	v5 =	vadd.f32 v8, v5  }
0x419: {  	v42 =	vld [tilespmem:s18+$0x3220]  }
0x41a: {  	v35 =	vadd.f32 v10, v12;
	v24 =	vld [tilespmem:s9+$0x3800];
	v4 =	vmul.f32 v26, v4;
	v38 =	vmul.f32 v11, v1;
	[tilespmem:s7+$0xC860] =	vst v5  }
0x41b: {  	v7 =	vld [tilespmem:s9+$0x70]  }
0x41c: {  	v6 =	vmul.f32 v35, v3;
	v4 =	vmul.f32 v4, v2;
	v41 =	vadd.f32 v38, v37;
	v37 =	vld [tilespmem:s9+$0x3A80]  }
0x41d: {  	v5 =	vadd.f32 v36, v31;
	v44 =	vmul.f32 v32, v31;
	v31 =	vld [tilespmem:s9+$0x980]  }
0x41e: {  	v13 =	vmul.f32 v34, v36;
	v4 =	vadd.f32 v6, v4;
	v6 =	vld [tilespmem:s9+$0xF0]  }
0x41f: {  	v43 =	vadd.f32 v34, v32;
	v45 =	vadd.f32 v40, v5;
	v5 =	vld [tilespmem:s9+$0x170]  }
0x420: {  	v11 =	vmul.f32 v39, v40;
	v10 =	vadd.f32 v13, v44;
	v40 =	vld [tilespmem:s9+$0x900]  }
0x421: {  	v18 =	vmul.f32 v62, v61;
	v8 =	vadd.f32 v4, v41;
	v4 =	vadd.f32 v39, v43;
	v39 =	vld [tilespmem:s9+$0x3B00]  }
0x422: {  	s14 =	sadd.s32 $0x340, s9;
	v28 =	vadd.f32 v21, v61;
	v46 =	vmul.f32 v42, v30;
	v48 =	vmul.f32 v42, v45;
	v42 =	vld [tilespmem:s9+$0x3B80]  }
0x423: {  	s18 =	sand.u32 $0x7E00, s14;
	v32 =	vmul.f32 v63, v21;
	v49 =	vadd.f32 v11, v10;
	v43 =	vld [tilespmem:s9+$0x3A00];
	v47 =	vmul.f32 v4, v30;
	[tilespmem:s7+$0xC8C0] =	vst v8  }
0x424: {  	v27 =	vadd.f32 v63, v62;
	v51 =	vmul.f32 v46, v0;
	v8 =	vmul.f32 v48, v2;
	v50 =	vld [tilespmem:s18+$0x50]  }
0x425: {  	s15 =	sor.u32 $0x150, s14;
	v28 =	vadd.f32 v23, v28;
	v9 =	vmul.f32 v49, v3;
	v53 =	vld [tilespmem:s18+$0xD0];
	v52 =	vmul.f32 v47, v1  }
0x426: {  	s11 =	sor.u32 $0x1D0, s14;
	v36 =	vmul.f32 v22, v23;
	v27 =	vadd.f32 v22, v27;
	v18 =	vadd.f32 v32, v18;
	v54 =	vld [tilespmem:s15+$0x0]  }
0x427: {  	v55 =	vld [tilespmem:s11+$0x0];
	v8 =	vadd.f32 v9, v8;
	v11 =	vadd.f32 v52, v51  }
0x428: {  	v17 =	vmul.f32 v27, v60;
	v18 =	vadd.f32 v36, v18;
	v56 =	vld [tilespmem:s18+$0x3250]  }
0x429: {  	v30 =	vmul.f32 v24, v60;
	v24 =	vmul.f32 v24, v28;
	v57 =	vld [tilespmem:s18+$0x32D0];
	v8 =	vadd.f32 v8, v11  }
0x42a: {  	v17 =	vmul.f32 v17, v1;
	v18 =	vmul.f32 v18, v3;
	v58 =	vld [tilespmem:s15+$0x3200];
	s15 =	sadd.s32 $0x4C0, s9  }
0x42b: {  	v59 =	vld [tilespmem:s11+$0x3200];
	s11 =	sand.u32 $0x7E00, s15;
	v41 =	vmul.f32 v30, v0;
	v24 =	vmul.f32 v24, v2;
	[tilespmem:s7+$0xC920] =	vst v8  }
0x42c: {  	v45 =	vadd.f32 v40, v29;
	v44 =	vadd.f32 v39, v37;
	v8 =	vld [tilespmem:s11+$0x30]  }
0x42d: {  	v22 =	vmul.f32 v37, v29;
	v17 =	vadd.f32 v17, v41;
	v18 =	vadd.f32 v18, v24;
	v26 =	vld [tilespmem:s11+$0xB0]  }
0x42e: {  	v19 =	vmul.f32 v39, v40;
	v49 =	vadd.f32 v31, v45;
	v51 =	vmul.f32 v43, v33;
	v13 =	vld [tilespmem:s11+$0x130]  }
0x42f: {  	v25 =	vmul.f32 v56, v50;
	v35 =	vadd.f32 v58, v57;
	v17 =	vadd.f32 v18, v17;
	v46 =	vld [tilespmem:s11+$0x3230]  }
0x430: {  	s18 =	sadd.s32 $0x640, s9;
	v38 =	vadd.f32 v54, v53;
	v12 =	vmul.f32 v57, v53;
	v11 =	vmul.f32 v58, v54;
	v48 =	vld [tilespmem:s11+$0x32B0]  }
0x431: {  	s14 =	sand.u32 $0x7E00, s18;
	v47 =	vadd.f32 v42, v44;
	v34 =	vmul.f32 v25, v0;
	v25 =	vadd.f32 v59, v35;
	[tilespmem:s7+$0xC980] =	vst v17;
	v28 =	vld [tilespmem:s11+$0x3330]  }
0x432: {  	v15 =	vmul.f32 v59, v55;
	v23 =	vadd.f32 v55, v38;
	v11 =	vadd.f32 v11, v12;
	v53 =	vld [tilespmem:s14+$0x10]  }
0x433: {  	v54 =	vmul.f32 v43, v49;
	v55 =	vld [tilespmem:s14+$0x90];
	v10 =	vmul.f32 v25, v50  }
0x434: {  	v52 =	vmul.f32 v47, v33;
	v57 =	vld [tilespmem:s14+$0x3310];
	v9 =	vmul.f32 v56, v23;
	v11 =	vadd.f32 v15, v11  }
0x435: {  	v19 =	vadd.f32 v19, v22;
	v58 =	vld [tilespmem:s14+$0x110];
	v50 =	vmul.f32 v42, v31;
	v10 =	vmul.f32 v10, v1  }
0x436: {  	v63 =	vld [tilespmem:s11+$0x33B0];
	v9 =	vmul.f32 v9, v2;
	v11 =	vmul.f32 v11, v3  }
0x437: {  	v12 =	vmul.f32 v51, v0;
	v17 =	vmul.f32 v52, v1;
	v60 =	vld [tilespmem:s14+$0x3390];
	v19 =	vadd.f32 v50, v19  }
0x438: {  	v18 =	vmul.f32 v54, v2;
	v61 =	vld [tilespmem:s14+$0x190];
	v10 =	vadd.f32 v10, v34;
	v9 =	vadd.f32 v11, v9  }
0x439: {  	v56 =	vld [tilespmem:s14+$0x3290];
	v12 =	vadd.f32 v17, v12;
	v19 =	vmul.f32 v19, v3;
	v34 =	vadd.f32 v28, v48  }
0x43a: {  	s15 =	sadd.s32 $0x840, s9;
	v25 =	vld [tilespmem:s11+$0x1B0];
	v31 =	vadd.f32 v58, v55;
	v9 =	vadd.f32 v9, v10  }
0x43b: {  	s18 =	sand.u32 $0x7E00, s15;
	s15 =	sadd.s32 $0x380, s9;
	v62 =	vld [tilespmem:s14+$0x3210];
	v29 =	vmul.f32 v46, v8;
	v59 =	vadd.f32 v19, v18;
	v23 =	vadd.f32 v63, v34  }
0x43c: {  	v4 =	vld [tilespmem:s9+$0x1F0];
	s14 =	sand.u32 $0x7E00, s15;
	v32 =	vmul.f32 v57, v58;
	v37 =	vadd.f32 v13, v26;
	v47 =	vmul.f32 v48, v26;
	[tilespmem:s7+$0xC8D0] =	vst v9  }
0x43d: {  	v13 =	vmul.f32 v28, v13;
	v12 =	vadd.f32 v59, v12;
	v23 =	vmul.f32 v23, v8;
	v8 =	vld [tilespmem:s14+$0x60]  }
0x43e: {  	v11 =	vmul.f32 v60, v61;
	v30 =	vadd.f32 v57, v56;
	v15 =	vmul.f32 v56, v55;
	v9 =	vld [tilespmem:s14+$0x3260]  }
0x43f: {  	v41 =	vadd.f32 v25, v37;
	v13 =	vadd.f32 v13, v47;
	v10 =	vmul.f32 v63, v25;
	v17 =	vld [tilespmem:s14+$0x32E0];
	[tilespmem:s7+$0xCA00] =	vst v12  }
0x440: {  	v38 =	vmul.f32 v62, v53;
	v19 =	vmul.f32 v29, v0;
	v21 =	vadd.f32 v60, v30;
	v33 =	vld [tilespmem:s18+$0x10]  }
0x441: {  	v15 =	vadd.f32 v32, v15;
	v14 =	vmul.f32 v46, v41;
	v10 =	vadd.f32 v10, v13;
	v35 =	vld [tilespmem:s18+$0x90]  }
0x442: {  	v16 =	vmul.f32 v21, v53;
	v12 =	vadd.f32 v61, v31;
	v23 =	vmul.f32 v23, v1;
	v36 =	vld [tilespmem:s18+$0x3290]  }
0x443: {  	v14 =	vmul.f32 v14, v2;
	v10 =	vmul.f32 v10, v3;
	v39 =	vld [tilespmem:s18+$0x3310]  }
0x444: {  	v42 =	vmul.f32 v38, v0;
	v11 =	vadd.f32 v11, v15;
	v40 =	vld [tilespmem:s18+$0x110];
	v12 =	vmul.f32 v62, v12  }
0x445: {  	v16 =	vmul.f32 v16, v1;
	v43 =	vld [tilespmem:s18+$0x3390];
	v19 =	vadd.f32 v23, v19;
	v10 =	vadd.f32 v10, v14  }
0x446: {  	v11 =	vmul.f32 v11, v3;
	v44 =	vld [tilespmem:s18+$0x190];
	v12 =	vmul.f32 v12, v2  }
0x447: {  	v46 =	vld [tilespmem:s18+$0x3210];
	v45 =	vadd.f32 v16, v42;
	v10 =	vadd.f32 v10, v19  }
0x448: {  	v31 =	vld [tilespmem:s9+$0x3E0];
	v48 =	vadd.f32 v11, v12;
	v49 =	vadd.f32 v39, v36  }
0x449: {  	v16 =	vld [tilespmem:s14+$0x3360];
	v50 =	vadd.f32 v40, v35;
	v18 =	vmul.f32 v36, v35;
	v15 =	vmul.f32 v39, v40  }
0x44a: {  	v11 =	vld [tilespmem:s14+$0xE0];
	v51 =	vadd.f32 v48, v45;
	v24 =	vadd.f32 v43, v49  }
0x44b: {  	s18 =	sadd.s32 $0x680, s9;
	v12 =	vld [tilespmem:s14+$0x160];
	v52 =	vmul.f32 v43, v44;
	[tilespmem:s7+$0xC930] =	vst v10;
	v26 =	vadd.f32 v44, v50;
	v15 =	vadd.f32 v15, v18  }
0x44c: {  	s15 =	sand.u32 $0x7E00, s18;
	v53 =	vmul.f32 v46, v33;
	v44 =	vld [tilespmem:s9+$0x540];
	v22 =	vmul.f32 v24, v33;
	[tilespmem:s7+$0xC990] =	vst v51  }
0x44d: {  	v20 =	vmul.f32 v46, v26;
	v15 =	vadd.f32 v52, v15;
	v54 =	vld [tilespmem:s15+$0x20]  }
0x44e: {  	v55 =	vmul.f32 v53, v0;
	v56 =	vld [tilespmem:s9+$0x6A0];
	v22 =	vmul.f32 v22, v1  }
0x44f: {  	v58 =	vld [tilespmem:s9+$0x38A0];
	v20 =	vmul.f32 v20, v2;
	v15 =	vmul.f32 v15, v3  }
0x450: {  	v59 =	vld [tilespmem:s15+$0x3320]  }
0x451: {  	s11 =	sor.u32 $0x1A0, s18;
	v57 =	vld [tilespmem:s15+$0x120];
	v21 =	vadd.f32 v22, v55;
	v15 =	vadd.f32 v15, v20  }
0x452: {  	v61 =	vld [tilespmem:s11+$0x3200]  }
0x453: {  	v60 =	vld [tilespmem:s11+$0x0];
	v15 =	vadd.f32 v15, v21  }
0x454: {  	s11 =	sadd.s32 $0x880, s9;
	v62 =	vld [tilespmem:s15+$0x3220]  }
0x455: {  	v50 =	vld [tilespmem:s9+$0x3740];
	s18 =	sor.u32 $0x1A0, s11;
	v32 =	vadd.f32 v59, v58;
	[tilespmem:s7+$0xCA10] =	vst v15  }
0x456: {  	v34 =	vadd.f32 v57, v56;
	v13 =	vmul.f32 v58, v56;
	v20 =	vmul.f32 v59, v57;
	v15 =	vld [tilespmem:s18+$0x0]  }
0x457: {  	v22 =	vadd.f32 v61, v32;
	v35 =	vld [tilespmem:s9+$0x8A0]  }
0x458: {  	s11 =	sand.u32 $0x7E00, s11;
	v14 =	vmul.f32 v61, v60;
	v36 =	vadd.f32 v60, v34;
	v13 =	vadd.f32 v20, v13;
	v37 =	vld [tilespmem:s9+$0x3AA0]  }
0x459: {  	v38 =	vmul.f32 v62, v54;
	v39 =	vld [tilespmem:s11+$0x3320];
	v18 =	vmul.f32 v22, v54  }
0x45a: {  	v40 =	vld [tilespmem:s11+$0x120];
	v19 =	vmul.f32 v62, v36;
	v13 =	vadd.f32 v14, v13  }
0x45b: {  	v21 =	vmul.f32 v38, v0;
	v63 =	vld [tilespmem:s18+$0x3200];
	v18 =	vmul.f32 v18, v1  }
0x45c: {  	s15 =	sadd.s32 $0x500, s9;
	v42 =	vld [tilespmem:s11+$0x20];
	v19 =	vmul.f32 v19, v2;
	v13 =	vmul.f32 v13, v3  }
0x45d: {  	s18 =	sand.u32 $0x7E00, s15;
	v43 =	vld [tilespmem:s11+$0x3220];
	v18 =	vadd.f32 v18, v21  }
0x45e: {  	v33 =	vld [tilespmem:s18+$0x40];
	v13 =	vadd.f32 v13, v19;
	v45 =	vadd.f32 v39, v37  }
0x45f: {  	s15 =	sor.u32 $0x1C0, s15;
	v41 =	vld [tilespmem:s18+$0xC0];
	v47 =	vadd.f32 v40, v35;
	v20 =	vmul.f32 v37, v35;
	v14 =	vmul.f32 v39, v40  }
0x460: {  	v46 =	vld [tilespmem:s15+$0x0];
	v13 =	vadd.f32 v13, v18;
	v49 =	vadd.f32 v63, v45  }
0x461: {  	v48 =	vld [tilespmem:s18+$0x32C0];
	v10 =	vmul.f32 v63, v15;
	v51 =	vadd.f32 v15, v47;
	v14 =	vadd.f32 v14, v20  }
0x462: {  	v52 =	vld [tilespmem:s18+$0x3240];
	s18 =	sadd.s32 $0x6C0, s9;
	v53 =	vmul.f32 v43, v42;
	v18 =	vmul.f32 v49, v42  }
0x463: {  	v54 =	vld [tilespmem:s15+$0x3200];
	s14 =	sand.u32 $0x7E00, s18;
	[tilespmem:s7+$0xC9A0] =	vst v13;
	v55 =	vmul.f32 v43, v51;
	v10 =	vadd.f32 v10, v14  }
0x464: {  	v20 =	vmul.f32 v53, v0;
	v14 =	vld [tilespmem:s14+$0x30];
	v18 =	vmul.f32 v18, v1  }
0x465: {  	v56 =	vld [tilespmem:s14+$0xB0];
	v13 =	vmul.f32 v55, v2;
	v10 =	vmul.f32 v10, v3  }
0x466: {  	v59 =	vld [tilespmem:s14+$0x130]  }
0x467: {  	v60 =	vld [tilespmem:s14+$0x1B0];
	v18 =	vadd.f32 v18, v20;
	v10 =	vadd.f32 v10, v13  }
0x468: {  	v19 =	vmul.f32 v50, v44;
	v58 =	vadd.f32 v44, v41;
	v63 =	vld [tilespmem:s14+$0x3230]  }
0x469: {  	v57 =	vadd.f32 v50, v48;
	v22 =	vmul.f32 v48, v41;
	v36 =	vld [tilespmem:s14+$0x32B0];
	v10 =	vadd.f32 v10, v18  }
0x46a: {  	s15 =	sadd.s32 $0x8C0, s9;
	v62 =	vadd.f32 v46, v58;
	v38 =	vld [tilespmem:s14+$0x3330]  }
0x46b: {  	s18 =	sand.u32 $0x7E00, s15;
	v35 =	vmul.f32 v54, v46;
	v61 =	vadd.f32 v54, v57;
	v19 =	vadd.f32 v19, v22;
	v39 =	vld [tilespmem:s14+$0x33B0];
	[tilespmem:s7+$0xCA20] =	vst v10  }
0x46c: {  	v37 =	vmul.f32 v52, v33;
	v15 =	vmul.f32 v52, v62;
	v41 =	vld [tilespmem:s18+$0x30]  }
0x46d: {  	v19 =	vadd.f32 v35, v19;
	v13 =	vmul.f32 v61, v33;
	v42 =	vld [tilespmem:s18+$0xB0]  }
0x46e: {  	v40 =	vmul.f32 v37, v0;
	v15 =	vmul.f32 v15, v2;
	v43 =	vld [tilespmem:s18+$0x130]  }
0x46f: {  	v19 =	vmul.f32 v19, v3;
	v13 =	vmul.f32 v13, v1;
	v45 =	vld [tilespmem:s18+$0x1B0]  }
0x470: {  	v48 =	vadd.f32 v38, v36;
	v51 =	vmul.f32 v36, v56;
	v52 =	vmul.f32 v38, v59;
	v46 =	vld [tilespmem:s18+$0x3230]  }
0x471: {  	v44 =	vadd.f32 v19, v15;
	v10 =	vadd.f32 v13, v40;
	v47 =	vld [tilespmem:s18+$0x32B0]  }
0x472: {  	v20 =	vmul.f32 v39, v60;
	v13 =	vadd.f32 v39, v48;
	v15 =	vadd.f32 v52, v51;
	v49 =	vld [tilespmem:s18+$0x3330]  }
0x473: {  	v50 =	vadd.f32 v59, v56;
	v53 =	vld [tilespmem:s18+$0x33B0];
	v10 =	vadd.f32 v44, v10  }
0x474: {  	v56 =	vmul.f32 v63, v14;
	v13 =	vmul.f32 v13, v14;
	v14 =	vld [tilespmem:s9+$0x32F0];
	v15 =	vadd.f32 v20, v15  }
0x475: {  	s14 =	sadd.s32 $0x540, s9;
	v32 =	vadd.f32 v60, v50;
	[tilespmem:s7+$0xC940] =	vst v10;
	v10 =	vld [tilespmem:s9+$0x3270]  }
0x476: {  	s15 =	sand.u32 $0x7E00, s14;
	v59 =	vmul.f32 v15, v3;
	v15 =	vld [tilespmem:s9+$0x3370]  }
0x477: {  	s18 =	sor.u32 $0x150, s14;
	v24 =	vmul.f32 v63, v32;
	v54 =	vld [tilespmem:s15+$0x32D0]  }
0x478: {  	v21 =	vmul.f32 v56, v0;
	v13 =	vmul.f32 v13, v1;
	v55 =	vld [tilespmem:s18+$0x3200]  }
0x479: {  	v24 =	vmul.f32 v24, v2;
	v57 =	vld [tilespmem:s15+$0x50]  }
0x47a: {  	s14 =	sor.u32 $0x1D0, s14;
	v58 =	vld [tilespmem:s15+$0x3250];
	v21 =	vadd.f32 v13, v21  }
0x47b: {  	v33 =	vld [tilespmem:s14+$0x3200];
	v24 =	vadd.f32 v59, v24;
	v60 =	vadd.f32 v49, v47  }
0x47c: {  	v62 =	vld [tilespmem:s15+$0xD0];
	v30 =	vmul.f32 v47, v42;
	v22 =	vadd.f32 v43, v42;
	v28 =	vmul.f32 v49, v43  }
0x47d: {  	v63 =	vld [tilespmem:s18+$0x0];
	v21 =	vadd.f32 v24, v21;
	v61 =	vadd.f32 v53, v60  }
0x47e: {  	v37 =	vld [tilespmem:s14+$0x0];
	v19 =	vmul.f32 v53, v45;
	v22 =	vadd.f32 v45, v22;
	v28 =	vadd.f32 v28, v30  }
0x47f: {  	s15 =	sadd.s32 $0x700, s9;
	v13 =	vld [tilespmem:s9+$0x33F0];
	v18 =	vmul.f32 v46, v41;
	v24 =	vmul.f32 v61, v41  }
0x480: {  	s18 =	sand.u32 $0x7E00, s15;
	v49 =	vld [tilespmem:s9+$0x35E0];
	[tilespmem:s7+$0xC9B0] =	vst v21;
	v22 =	vmul.f32 v46, v22;
	v19 =	vadd.f32 v19, v28  }
0x481: {  	v18 =	vmul.f32 v18, v0;
	v38 =	vld [tilespmem:s18+$0x40];
	v24 =	vmul.f32 v24, v1  }
0x482: {  	v34 =	vadd.f32 v55, v54;
	v39 =	vld [tilespmem:s18+$0xC0];
	v22 =	vmul.f32 v22, v2;
	v19 =	vmul.f32 v19, v3  }
0x483: {  	v25 =	vmul.f32 v54, v62;
	v32 =	vadd.f32 v63, v62;
	v26 =	vmul.f32 v55, v63;
	v40 =	vld [tilespmem:s18+$0x32C0]  }
0x484: {  	v41 =	vld [tilespmem:s9+$0x3940];
	v18 =	vadd.f32 v24, v18;
	v19 =	vadd.f32 v19, v22  }
0x485: {  	s11 =	sor.u32 $0x1C0, s15;
	v42 =	vld [tilespmem:s9+$0x740];
	v34 =	vadd.f32 v33, v34;
	v43 =	vadd.f32 v26, v25  }
0x486: {  	v21 =	vmul.f32 v33, v37;
	v44 =	vld [tilespmem:s11+$0x3200];
	v45 =	vadd.f32 v37, v32;
	v18 =	vadd.f32 v19, v18  }
0x487: {  	s15 =	sadd.s32 $0x900, s9;
	v36 =	vmul.f32 v58, v57;
	v46 =	vld [tilespmem:s11+$0x0];
	v20 =	vmul.f32 v34, v57  }
0x488: {  	s14 =	sand.u32 $0x7E00, s15;
	v48 =	vld [tilespmem:s18+$0x3240];
	v26 =	vmul.f32 v58, v45;
	v21 =	vadd.f32 v21, v43;
	[tilespmem:s7+$0xCA30] =	vst v18  }
0x489: {  	v23 =	vmul.f32 v36, v0;
	v20 =	vmul.f32 v20, v1;
	v50 =	vadd.f32 v41, v40;
	v53 =	vld [tilespmem:s14+$0x40]  }
0x48a: {  	v51 =	vadd.f32 v42, v39;
	v26 =	vmul.f32 v26, v2;
	v21 =	vmul.f32 v21, v3;
	v54 =	vld [tilespmem:s14+$0xC0]  }
0x48b: {  	v52 =	vmul.f32 v40, v39;
	v22 =	vmul.f32 v41, v42;
	v47 =	vadd.f32 v20, v23;
	v55 =	vld [tilespmem:s14+$0x32C0]  }
0x48c: {  	v24 =	vadd.f32 v44, v50;
	v21 =	vadd.f32 v21, v26;
	v57 =	vld [tilespmem:s9+$0x3B40]  }
0x48d: {  	s11 =	sor.u32 $0x1C0, s15;
	v25 =	vmul.f32 v44, v46;
	v18 =	vadd.f32 v46, v51;
	v22 =	vadd.f32 v22, v52;
	v59 =	vld [tilespmem:s9+$0x940]  }
0x48e: {  	v56 =	vmul.f32 v48, v38;
	v61 =	vld [tilespmem:s11+$0x3200];
	v24 =	vmul.f32 v24, v38;
	v19 =	vadd.f32 v21, v47  }
0x48f: {  	s18 =	sadd.s32 $0x580, s9;
	v40 =	vmul.f32 v17, v11;
	v62 =	vld [tilespmem:s11+$0x0];
	v18 =	vmul.f32 v48, v18;
	v58 =	vadd.f32 v25, v22  }
0x490: {  	s18 =	sand.u32 $0x7E00, s18;
	v17 =	vadd.f32 v16, v17;
	v60 =	vmul.f32 v56, v0;
	v36 =	vld [tilespmem:s14+$0x3240];
	v24 =	vmul.f32 v24, v1;
	[tilespmem:s7+$0xC950] =	vst v19  }
0x491: {  	v11 =	vadd.f32 v12, v11;
	v18 =	vmul.f32 v18, v2;
	v20 =	vmul.f32 v58, v3;
	v32 =	vld [tilespmem:s18+$0x60]  }
0x492: {  	v37 =	vmul.f32 v9, v8;
	v17 =	vadd.f32 v49, v17;
	v39 =	vld [tilespmem:s18+$0xE0];
	v63 =	vadd.f32 v24, v60  }
0x493: {  	v16 =	vmul.f32 v16, v12;
	v41 =	vld [tilespmem:s18+$0x160];
	v18 =	vadd.f32 v20, v18;
	v38 =	vadd.f32 v57, v55  }
0x494: {  	v42 =	vld [tilespmem:s18+$0x32E0];
	v27 =	vmul.f32 v55, v54;
	v29 =	vadd.f32 v59, v54;
	v22 =	vmul.f32 v57, v59  }
0x495: {  	v23 =	vmul.f32 v49, v31;
	v44 =	vld [tilespmem:s18+$0x3360];
	v18 =	vadd.f32 v18, v63;
	v20 =	vadd.f32 v61, v38  }
0x496: {  	v35 =	vld [tilespmem:s9+$0x5E0];
	v25 =	vmul.f32 v61, v62;
	v22 =	vadd.f32 v22, v27;
	v29 =	vadd.f32 v62, v29  }
0x497: {  	s15 =	sadd.s32 $0x740, s9;
	v11 =	vadd.f32 v31, v11;
	v28 =	vmul.f32 v36, v53;
	v27 =	vld [tilespmem:s18+$0x3260];
	v20 =	vmul.f32 v20, v53  }
0x498: {  	s11 =	sand.u32 $0x7E00, s15;
	v8 =	vmul.f32 v17, v8;
	v61 =	vld [tilespmem:s9+$0x37E0];
	[tilespmem:s7+$0xC9C0] =	vst v18;
	v43 =	vmul.f32 v36, v29;
	v22 =	vadd.f32 v25, v22  }
0x499: {  	v16 =	vadd.f32 v16, v40;
	v46 =	vmul.f32 v28, v0;
	v45 =	vld [tilespmem:s11+$0x50];
	v20 =	vmul.f32 v20, v1  }
0x49a: {  	s18 =	sor.u32 $0x150, s15;
	v47 =	vld [tilespmem:s11+$0xD0];
	v18 =	vmul.f32 v43, v2;
	v22 =	vmul.f32 v22, v3  }
0x49b: {  	v52 =	vmul.f32 v37, v0;
	s14 =	sor.u32 $0x1D0, s15;
	v9 =	vmul.f32 v9, v11;
	v50 =	vadd.f32 v23, v16;
	v48 =	vld [tilespmem:s18+$0x0]  }
0x49c: {  	v8 =	vmul.f32 v8, v1;
	v49 =	vld [tilespmem:s14+$0x0];
	v20 =	vadd.f32 v20, v46;
	v18 =	vadd.f32 v22, v18  }
0x49d: {  	v9 =	vmul.f32 v9, v2;
	v11 =	vmul.f32 v50, v3;
	v51 =	vld [tilespmem:s11+$0x32D0]  }
0x49e: {  	v53 =	vld [tilespmem:s18+$0x3200];
	v18 =	vadd.f32 v18, v20  }
0x49f: {  	v8 =	vadd.f32 v8, v52;
	v9 =	vadd.f32 v11, v9;
	s15 =	sadd.s32 $0x940, s9;
	v54 =	vld [tilespmem:s11+$0x3250]  }
0x4a0: {  	v26 =	vmul.f32 v42, v39;
	v38 =	vadd.f32 v41, v39;
	v19 =	vmul.f32 v44, v41;
	v55 =	vld [tilespmem:s14+$0x3200];
	s18 =	sor.u32 $0x150, s15;
	[tilespmem:s7+$0xCA40] =	vst v18  }
0x4a1: {  	v8 =	vadd.f32 v9, v8;
	v63 =	vadd.f32 v44, v42;
	s14 =	sor.u32 $0x1D0, s15;
	v18 =	vld [tilespmem:s18+$0x0]  }
0x4a2: {  	v31 =	vadd.f32 v35, v38;
	v19 =	vadd.f32 v19, v26;
	v56 =	vld [tilespmem:s14+$0x0]  }
0x4a3: {  	v41 =	vmul.f32 v27, v32;
	v42 =	vmul.f32 v61, v35;
	v57 =	vadd.f32 v53, v51;
	v58 =	vld [tilespmem:s18+$0x3200]  }
0x4a4: {  	s15 =	sand.u32 $0x7E00, s15;
	v59 =	vadd.f32 v48, v47;
	v16 =	vmul.f32 v51, v47;
	v23 =	vmul.f32 v53, v48;
	v60 =	vld [tilespmem:s14+$0x3200]  }
0x4a5: {  	v27 =	vmul.f32 v27, v31;
	v17 =	vmul.f32 v55, v49;
	v62 =	vadd.f32 v55, v57;
	v37 =	vld [tilespmem:s15+$0x32D0]  }
0x4a6: {  	v34 =	vmul.f32 v54, v45;
	v11 =	vadd.f32 v49, v59;
	v16 =	vadd.f32 v23, v16;
	v39 =	vld [tilespmem:s15+$0xD0]  }
0x4a7: {  	v47 =	vmul.f32 v27, v2;
	v51 =	vadd.f32 v15, v14;
	s18 =	sadd.s32 $0x3C0, s9;
	v43 =	vld [tilespmem:s15+$0x50];
	v12 =	vmul.f32 v62, v45  }
0x4a8: {  	[tilespmem:s7+$0xC8E0] =	vst v8;
	v14 =	vmul.f32 v14, v6;
	v44 =	vld [tilespmem:s15+$0x3250];
	s11 =	sand.u32 $0x7E00, s18;
	v11 =	vmul.f32 v54, v11;
	v17 =	vadd.f32 v17, v16  }
0x4a9: {  	v36 =	vmul.f32 v34, v0;
	v8 =	vld [tilespmem:s11+$0x70];
	v12 =	vmul.f32 v12, v1  }
0x4aa: {  	v19 =	vadd.f32 v42, v19;
	v9 =	vld [tilespmem:s11+$0xF0];
	v11 =	vmul.f32 v11, v2;
	v17 =	vmul.f32 v17, v3  }
0x4ab: {  	v6 =	vadd.f32 v5, v6;
	v5 =	vmul.f32 v15, v5;
	v23 =	vadd.f32 v61, v63;
	v16 =	vld [tilespmem:s11+$0x170]  }
0x4ac: {  	v19 =	vmul.f32 v19, v3;
	s14 =	sor.u32 $0x1F0, s18;
	v31 =	vld [tilespmem:s11+$0x32F0];
	v20 =	vadd.f32 v12, v36;
	v11 =	vadd.f32 v17, v11  }
0x4ad: {  	v40 =	vmul.f32 v23, v32;
	v63 =	vld [tilespmem:s14+$0x3200];
	v45 =	vadd.f32 v58, v37;
	v46 =	vadd.f32 v18, v39  }
0x4ae: {  	v12 =	vld [tilespmem:s14+$0x0];
	v21 =	vmul.f32 v37, v39;
	v18 =	vmul.f32 v58, v18;
	v20 =	vadd.f32 v11, v20  }
0x4af: {  	v23 =	vmul.f32 v41, v0;
	s18 =	sadd.s32 $0x780, s9;
	v17 =	vmul.f32 v40, v1;
	v11 =	vld [tilespmem:s11+$0x3270];
	v26 =	vadd.f32 v60, v45  }
0x4b0: {  	s15 =	sand.u32 $0x7E00, s18;
	v50 =	vmul.f32 v60, v56;
	v18 =	vadd.f32 v18, v21;
	v60 =	vld [tilespmem:s11+$0x3370];
	[tilespmem:s7+$0xC9D0] =	vst v20;
	v20 =	vadd.f32 v56, v46  }
0x4b1: {  	v29 =	vmul.f32 v44, v43;
	v26 =	vmul.f32 v26, v43;
	v48 =	vld [tilespmem:s15+$0x60]  }
0x4b2: {  	v19 =	vadd.f32 v19, v47;
	v18 =	vadd.f32 v50, v18;
	v49 =	vld [tilespmem:s15+$0xE0];
	v20 =	vmul.f32 v44, v20  }
0x4b3: {  	v17 =	vadd.f32 v17, v23;
	v55 =	vmul.f32 v29, v0;
	v52 =	vld [tilespmem:s15+$0x32E0];
	v26 =	vmul.f32 v26, v1  }
0x4b4: {  	v6 =	vadd.f32 v4, v6;
	v53 =	vld [tilespmem:s15+$0x3360];
	v18 =	vmul.f32 v18, v3;
	v20 =	vmul.f32 v20, v2  }
0x4b5: {  	v5 =	vadd.f32 v5, v14;
	v4 =	vmul.f32 v13, v4;
	v17 =	vadd.f32 v19, v17;
	v54 =	vld [tilespmem:s15+$0x160]  }
0x4b6: {  	v56 =	vld [tilespmem:s9+$0x39E0];
	v24 =	vadd.f32 v26, v55;
	v18 =	vadd.f32 v18, v20  }
0x4b7: {  	v6 =	vmul.f32 v10, v6;
	v4 =	vadd.f32 v4, v5;
	s11 =	sadd.s32 $0x5C0, s9;
	v57 =	vld [tilespmem:s9+$0x7E0]  }
0x4b8: {  	v22 =	vadd.f32 v13, v51;
	v58 =	vmul.f32 v10, v7;
	s14 =	sand.u32 $0x7E00, s11;
	v59 =	vld [tilespmem:s15+$0x3260];
	[tilespmem:s7+$0xC960] =	vst v17;
	v18 =	vadd.f32 v18, v24  }
0x4b9: {  	s18 =	sadd.s32 $0x980, s9;
	v6 =	vmul.f32 v6, v2;
	v4 =	vmul.f32 v4, v3;
	v27 =	vld [tilespmem:s14+$0x70]  }
0x4ba: {  	v7 =	vmul.f32 v22, v7;
	v32 =	vmul.f32 v58, v0;
	s15 =	sand.u32 $0x7E00, s18;
	v46 =	vld [tilespmem:s14+$0x170];
	v61 =	vadd.f32 v53, v52;
	[tilespmem:s7+$0xCA50] =	vst v18  }
0x4bb: {  	v28 =	vmul.f32 v52, v49;
	v62 =	vadd.f32 v54, v49;
	v21 =	vmul.f32 v53, v54;
	v34 =	vld [tilespmem:s15+$0xE0]  }
0x4bc: {  	v7 =	vmul.f32 v7, v1;
	v51 =	vmul.f32 v31, v9;
	v22 =	vadd.f32 v56, v61;
	v35 =	vld [tilespmem:s15+$0x160]  }
0x4bd: {  	v19 =	vmul.f32 v56, v57;
	v21 =	vadd.f32 v21, v28;
	v17 =	vadd.f32 v57, v62;
	v36 =	vld [tilespmem:s15+$0x32E0]  }
0x4be: {  	v33 =	vmul.f32 v59, v48;
	v22 =	vmul.f32 v22, v48;
	v37 =	vld [tilespmem:s15+$0x3360]  }
0x4bf: {  	v9 =	vadd.f32 v16, v9;
	v17 =	vmul.f32 v59, v17;
	v19 =	vadd.f32 v19, v21;
	v39 =	vld [tilespmem:s15+$0x60]  }
0x4c0: {  	v18 =	vmul.f32 v33, v0;
	v41 =	vld [tilespmem:s9+$0x3BE0];
	v22 =	vmul.f32 v22, v1  }
0x4c1: {  	v9 =	vadd.f32 v12, v9;
	v42 =	vld [tilespmem:s9+$0x9E0];
	v17 =	vmul.f32 v17, v2;
	v19 =	vmul.f32 v19, v3  }
0x4c2: {  	s11 =	sor.u32 $0x1F0, s11;
	v12 =	vmul.f32 v63, v12;
	v40 =	vadd.f32 v60, v31;
	v45 =	vld [tilespmem:s15+$0x3260];
	v38 =	vadd.f32 v22, v18  }
0x4c3: {  	v50 =	vld [tilespmem:s11+$0x0];
	v9 =	vmul.f32 v11, v9;
	v17 =	vadd.f32 v19, v17;
	v47 =	vadd.f32 v37, v36  }
0x4c4: {  	v52 =	vld [tilespmem:s14+$0x32F0];
	v48 =	vmul.f32 v36, v34;
	v49 =	vmul.f32 v37, v35;
	v21 =	vadd.f32 v35, v34  }
0x4c5: {  	v20 =	vmul.f32 v60, v16;
	v53 =	vld [tilespmem:s14+$0x3370];
	v44 =	vadd.f32 v17, v38;
	v22 =	vadd.f32 v41, v47  }
0x4c6: {  	v54 =	vld [tilespmem:s14+$0x3270];
	v10 =	vmul.f32 v41, v42;
	v24 =	vadd.f32 v49, v48;
	v21 =	vadd.f32 v42, v21  }
0x4c7: {  	v4 =	vadd.f32 v4, v6;
	v28 =	vld [tilespmem:s14+$0xF0];
	s15 =	sadd.s32 $0x7C0, s9;
	v18 =	vmul.f32 v45, v39;
	v22 =	vmul.f32 v22, v39  }
0x4c8: {  	v43 =	vadd.f32 v63, v40;
	v56 =	vld [tilespmem:s11+$0x3200];
	s18 =	sand.u32 $0x7E00, s15;
	[tilespmem:s7+$0xC9E0] =	vst v44;
	v55 =	vmul.f32 v45, v21;
	v10 =	vadd.f32 v10, v24  }
0x4c9: {  	v20 =	vadd.f32 v20, v51;
	v18 =	vmul.f32 v18, v0;
	v5 =	vld [tilespmem:s18+$0x70];
	v57 =	vmul.f32 v22, v1  }
0x4ca: {  	v7 =	vadd.f32 v7, v32;
	v58 =	vld [tilespmem:s18+$0xF0];
	v14 =	vmul.f32 v55, v2;
	v10 =	vmul.f32 v10, v3  }
0x4cb: {  	v13 =	vmul.f32 v43, v8;
	v8 =	vmul.f32 v11, v8;
	v31 =	vadd.f32 v12, v20;
	s14 =	sor.u32 $0x1F0, s15;
	v60 =	vld [tilespmem:s18+$0x170]  }
0x4cc: {  	v9 =	vmul.f32 v9, v2;
	v61 =	vld [tilespmem:s14+$0x0];
	v18 =	vadd.f32 v57, v18;
	v10 =	vadd.f32 v10, v14  }
0x4cd: {  	v4 =	vadd.f32 v4, v7;
	v8 =	vmul.f32 v8, v0;
	v13 =	vmul.f32 v13, v1;
	v32 =	vld [tilespmem:s18+$0x32F0]  }
0x4ce: {  	v59 =	vadd.f32 v53, v52;
	v11 =	vmul.f32 v31, v3;
	v34 =	vld [tilespmem:s18+$0x3370];
	v10 =	vadd.f32 v10, v18  }
0x4cf: {  	v33 =	vmul.f32 v54, v27;
	s9 =	sadd.s32 $0x9C0, s9;
	v8 =	vadd.f32 v13, v8;
	v38 =	vadd.f32 v46, v28;
	v63 =	vld [tilespmem:s18+$0x3270]  }
0x4d0: {  	s15 =	sand.u32 $0x7E00, s9;
	v62 =	vadd.f32 v56, v59;
	v9 =	vadd.f32 v11, v9;
	v35 =	vld [tilespmem:s14+$0x3200];
	[tilespmem:s7+$0xCA60] =	vst v10  }
0x4d1: {  	v6 =	vmul.f32 v33, v0;
	v40 =	vmul.f32 v52, v28;
	v7 =	vadd.f32 v50, v38;
	v10 =	vld [tilespmem:s15+$0x70]  }
0x4d2: {  	v15 =	vmul.f32 v56, v50;
	v17 =	vmul.f32 v53, v46;
	v8 =	vadd.f32 v9, v8;
	v37 =	vld [tilespmem:s15+$0xF0]  }
0x4d3: {  	v7 =	vmul.f32 v54, v7;
	v14 =	vmul.f32 v62, v27;
	v41 =	vadd.f32 v34, v32;
	v39 =	vld [tilespmem:s15+$0x32F0]  }
0x4d4: {  	v43 =	vadd.f32 v60, v58;
	v12 =	vmul.f32 v32, v58;
	v50 =	vmul.f32 v34, v60;
	v42 =	vld [tilespmem:s15+$0x3370]  }
0x4d5: {  	s9 =	sor.u32 $0x1F0, s9;
	v36 =	vmul.f32 v14, v1;
	v14 =	vadd.f32 v17, v40;
	v45 =	vadd.f32 v35, v41;
	v44 =	vld [tilespmem:s15+$0x170]  }
0x4d6: {  	v53 =	vmul.f32 v35, v61;
	v47 =	vadd.f32 v61, v43;
	v12 =	vadd.f32 v50, v12;
	v46 =	vld [tilespmem:s9+$0x3200]  }
0x4d7: {  	v14 =	vadd.f32 v15, v14;
	v49 =	vmul.f32 v45, v5;
	v5 =	vmul.f32 v63, v5;
	v48 =	vld [tilespmem:s9+$0x0]  }
0x4d8: {  	v7 =	vmul.f32 v7, v2;
	v16 =	vmul.f32 v63, v47;
	v12 =	vadd.f32 v53, v12;
	v51 =	vld [tilespmem:s15+$0x3270]  }
0x4d9: {  	v14 =	vmul.f32 v14, v3;
	v5 =	vmul.f32 v5, v0;
	v52 =	vadd.f32 v42, v39  }
0x4da: {  	v54 =	vadd.f32 v44, v37;
	v11 =	vmul.f32 v39, v37;
	v55 =	vmul.f32 v42, v44  }
0x4db: {  	v59 =	vmul.f32 v49, v1;
	v60 =	vmul.f32 v16, v2;
	v56 =	vadd.f32 v46, v52  }
0x4dc: {  	v58 =	vmul.f32 v46, v48;
	v20 =	vadd.f32 v48, v54;
	v11 =	vadd.f32 v55, v11  }
0x4dd: {  	v6 =	vadd.f32 v36, v6;
	v57 =	vmul.f32 v56, v10;
	v10 =	vmul.f32 v51, v10  }
0x4de: {  	v12 =	vmul.f32 v12, v3;
	v18 =	vmul.f32 v51, v20;
	v11 =	vadd.f32 v58, v11  }
0x4df: {  	v7 =	vadd.f32 v14, v7;
	v61 =	vmul.f32 v10, v0;
	v62 =	vmul.f32 v57, v1  }
0x4e0: {  	v5 =	vadd.f32 v59, v5;
	v63 =	vmul.f32 v18, v2;
	v11 =	vmul.f32 v11, v3  }
0x4e1: {  	p1 =	slt.u32 s21, $0x14;
	v12 =	vadd.f32 v12, v60;
	v6 =	vadd.f32 v7, v6  }
.Ltmp3:
0x4e2: {  	[tilespmem:s7+$0xC870] =	vst v4;
	v4 =	vadd.f32 v62, v61;
	v7 =	vadd.f32 v11, v63;
	(pc) =	sbr.rel @p1 .LBB2_9-.Ltmp3, $4  }
0x4e3: {  	[tilespmem:s7+$0xC8F0] =	vst v8;
	v5 =	vadd.f32 v12, v5  }
0x4e4: {  	[tilespmem:s7+$0xC970] =	vst v6;
	v4 =	vadd.f32 v7, v4  }
0x4e5: {  	s18 =	sadd.s32 $0x5, s21;
	[tilespmem:s7+$0xC9F0] =	vst v5  }
0x4e6: {  	s21 =	smov.u32 s18;
	[tilespmem:s7+$0xCA70] =	vst v4  }
0x4e7: {  	s7 =	smul.u32 $0xC800, s2;
	_ =	sdelay $0x1  }
0x4e8: {  	s7 =	sadd.s32 s16, s7  }
0x4e9: {  	p1 =	seq.s32 s2, $0x18;
	s7 =	sshrl.u32 s7, $0x3  }
0x4ea: {  	s9 =	smul.u32 @!p1 $0x6400, s2;
	s7 =	sadd.s32 s4, s7  }
0x4eb: {  	[hbm4b:s7+s25] =	stream.strided.scatter [tilespmem:s28], [sflag:$0x3], $0xC80, s26, s25, $0x38;
	[tilespmem:$0xF800] =	vst v63  }
0x4ec: {  	s7 =	sadd.s32 @!p1 s9, s17  }
0x4ed: {  	s7 =	sshrl.u32 @!p1 s7, $0x3  }
0x4ee: {  	s11 =	simm.s32 @!p1 $0x0;
	s9 =	sadd.s32 @!p1 s1, s7  }
0x4ef: {  	[tilespmem:s11], [sflag:$0x1] =	stream.linear.gather @!p1 [hbm4b:s9+s11], $0x3200, $0x38;
	[tilespmem:$0xF800] =	vst v63  }
0x4f0: {  	s7 =	sadd.s32 @!p1 s3, s7;
	s9 =	simm.s32 @!p1 $0x3200  }
0x4f1: {  	[tilespmem:s9], [sflag:$0x1] =	stream.linear.gather @!p1 [hbm4b:s7+s11], $0x3200, $0x38;
	[tilespmem:$0xF800] =	vst v63  }
0x4f2: {  	_ =	swait.ge [sflag:s29], $0x3200  }
0x4f3: {  	[sflag:s29] =	ssyncset.done $0x0  }
0x4f4: {  	[sflag:s29] =	ssyncadd.s32 $0xFFFFCE00  }
0x4f5: {  	_ =	swait.ge [sflag:s29], $0x3200  }
0x4f6: {  	[sflag:s29] =	ssyncset.done $0x0  }
0x4f7: {  	s7 =	simm.s32 @!p0 $0x3;
	[sflag:s29] =	ssyncadd.s32 $0xFFFFCE00  }
0x4f8: {  	_ =	swait.ge @!p0 [sflag:s7], $0xC80  }
0x4f9: {  	[sflag:s7] =	ssyncset.done @!p0 $0x0  }
0x4fa: {  	s21 =	simm.s32 $0x0;
	[sflag:s7] =	ssyncadd.s32 @!p0 $0xFFFFF380  }
.LBB2_11:
0x4fb: {  	s9 =	sshll.u32 s21, $0x9  }
0x4fc: {  	v4 =	vld [tilespmem:s9+$0x6400]  }
0x4fd: {  	v5 =	vld [tilespmem:s9+$0x6480]  }
0x4fe: {  	v6 =	vld [tilespmem:s9+$0x9680]  }
0x4ff: {  	v7 =	vld [tilespmem:s9+$0x9700]  }
0x500: {  	v8 =	vld [tilespmem:s9+$0x6500]  }
0x501: {  	v9 =	vld [tilespmem:s9+$0x9780]  }
0x502: {  	v10 =	vld [tilespmem:s9+$0x6580]  }
0x503: {  	v11 =	vld [tilespmem:s9+$0x9600]  }
0x504: {  	v12 =	vadd.f32 v7, v6  }
0x505: {  	v13 =	vadd.f32 v8, v5;
	v5 =	vmul.f32 v6, v5;
	v55 =	vmul.f32 v7, v8  }
0x506: {  	v56 =	vadd.f32 v9, v12  }
0x507: {  	v58 =	vmul.f32 v9, v10;
	v57 =	vadd.f32 v10, v13;
	v5 =	vadd.f32 v55, v5  }
0x508: {  	v59 =	vmul.f32 v11, v4;
	v4 =	vmul.f32 v56, v4  }
0x509: {  	v60 =	vmul.f32 v11, v57;
	v5 =	vadd.f32 v58, v5  }
0x50a: {  	v61 =	vmul.f32 v59, v0;
	v4 =	vmul.f32 v4, v1  }
0x50b: {  	v7 =	vmul.f32 v60, v2;
	v5 =	vmul.f32 v5, v3;
	_ =	sdelay $0x1  }
0x50c: {  	v4 =	vadd.f32 v4, v61;
	v5 =	vadd.f32 v5, v7;
	_ =	sdelay $0x1  }
0x50d: {  	v4 =	vadd.f32 v5, v4  }
0x50e: {  	s7 =	sshll.u32 s21, $0x7  }
0x50f: {  	[tilespmem:s7+$0xD800] =	vst v4  }
0x510: {  	v4 =	vld [tilespmem:s9+$0x6410]  }
0x511: {  	v5 =	vld [tilespmem:s9+$0x6490]  }
0x512: {  	v62 =	vld [tilespmem:s9+$0x9690]  }
0x513: {  	v63 =	vld [tilespmem:s9+$0x9710]  }
0x514: {  	v16 =	vld [tilespmem:s9+$0x6510]  }
0x515: {  	v17 =	vld [tilespmem:s9+$0x9790]  }
0x516: {  	v18 =	vld [tilespmem:s9+$0x6590]  }
0x517: {  	v19 =	vld [tilespmem:s9+$0x9610]  }
0x518: {  	v20 =	vadd.f32 v63, v62  }
0x519: {  	v21 =	vadd.f32 v16, v5;
	v5 =	vmul.f32 v62, v5;
	v22 =	vmul.f32 v63, v16  }
0x51a: {  	v23 =	vadd.f32 v17, v20  }
0x51b: {  	v25 =	vmul.f32 v17, v18;
	v24 =	vadd.f32 v18, v21;
	v5 =	vadd.f32 v22, v5  }
0x51c: {  	v26 =	vmul.f32 v19, v4;
	v4 =	vmul.f32 v23, v4  }
0x51d: {  	v27 =	vmul.f32 v19, v24;
	v5 =	vadd.f32 v25, v5  }
0x51e: {  	v28 =	vmul.f32 v26, v0;
	v4 =	vmul.f32 v4, v1  }
0x51f: {  	v7 =	vmul.f32 v27, v2;
	v5 =	vmul.f32 v5, v3;
	_ =	sdelay $0x1  }
0x520: {  	v4 =	vadd.f32 v4, v28;
	v5 =	vadd.f32 v5, v7;
	_ =	sdelay $0x1  }
0x521: {  	v4 =	vadd.f32 v5, v4;
	_ =	sdelay $0x1  }
0x522: {  	[tilespmem:s7+$0xD810] =	vst v4  }
0x523: {  	v4 =	vld [tilespmem:s9+$0x6420]  }
0x524: {  	v5 =	vld [tilespmem:s9+$0x64A0]  }
0x525: {  	v29 =	vld [tilespmem:s9+$0x96A0]  }
0x526: {  	v30 =	vld [tilespmem:s9+$0x9720]  }
0x527: {  	v31 =	vld [tilespmem:s9+$0x6520]  }
0x528: {  	v32 =	vld [tilespmem:s9+$0x97A0]  }
0x529: {  	v33 =	vld [tilespmem:s9+$0x65A0]  }
0x52a: {  	v34 =	vld [tilespmem:s9+$0x9620]  }
0x52b: {  	v35 =	vadd.f32 v30, v29  }
0x52c: {  	v36 =	vadd.f32 v31, v5;
	v5 =	vmul.f32 v29, v5;
	v37 =	vmul.f32 v30, v31  }
0x52d: {  	v38 =	vadd.f32 v32, v35  }
0x52e: {  	v40 =	vmul.f32 v32, v33;
	v39 =	vadd.f32 v33, v36;
	v5 =	vadd.f32 v37, v5  }
0x52f: {  	v41 =	vmul.f32 v34, v4;
	v4 =	vmul.f32 v38, v4  }
0x530: {  	v42 =	vmul.f32 v34, v39;
	v5 =	vadd.f32 v40, v5  }
0x531: {  	v43 =	vmul.f32 v41, v0;
	v4 =	vmul.f32 v4, v1  }
0x532: {  	v7 =	vmul.f32 v42, v2;
	v5 =	vmul.f32 v5, v3;
	_ =	sdelay $0x1  }
0x533: {  	v4 =	vadd.f32 v4, v43;
	v5 =	vadd.f32 v5, v7;
	_ =	sdelay $0x1  }
0x534: {  	v4 =	vadd.f32 v5, v4;
	_ =	sdelay $0x1  }
0x535: {  	v55 =	vld [tilespmem:s9+$0x6680];
	[tilespmem:s7+$0xD820] =	vst v4  }
0x536: {  	v4 =	vld [tilespmem:s9+$0x6430]  }
0x537: {  	v5 =	vld [tilespmem:s9+$0x64B0]  }
0x538: {  	v44 =	vld [tilespmem:s9+$0x96B0]  }
0x539: {  	v45 =	vld [tilespmem:s9+$0x9730]  }
0x53a: {  	v46 =	vld [tilespmem:s9+$0x6530]  }
0x53b: {  	v47 =	vld [tilespmem:s9+$0x97B0]  }
0x53c: {  	v48 =	vld [tilespmem:s9+$0x65B0]  }
0x53d: {  	v49 =	vld [tilespmem:s9+$0x9630]  }
0x53e: {  	v57 =	vld [tilespmem:s9+$0x9880];
	v50 =	vadd.f32 v45, v44  }
0x53f: {  	v51 =	vadd.f32 v46, v5;
	v5 =	vmul.f32 v44, v5;
	v52 =	vmul.f32 v45, v46  }
0x540: {  	v59 =	vld [tilespmem:s9+$0x9900];
	v54 =	vadd.f32 v47, v50  }
0x541: {  	v60 =	vld [tilespmem:s9+$0x6700];
	v56 =	vmul.f32 v47, v48;
	v13 =	vadd.f32 v48, v51;
	v5 =	vadd.f32 v52, v5  }
0x542: {  	v14 =	vld [tilespmem:s9+$0x6780];
	v58 =	vmul.f32 v49, v4;
	v4 =	vmul.f32 v54, v4  }
0x543: {  	v61 =	vld [tilespmem:s9+$0x9980];
	v9 =	vmul.f32 v57, v55;
	v11 =	vmul.f32 v49, v13;
	v5 =	vadd.f32 v56, v5  }
0x544: {  	v10 =	vmul.f32 v58, v0;
	v4 =	vmul.f32 v4, v1  }
0x545: {  	v62 =	vld [tilespmem:s9+$0x9800];
	v11 =	vmul.f32 v11, v2;
	v5 =	vmul.f32 v5, v3  }
0x546: {  	v53 =	vld [tilespmem:s9+$0x6600];
	v15 =	vadd.f32 v60, v55;
	v6 =	vmul.f32 v59, v60;
	v63 =	vadd.f32 v59, v57  }
0x547: {  	v4 =	vadd.f32 v4, v10;
	v5 =	vadd.f32 v5, v11  }
0x548: {  	v12 =	vadd.f32 v14, v15;
	v6 =	vadd.f32 v6, v9;
	v15 =	vmul.f32 v61, v14  }
0x549: {  	v4 =	vadd.f32 v5, v4;
	v5 =	vadd.f32 v61, v63  }
0x54a: {  	v6 =	vadd.f32 v15, v6;
	v8 =	vmul.f32 v62, v12  }
0x54b: {  	[tilespmem:s7+$0xD830] =	vst v4;
	v4 =	vmul.f32 v62, v53;
	v5 =	vmul.f32 v5, v53  }
0x54c: {  	v6 =	vmul.f32 v6, v3;
	v8 =	vmul.f32 v8, v2;
	v16 =	vld [tilespmem:s9+$0x6440]  }
0x54d: {  	v17 =	vld [tilespmem:s9+$0x64C0];
	v4 =	vmul.f32 v4, v0;
	v5 =	vmul.f32 v5, v1  }
0x54e: {  	v18 =	vld [tilespmem:s9+$0x96C0]  }
0x54f: {  	v19 =	vld [tilespmem:s9+$0x9740];
	v4 =	vadd.f32 v5, v4;
	v5 =	vadd.f32 v6, v8  }
0x550: {  	v20 =	vld [tilespmem:s9+$0x6540]  }
0x551: {  	v21 =	vld [tilespmem:s9+$0x97C0];
	v4 =	vadd.f32 v5, v4  }
0x552: {  	s11 =	sadd.s32 $0x240, s9;
	v22 =	vld [tilespmem:s9+$0x65C0]  }
0x553: {  	s11 =	sand.u32 $0x7E00, s11;
	v5 =	vld [tilespmem:s9+$0x9640];
	[tilespmem:s7+$0xD880] =	vst v4  }
0x554: {  	v23 =	vadd.f32 v19, v18;
	v27 =	vld [tilespmem:s11+$0x6490]  }
0x555: {  	v9 =	vmul.f32 v18, v17;
	v24 =	vmul.f32 v19, v20;
	v4 =	vadd.f32 v20, v17;
	v28 =	vld [tilespmem:s11+$0x9690]  }
0x556: {  	v26 =	vadd.f32 v21, v23;
	v31 =	vld [tilespmem:s11+$0x6510]  }
0x557: {  	v6 =	vmul.f32 v21, v22;
	v9 =	vadd.f32 v24, v9;
	v30 =	vld [tilespmem:s11+$0x9710];
	v4 =	vadd.f32 v22, v4  }
0x558: {  	v33 =	vld [tilespmem:s11+$0x9790];
	v7 =	vmul.f32 v26, v16;
	v29 =	vmul.f32 v5, v16  }
0x559: {  	v34 =	vld [tilespmem:s11+$0x6590];
	v4 =	vmul.f32 v5, v4;
	v5 =	vadd.f32 v6, v9  }
0x55a: {  	v25 =	vld [tilespmem:s11+$0x6410];
	v7 =	vmul.f32 v7, v1;
	v32 =	vmul.f32 v29, v0  }
0x55b: {  	v35 =	vld [tilespmem:s11+$0x9610];
	v4 =	vmul.f32 v4, v2;
	v5 =	vmul.f32 v5, v3;
	v36 =	vadd.f32 v31, v27  }
0x55c: {  	v8 =	vmul.f32 v28, v27;
	v6 =	vmul.f32 v30, v31;
	v7 =	vadd.f32 v7, v32  }
0x55d: {  	v4 =	vadd.f32 v5, v4;
	v5 =	vadd.f32 v30, v28  }
0x55e: {  	v38 =	vmul.f32 v33, v34;
	v37 =	vadd.f32 v34, v36;
	v6 =	vadd.f32 v6, v8  }
0x55f: {  	v4 =	vadd.f32 v4, v7;
	v5 =	vadd.f32 v33, v5  }
0x560: {  	v39 =	vmul.f32 v35, v25;
	v6 =	vadd.f32 v38, v6  }
0x561: {  	v5 =	vmul.f32 v5, v25;
	[tilespmem:s7+$0xD840] =	vst v4;
	v4 =	vmul.f32 v35, v37  }
0x562: {  	v41 =	vmul.f32 v39, v0;
	v6 =	vmul.f32 v6, v3;
	v40 =	vld [tilespmem:s9+$0x6450]  }
0x563: {  	v42 =	vld [tilespmem:s9+$0x64D0];
	v5 =	vmul.f32 v5, v1;
	v4 =	vmul.f32 v4, v2  }
0x564: {  	v43 =	vld [tilespmem:s9+$0x6550]  }
0x565: {  	v44 =	vld [tilespmem:s9+$0x96D0];
	v5 =	vadd.f32 v5, v41;
	v4 =	vadd.f32 v6, v4  }
0x566: {  	v45 =	vld [tilespmem:s9+$0x9750]  }
0x567: {  	v46 =	vld [tilespmem:s9+$0x65D0];
	v4 =	vadd.f32 v4, v5  }
0x568: {  	v47 =	vld [tilespmem:s9+$0x9650]  }
0x569: {  	v5 =	vld [tilespmem:s9+$0x97D0];
	[tilespmem:s7+$0xD890] =	vst v4  }
0x56a: {  	s15 =	sadd.s32 $0x280, s9;
	v49 =	vld [tilespmem:s9+$0x66A0]  }
0x56b: {  	s14 =	sand.u32 $0x7E00, s15;
	v17 =	vadd.f32 v43, v42;
	v50 =	vld [tilespmem:s9+$0x98A0]  }
0x56c: {  	v16 =	vld [tilespmem:s14+$0x9720]  }
0x56d: {  	s11 =	sor.u32 $0x1A0, s15;
	v17 =	vadd.f32 v46, v17;
	v51 =	vld [tilespmem:s14+$0x6520]  }
0x56e: {  	v48 =	vadd.f32 v45, v44;
	v9 =	vmul.f32 v44, v42;
	v6 =	vmul.f32 v45, v43;
	v53 =	vld [tilespmem:s11+$0x9600]  }
0x56f: {  	v52 =	vmul.f32 v47, v40;
	v54 =	vld [tilespmem:s11+$0x6400];
	v12 =	vmul.f32 v47, v17  }
0x570: {  	v6 =	vadd.f32 v6, v9;
	v4 =	vld [tilespmem:s14+$0x6420];
	v13 =	vadd.f32 v5, v48;
	v5 =	vmul.f32 v5, v46  }
0x571: {  	v55 =	vmul.f32 v52, v0;
	v56 =	vld [tilespmem:s14+$0x9620];
	v12 =	vmul.f32 v12, v2  }
0x572: {  	v7 =	vmul.f32 v13, v40;
	v5 =	vadd.f32 v5, v6;
	v57 =	vadd.f32 v16, v50  }
0x573: {  	v58 =	vadd.f32 v51, v49;
	v14 =	vmul.f32 v50, v49;
	v10 =	vmul.f32 v16, v51  }
0x574: {  	v60 =	vld [tilespmem:s9+$0x6880];
	v8 =	vmul.f32 v53, v54;
	v7 =	vmul.f32 v7, v1;
	v6 =	vadd.f32 v53, v57  }
0x575: {  	v61 =	vld [tilespmem:s9+$0x9A80];
	v5 =	vmul.f32 v5, v3;
	v17 =	vadd.f32 v54, v58;
	v10 =	vadd.f32 v10, v14  }
0x576: {  	v63 =	vld [tilespmem:s9+$0x9B00];
	v62 =	vmul.f32 v56, v4;
	v7 =	vadd.f32 v7, v55;
	v4 =	vmul.f32 v6, v4  }
0x577: {  	v19 =	vld [tilespmem:s9+$0x6900];
	v5 =	vadd.f32 v5, v12;
	v18 =	vmul.f32 v56, v17;
	v8 =	vadd.f32 v8, v10  }
0x578: {  	v21 =	vld [tilespmem:s9+$0x9B80];
	v20 =	vmul.f32 v62, v0;
	v4 =	vmul.f32 v4, v1  }
0x579: {  	v22 =	vld [tilespmem:s9+$0x6980];
	v5 =	vadd.f32 v5, v7;
	v9 =	vmul.f32 v18, v2;
	v8 =	vmul.f32 v8, v3  }
0x57a: {  	v59 =	vld [tilespmem:s9+$0x6800]  }
0x57b: {  	v23 =	vld [tilespmem:s9+$0x9A00];
	[tilespmem:s7+$0xD850] =	vst v5;
	v4 =	vadd.f32 v4, v20;
	v8 =	vadd.f32 v8, v9  }
0x57c: {  	v25 =	vadd.f32 v19, v60;
	v13 =	vmul.f32 v61, v60;
	v6 =	vmul.f32 v63, v19;
	v26 =	vld [tilespmem:s9+$0x6460]  }
0x57d: {  	v24 =	vadd.f32 v63, v61;
	v29 =	vld [tilespmem:s9+$0x64E0];
	v4 =	vadd.f32 v8, v4  }
0x57e: {  	s18 =	sadd.s32 $0x2C0, s9;
	v28 =	vmul.f32 v21, v22;
	v27 =	vadd.f32 v22, v25;
	v6 =	vadd.f32 v6, v13;
	v37 =	vld [tilespmem:s9+$0x6560]  }
0x57f: {  	s11 =	sand.u32 $0x7E00, s18;
	v5 =	vadd.f32 v21, v24;
	v18 =	vld [tilespmem:s9+$0x96E0];
	[tilespmem:s7+$0xD8A0] =	vst v4  }
0x580: {  	v7 =	vmul.f32 v23, v27;
	v6 =	vadd.f32 v28, v6;
	v30 =	vld [tilespmem:s11+$0x6430]  }
0x581: {  	v5 =	vmul.f32 v5, v59;
	v4 =	vmul.f32 v23, v59;
	v31 =	vld [tilespmem:s11+$0x64B0]  }
0x582: {  	v7 =	vmul.f32 v7, v2;
	v6 =	vmul.f32 v6, v3;
	v32 =	vld [tilespmem:s11+$0x96B0]  }
0x583: {  	v5 =	vmul.f32 v5, v1;
	v33 =	vld [tilespmem:s11+$0x9730];
	v4 =	vmul.f32 v4, v0  }
0x584: {  	v34 =	vld [tilespmem:s11+$0x6530]  }
0x585: {  	v35 =	vld [tilespmem:s11+$0x97B0];
	v4 =	vadd.f32 v5, v4;
	v5 =	vadd.f32 v6, v7  }
0x586: {  	v36 =	vld [tilespmem:s11+$0x65B0]  }
0x587: {  	v4 =	vadd.f32 v5, v4;
	v5 =	vld [tilespmem:s11+$0x9630]  }
0x588: {  	v19 =	vld [tilespmem:s9+$0x9760];
	v38 =	vadd.f32 v33, v32  }
0x589: {  	v52 =	vld [tilespmem:s9+$0x65E0];
	v9 =	vmul.f32 v32, v31;
	v39 =	vmul.f32 v33, v34;
	[tilespmem:s7+$0xD900] =	vst v4;
	v4 =	vadd.f32 v34, v31  }
0x58a: {  	s14 =	sadd.s32 $0x440, s9;
	v53 =	vld [tilespmem:s9+$0x97E0];
	v41 =	vadd.f32 v35, v38  }
0x58b: {  	v56 =	vld [tilespmem:s9+$0x9660];
	s11 =	sand.u32 $0x7E00, s14;
	v6 =	vmul.f32 v35, v36;
	v9 =	vadd.f32 v39, v9;
	v4 =	vadd.f32 v36, v4  }
0x58c: {  	v42 =	vld [tilespmem:s11+$0x6490];
	v12 =	vmul.f32 v41, v30;
	v44 =	vmul.f32 v5, v30  }
0x58d: {  	v43 =	vld [tilespmem:s11+$0x9690];
	v4 =	vmul.f32 v5, v4;
	v5 =	vadd.f32 v6, v9  }
0x58e: {  	v45 =	vld [tilespmem:s11+$0x9710];
	v48 =	vmul.f32 v12, v1;
	v47 =	vmul.f32 v44, v0  }
0x58f: {  	v46 =	vld [tilespmem:s11+$0x6510];
	v4 =	vmul.f32 v4, v2;
	v5 =	vmul.f32 v5, v3  }
0x590: {  	v61 =	vadd.f32 v37, v29;
	v49 =	vld [tilespmem:s11+$0x9790]  }
0x591: {  	v50 =	vld [tilespmem:s11+$0x6590];
	v9 =	vadd.f32 v48, v47;
	v4 =	vadd.f32 v5, v4  }
0x592: {  	v22 =	vadd.f32 v52, v61;
	v61 =	vld [tilespmem:s9+$0x6A80]  }
0x593: {  	v51 =	vld [tilespmem:s11+$0x9610];
	v4 =	vadd.f32 v4, v9  }
0x594: {  	s15 =	sadd.s32 $0x300, s9;
	v40 =	vld [tilespmem:s11+$0x6410];
	v20 =	vadd.f32 v46, v42;
	v7 =	vmul.f32 v43, v42;
	v6 =	vmul.f32 v45, v46  }
0x595: {  	s18 =	sand.u32 $0x7E00, s15;
	v8 =	vmul.f32 v56, v22;
	v22 =	vld [tilespmem:s9+$0x9D80];
	v5 =	vadd.f32 v45, v43;
	[tilespmem:s7+$0xD8B0] =	vst v4  }
0x596: {  	v55 =	vmul.f32 v49, v50;
	v54 =	vadd.f32 v50, v20;
	v6 =	vadd.f32 v6, v7;
	v57 =	vld [tilespmem:s18+$0x6440]  }
0x597: {  	v5 =	vadd.f32 v49, v5;
	v59 =	vld [tilespmem:s18+$0x64C0]  }
0x598: {  	v58 =	vadd.f32 v19, v18;
	v10 =	vmul.f32 v51, v54;
	v6 =	vadd.f32 v55, v6;
	v60 =	vld [tilespmem:s18+$0x96C0]  }
0x599: {  	v4 =	vmul.f32 v51, v40;
	v5 =	vmul.f32 v5, v40;
	v62 =	vld [tilespmem:s9+$0x9940]  }
0x59a: {  	s11 =	sor.u32 $0x1C0, s15;
	v7 =	vadd.f32 v53, v58;
	v10 =	vmul.f32 v10, v2;
	v6 =	vmul.f32 v6, v3;
	v63 =	vld [tilespmem:s9+$0x6740]  }
0x59b: {  	v23 =	vld [tilespmem:s11+$0x9600];
	v4 =	vmul.f32 v4, v0;
	v5 =	vmul.f32 v5, v1  }
0x59c: {  	v21 =	vmul.f32 v56, v26;
	v7 =	vmul.f32 v7, v26;
	v26 =	vld [tilespmem:s18+$0x9640]  }
0x59d: {  	v11 =	vmul.f32 v18, v29;
	v24 =	vld [tilespmem:s11+$0x6400];
	v4 =	vadd.f32 v5, v4;
	v5 =	vadd.f32 v6, v10  }
0x59e: {  	v15 =	vmul.f32 v19, v37;
	v27 =	vadd.f32 v62, v60;
	v28 =	vmul.f32 v60, v59;
	v60 =	vld [tilespmem:s9+$0x6A00]  }
0x59f: {  	v4 =	vadd.f32 v5, v4;
	v29 =	vmul.f32 v62, v63;
	v62 =	vld [tilespmem:s9+$0x9C80]  }
0x5a0: {  	v11 =	vadd.f32 v15, v11;
	v9 =	vmul.f32 v53, v52;
	v5 =	vmul.f32 v21, v0;
	v21 =	vld [tilespmem:s9+$0x6B00]  }
0x5a1: {  	v33 =	vmul.f32 v26, v57;
	[tilespmem:s7+$0xD910] =	vst v4;
	v4 =	vadd.f32 v63, v59;
	v63 =	vld [tilespmem:s9+$0x9D00]  }
0x5a2: {  	v9 =	vadd.f32 v9, v11;
	v10 =	vmul.f32 v23, v24;
	v11 =	vadd.f32 v23, v27;
	v23 =	vld [tilespmem:s9+$0x6B80]  }
0x5a3: {  	s15 =	sadd.s32 $0x480, s9;
	v37 =	vmul.f32 v33, v0;
	v33 =	vld [tilespmem:s9+$0x6C00]  }
0x5a4: {  	s18 =	sand.u32 $0x7E00, s15;
	v12 =	vadd.f32 v29, v28;
	v29 =	vld [tilespmem:s9+$0x6C80]  }
0x5a5: {  	v30 =	vld [tilespmem:s18+$0x6420]  }
0x5a6: {  	v8 =	vmul.f32 v8, v2;
	v31 =	vld [tilespmem:s9+$0x68A0]  }
0x5a7: {  	v25 =	vmul.f32 v7, v1;
	v9 =	vmul.f32 v9, v3;
	v32 =	vld [tilespmem:s9+$0x9AA0]  }
0x5a8: {  	v34 =	vld [tilespmem:s18+$0x9720]  }
0x5a9: {  	s11 =	sor.u32 $0x1A0, s15;
	v8 =	vadd.f32 v9, v8;
	v5 =	vadd.f32 v25, v5;
	v36 =	vld [tilespmem:s18+$0x6520]  }
0x5aa: {  	v39 =	vld [tilespmem:s11+$0x9600]  }
0x5ab: {  	v40 =	vld [tilespmem:s11+$0x6400];
	v4 =	vadd.f32 v24, v4;
	v11 =	vmul.f32 v11, v57;
	v5 =	vadd.f32 v8, v5  }
0x5ac: {  	v42 =	vld [tilespmem:s18+$0x9620]  }
0x5ad: {  	v35 =	vadd.f32 v10, v12;
	v24 =	vld [tilespmem:s9+$0x9C00];
	v4 =	vmul.f32 v26, v4;
	v38 =	vmul.f32 v11, v1;
	[tilespmem:s7+$0xD860] =	vst v5  }
0x5ae: {  	v7 =	vld [tilespmem:s9+$0x6470]  }
0x5af: {  	v6 =	vmul.f32 v35, v3;
	v4 =	vmul.f32 v4, v2;
	v41 =	vadd.f32 v38, v37;
	v37 =	vld [tilespmem:s9+$0x9E80]  }
0x5b0: {  	v5 =	vadd.f32 v36, v31;
	v44 =	vmul.f32 v32, v31;
	v31 =	vld [tilespmem:s9+$0x6D80]  }
0x5b1: {  	v13 =	vmul.f32 v34, v36;
	v4 =	vadd.f32 v6, v4;
	v6 =	vld [tilespmem:s9+$0x64F0]  }
0x5b2: {  	v43 =	vadd.f32 v34, v32;
	v45 =	vadd.f32 v40, v5;
	v5 =	vld [tilespmem:s9+$0x6570]  }
0x5b3: {  	v11 =	vmul.f32 v39, v40;
	v10 =	vadd.f32 v13, v44;
	v40 =	vld [tilespmem:s9+$0x6D00]  }
0x5b4: {  	v18 =	vmul.f32 v62, v61;
	v8 =	vadd.f32 v4, v41;
	v4 =	vadd.f32 v39, v43;
	v39 =	vld [tilespmem:s9+$0x9F00]  }
0x5b5: {  	s14 =	sadd.s32 $0x340, s9;
	v28 =	vadd.f32 v21, v61;
	v46 =	vmul.f32 v42, v30;
	v48 =	vmul.f32 v42, v45;
	v42 =	vld [tilespmem:s9+$0x9F80]  }
0x5b6: {  	s18 =	sand.u32 $0x7E00, s14;
	v32 =	vmul.f32 v63, v21;
	v49 =	vadd.f32 v11, v10;
	v43 =	vld [tilespmem:s9+$0x9E00];
	v47 =	vmul.f32 v4, v30;
	[tilespmem:s7+$0xD8C0] =	vst v8  }
0x5b7: {  	v27 =	vadd.f32 v63, v62;
	v51 =	vmul.f32 v46, v0;
	v8 =	vmul.f32 v48, v2;
	v50 =	vld [tilespmem:s18+$0x6450]  }
0x5b8: {  	s15 =	sor.u32 $0x150, s14;
	v28 =	vadd.f32 v23, v28;
	v9 =	vmul.f32 v49, v3;
	v53 =	vld [tilespmem:s18+$0x64D0];
	v52 =	vmul.f32 v47, v1  }
0x5b9: {  	s11 =	sor.u32 $0x1D0, s14;
	v36 =	vmul.f32 v22, v23;
	v27 =	vadd.f32 v22, v27;
	v18 =	vadd.f32 v32, v18;
	v54 =	vld [tilespmem:s15+$0x6400]  }
0x5ba: {  	v55 =	vld [tilespmem:s11+$0x6400];
	v8 =	vadd.f32 v9, v8;
	v11 =	vadd.f32 v52, v51  }
0x5bb: {  	v17 =	vmul.f32 v27, v60;
	v18 =	vadd.f32 v36, v18;
	v56 =	vld [tilespmem:s18+$0x9650]  }
0x5bc: {  	v30 =	vmul.f32 v24, v60;
	v24 =	vmul.f32 v24, v28;
	v57 =	vld [tilespmem:s18+$0x96D0];
	v8 =	vadd.f32 v8, v11  }
0x5bd: {  	v17 =	vmul.f32 v17, v1;
	v18 =	vmul.f32 v18, v3;
	v58 =	vld [tilespmem:s15+$0x9600];
	s15 =	sadd.s32 $0x4C0, s9  }
0x5be: {  	v59 =	vld [tilespmem:s11+$0x9600];
	s11 =	sand.u32 $0x7E00, s15;
	v41 =	vmul.f32 v30, v0;
	v24 =	vmul.f32 v24, v2;
	[tilespmem:s7+$0xD920] =	vst v8  }
0x5bf: {  	v45 =	vadd.f32 v40, v29;
	v44 =	vadd.f32 v39, v37;
	v8 =	vld [tilespmem:s11+$0x6430]  }
0x5c0: {  	v22 =	vmul.f32 v37, v29;
	v17 =	vadd.f32 v17, v41;
	v18 =	vadd.f32 v18, v24;
	v26 =	vld [tilespmem:s11+$0x64B0]  }
0x5c1: {  	v19 =	vmul.f32 v39, v40;
	v49 =	vadd.f32 v31, v45;
	v51 =	vmul.f32 v43, v33;
	v13 =	vld [tilespmem:s11+$0x6530]  }
0x5c2: {  	v25 =	vmul.f32 v56, v50;
	v35 =	vadd.f32 v58, v57;
	v17 =	vadd.f32 v18, v17;
	v46 =	vld [tilespmem:s11+$0x9630]  }
0x5c3: {  	s18 =	sadd.s32 $0x640, s9;
	v38 =	vadd.f32 v54, v53;
	v12 =	vmul.f32 v57, v53;
	v11 =	vmul.f32 v58, v54;
	v48 =	vld [tilespmem:s11+$0x96B0]  }
0x5c4: {  	s14 =	sand.u32 $0x7E00, s18;
	v47 =	vadd.f32 v42, v44;
	v34 =	vmul.f32 v25, v0;
	v25 =	vadd.f32 v59, v35;
	[tilespmem:s7+$0xD980] =	vst v17;
	v28 =	vld [tilespmem:s11+$0x9730]  }
0x5c5: {  	v15 =	vmul.f32 v59, v55;
	v23 =	vadd.f32 v55, v38;
	v11 =	vadd.f32 v11, v12;
	v53 =	vld [tilespmem:s14+$0x6410]  }
0x5c6: {  	v54 =	vmul.f32 v43, v49;
	v55 =	vld [tilespmem:s14+$0x6490];
	v10 =	vmul.f32 v25, v50  }
0x5c7: {  	v52 =	vmul.f32 v47, v33;
	v57 =	vld [tilespmem:s14+$0x9710];
	v9 =	vmul.f32 v56, v23;
	v11 =	vadd.f32 v15, v11  }
0x5c8: {  	v19 =	vadd.f32 v19, v22;
	v58 =	vld [tilespmem:s14+$0x6510];
	v50 =	vmul.f32 v42, v31;
	v10 =	vmul.f32 v10, v1  }
0x5c9: {  	v63 =	vld [tilespmem:s11+$0x97B0];
	v9 =	vmul.f32 v9, v2;
	v11 =	vmul.f32 v11, v3  }
0x5ca: {  	v12 =	vmul.f32 v51, v0;
	v17 =	vmul.f32 v52, v1;
	v60 =	vld [tilespmem:s14+$0x9790];
	v19 =	vadd.f32 v50, v19  }
0x5cb: {  	v18 =	vmul.f32 v54, v2;
	v61 =	vld [tilespmem:s14+$0x6590];
	v10 =	vadd.f32 v10, v34;
	v9 =	vadd.f32 v11, v9  }
0x5cc: {  	v56 =	vld [tilespmem:s14+$0x9690];
	v12 =	vadd.f32 v17, v12;
	v19 =	vmul.f32 v19, v3;
	v34 =	vadd.f32 v28, v48  }
0x5cd: {  	s15 =	sadd.s32 $0x840, s9;
	v25 =	vld [tilespmem:s11+$0x65B0];
	v31 =	vadd.f32 v58, v55;
	v9 =	vadd.f32 v9, v10  }
0x5ce: {  	s18 =	sand.u32 $0x7E00, s15;
	s15 =	sadd.s32 $0x380, s9;
	v62 =	vld [tilespmem:s14+$0x9610];
	v29 =	vmul.f32 v46, v8;
	v59 =	vadd.f32 v19, v18;
	v23 =	vadd.f32 v63, v34  }
0x5cf: {  	v4 =	vld [tilespmem:s9+$0x65F0];
	s14 =	sand.u32 $0x7E00, s15;
	v32 =	vmul.f32 v57, v58;
	v37 =	vadd.f32 v13, v26;
	v47 =	vmul.f32 v48, v26;
	[tilespmem:s7+$0xD8D0] =	vst v9  }
0x5d0: {  	v13 =	vmul.f32 v28, v13;
	v12 =	vadd.f32 v59, v12;
	v23 =	vmul.f32 v23, v8;
	v8 =	vld [tilespmem:s14+$0x6460]  }
0x5d1: {  	v11 =	vmul.f32 v60, v61;
	v30 =	vadd.f32 v57, v56;
	v15 =	vmul.f32 v56, v55;
	v9 =	vld [tilespmem:s14+$0x9660]  }
0x5d2: {  	v41 =	vadd.f32 v25, v37;
	v13 =	vadd.f32 v13, v47;
	v10 =	vmul.f32 v63, v25;
	v17 =	vld [tilespmem:s14+$0x96E0];
	[tilespmem:s7+$0xDA00] =	vst v12  }
0x5d3: {  	v38 =	vmul.f32 v62, v53;
	v19 =	vmul.f32 v29, v0;
	v21 =	vadd.f32 v60, v30;
	v33 =	vld [tilespmem:s18+$0x6410]  }
0x5d4: {  	v15 =	vadd.f32 v32, v15;
	v14 =	vmul.f32 v46, v41;
	v10 =	vadd.f32 v10, v13;
	v35 =	vld [tilespmem:s18+$0x6490]  }
0x5d5: {  	v16 =	vmul.f32 v21, v53;
	v12 =	vadd.f32 v61, v31;
	v23 =	vmul.f32 v23, v1;
	v36 =	vld [tilespmem:s18+$0x9690]  }
0x5d6: {  	v14 =	vmul.f32 v14, v2;
	v10 =	vmul.f32 v10, v3;
	v39 =	vld [tilespmem:s18+$0x9710]  }
0x5d7: {  	v42 =	vmul.f32 v38, v0;
	v11 =	vadd.f32 v11, v15;
	v40 =	vld [tilespmem:s18+$0x6510];
	v12 =	vmul.f32 v62, v12  }
0x5d8: {  	v16 =	vmul.f32 v16, v1;
	v43 =	vld [tilespmem:s18+$0x9790];
	v19 =	vadd.f32 v23, v19;
	v10 =	vadd.f32 v10, v14  }
0x5d9: {  	v11 =	vmul.f32 v11, v3;
	v44 =	vld [tilespmem:s18+$0x6590];
	v12 =	vmul.f32 v12, v2  }
0x5da: {  	v46 =	vld [tilespmem:s18+$0x9610];
	v45 =	vadd.f32 v16, v42;
	v10 =	vadd.f32 v10, v19  }
0x5db: {  	v31 =	vld [tilespmem:s9+$0x67E0];
	v48 =	vadd.f32 v11, v12;
	v49 =	vadd.f32 v39, v36  }
0x5dc: {  	v16 =	vld [tilespmem:s14+$0x9760];
	v50 =	vadd.f32 v40, v35;
	v18 =	vmul.f32 v36, v35;
	v15 =	vmul.f32 v39, v40  }
0x5dd: {  	v11 =	vld [tilespmem:s14+$0x64E0];
	v51 =	vadd.f32 v48, v45;
	v24 =	vadd.f32 v43, v49  }
0x5de: {  	s18 =	sadd.s32 $0x680, s9;
	v12 =	vld [tilespmem:s14+$0x6560];
	v52 =	vmul.f32 v43, v44;
	[tilespmem:s7+$0xD930] =	vst v10;
	v26 =	vadd.f32 v44, v50;
	v15 =	vadd.f32 v15, v18  }
0x5df: {  	s15 =	sand.u32 $0x7E00, s18;
	v53 =	vmul.f32 v46, v33;
	v44 =	vld [tilespmem:s9+$0x6940];
	v22 =	vmul.f32 v24, v33;
	[tilespmem:s7+$0xD990] =	vst v51  }
0x5e0: {  	v20 =	vmul.f32 v46, v26;
	v15 =	vadd.f32 v52, v15;
	v54 =	vld [tilespmem:s15+$0x6420]  }
0x5e1: {  	v55 =	vmul.f32 v53, v0;
	v56 =	vld [tilespmem:s9+$0x6AA0];
	v22 =	vmul.f32 v22, v1  }
0x5e2: {  	v58 =	vld [tilespmem:s9+$0x9CA0];
	v20 =	vmul.f32 v20, v2;
	v15 =	vmul.f32 v15, v3  }
0x5e3: {  	v59 =	vld [tilespmem:s15+$0x9720]  }
0x5e4: {  	s11 =	sor.u32 $0x1A0, s18;
	v57 =	vld [tilespmem:s15+$0x6520];
	v21 =	vadd.f32 v22, v55;
	v15 =	vadd.f32 v15, v20  }
0x5e5: {  	v61 =	vld [tilespmem:s11+$0x9600]  }
0x5e6: {  	v60 =	vld [tilespmem:s11+$0x6400];
	v15 =	vadd.f32 v15, v21  }
0x5e7: {  	s11 =	sadd.s32 $0x880, s9;
	v62 =	vld [tilespmem:s15+$0x9620]  }
0x5e8: {  	v50 =	vld [tilespmem:s9+$0x9B40];
	s18 =	sor.u32 $0x1A0, s11;
	v32 =	vadd.f32 v59, v58;
	[tilespmem:s7+$0xDA10] =	vst v15  }
0x5e9: {  	v34 =	vadd.f32 v57, v56;
	v13 =	vmul.f32 v58, v56;
	v20 =	vmul.f32 v59, v57;
	v15 =	vld [tilespmem:s18+$0x6400]  }
0x5ea: {  	v22 =	vadd.f32 v61, v32;
	v35 =	vld [tilespmem:s9+$0x6CA0]  }
0x5eb: {  	s11 =	sand.u32 $0x7E00, s11;
	v14 =	vmul.f32 v61, v60;
	v36 =	vadd.f32 v60, v34;
	v13 =	vadd.f32 v20, v13;
	v37 =	vld [tilespmem:s9+$0x9EA0]  }
0x5ec: {  	v38 =	vmul.f32 v62, v54;
	v39 =	vld [tilespmem:s11+$0x9720];
	v18 =	vmul.f32 v22, v54  }
0x5ed: {  	v40 =	vld [tilespmem:s11+$0x6520];
	v19 =	vmul.f32 v62, v36;
	v13 =	vadd.f32 v14, v13  }
0x5ee: {  	v21 =	vmul.f32 v38, v0;
	v63 =	vld [tilespmem:s18+$0x9600];
	v18 =	vmul.f32 v18, v1  }
0x5ef: {  	s15 =	sadd.s32 $0x500, s9;
	v42 =	vld [tilespmem:s11+$0x6420];
	v19 =	vmul.f32 v19, v2;
	v13 =	vmul.f32 v13, v3  }
0x5f0: {  	s18 =	sand.u32 $0x7E00, s15;
	v43 =	vld [tilespmem:s11+$0x9620];
	v18 =	vadd.f32 v18, v21  }
0x5f1: {  	v33 =	vld [tilespmem:s18+$0x6440];
	v13 =	vadd.f32 v13, v19;
	v45 =	vadd.f32 v39, v37  }
0x5f2: {  	s15 =	sor.u32 $0x1C0, s15;
	v41 =	vld [tilespmem:s18+$0x64C0];
	v47 =	vadd.f32 v40, v35;
	v20 =	vmul.f32 v37, v35;
	v14 =	vmul.f32 v39, v40  }
0x5f3: {  	v46 =	vld [tilespmem:s15+$0x6400];
	v13 =	vadd.f32 v13, v18;
	v49 =	vadd.f32 v63, v45  }
0x5f4: {  	v48 =	vld [tilespmem:s18+$0x96C0];
	v10 =	vmul.f32 v63, v15;
	v51 =	vadd.f32 v15, v47;
	v14 =	vadd.f32 v14, v20  }
0x5f5: {  	v52 =	vld [tilespmem:s18+$0x9640];
	s18 =	sadd.s32 $0x6C0, s9;
	v53 =	vmul.f32 v43, v42;
	v18 =	vmul.f32 v49, v42  }
0x5f6: {  	v54 =	vld [tilespmem:s15+$0x9600];
	s14 =	sand.u32 $0x7E00, s18;
	[tilespmem:s7+$0xD9A0] =	vst v13;
	v55 =	vmul.f32 v43, v51;
	v10 =	vadd.f32 v10, v14  }
0x5f7: {  	v20 =	vmul.f32 v53, v0;
	v14 =	vld [tilespmem:s14+$0x6430];
	v18 =	vmul.f32 v18, v1  }
0x5f8: {  	v56 =	vld [tilespmem:s14+$0x64B0];
	v13 =	vmul.f32 v55, v2;
	v10 =	vmul.f32 v10, v3  }
0x5f9: {  	v59 =	vld [tilespmem:s14+$0x6530]  }
0x5fa: {  	v60 =	vld [tilespmem:s14+$0x65B0];
	v18 =	vadd.f32 v18, v20;
	v10 =	vadd.f32 v10, v13  }
0x5fb: {  	v19 =	vmul.f32 v50, v44;
	v58 =	vadd.f32 v44, v41;
	v63 =	vld [tilespmem:s14+$0x9630]  }
0x5fc: {  	v57 =	vadd.f32 v50, v48;
	v22 =	vmul.f32 v48, v41;
	v36 =	vld [tilespmem:s14+$0x96B0];
	v10 =	vadd.f32 v10, v18  }
0x5fd: {  	s15 =	sadd.s32 $0x8C0, s9;
	v62 =	vadd.f32 v46, v58;
	v38 =	vld [tilespmem:s14+$0x9730]  }
0x5fe: {  	s18 =	sand.u32 $0x7E00, s15;
	v35 =	vmul.f32 v54, v46;
	v61 =	vadd.f32 v54, v57;
	v19 =	vadd.f32 v19, v22;
	v39 =	vld [tilespmem:s14+$0x97B0];
	[tilespmem:s7+$0xDA20] =	vst v10  }
0x5ff: {  	v37 =	vmul.f32 v52, v33;
	v15 =	vmul.f32 v52, v62;
	v41 =	vld [tilespmem:s18+$0x6430]  }
0x600: {  	v19 =	vadd.f32 v35, v19;
	v13 =	vmul.f32 v61, v33;
	v42 =	vld [tilespmem:s18+$0x64B0]  }
0x601: {  	v40 =	vmul.f32 v37, v0;
	v15 =	vmul.f32 v15, v2;
	v43 =	vld [tilespmem:s18+$0x6530]  }
0x602: {  	v19 =	vmul.f32 v19, v3;
	v13 =	vmul.f32 v13, v1;
	v45 =	vld [tilespmem:s18+$0x65B0]  }
0x603: {  	v48 =	vadd.f32 v38, v36;
	v51 =	vmul.f32 v36, v56;
	v52 =	vmul.f32 v38, v59;
	v46 =	vld [tilespmem:s18+$0x9630]  }
0x604: {  	v44 =	vadd.f32 v19, v15;
	v10 =	vadd.f32 v13, v40;
	v47 =	vld [tilespmem:s18+$0x96B0]  }
0x605: {  	v20 =	vmul.f32 v39, v60;
	v13 =	vadd.f32 v39, v48;
	v15 =	vadd.f32 v52, v51;
	v49 =	vld [tilespmem:s18+$0x9730]  }
0x606: {  	v50 =	vadd.f32 v59, v56;
	v53 =	vld [tilespmem:s18+$0x97B0];
	v10 =	vadd.f32 v44, v10  }
0x607: {  	v56 =	vmul.f32 v63, v14;
	v13 =	vmul.f32 v13, v14;
	v14 =	vld [tilespmem:s9+$0x96F0];
	v15 =	vadd.f32 v20, v15  }
0x608: {  	s14 =	sadd.s32 $0x540, s9;
	v32 =	vadd.f32 v60, v50;
	[tilespmem:s7+$0xD940] =	vst v10;
	v10 =	vld [tilespmem:s9+$0x9670]  }
0x609: {  	s15 =	sand.u32 $0x7E00, s14;
	v59 =	vmul.f32 v15, v3;
	v15 =	vld [tilespmem:s9+$0x9770]  }
0x60a: {  	s18 =	sor.u32 $0x150, s14;
	v24 =	vmul.f32 v63, v32;
	v54 =	vld [tilespmem:s15+$0x96D0]  }
0x60b: {  	v21 =	vmul.f32 v56, v0;
	v13 =	vmul.f32 v13, v1;
	v55 =	vld [tilespmem:s18+$0x9600]  }
0x60c: {  	v24 =	vmul.f32 v24, v2;
	v57 =	vld [tilespmem:s15+$0x6450]  }
0x60d: {  	s14 =	sor.u32 $0x1D0, s14;
	v58 =	vld [tilespmem:s15+$0x9650];
	v21 =	vadd.f32 v13, v21  }
0x60e: {  	v33 =	vld [tilespmem:s14+$0x9600];
	v24 =	vadd.f32 v59, v24;
	v60 =	vadd.f32 v49, v47  }
0x60f: {  	v62 =	vld [tilespmem:s15+$0x64D0];
	v30 =	vmul.f32 v47, v42;
	v22 =	vadd.f32 v43, v42;
	v28 =	vmul.f32 v49, v43  }
0x610: {  	v63 =	vld [tilespmem:s18+$0x6400];
	v21 =	vadd.f32 v24, v21;
	v61 =	vadd.f32 v53, v60  }
0x611: {  	v37 =	vld [tilespmem:s14+$0x6400];
	v19 =	vmul.f32 v53, v45;
	v22 =	vadd.f32 v45, v22;
	v28 =	vadd.f32 v28, v30  }
0x612: {  	s15 =	sadd.s32 $0x700, s9;
	v13 =	vld [tilespmem:s9+$0x97F0];
	v18 =	vmul.f32 v46, v41;
	v24 =	vmul.f32 v61, v41  }
0x613: {  	s18 =	sand.u32 $0x7E00, s15;
	v49 =	vld [tilespmem:s9+$0x99E0];
	[tilespmem:s7+$0xD9B0] =	vst v21;
	v22 =	vmul.f32 v46, v22;
	v19 =	vadd.f32 v19, v28  }
0x614: {  	v18 =	vmul.f32 v18, v0;
	v38 =	vld [tilespmem:s18+$0x6440];
	v24 =	vmul.f32 v24, v1  }
0x615: {  	v34 =	vadd.f32 v55, v54;
	v39 =	vld [tilespmem:s18+$0x64C0];
	v22 =	vmul.f32 v22, v2;
	v19 =	vmul.f32 v19, v3  }
0x616: {  	v25 =	vmul.f32 v54, v62;
	v32 =	vadd.f32 v63, v62;
	v26 =	vmul.f32 v55, v63;
	v40 =	vld [tilespmem:s18+$0x96C0]  }
0x617: {  	v41 =	vld [tilespmem:s9+$0x9D40];
	v18 =	vadd.f32 v24, v18;
	v19 =	vadd.f32 v19, v22  }
0x618: {  	s11 =	sor.u32 $0x1C0, s15;
	v42 =	vld [tilespmem:s9+$0x6B40];
	v34 =	vadd.f32 v33, v34;
	v43 =	vadd.f32 v26, v25  }
0x619: {  	v21 =	vmul.f32 v33, v37;
	v44 =	vld [tilespmem:s11+$0x9600];
	v45 =	vadd.f32 v37, v32;
	v18 =	vadd.f32 v19, v18  }
0x61a: {  	s15 =	sadd.s32 $0x900, s9;
	v36 =	vmul.f32 v58, v57;
	v46 =	vld [tilespmem:s11+$0x6400];
	v20 =	vmul.f32 v34, v57  }
0x61b: {  	s14 =	sand.u32 $0x7E00, s15;
	v48 =	vld [tilespmem:s18+$0x9640];
	v26 =	vmul.f32 v58, v45;
	v21 =	vadd.f32 v21, v43;
	[tilespmem:s7+$0xDA30] =	vst v18  }
0x61c: {  	v23 =	vmul.f32 v36, v0;
	v20 =	vmul.f32 v20, v1;
	v50 =	vadd.f32 v41, v40;
	v53 =	vld [tilespmem:s14+$0x6440]  }
0x61d: {  	v51 =	vadd.f32 v42, v39;
	v26 =	vmul.f32 v26, v2;
	v21 =	vmul.f32 v21, v3;
	v54 =	vld [tilespmem:s14+$0x64C0]  }
0x61e: {  	v52 =	vmul.f32 v40, v39;
	v22 =	vmul.f32 v41, v42;
	v47 =	vadd.f32 v20, v23;
	v55 =	vld [tilespmem:s14+$0x96C0]  }
0x61f: {  	v24 =	vadd.f32 v44, v50;
	v21 =	vadd.f32 v21, v26;
	v57 =	vld [tilespmem:s9+$0x9F40]  }
0x620: {  	s11 =	sor.u32 $0x1C0, s15;
	v25 =	vmul.f32 v44, v46;
	v18 =	vadd.f32 v46, v51;
	v22 =	vadd.f32 v22, v52;
	v59 =	vld [tilespmem:s9+$0x6D40]  }
0x621: {  	v56 =	vmul.f32 v48, v38;
	v61 =	vld [tilespmem:s11+$0x9600];
	v24 =	vmul.f32 v24, v38;
	v19 =	vadd.f32 v21, v47  }
0x622: {  	s18 =	sadd.s32 $0x580, s9;
	v40 =	vmul.f32 v17, v11;
	v62 =	vld [tilespmem:s11+$0x6400];
	v18 =	vmul.f32 v48, v18;
	v58 =	vadd.f32 v25, v22  }
0x623: {  	s18 =	sand.u32 $0x7E00, s18;
	v17 =	vadd.f32 v16, v17;
	v60 =	vmul.f32 v56, v0;
	v36 =	vld [tilespmem:s14+$0x9640];
	v24 =	vmul.f32 v24, v1;
	[tilespmem:s7+$0xD950] =	vst v19  }
0x624: {  	v11 =	vadd.f32 v12, v11;
	v18 =	vmul.f32 v18, v2;
	v20 =	vmul.f32 v58, v3;
	v32 =	vld [tilespmem:s18+$0x6460]  }
0x625: {  	v37 =	vmul.f32 v9, v8;
	v17 =	vadd.f32 v49, v17;
	v39 =	vld [tilespmem:s18+$0x64E0];
	v63 =	vadd.f32 v24, v60  }
0x626: {  	v16 =	vmul.f32 v16, v12;
	v41 =	vld [tilespmem:s18+$0x6560];
	v18 =	vadd.f32 v20, v18;
	v38 =	vadd.f32 v57, v55  }
0x627: {  	v42 =	vld [tilespmem:s18+$0x96E0];
	v27 =	vmul.f32 v55, v54;
	v29 =	vadd.f32 v59, v54;
	v22 =	vmul.f32 v57, v59  }
0x628: {  	v23 =	vmul.f32 v49, v31;
	v44 =	vld [tilespmem:s18+$0x9760];
	v18 =	vadd.f32 v18, v63;
	v20 =	vadd.f32 v61, v38  }
0x629: {  	v35 =	vld [tilespmem:s9+$0x69E0];
	v25 =	vmul.f32 v61, v62;
	v22 =	vadd.f32 v22, v27;
	v29 =	vadd.f32 v62, v29  }
0x62a: {  	s15 =	sadd.s32 $0x740, s9;
	v11 =	vadd.f32 v31, v11;
	v28 =	vmul.f32 v36, v53;
	v27 =	vld [tilespmem:s18+$0x9660];
	v20 =	vmul.f32 v20, v53  }
0x62b: {  	s11 =	sand.u32 $0x7E00, s15;
	v8 =	vmul.f32 v17, v8;
	v61 =	vld [tilespmem:s9+$0x9BE0];
	[tilespmem:s7+$0xD9C0] =	vst v18;
	v43 =	vmul.f32 v36, v29;
	v22 =	vadd.f32 v25, v22  }
0x62c: {  	v16 =	vadd.f32 v16, v40;
	v46 =	vmul.f32 v28, v0;
	v45 =	vld [tilespmem:s11+$0x6450];
	v20 =	vmul.f32 v20, v1  }
0x62d: {  	s18 =	sor.u32 $0x150, s15;
	v47 =	vld [tilespmem:s11+$0x64D0];
	v18 =	vmul.f32 v43, v2;
	v22 =	vmul.f32 v22, v3  }
0x62e: {  	v52 =	vmul.f32 v37, v0;
	s14 =	sor.u32 $0x1D0, s15;
	v9 =	vmul.f32 v9, v11;
	v50 =	vadd.f32 v23, v16;
	v48 =	vld [tilespmem:s18+$0x6400]  }
0x62f: {  	v8 =	vmul.f32 v8, v1;
	v49 =	vld [tilespmem:s14+$0x6400];
	v20 =	vadd.f32 v20, v46;
	v18 =	vadd.f32 v22, v18  }
0x630: {  	v9 =	vmul.f32 v9, v2;
	v11 =	vmul.f32 v50, v3;
	v51 =	vld [tilespmem:s11+$0x96D0]  }
0x631: {  	v53 =	vld [tilespmem:s18+$0x9600];
	v18 =	vadd.f32 v18, v20  }
0x632: {  	v8 =	vadd.f32 v8, v52;
	v9 =	vadd.f32 v11, v9;
	s15 =	sadd.s32 $0x940, s9;
	v54 =	vld [tilespmem:s11+$0x9650]  }
0x633: {  	v26 =	vmul.f32 v42, v39;
	v38 =	vadd.f32 v41, v39;
	v19 =	vmul.f32 v44, v41;
	v55 =	vld [tilespmem:s14+$0x9600];
	s18 =	sor.u32 $0x150, s15;
	[tilespmem:s7+$0xDA40] =	vst v18  }
0x634: {  	v8 =	vadd.f32 v9, v8;
	v63 =	vadd.f32 v44, v42;
	s14 =	sor.u32 $0x1D0, s15;
	v18 =	vld [tilespmem:s18+$0x6400]  }
0x635: {  	v31 =	vadd.f32 v35, v38;
	v19 =	vadd.f32 v19, v26;
	v56 =	vld [tilespmem:s14+$0x6400]  }
0x636: {  	v41 =	vmul.f32 v27, v32;
	v42 =	vmul.f32 v61, v35;
	v57 =	vadd.f32 v53, v51;
	v58 =	vld [tilespmem:s18+$0x9600]  }
0x637: {  	s15 =	sand.u32 $0x7E00, s15;
	v59 =	vadd.f32 v48, v47;
	v16 =	vmul.f32 v51, v47;
	v23 =	vmul.f32 v53, v48;
	v60 =	vld [tilespmem:s14+$0x9600]  }
0x638: {  	v27 =	vmul.f32 v27, v31;
	v17 =	vmul.f32 v55, v49;
	v62 =	vadd.f32 v55, v57;
	v37 =	vld [tilespmem:s15+$0x96D0]  }
0x639: {  	v34 =	vmul.f32 v54, v45;
	v11 =	vadd.f32 v49, v59;
	v16 =	vadd.f32 v23, v16;
	v39 =	vld [tilespmem:s15+$0x64D0]  }
0x63a: {  	v47 =	vmul.f32 v27, v2;
	v51 =	vadd.f32 v15, v14;
	s18 =	sadd.s32 $0x3C0, s9;
	v43 =	vld [tilespmem:s15+$0x6450];
	v12 =	vmul.f32 v62, v45  }
0x63b: {  	[tilespmem:s7+$0xD8E0] =	vst v8;
	v14 =	vmul.f32 v14, v6;
	v44 =	vld [tilespmem:s15+$0x9650];
	s11 =	sand.u32 $0x7E00, s18;
	v11 =	vmul.f32 v54, v11;
	v17 =	vadd.f32 v17, v16  }
0x63c: {  	v36 =	vmul.f32 v34, v0;
	v8 =	vld [tilespmem:s11+$0x6470];
	v12 =	vmul.f32 v12, v1  }
0x63d: {  	v19 =	vadd.f32 v42, v19;
	v9 =	vld [tilespmem:s11+$0x64F0];
	v11 =	vmul.f32 v11, v2;
	v17 =	vmul.f32 v17, v3  }
0x63e: {  	v6 =	vadd.f32 v5, v6;
	v5 =	vmul.f32 v15, v5;
	v23 =	vadd.f32 v61, v63;
	v16 =	vld [tilespmem:s11+$0x6570]  }
0x63f: {  	v19 =	vmul.f32 v19, v3;
	s14 =	sor.u32 $0x1F0, s18;
	v31 =	vld [tilespmem:s11+$0x96F0];
	v20 =	vadd.f32 v12, v36;
	v11 =	vadd.f32 v17, v11  }
0x640: {  	v40 =	vmul.f32 v23, v32;
	v63 =	vld [tilespmem:s14+$0x9600];
	v45 =	vadd.f32 v58, v37;
	v46 =	vadd.f32 v18, v39  }
0x641: {  	v12 =	vld [tilespmem:s14+$0x6400];
	v21 =	vmul.f32 v37, v39;
	v18 =	vmul.f32 v58, v18;
	v20 =	vadd.f32 v11, v20  }
0x642: {  	v23 =	vmul.f32 v41, v0;
	s18 =	sadd.s32 $0x780, s9;
	v17 =	vmul.f32 v40, v1;
	v11 =	vld [tilespmem:s11+$0x9670];
	v26 =	vadd.f32 v60, v45  }
0x643: {  	s15 =	sand.u32 $0x7E00, s18;
	v50 =	vmul.f32 v60, v56;
	v18 =	vadd.f32 v18, v21;
	v60 =	vld [tilespmem:s11+$0x9770];
	[tilespmem:s7+$0xD9D0] =	vst v20;
	v20 =	vadd.f32 v56, v46  }
0x644: {  	v29 =	vmul.f32 v44, v43;
	v26 =	vmul.f32 v26, v43;
	v48 =	vld [tilespmem:s15+$0x6460]  }
0x645: {  	v19 =	vadd.f32 v19, v47;
	v18 =	vadd.f32 v50, v18;
	v49 =	vld [tilespmem:s15+$0x64E0];
	v20 =	vmul.f32 v44, v20  }
0x646: {  	v17 =	vadd.f32 v17, v23;
	v55 =	vmul.f32 v29, v0;
	v52 =	vld [tilespmem:s15+$0x96E0];
	v26 =	vmul.f32 v26, v1  }
0x647: {  	v6 =	vadd.f32 v4, v6;
	v53 =	vld [tilespmem:s15+$0x9760];
	v18 =	vmul.f32 v18, v3;
	v20 =	vmul.f32 v20, v2  }
0x648: {  	v5 =	vadd.f32 v5, v14;
	v4 =	vmul.f32 v13, v4;
	v17 =	vadd.f32 v19, v17;
	v54 =	vld [tilespmem:s15+$0x6560]  }
0x649: {  	v56 =	vld [tilespmem:s9+$0x9DE0];
	v24 =	vadd.f32 v26, v55;
	v18 =	vadd.f32 v18, v20  }
0x64a: {  	v6 =	vmul.f32 v10, v6;
	v4 =	vadd.f32 v4, v5;
	s11 =	sadd.s32 $0x5C0, s9;
	v57 =	vld [tilespmem:s9+$0x6BE0]  }
0x64b: {  	v22 =	vadd.f32 v13, v51;
	v58 =	vmul.f32 v10, v7;
	s14 =	sand.u32 $0x7E00, s11;
	v59 =	vld [tilespmem:s15+$0x9660];
	[tilespmem:s7+$0xD960] =	vst v17;
	v18 =	vadd.f32 v18, v24  }
0x64c: {  	s18 =	sadd.s32 $0x980, s9;
	v6 =	vmul.f32 v6, v2;
	v4 =	vmul.f32 v4, v3;
	v27 =	vld [tilespmem:s14+$0x6470]  }
0x64d: {  	v7 =	vmul.f32 v22, v7;
	v32 =	vmul.f32 v58, v0;
	s15 =	sand.u32 $0x7E00, s18;
	v46 =	vld [tilespmem:s14+$0x6570];
	v61 =	vadd.f32 v53, v52;
	[tilespmem:s7+$0xDA50] =	vst v18  }
0x64e: {  	v28 =	vmul.f32 v52, v49;
	v62 =	vadd.f32 v54, v49;
	v21 =	vmul.f32 v53, v54;
	v34 =	vld [tilespmem:s15+$0x64E0]  }
0x64f: {  	v7 =	vmul.f32 v7, v1;
	v51 =	vmul.f32 v31, v9;
	v22 =	vadd.f32 v56, v61;
	v35 =	vld [tilespmem:s15+$0x6560]  }
0x650: {  	v19 =	vmul.f32 v56, v57;
	v21 =	vadd.f32 v21, v28;
	v17 =	vadd.f32 v57, v62;
	v36 =	vld [tilespmem:s15+$0x96E0]  }
0x651: {  	v33 =	vmul.f32 v59, v48;
	v22 =	vmul.f32 v22, v48;
	v37 =	vld [tilespmem:s15+$0x9760]  }
0x652: {  	v9 =	vadd.f32 v16, v9;
	v17 =	vmul.f32 v59, v17;
	v19 =	vadd.f32 v19, v21;
	v39 =	vld [tilespmem:s15+$0x6460]  }
0x653: {  	v18 =	vmul.f32 v33, v0;
	v41 =	vld [tilespmem:s9+$0x9FE0];
	v22 =	vmul.f32 v22, v1  }
0x654: {  	v9 =	vadd.f32 v12, v9;
	v42 =	vld [tilespmem:s9+$0x6DE0];
	v17 =	vmul.f32 v17, v2;
	v19 =	vmul.f32 v19, v3  }
0x655: {  	s11 =	sor.u32 $0x1F0, s11;
	v12 =	vmul.f32 v63, v12;
	v40 =	vadd.f32 v60, v31;
	v45 =	vld [tilespmem:s15+$0x9660];
	v38 =	vadd.f32 v22, v18  }
0x656: {  	v50 =	vld [tilespmem:s11+$0x6400];
	v9 =	vmul.f32 v11, v9;
	v17 =	vadd.f32 v19, v17;
	v47 =	vadd.f32 v37, v36  }
0x657: {  	v52 =	vld [tilespmem:s14+$0x96F0];
	v48 =	vmul.f32 v36, v34;
	v49 =	vmul.f32 v37, v35;
	v21 =	vadd.f32 v35, v34  }
0x658: {  	v20 =	vmul.f32 v60, v16;
	v53 =	vld [tilespmem:s14+$0x9770];
	v44 =	vadd.f32 v17, v38;
	v22 =	vadd.f32 v41, v47  }
0x659: {  	v54 =	vld [tilespmem:s14+$0x9670];
	v10 =	vmul.f32 v41, v42;
	v24 =	vadd.f32 v49, v48;
	v21 =	vadd.f32 v42, v21  }
0x65a: {  	v4 =	vadd.f32 v4, v6;
	v28 =	vld [tilespmem:s14+$0x64F0];
	s15 =	sadd.s32 $0x7C0, s9;
	v18 =	vmul.f32 v45, v39;
	v22 =	vmul.f32 v22, v39  }
0x65b: {  	v43 =	vadd.f32 v63, v40;
	v56 =	vld [tilespmem:s11+$0x9600];
	s18 =	sand.u32 $0x7E00, s15;
	[tilespmem:s7+$0xD9E0] =	vst v44;
	v55 =	vmul.f32 v45, v21;
	v10 =	vadd.f32 v10, v24  }
0x65c: {  	v20 =	vadd.f32 v20, v51;
	v18 =	vmul.f32 v18, v0;
	v5 =	vld [tilespmem:s18+$0x6470];
	v57 =	vmul.f32 v22, v1  }
0x65d: {  	v7 =	vadd.f32 v7, v32;
	v58 =	vld [tilespmem:s18+$0x64F0];
	v14 =	vmul.f32 v55, v2;
	v10 =	vmul.f32 v10, v3  }
0x65e: {  	v13 =	vmul.f32 v43, v8;
	v8 =	vmul.f32 v11, v8;
	v31 =	vadd.f32 v12, v20;
	s14 =	sor.u32 $0x1F0, s15;
	v60 =	vld [tilespmem:s18+$0x6570]  }
0x65f: {  	v9 =	vmul.f32 v9, v2;
	v61 =	vld [tilespmem:s14+$0x6400];
	v18 =	vadd.f32 v57, v18;
	v10 =	vadd.f32 v10, v14  }
0x660: {  	v4 =	vadd.f32 v4, v7;
	v8 =	vmul.f32 v8, v0;
	v13 =	vmul.f32 v13, v1;
	v32 =	vld [tilespmem:s18+$0x96F0]  }
0x661: {  	v59 =	vadd.f32 v53, v52;
	v11 =	vmul.f32 v31, v3;
	v34 =	vld [tilespmem:s18+$0x9770];
	v10 =	vadd.f32 v10, v18  }
0x662: {  	v33 =	vmul.f32 v54, v27;
	s9 =	sadd.s32 $0x9C0, s9;
	v8 =	vadd.f32 v13, v8;
	v38 =	vadd.f32 v46, v28;
	v63 =	vld [tilespmem:s18+$0x9670]  }
0x663: {  	s15 =	sand.u32 $0x7E00, s9;
	v62 =	vadd.f32 v56, v59;
	v9 =	vadd.f32 v11, v9;
	v35 =	vld [tilespmem:s14+$0x9600];
	[tilespmem:s7+$0xDA60] =	vst v10  }
0x664: {  	v6 =	vmul.f32 v33, v0;
	v40 =	vmul.f32 v52, v28;
	v7 =	vadd.f32 v50, v38;
	v10 =	vld [tilespmem:s15+$0x6470]  }
0x665: {  	v15 =	vmul.f32 v56, v50;
	v17 =	vmul.f32 v53, v46;
	v8 =	vadd.f32 v9, v8;
	v37 =	vld [tilespmem:s15+$0x64F0]  }
0x666: {  	v7 =	vmul.f32 v54, v7;
	v14 =	vmul.f32 v62, v27;
	v41 =	vadd.f32 v34, v32;
	v39 =	vld [tilespmem:s15+$0x96F0]  }
0x667: {  	v43 =	vadd.f32 v60, v58;
	v12 =	vmul.f32 v32, v58;
	v50 =	vmul.f32 v34, v60;
	v42 =	vld [tilespmem:s15+$0x9770]  }
0x668: {  	s9 =	sor.u32 $0x1F0, s9;
	v36 =	vmul.f32 v14, v1;
	v14 =	vadd.f32 v17, v40;
	v45 =	vadd.f32 v35, v41;
	v44 =	vld [tilespmem:s15+$0x6570]  }
0x669: {  	v53 =	vmul.f32 v35, v61;
	v47 =	vadd.f32 v61, v43;
	v12 =	vadd.f32 v50, v12;
	v46 =	vld [tilespmem:s9+$0x9600]  }
0x66a: {  	v14 =	vadd.f32 v15, v14;
	v49 =	vmul.f32 v45, v5;
	v5 =	vmul.f32 v63, v5;
	v48 =	vld [tilespmem:s9+$0x6400]  }
0x66b: {  	v7 =	vmul.f32 v7, v2;
	v16 =	vmul.f32 v63, v47;
	v12 =	vadd.f32 v53, v12;
	v51 =	vld [tilespmem:s15+$0x9670]  }
0x66c: {  	v14 =	vmul.f32 v14, v3;
	v5 =	vmul.f32 v5, v0;
	v52 =	vadd.f32 v42, v39  }
0x66d: {  	v54 =	vadd.f32 v44, v37;
	v11 =	vmul.f32 v39, v37;
	v55 =	vmul.f32 v42, v44  }
0x66e: {  	v59 =	vmul.f32 v49, v1;
	v60 =	vmul.f32 v16, v2;
	v56 =	vadd.f32 v46, v52  }
0x66f: {  	v58 =	vmul.f32 v46, v48;
	v20 =	vadd.f32 v48, v54;
	v11 =	vadd.f32 v55, v11  }
0x670: {  	v6 =	vadd.f32 v36, v6;
	v57 =	vmul.f32 v56, v10;
	v10 =	vmul.f32 v51, v10  }
0x671: {  	v12 =	vmul.f32 v12, v3;
	v18 =	vmul.f32 v51, v20;
	v11 =	vadd.f32 v58, v11  }
0x672: {  	v7 =	vadd.f32 v14, v7;
	v61 =	vmul.f32 v10, v0;
	v62 =	vmul.f32 v57, v1  }
0x673: {  	v5 =	vadd.f32 v59, v5;
	v63 =	vmul.f32 v18, v2;
	v11 =	vmul.f32 v11, v3  }
0x674: {  	p0 =	slt.u32 s21, $0x14;
	v12 =	vadd.f32 v12, v60;
	v6 =	vadd.f32 v7, v6  }
.Ltmp4:
0x675: {  	[tilespmem:s7+$0xD870] =	vst v4;
	v4 =	vadd.f32 v62, v61;
	v7 =	vadd.f32 v11, v63;
	(pc) =	sbr.rel @p0 .LBB2_11-.Ltmp4, $4  }
0x676: {  	[tilespmem:s7+$0xD8F0] =	vst v8;
	v5 =	vadd.f32 v12, v5  }
0x677: {  	[tilespmem:s7+$0xD970] =	vst v6;
	v4 =	vadd.f32 v7, v4  }
0x678: {  	s18 =	sadd.s32 $0x5, s21;
	[tilespmem:s7+$0xD9F0] =	vst v5  }
0x679: {  	s21 =	smov.u32 s18;
	[tilespmem:s7+$0xDA70] =	vst v4  }
0x67a: {  	s2 =	sadd.s32 $0x1, s2  }
0x67b: {  	s7 =	smul.u32 $0x6400, s19;
	p0 =	sne.s32 s2, $0x19  }
.Ltmp5:
0x67c: {  	_ = 	snop;
	(pc) =	sbr.rel @p0 .LBB2_8-.Ltmp5, $4  }
0x67d: {  	s7 =	sadd.s32 s16, s7  }
0x67e: {  	s7 =	sshrl.u32 s7, $0x3  }
0x67f: {  	s7 =	sadd.s32 s4, s7  }
0x680: {  	[hbm4b:s7+s25] =	stream.strided.scatter [tilespmem:s30], [sflag:$0x3], $0xC80, s26, s25, $0x38;
	[tilespmem:$0xF800] =	vst v63  }
0x681: {  	_ =	swait.ge [sflag:s31], $0xC80  }
0x682: {  	[sflag:s31] =	ssyncset.done $0x0  }
0x683: {  	[sflag:s31] =	ssyncadd.s32 $0xFFFFF380  }
0x684: {  	_ =	swait.ge [sflag:s31], $0xC80  }
0x685: {  	s0 =	sadd.s32 $0x1, s0;
	s2 =	rddreg [dreg:$0xa]  }
0x686: {  	p0 =	sne.s32 s0, s2  }
.Ltmp6:
0x687: {  	_ = 	snop;
	(pc) =	sbr.rel @p0 .LBB2_1-.Ltmp6, $3  }
0x688: {  	_ =	sdelay $0x1  }
0x689: {  	[sflag:s31] =	ssyncset.done $0x0  }
0x68a: {  	[sflag:s31] =	ssyncadd.s32 $0xFFFFF380  }
0x68b: {  	_ =	sfence.sel $0x180000  }
0x68c: {  	[bflag:$0x0] =	sbarrier.arrive $0xFFFF  }
0x68d: {  	_ =	strace $0x90000047  }
0x68e: {  	s0 =	stileid.u32;
	[bflag:$0x2] =	sbarrier.arrive $0xFFFF  }
0x68f: {  	p0 =	sne.s32 s0, $0x0;
	s0 =	rddreg [dreg:$0x4]  }
0x690: {  	s0 =	sadd.s32 @!p0 $0x100000, s0  }
0x691: {  	[sflag:s0] =	ssyncadd.tile.s32 @!p0 $0x1;
	_ =	shalt  }
.Lfunc_end2:
_tile_overlayer_lowered:
.L_overlay_start_2:
0x692: {  	(tag) =	ssettag $0x2  }
0x693: {  	s0 =	rddreg [dreg:$0x0];
	s2 =	stileid.u32  }
0x694: {  	s1 =	rddreg [dreg:$0x1];
	p0 =	sne.s32 s2, $0x0  }
0x695: {  	s3 =	rddreg [dreg:$0x2];
	[bflag:$0x3] =	sbarrier.arrive $0xFFFF;
	s2 =	simm.s32 @!p0 $0x1C04  }
0x696: {  	[timem:s3], [sflag:s2] =	dma.local @!p0 [hbm:s0], s1  }
0x697: {  	s0 =	simm.s32 @!p0 $0x4  }
0x698: {  	_ =	swait.ge @!p0 [sflag:s0], s1  }
0x699: {  	s1 =	ssub.s32 @!p0 $0x0, s1;
	[sflag:s0] =	ssyncset.done @!p0 $0x0  }
0x69a: {  	[sflag:s0] =	ssyncadd.s32 @!p0 s1  }
0x69b: {  	[bflag:$0x3] =	sbarrier.arrive $0xFFFF  }
0x69c: {  	_ =	shalt  }

</sc_bundles>
